<compile_context>
chip_gen: v7x
topology: tpu7x:2x2x1
jax: 0.10.2.dev20260603
libtpu: 0.0.44.dev20260713+nightly
codegen_flags: <defaults>
</compile_context>

<pallas_src>
import functools

import jax
import jax.numpy as jnp
from jax import lax
from jax.experimental import pallas as pl
from jax.experimental.pallas import tpu as pltpu, tpu_sc as plsc

HI = lax.Precision.HIGHEST

N_NODES = 10000
NPAD = 10240
E_EDGES = 160000
NC, NS = 2, 16
NW = NC * NS
EB = 128
EPAD = 163840
EPW = EPAD // NW
NBATCH = EPW // EB
ZR = NPAD // NS
FCH = 8
FW = 128
DUMMY = N_NODES

_mesh = plsc.VectorSubcoreMesh(
    core_axis_name="c", subcore_axis_name="s", num_cores=NC, num_subcores=NS)


def _zero_fill(buf, rows, width):
    vl = 32 if buf.dtype == jnp.bfloat16 else 16
    zv = jnp.zeros((vl,), buf.dtype)

    @pl.loop(0, rows)
    def _(r):
        for c in range(width // vl):
            buf[r, pl.ds(c * vl, vl)] = zv


NBUF = 4
LEAD = 2
ZEB = 32


def _edge_pipeline(table_h, dummy_h, acc_sh, srcb, dstb, rows, semg, sems,
                   lead=LEAD):
    def wait_bytes(sem, slot):
        pltpu.make_async_copy(dummy_h, rows[slot], sem).wait()

    nbuf = len(rows)
    for b in range(lead):
        pltpu.async_copy(table_h.at[srcb.at[b]], rows[b], semg[b])

    @pl.loop(0, NBATCH // nbuf)
    def _(g):
        for b in range(nbuf):
            jb = g * nbuf + b
            wait_bytes(semg[b], b)
            pltpu.async_copy(rows[b], acc_sh.at[dstb.at[jb]], sems[b],
                             add=True)
            nslot = (b + lead) % nbuf
            nj = jb + lead

            @pl.when(nj < NBATCH)
            def _():
                @pl.when(nj >= nbuf)
                def _():
                    wait_bytes(sems[nslot], nslot)

                pltpu.async_copy(table_h.at[srcb.at[nj]], rows[nslot],
                                 semg[nslot])

    for b in range(nbuf):
        wait_bytes(sems[b], b)


def _sc_scatter16(table, src2d, dst2d):

    @functools.partial(
        pl.kernel,
        out_type=jax.ShapeDtypeStruct((NC, NPAD, 16), jnp.float32),
        mesh=_mesh,
        scratch_types=[
            pltpu.VMEM_SHARED((NPAD, 16), jnp.float32),
            pltpu.VMEM((NBATCH, EB), jnp.int32),
            pltpu.VMEM((NBATCH, EB), jnp.int32),
            [pltpu.VMEM((EB, 16), jnp.float32)] * NBUF,
            pltpu.VMEM((ZR, 16), jnp.float32),
            [pltpu.SemaphoreType.DMA] * NBUF,
            [pltpu.SemaphoreType.DMA] * NBUF,
        ],
        compiler_params=pltpu.CompilerParams(use_tc_tiling_on_sc=False),
    )
    def k(table_h, src_h, dst_h, out_h, acc_sh, srcb, dstb, rows, zerob,
          semg, sems):
        cid = lax.axis_index("c")
        sid = lax.axis_index("s")
        wid = sid * NC + cid
        _zero_fill(zerob, ZR, 16)
        pltpu.sync_copy(src_h.at[wid, :, :], srcb)
        pltpu.sync_copy(dst_h.at[wid, :, :], dstb)
        sl = pl.ds(sid * ZR, ZR)
        pltpu.sync_copy(zerob, acc_sh.at[sl])
        plsc.subcore_barrier()
        _edge_pipeline(table_h, table_h.at[pl.ds(0, EB)], acc_sh,
                       srcb, dstb, rows, semg, sems)
        plsc.subcore_barrier()
        pltpu.sync_copy(acc_sh.at[sl], out_h.at[cid, sl])

    return k(table, src2d, dst2d)


def _sc_scatter128(vch, src2d, dst2d):
    nch = vch.shape[0]

    @functools.partial(
        pl.kernel,
        out_type=jax.ShapeDtypeStruct((nch, NC, NPAD, FW), jnp.float32),
        mesh=_mesh,
        scratch_types=[
            pltpu.VMEM_SHARED((NPAD, FW), jnp.float32),
            pltpu.VMEM((NBATCH, EB), jnp.int32),
            pltpu.VMEM((NBATCH, EB), jnp.int32),
            [pltpu.VMEM((EB, FW), jnp.float32)] * 2,
            pltpu.VMEM((ZEB, FW), jnp.float32),
            [pltpu.SemaphoreType.DMA] * 2,
            [pltpu.SemaphoreType.DMA] * 2,
        ],
    )
    def k(v_h, src_h, dst_h, out_h, acc_sh, srcb, dstb, rows, zerob,
          semg, sems):
        cid = lax.axis_index("c")
        sid = lax.axis_index("s")
        wid = sid * NC + cid
        _zero_fill(zerob, ZEB, FW)
        pltpu.sync_copy(src_h.at[wid, :, :], srcb)
        pltpu.sync_copy(dst_h.at[wid, :, :], dstb)
        sl = pl.ds(sid * ZR, ZR)

        @pl.loop(0, nch)
        def _(ch):
            for t in range(ZR // ZEB):
                pltpu.sync_copy(zerob,
                                acc_sh.at[pl.ds(sid * ZR + t * ZEB, ZEB)])
            plsc.subcore_barrier()
            _edge_pipeline(v_h.at[ch], v_h.at[0, pl.ds(0, EB)], acc_sh,
                           srcb, dstb, rows, semg, sems, lead=1)
            plsc.subcore_barrier()
            pltpu.sync_copy(acc_sh.at[sl], out_h.at[ch, cid, sl])
            plsc.subcore_barrier()

    return k(vch, src2d, dst2d)


def _tc_deg_finalize(h0, h1, xp):

    def body(h0_ref, h1_ref, xp_ref, dis_ref, v1_ref):
        deg = 1.0 + h0_ref[...] + h1_ref[...]
        dis = lax.rsqrt(deg)
        dis_ref[...] = dis
        v1_ref[...] = dis * xp_ref[...]

    return pl.pallas_call(
        body,
        out_shape=(jax.ShapeDtypeStruct((NPAD, 16), jnp.float32),
                   jax.ShapeDtypeStruct((NPAD, 16), jnp.float32)),
    )(h0, h1, xp)


BLK = 512
MGRID = NPAD // BLK


def _tc_mlp_mid(s0, s1, v1, dis, w1p, b1, w2):

    def body(s0_ref, s1_ref, v1_ref, dis_ref, w1_ref, b1_ref, w2_ref, out_ref):
        z = dis_ref[...] * (s0_ref[...] + s1_ref[...] + v1_ref[...])
        h = jnp.dot(z, w1_ref[...], precision=HI,
                    preferred_element_type=jnp.float32)
        h = jnp.maximum(h + b1_ref[...], 0.0)
        u = jnp.dot(h, w2_ref[...], preferred_element_type=jnp.float32)
        v = dis_ref[...][:, 0:1] * u
        for c in range(FCH):
            out_ref[c] = v[:, c * FW:(c + 1) * FW]

    return pl.pallas_call(
        body,
        grid=(MGRID,),
        in_specs=[
            pl.BlockSpec((BLK, 16), lambda i: (i, 0)),
            pl.BlockSpec((BLK, 16), lambda i: (i, 0)),
            pl.BlockSpec((BLK, 16), lambda i: (i, 0)),
            pl.BlockSpec((BLK, 16), lambda i: (i, 0)),
            pl.BlockSpec((16, 2048), lambda i: (0, 0)),
            pl.BlockSpec((1, 2048), lambda i: (0, 0)),
            pl.BlockSpec((2048, 1024), lambda i: (0, 0)),
        ],
        out_specs=pl.BlockSpec((FCH, BLK, FW), lambda i: (0, i, 0)),
        out_shape=jax.ShapeDtypeStruct((FCH, NPAD, FW), jnp.float32),
        compiler_params=pltpu.CompilerParams(
            dimension_semantics=("arbitrary",)),
    )(s0, s1, v1, dis, w1p, b1, w2)


def _tc_pool_half(a0, a1, v, dis, b2, batchp):

    hch = v.shape[0]
    hw = hch * FW

    def body(a0_ref, a1_ref, v_ref, dis_ref, b2_ref, bat_ref,
             out_ref, psum_ref):
        i = pl.program_id(0)

        @pl.when(i == 0)
        def _():
            psum_ref[...] = jnp.zeros_like(psum_ref)

        oh = (bat_ref[...] == lax.broadcasted_iota(jnp.int32, (1, 32), 1))
        oh = oh.astype(jnp.float32)
        dnums = (((0,), (0,)), ((), ()))
        d = dis_ref[...][:, 0:1]
        for c in range(hch):
            y = d * (a0_ref[c, 0] + a1_ref[c, 0] + v_ref[c])
            y = jnp.maximum(y + b2_ref[...][:, c * FW:(c + 1) * FW], 0.0)
            psum_ref[:, c * FW:(c + 1) * FW] += lax.dot_general(
                oh, y, dnums, precision=HI,
                preferred_element_type=jnp.float32)

        @pl.when(i == MGRID - 1)
        def _():
            out_ref[...] = psum_ref[...]

    return pl.pallas_call(
        body,
        grid=(MGRID,),
        in_specs=[
            pl.BlockSpec((hch, 1, BLK, FW), lambda i: (0, 0, i, 0)),
            pl.BlockSpec((hch, 1, BLK, FW), lambda i: (0, 1, i, 0)),
            pl.BlockSpec((hch, BLK, FW), lambda i: (0, i, 0)),
            pl.BlockSpec((BLK, 16), lambda i: (i, 0)),
            pl.BlockSpec((1, hw), lambda i: (0, 0)),
            pl.BlockSpec((BLK, 1), lambda i: (i, 0)),
        ],
        out_specs=pl.BlockSpec((32, hw), lambda i: (0, 0)),
        out_shape=jax.ShapeDtypeStruct((32, hw), jnp.float32),
        scratch_shapes=[
            pltpu.VMEM((32, hw), jnp.float32),
        ],
        compiler_params=pltpu.CompilerParams(
            dimension_semantics=("arbitrary",)),
    )(a0, a1, v, dis, b2, batchp)


def _tc_head(p0, p1, batchp, wh1, bh1, wh2, bh2, wop, bop):

    def body(p0_ref, p1_ref, bat_ref, wh1_ref, bh1_ref, wh2_ref, bh2_ref,
             wo_ref, bo_ref, out_ref):
        oh = (bat_ref[...] == lax.broadcasted_iota(jnp.int32, (1, 32), 1))
        oh = oh.astype(jnp.float32)
        dnums = (((0,), (0,)), ((), ()))
        cnt = lax.dot_general(oh, jnp.ones((NPAD, 128), jnp.float32), dnums,
                              precision=HI,
                              preferred_element_type=jnp.float32)
        g = jnp.concatenate([p0_ref[...], p1_ref[...]], axis=1)
        g = g / jnp.maximum(cnt[:, 0:1], 1.0)
        g = jnp.dot(g, wh1_ref[...], preferred_element_type=jnp.float32)
        g = jnp.maximum(g + bh1_ref[...], 0.0)
        g = jnp.dot(g, wh2_ref[...], preferred_element_type=jnp.float32)
        g = jnp.maximum(g + bh2_ref[...], 0.0)
        out_ref[...] = (jnp.dot(g, wo_ref[...],
                                preferred_element_type=jnp.float32)
                        + bo_ref[...])

    return pl.pallas_call(
        body,
        out_shape=jax.ShapeDtypeStruct((32, 128), jnp.float32),
    )(p0, p1, batchp, wh1, bh1, wh2, bh2, wop, bop)


def kernel(x, edge_index, batch, W1, b1, W2, b2, Wh1, bh1, Wh2, bh2, Wo, bo):
    f32, i32 = jnp.float32, jnp.int32

    xp = jnp.zeros((NPAD, 16), f32).at[:N_NODES, :5].set(x)
    npad_e = EPAD - E_EDGES
    padidx = DUMMY + jnp.arange(npad_e, dtype=i32) % (NPAD - N_NODES)
    src2d = jnp.concatenate([edge_index[0], padidx]).reshape(NW, NBATCH, EB)
    dst2d = jnp.concatenate([edge_index[1], padidx]).reshape(NW, NBATCH, EB)
    ones16 = jnp.ones((NPAD, 16), f32)
    batchp = jnp.concatenate(
        [batch, jnp.full((NPAD - N_NODES,), 99, i32)]).reshape(NPAD, 1)
    w1p = jnp.zeros((16, 2048), f32).at[:5].set(W1)
    wop = jnp.zeros((512, 128), f32).at[:, :2].set(Wo)
    bop = jnp.zeros((1, 128), f32).at[0, :2].set(bo)

    hist = _sc_scatter16(ones16, dst2d, dst2d)
    dis, v1 = _tc_deg_finalize(hist[0], hist[1], xp)
    s1 = _sc_scatter16(v1, src2d, dst2d)
    v = _tc_mlp_mid(s1[0], s1[1], v1, dis, w1p, b1.reshape(1, -1), W2)
    acc_a = _sc_scatter128(v[:FCH // 2], src2d, dst2d)
    acc_b = _sc_scatter128(v[FCH // 2:], src2d, dst2d)
    b2r = b2.reshape(1, -1)
    p0 = _tc_pool_half(acc_a, acc_a, v[:FCH // 2], dis, b2r[:, :512], batchp)
    p1 = _tc_pool_half(acc_b, acc_b, v[FCH // 2:], dis, b2r[:, 512:], batchp)
    out = _tc_head(p0, p1, batchp, Wh1, bh1.reshape(1, -1), Wh2,
                   bh2.reshape(1, -1), wop, bop)
    return out[:, :2]

# --- scband reference (transcript-rebuilt; emitter-appended) ---
"""Pipeline reference for scband-graph-classifier-566935683769 (READ-ONLY COPY).

The authoritative reference and input builder live on the scoring server;
editing this copy changes nothing except your own understanding.
"""

import jax, jax.numpy as jnp
import numpy as np

N = 10000
E = 160000
NUM_GRAPHS = 32


def setup_inputs(seed: int = 0) -> dict:
    key = jax.random.key(seed)
    ks = jax.random.split(key, 14)
    x = jax.random.normal(ks[0], (N, 5), dtype=jnp.float32)
    edge_index = jax.random.randint(ks[1], (2, E), 0, N, dtype=jnp.int32)
    batch = jnp.sort(jax.random.randint(ks[2], (N,), 0, NUM_GRAPHS, dtype=jnp.int32))
    def lin(k, fan_in, fan_out):
        w = jax.random.normal(k, (fan_in, fan_out), dtype=jnp.float32) * (1.0 / np.sqrt(fan_in))
        return w
    W1 = lin(ks[3], 5, 2048)
    b1 = jnp.zeros((2048,), jnp.float32)
    W2 = lin(ks[4], 2048, 1024)
    b2 = jnp.zeros((1024,), jnp.float32)
    Wh1 = lin(ks[5], 1024, 1024)
    bh1 = jnp.zeros((1024,), jnp.float32)
    Wh2 = lin(ks[6], 1024, 512)
    bh2 = jnp.zeros((512,), jnp.float32)
    Wo = lin(ks[7], 512, 2)
    bo = jnp.zeros((2,), jnp.float32)
    return {"x": x, "edge_index": edge_index, "batch": batch,
            "W1": W1, "b1": b1, "W2": W2, "b2": b2,
            "Wh1": Wh1, "bh1": bh1, "Wh2": Wh2, "bh2": bh2,
            "Wo": Wo, "bo": bo}


def _gcn_conv(x, edge_index, W, b):
    # GCNConv: x' = D^{-1/2} (A + I) D^{-1/2} X W + b
    n = x.shape[0]
    loop = jnp.arange(n, dtype=edge_index.dtype)
    src = jnp.concatenate([edge_index[0], loop])
    dst = jnp.concatenate([edge_index[1], loop])
    deg = jnp.zeros((n,), jnp.float32).at[dst].add(1.0)
    dis = jnp.where(deg > 0, jax.lax.rsqrt(jnp.maximum(deg, 1e-12)), 0.0)
    norm = dis[src] * dis[dst]
    h = x @ W
    msg = h[src] * norm[:, None]
    out = jax.ops.segment_sum(msg, dst, num_segments=n)
    return out + b


def _global_mean_pool(h, batch, num_segments):
    s = jax.ops.segment_sum(h, batch, num_segments=num_segments)
    cnt = jax.ops.segment_sum(jnp.ones((h.shape[0], 1), jnp.float32), batch, num_segments=num_segments)
    return s / jnp.maximum(cnt, 1.0)


def reference(x, edge_index, batch, W1, b1, W2, b2, Wh1, bh1, Wh2, bh2, Wo, bo):
    h = jax.nn.relu(_gcn_conv(x, edge_index, W1, b1))
    # dropout p=0.1 is identity in eval mode
    h = jax.nn.relu(_gcn_conv(h, edge_index, W2, b2))
    g = _global_mean_pool(h, batch, NUM_GRAPHS)
    g = jax.nn.relu(g @ Wh1 + bh1)
    g = jax.nn.relu(g @ Wh2 + bh2)
    return g @ Wo + bo

if __name__ == "__main__":
    import jax
    _d = setup_inputs()
    print(jax.jit(kernel)(*tuple(_d.values())))

</pallas_src>

<mosaic_0001>
#map = affine_map<(d0, d1) -> (0, 0)>
#map1 = affine_map<(d0, d1) -> (0, 0, 0)>
module attributes {stable_mosaic.version = 14 : i64} {
  func.func @k(%arg0: i32, %arg1: i32, %arg2: memref<10240x16xf32, #tpu.memory_space<hbm>>, %arg3: memref<32x40x128xi32, #tpu.memory_space<hbm>>, %arg4: memref<32x40x128xi32, #tpu.memory_space<hbm>>, %arg5: memref<2x10240x16xf32, #tpu.memory_space<hbm>>, %arg6: memref<10240x16xf32, #tpu.memory_space<vmem_shared>>, %arg7: memref<40x128xi32, #tpu.memory_space<vmem>>, %arg8: memref<40x128xi32, #tpu.memory_space<vmem>>, %arg9: memref<128x16xf32, #tpu.memory_space<vmem>>, %arg10: memref<128x16xf32, #tpu.memory_space<vmem>>, %arg11: memref<128x16xf32, #tpu.memory_space<vmem>>, %arg12: memref<128x16xf32, #tpu.memory_space<vmem>>, %arg13: memref<640x16xf32, #tpu.memory_space<vmem>>, %arg14: memref<!tpu.dma_semaphore, #tpu.memory_space<semaphore_mem>>, %arg15: memref<!tpu.dma_semaphore, #tpu.memory_space<semaphore_mem>>, %arg16: memref<!tpu.dma_semaphore, #tpu.memory_space<semaphore_mem>>, %arg17: memref<!tpu.dma_semaphore, #tpu.memory_space<semaphore_mem>>, %arg18: memref<!tpu.dma_semaphore, #tpu.memory_space<semaphore_mem>>, %arg19: memref<!tpu.dma_semaphore, #tpu.memory_space<semaphore_mem>>, %arg20: memref<!tpu.dma_semaphore, #tpu.memory_space<semaphore_mem>>, %arg21: memref<!tpu.dma_semaphore, #tpu.memory_space<semaphore_mem>>) attributes {dimension_semantics = [#tpu.dimension_semantics<core_parallel>, #tpu.dimension_semantics<subcore_parallel>], iteration_bounds = array<i64: 2, 16>, scalar_prefetch = 0 : i64, scratch_operands = 16 : i64, tpu.core_type = #tpu.core_type<sc_vector_subcore>, window_params = [{transform_indices = #map}, {transform_indices = #map1}, {transform_indices = #map1}, {transform_indices = #map1}]} {
    %mul3A = arith.constant 2 : i32
    %mul3A_0 = arith.muli %arg1, %mul3A : i32
    %add3A = arith.addi %mul3A_0, %arg0 : i32
    %broadcast_in_dim3A = arith.constant 0.000000e+00 : f32
    %broadcast_in_dim3A_1 = vector.broadcast %broadcast_in_dim3A : f32 to vector<16xf32>
    %scan3A = arith.constant 0 : i32
    %scan3A_2 = arith.constant 640 : i32
    %scan3A_3 = arith.addi %scan3A, %scan3A_2 : i32
    %scan3A_4 = arith.constant 1 : i32
    scf.for %scan3A_50 = %scan3A to %scan3A_3 step %scan3A_4  : i32 {
      %mul3A_51 = arith.constant 1 : i32
      %mul3A_52 = arith.muli %scan3A_50, %mul3A_51 : i32
      %add3A_53 = arith.constant 0 : i32
      %add3A_54 = arith.addi %add3A_53, %mul3A_52 : i32
      %swap3A = arith.index_cast %add3A_54 : i32 to index
      %swap3A_55 = arith.constant 0 : index
      %swap3A_56 = tpu.vector_load %arg13[%swap3A, %swap3A_55] {strides = array<i32>} : memref<640x16xf32, #tpu.memory_space<vmem>>, vector<1x16xf32>,
      %swap3A_57 = vector.shape_cast %swap3A_56 : vector<1x16xf32> to vector<16xf32>
      %swap3A_58 = vector.shape_cast %broadcast_in_dim3A_1 : vector<16xf32> to vector<1x16xf32>
      tpu.vector_store %arg13[%swap3A, %swap3A_55], %swap3A_58 {strides = array<i32>} : memref<640x16xf32, #tpu.memory_space<vmem>>, vector<1x16xf32>,
    }
    %scan3A_5 = arith.constant 640 : i32
    "tpu.region"() ({
      %run_scoped3A = tpu.sem_alloc : memref<!tpu.dma_semaphore, #tpu.memory_space<semaphore_mem>>
      %dma_start3A_50 = arith.constant 0 : i32
      %dma_start3A_51 = arith.constant 0 : i32
      %dma_start3A_52 = tpu.memref_slice %arg3[%add3A, %dma_start3A_50, %dma_start3A_51] : memref<32x40x128xi32, #tpu.memory_space<hbm>> -> memref<1x40x128xi32, #tpu.memory_space<hbm>>
      %dma_start3A_53 = tpu.memref_squeeze %dma_start3A_52 : memref<1x40x128xi32, #tpu.memory_space<hbm>> -> memref<40x128xi32, #tpu.memory_space<hbm>>
      %dma_start3A_54 = arith.constant 0 : i32
      %dma_start3A_55 = arith.constant 0 : i32
      %dma_start3A_56 = tpu.memref_slice %arg3[%add3A, %dma_start3A_54, %dma_start3A_55] : memref<32x40x128xi32, #tpu.memory_space<hbm>> -> memref<1x40x128xi32, #tpu.memory_space<hbm>>
      %dma_start3A_57 = tpu.memref_squeeze %dma_start3A_56 : memref<1x40x128xi32, #tpu.memory_space<hbm>> -> memref<40x128xi32, #tpu.memory_space<hbm>>
      tpu.enqueue_dma source(%dma_start3A_57 : memref<40x128xi32, #tpu.memory_space<hbm>>) target(%arg7 : memref<40x128xi32, #tpu.memory_space<vmem>>) target_semaphore(%run_scoped3A : memref<!tpu.dma_semaphore, #tpu.memory_space<semaphore_mem>>)
      %dma_wait3A_58 = arith.constant 0 : i32
      %dma_wait3A_59 = arith.constant 0 : i32
      %dma_wait3A_60 = tpu.memref_slice %arg3[%add3A, %dma_wait3A_58, %dma_wait3A_59] : memref<32x40x128xi32, #tpu.memory_space<hbm>> -> memref<1x40x128xi32, #tpu.memory_space<hbm>>
      %dma_wait3A_61 = tpu.memref_squeeze %dma_wait3A_60 : memref<1x40x128xi32, #tpu.memory_space<hbm>> -> memref<40x128xi32, #tpu.memory_space<hbm>>
      %dma_wait3A_62 = arith.constant 0 : i32
      %dma_wait3A_63 = arith.constant 0 : i32
      %dma_wait3A_64 = tpu.memref_slice %arg3[%add3A, %dma_wait3A_62, %dma_wait3A_63] : memref<32x40x128xi32, #tpu.memory_space<hbm>> -> memref<1x40x128xi32, #tpu.memory_space<hbm>>
      %dma_wait3A_65 = tpu.memref_squeeze %dma_wait3A_64 : memref<1x40x128xi32, #tpu.memory_space<hbm>> -> memref<40x128xi32, #tpu.memory_space<hbm>>
      tpu.wait_dma2 semaphore(%run_scoped3A : memref<!tpu.dma_semaphore, #tpu.memory_space<semaphore_mem>>) src(%dma_wait3A_65 : memref<40x128xi32, #tpu.memory_space<hbm>>) dst(%arg7 : memref<40x128xi32, #tpu.memory_space<vmem>>)
      tpu.yield
    }) : () -> ()
    "tpu.region"() ({
      %run_scoped3A = tpu.sem_alloc : memref<!tpu.dma_semaphore, #tpu.memory_space<semaphore_mem>>
      %dma_start3A_50 = arith.constant 0 : i32
      %dma_start3A_51 = arith.constant 0 : i32
      %dma_start3A_52 = tpu.memref_slice %arg4[%add3A, %dma_start3A_50, %dma_start3A_51] : memref<32x40x128xi32, #tpu.memory_space<hbm>> -> memref<1x40x128xi32, #tpu.memory_space<hbm>>
      %dma_start3A_53 = tpu.memref_squeeze %dma_start3A_52 : memref<1x40x128xi32, #tpu.memory_space<hbm>> -> memref<40x128xi32, #tpu.memory_space<hbm>>
      %dma_start3A_54 = arith.constant 0 : i32
      %dma_start3A_55 = arith.constant 0 : i32
      %dma_start3A_56 = tpu.memref_slice %arg4[%add3A, %dma_start3A_54, %dma_start3A_55] : memref<32x40x128xi32, #tpu.memory_space<hbm>> -> memref<1x40x128xi32, #tpu.memory_space<hbm>>
      %dma_start3A_57 = tpu.memref_squeeze %dma_start3A_56 : memref<1x40x128xi32, #tpu.memory_space<hbm>> -> memref<40x128xi32, #tpu.memory_space<hbm>>
      tpu.enqueue_dma source(%dma_start3A_57 : memref<40x128xi32, #tpu.memory_space<hbm>>) target(%arg8 : memref<40x128xi32, #tpu.memory_space<vmem>>) target_semaphore(%run_scoped3A : memref<!tpu.dma_semaphore, #tpu.memory_space<semaphore_mem>>)
      %dma_wait3A_58 = arith.constant 0 : i32
      %dma_wait3A_59 = arith.constant 0 : i32
      %dma_wait3A_60 = tpu.memref_slice %arg4[%add3A, %dma_wait3A_58, %dma_wait3A_59] : memref<32x40x128xi32, #tpu.memory_space<hbm>> -> memref<1x40x128xi32, #tpu.memory_space<hbm>>
      %dma_wait3A_61 = tpu.memref_squeeze %dma_wait3A_60 : memref<1x40x128xi32, #tpu.memory_space<hbm>> -> memref<40x128xi32, #tpu.memory_space<hbm>>
      %dma_wait3A_62 = arith.constant 0 : i32
      %dma_wait3A_63 = arith.constant 0 : i32
      %dma_wait3A_64 = tpu.memref_slice %arg4[%add3A, %dma_wait3A_62, %dma_wait3A_63] : memref<32x40x128xi32, #tpu.memory_space<hbm>> -> memref<1x40x128xi32, #tpu.memory_space<hbm>>
      %dma_wait3A_65 = tpu.memref_squeeze %dma_wait3A_64 : memref<1x40x128xi32, #tpu.memory_space<hbm>> -> memref<40x128xi32, #tpu.memory_space<hbm>>
      tpu.wait_dma2 semaphore(%run_scoped3A : memref<!tpu.dma_semaphore, #tpu.memory_space<semaphore_mem>>) src(%dma_wait3A_65 : memref<40x128xi32, #tpu.memory_space<hbm>>) dst(%arg8 : memref<40x128xi32, #tpu.memory_space<vmem>>)
      tpu.yield
    }) : () -> ()
    %mul3A_6 = arith.constant 640 : i32
    %mul3A_7 = arith.muli %arg1, %mul3A_6 : i32
    "tpu.region"() ({
      %run_scoped3A = tpu.sem_alloc : memref<!tpu.dma_semaphore, #tpu.memory_space<semaphore_mem>>
      %dma_start3A_50 = arith.constant 0 : i32
      %dma_start3A_51 = tpu.memref_slice %arg6[%mul3A_7, %dma_start3A_50] : memref<10240x16xf32, #tpu.memory_space<vmem_shared>> -> memref<640x16xf32, #tpu.memory_space<vmem_shared>>
      %dma_start3A_52 = arith.constant 0 : i32
      %dma_start3A_53 = tpu.memref_slice %arg6[%mul3A_7, %dma_start3A_52] : memref<10240x16xf32, #tpu.memory_space<vmem_shared>> -> memref<640x16xf32, #tpu.memory_space<vmem_shared>>
      tpu.enqueue_dma source(%arg13 : memref<640x16xf32, #tpu.memory_space<vmem>>) target(%dma_start3A_53 : memref<640x16xf32, #tpu.memory_space<vmem_shared>>) target_semaphore(%run_scoped3A : memref<!tpu.dma_semaphore, #tpu.memory_space<semaphore_mem>>)
      %dma_wait3A_54 = arith.constant 0 : i32
      %dma_wait3A_55 = tpu.memref_slice %arg6[%mul3A_7, %dma_wait3A_54] : memref<10240x16xf32, #tpu.memory_space<vmem_shared>> -> memref<640x16xf32, #tpu.memory_space<vmem_shared>>
      %dma_wait3A_56 = arith.constant 0 : i32
      %dma_wait3A_57 = tpu.memref_slice %arg6[%mul3A_7, %dma_wait3A_56] : memref<10240x16xf32, #tpu.memory_space<vmem_shared>> -> memref<640x16xf32, #tpu.memory_space<vmem_shared>>
      tpu.wait_dma2 semaphore(%run_scoped3A : memref<!tpu.dma_semaphore, #tpu.memory_space<semaphore_mem>>) src(%arg13 : memref<640x16xf32, #tpu.memory_space<vmem>>) dst(%dma_wait3A_57 : memref<640x16xf32, #tpu.memory_space<vmem_shared>>)
      tpu.yield
    }) : () -> ()
    %barrier3A = arith.constant 0 : index
    tpu.barrier barrier_id(%barrier3A)
    %dma_start3A = arith.constant 0 : i32
    %dma_start3A_8 = arith.constant 0 : i32
    %dma_start3A_9 = tpu.memref_slice %arg7[%dma_start3A, %dma_start3A_8] : memref<40x128xi32, #tpu.memory_space<vmem>> -> memref<1x128xi32, #tpu.memory_space<vmem>>
    %dma_start3A_10 = tpu.memref_squeeze %dma_start3A_9 : memref<1x128xi32, #tpu.memory_space<vmem>> -> memref<128xi32, #tpu.memory_space<vmem>>
    %dma_start3A_11 = arith.constant 0 : i32
    %dma_start3A_12 = arith.constant 0 : i32
    %dma_start3A_13 = tpu.memref_slice %arg2[%dma_start3A_11, %dma_start3A_12] : memref<10240x16xf32, #tpu.memory_space<hbm>> -> memref<10240x16xf32, #tpu.memory_space<hbm>>
    tpu.enqueue_indirect_dma source(%dma_start3A_13 : memref<10240x16xf32, #tpu.memory_space<hbm>>) target(%arg9 : memref<128x16xf32, #tpu.memory_space<vmem>>) offsets(%dma_start3A_10 : memref<128xi32, #tpu.memory_space<vmem>>) semaphore(%arg14 : memref<!tpu.dma_semaphore, #tpu.memory_space<semaphore_mem>>)
    %dma_start3A_14 = arith.constant 1 : i32
    %dma_start3A_15 = arith.constant 0 : i32
    %dma_start3A_16 = tpu.memref_slice %arg7[%dma_start3A_14, %dma_start3A_15] : memref<40x128xi32, #tpu.memory_space<vmem>> -> memref<1x128xi32, #tpu.memory_space<vmem>>
    %dma_start3A_17 = tpu.memref_squeeze %dma_start3A_16 : memref<1x128xi32, #tpu.memory_space<vmem>> -> memref<128xi32, #tpu.memory_space<vmem>>
    %dma_start3A_18 = arith.constant 0 : i32
    %dma_start3A_19 = arith.constant 0 : i32
    %dma_start3A_20 = tpu.memref_slice %arg2[%dma_start3A_18, %dma_start3A_19] : memref<10240x16xf32, #tpu.memory_space<hbm>> -> memref<10240x16xf32, #tpu.memory_space<hbm>>
    tpu.enqueue_indirect_dma source(%dma_start3A_20 : memref<10240x16xf32, #tpu.memory_space<hbm>>) target(%arg10 : memref<128x16xf32, #tpu.memory_space<vmem>>) offsets(%dma_start3A_17 : memref<128xi32, #tpu.memory_space<vmem>>) semaphore(%arg15 : memref<!tpu.dma_semaphore, #tpu.memory_space<semaphore_mem>>)
    %scan3A_21 = arith.constant 0 : i32
    %scan3A_22 = arith.constant 10 : i32
    %scan3A_23 = arith.addi %scan3A_21, %scan3A_22 : i32
    %scan3A_24 = arith.constant 1 : i32
    scf.for %scan3A_50 = %scan3A_21 to %scan3A_23 step %scan3A_24  : i32 {
      %mul3A_51 = arith.constant 1 : i32
      %mul3A_52 = arith.muli %scan3A_50, %mul3A_51 : i32
      %add3A_53 = arith.constant 0 : i32
      %add3A_54 = arith.addi %add3A_53, %mul3A_52 : i32
      %mul3A_55 = arith.constant 4 : i32
      %mul3A_56 = arith.muli %add3A_54, %mul3A_55 : i32
      %add3A_57 = arith.constant 0 : i32
      %add3A_58 = arith.addi %mul3A_56, %add3A_57 : i32
      %dma_wait3A_59 = arith.constant 0 : i32
      %dma_wait3A_60 = arith.constant 0 : i32
      %dma_wait3A_61 = tpu.memref_slice %arg2[%dma_wait3A_59, %dma_wait3A_60] : memref<10240x16xf32, #tpu.memory_space<hbm>> -> memref<128x16xf32, #tpu.memory_space<hbm>>
      %dma_wait3A_62 = arith.constant 0 : i32
      %dma_wait3A_63 = arith.constant 0 : i32
      %dma_wait3A_64 = tpu.memref_slice %arg2[%dma_wait3A_62, %dma_wait3A_63] : memref<10240x16xf32, #tpu.memory_space<hbm>> -> memref<128x16xf32, #tpu.memory_space<hbm>>
      tpu.wait_dma2 semaphore(%arg14 : memref<!tpu.dma_semaphore, #tpu.memory_space<semaphore_mem>>) src(%dma_wait3A_64 : memref<128x16xf32, #tpu.memory_space<hbm>>) dst(%arg9 : memref<128x16xf32, #tpu.memory_space<vmem>>)
      %dma_start3A_65 = arith.constant 0 : i32
      %dma_start3A_66 = tpu.memref_slice %arg8[%add3A_58, %dma_start3A_65] : memref<40x128xi32, #tpu.memory_space<vmem>> -> memref<1x128xi32, #tpu.memory_space<vmem>>
      %dma_start3A_67 = tpu.memref_squeeze %dma_start3A_66 : memref<1x128xi32, #tpu.memory_space<vmem>> -> memref<128xi32, #tpu.memory_space<vmem>>
      %dma_start3A_68 = arith.constant 0 : i32
      %dma_start3A_69 = arith.constant 0 : i32
      %dma_start3A_70 = tpu.memref_slice %arg6[%dma_start3A_68, %dma_start3A_69] : memref<10240x16xf32, #tpu.memory_space<vmem_shared>> -> memref<10240x16xf32, #tpu.memory_space<vmem_shared>>
      tpu.enqueue_indirect_dma source(%arg9 : memref<128x16xf32, #tpu.memory_space<vmem>>) target(%dma_start3A_70 : memref<10240x16xf32, #tpu.memory_space<vmem_shared>>) offsets(%dma_start3A_67 : memref<128xi32, #tpu.memory_space<vmem>>) semaphore(%arg18 : memref<!tpu.dma_semaphore, #tpu.memory_space<semaphore_mem>>) {add = true}
      %add3A_71 = arith.constant 2 : i32
      %add3A_72 = arith.addi %add3A_58, %add3A_71 : i32
      %lt3A = arith.constant 40 : i32
      %lt3A_73 = arith.cmpi slt, %add3A_72, %lt3A : i32
      %convert_element_type3A = arith.extui %lt3A_73 : i1 to i32
      %cond3A = arith.constant 0 : i32
      %cond3A_74 = arith.cmpi ne, %convert_element_type3A, %cond3A : i32
      scf.if %cond3A_74 {
        %ge3A = arith.constant 4 : i32
        %ge3A_144 = arith.cmpi sge, %add3A_72, %ge3A : i32
        %convert_element_type3A_145 = arith.extui %ge3A_144 : i1 to i32
        %cond3A_146 = arith.constant 0 : i32
        %cond3A_147 = arith.cmpi ne, %convert_element_type3A_145, %cond3A_146 : i32
        scf.if %cond3A_147 {
          %dma_wait3A_154 = arith.constant 0 : i32
          %dma_wait3A_155 = arith.constant 0 : i32
          %dma_wait3A_156 = tpu.memref_slice %arg2[%dma_wait3A_154, %dma_wait3A_155] : memref<10240x16xf32, #tpu.memory_space<hbm>> -> memref<128x16xf32, #tpu.memory_space<hbm>>
          %dma_wait3A_157 = arith.constant 0 : i32
          %dma_wait3A_158 = arith.constant 0 : i32
          %dma_wait3A_159 = tpu.memref_slice %arg2[%dma_wait3A_157, %dma_wait3A_158] : memref<10240x16xf32, #tpu.memory_space<hbm>> -> memref<128x16xf32, #tpu.memory_space<hbm>>
          tpu.wait_dma2 semaphore(%arg20 : memref<!tpu.dma_semaphore, #tpu.memory_space<semaphore_mem>>) src(%dma_wait3A_159 : memref<128x16xf32, #tpu.memory_space<hbm>>) dst(%arg11 : memref<128x16xf32, #tpu.memory_space<vmem>>)
        } else {
        }
        %dma_start3A_148 = arith.constant 0 : i32
        %dma_start3A_149 = tpu.memref_slice %arg7[%add3A_72, %dma_start3A_148] : memref<40x128xi32, #tpu.memory_space<vmem>> -> memref<1x128xi32, #tpu.memory_space<vmem>>
        %dma_start3A_150 = tpu.memref_squeeze %dma_start3A_149 : memref<1x128xi32, #tpu.memory_space<vmem>> -> memref<128xi32, #tpu.memory_space<vmem>>
        %dma_start3A_151 = arith.constant 0 : i32
        %dma_start3A_152 = arith.constant 0 : i32
        %dma_start3A_153 = tpu.memref_slice %arg2[%dma_start3A_151, %dma_start3A_152] : memref<10240x16xf32, #tpu.memory_space<hbm>> -> memref<10240x16xf32, #tpu.memory_space<hbm>>
        tpu.enqueue_indirect_dma source(%dma_start3A_153 : memref<10240x16xf32, #tpu.memory_space<hbm>>) target(%arg11 : memref<128x16xf32, #tpu.memory_space<vmem>>) offsets(%dma_start3A_150 : memref<128xi32, #tpu.memory_space<vmem>>) semaphore(%arg16 : memref<!tpu.dma_semaphore, #tpu.memory_space<semaphore_mem>>)
      } else {
      }
      %mul3A_75 = arith.constant 4 : i32
      %mul3A_76 = arith.muli %add3A_54, %mul3A_75 : i32
      %add3A_77 = arith.constant 1 : i32
      %add3A_78 = arith.addi %mul3A_76, %add3A_77 : i32
      %dma_wait3A_79 = arith.constant 0 : i32
      %dma_wait3A_80 = arith.constant 0 : i32
      %dma_wait3A_81 = tpu.memref_slice %arg2[%dma_wait3A_79, %dma_wait3A_80] : memref<10240x16xf32, #tpu.memory_space<hbm>> -> memref<128x16xf32, #tpu.memory_space<hbm>>
      %dma_wait3A_82 = arith.constant 0 : i32
      %dma_wait3A_83 = arith.constant 0 : i32
      %dma_wait3A_84 = tpu.memref_slice %arg2[%dma_wait3A_82, %dma_wait3A_83] : memref<10240x16xf32, #tpu.memory_space<hbm>> -> memref<128x16xf32, #tpu.memory_space<hbm>>
      tpu.wait_dma2 semaphore(%arg15 : memref<!tpu.dma_semaphore, #tpu.memory_space<semaphore_mem>>) src(%dma_wait3A_84 : memref<128x16xf32, #tpu.memory_space<hbm>>) dst(%arg10 : memref<128x16xf32, #tpu.memory_space<vmem>>)
      %dma_start3A_85 = arith.constant 0 : i32
      %dma_start3A_86 = tpu.memref_slice %arg8[%add3A_78, %dma_start3A_85] : memref<40x128xi32, #tpu.memory_space<vmem>> -> memref<1x128xi32, #tpu.memory_space<vmem>>
      %dma_start3A_87 = tpu.memref_squeeze %dma_start3A_86 : memref<1x128xi32, #tpu.memory_space<vmem>> -> memref<128xi32, #tpu.memory_space<vmem>>
      %dma_start3A_88 = arith.constant 0 : i32
      %dma_start3A_89 = arith.constant 0 : i32
      %dma_start3A_90 = tpu.memref_slice %arg6[%dma_start3A_88, %dma_start3A_89] : memref<10240x16xf32, #tpu.memory_space<vmem_shared>> -> memref<10240x16xf32, #tpu.memory_space<vmem_shared>>
      tpu.enqueue_indirect_dma source(%arg10 : memref<128x16xf32, #tpu.memory_space<vmem>>) target(%dma_start3A_90 : memref<10240x16xf32, #tpu.memory_space<vmem_shared>>) offsets(%dma_start3A_87 : memref<128xi32, #tpu.memory_space<vmem>>) semaphore(%arg19 : memref<!tpu.dma_semaphore, #tpu.memory_space<semaphore_mem>>) {add = true}
      %add3A_91 = arith.constant 2 : i32
      %add3A_92 = arith.addi %add3A_78, %add3A_91 : i32
      %lt3A_93 = arith.constant 40 : i32
      %lt3A_94 = arith.cmpi slt, %add3A_92, %lt3A_93 : i32
      %convert_element_type3A_95 = arith.extui %lt3A_94 : i1 to i32
      %cond3A_96 = arith.constant 0 : i32
      %cond3A_97 = arith.cmpi ne, %convert_element_type3A_95, %cond3A_96 : i32
      scf.if %cond3A_97 {
        %ge3A = arith.constant 4 : i32
        %ge3A_144 = arith.cmpi sge, %add3A_92, %ge3A : i32
        %convert_element_type3A_145 = arith.extui %ge3A_144 : i1 to i32
        %cond3A_146 = arith.constant 0 : i32
        %cond3A_147 = arith.cmpi ne, %convert_element_type3A_145, %cond3A_146 : i32
        scf.if %cond3A_147 {
          %dma_wait3A_154 = arith.constant 0 : i32
          %dma_wait3A_155 = arith.constant 0 : i32
          %dma_wait3A_156 = tpu.memref_slice %arg2[%dma_wait3A_154, %dma_wait3A_155] : memref<10240x16xf32, #tpu.memory_space<hbm>> -> memref<128x16xf32, #tpu.memory_space<hbm>>
          %dma_wait3A_157 = arith.constant 0 : i32
          %dma_wait3A_158 = arith.constant 0 : i32
          %dma_wait3A_159 = tpu.memref_slice %arg2[%dma_wait3A_157, %dma_wait3A_158] : memref<10240x16xf32, #tpu.memory_space<hbm>> -> memref<128x16xf32, #tpu.memory_space<hbm>>
          tpu.wait_dma2 semaphore(%arg21 : memref<!tpu.dma_semaphore, #tpu.memory_space<semaphore_mem>>) src(%dma_wait3A_159 : memref<128x16xf32, #tpu.memory_space<hbm>>) dst(%arg12 : memref<128x16xf32, #tpu.memory_space<vmem>>)
        } else {
        }
        %dma_start3A_148 = arith.constant 0 : i32
        %dma_start3A_149 = tpu.memref_slice %arg7[%add3A_92, %dma_start3A_148] : memref<40x128xi32, #tpu.memory_space<vmem>> -> memref<1x128xi32, #tpu.memory_space<vmem>>
        %dma_start3A_150 = tpu.memref_squeeze %dma_start3A_149 : memref<1x128xi32, #tpu.memory_space<vmem>> -> memref<128xi32, #tpu.memory_space<vmem>>
        %dma_start3A_151 = arith.constant 0 : i32
        %dma_start3A_152 = arith.constant 0 : i32
        %dma_start3A_153 = tpu.memref_slice %arg2[%dma_start3A_151, %dma_start3A_152] : memref<10240x16xf32, #tpu.memory_space<hbm>> -> memref<10240x16xf32, #tpu.memory_space<hbm>>
        tpu.enqueue_indirect_dma source(%dma_start3A_153 : memref<10240x16xf32, #tpu.memory_space<hbm>>) target(%arg12 : memref<128x16xf32, #tpu.memory_space<vmem>>) offsets(%dma_start3A_150 : memref<128xi32, #tpu.memory_space<vmem>>) semaphore(%arg17 : memref<!tpu.dma_semaphore, #tpu.memory_space<semaphore_mem>>)
      } else {
      }
      %mul3A_98 = arith.constant 4 : i32
      %mul3A_99 = arith.muli %add3A_54, %mul3A_98 : i32
      %add3A_100 = arith.constant 2 : i32
      %add3A_101 = arith.addi %mul3A_99, %add3A_100 : i32
      %dma_wait3A_102 = arith.constant 0 : i32
      %dma_wait3A_103 = arith.constant 0 : i32
      %dma_wait3A_104 = tpu.memref_slice %arg2[%dma_wait3A_102, %dma_wait3A_103] : memref<10240x16xf32, #tpu.memory_space<hbm>> -> memref<128x16xf32, #tpu.memory_space<hbm>>
      %dma_wait3A_105 = arith.constant 0 : i32
      %dma_wait3A_106 = arith.constant 0 : i32
      %dma_wait3A_107 = tpu.memref_slice %arg2[%dma_wait3A_105, %dma_wait3A_106] : memref<10240x16xf32, #tpu.memory_space<hbm>> -> memref<128x16xf32, #tpu.memory_space<hbm>>
      tpu.wait_dma2 semaphore(%arg16 : memref<!tpu.dma_semaphore, #tpu.memory_space<semaphore_mem>>) src(%dma_wait3A_107 : memref<128x16xf32, #tpu.memory_space<hbm>>) dst(%arg11 : memref<128x16xf32, #tpu.memory_space<vmem>>)
      %dma_start3A_108 = arith.constant 0 : i32
      %dma_start3A_109 = tpu.memref_slice %arg8[%add3A_101, %dma_start3A_108] : memref<40x128xi32, #tpu.memory_space<vmem>> -> memref<1x128xi32, #tpu.memory_space<vmem>>
      %dma_start3A_110 = tpu.memref_squeeze %dma_start3A_109 : memref<1x128xi32, #tpu.memory_space<vmem>> -> memref<128xi32, #tpu.memory_space<vmem>>
      %dma_start3A_111 = arith.constant 0 : i32
      %dma_start3A_112 = arith.constant 0 : i32
      %dma_start3A_113 = tpu.memref_slice %arg6[%dma_start3A_111, %dma_start3A_112] : memref<10240x16xf32, #tpu.memory_space<vmem_shared>> -> memref<10240x16xf32, #tpu.memory_space<vmem_shared>>
      tpu.enqueue_indirect_dma source(%arg11 : memref<128x16xf32, #tpu.memory_space<vmem>>) target(%dma_start3A_113 : memref<10240x16xf32, #tpu.memory_space<vmem_shared>>) offsets(%dma_start3A_110 : memref<128xi32, #tpu.memory_space<vmem>>) semaphore(%arg20 : memref<!tpu.dma_semaphore, #tpu.memory_space<semaphore_mem>>) {add = true}
      %add3A_114 = arith.constant 2 : i32
      %add3A_115 = arith.addi %add3A_101, %add3A_114 : i32
      %lt3A_116 = arith.constant 40 : i32
      %lt3A_117 = arith.cmpi slt, %add3A_115, %lt3A_116 : i32
      %convert_element_type3A_118 = arith.extui %lt3A_117 : i1 to i32
      %cond3A_119 = arith.constant 0 : i32
      %cond3A_120 = arith.cmpi ne, %convert_element_type3A_118, %cond3A_119 : i32
      scf.if %cond3A_120 {
        %ge3A = arith.constant 4 : i32
        %ge3A_144 = arith.cmpi sge, %add3A_115, %ge3A : i32
        %convert_element_type3A_145 = arith.extui %ge3A_144 : i1 to i32
        %cond3A_146 = arith.constant 0 : i32
        %cond3A_147 = arith.cmpi ne, %convert_element_type3A_145, %cond3A_146 : i32
        scf.if %cond3A_147 {
          %dma_wait3A_154 = arith.constant 0 : i32
          %dma_wait3A_155 = arith.constant 0 : i32
          %dma_wait3A_156 = tpu.memref_slice %arg2[%dma_wait3A_154, %dma_wait3A_155] : memref<10240x16xf32, #tpu.memory_space<hbm>> -> memref<128x16xf32, #tpu.memory_space<hbm>>
          %dma_wait3A_157 = arith.constant 0 : i32
          %dma_wait3A_158 = arith.constant 0 : i32
          %dma_wait3A_159 = tpu.memref_slice %arg2[%dma_wait3A_157, %dma_wait3A_158] : memref<10240x16xf32, #tpu.memory_space<hbm>> -> memref<128x16xf32, #tpu.memory_space<hbm>>
          tpu.wait_dma2 semaphore(%arg18 : memref<!tpu.dma_semaphore, #tpu.memory_space<semaphore_mem>>) src(%dma_wait3A_159 : memref<128x16xf32, #tpu.memory_space<hbm>>) dst(%arg9 : memref<128x16xf32, #tpu.memory_space<vmem>>)
        } else {
        }
        %dma_start3A_148 = arith.constant 0 : i32
        %dma_start3A_149 = tpu.memref_slice %arg7[%add3A_115, %dma_start3A_148] : memref<40x128xi32, #tpu.memory_space<vmem>> -> memref<1x128xi32, #tpu.memory_space<vmem>>
        %dma_start3A_150 = tpu.memref_squeeze %dma_start3A_149 : memref<1x128xi32, #tpu.memory_space<vmem>> -> memref<128xi32, #tpu.memory_space<vmem>>
        %dma_start3A_151 = arith.constant 0 : i32
        %dma_start3A_152 = arith.constant 0 : i32
        %dma_start3A_153 = tpu.memref_slice %arg2[%dma_start3A_151, %dma_start3A_152] : memref<10240x16xf32, #tpu.memory_space<hbm>> -> memref<10240x16xf32, #tpu.memory_space<hbm>>
        tpu.enqueue_indirect_dma source(%dma_start3A_153 : memref<10240x16xf32, #tpu.memory_space<hbm>>) target(%arg9 : memref<128x16xf32, #tpu.memory_space<vmem>>) offsets(%dma_start3A_150 : memref<128xi32, #tpu.memory_space<vmem>>) semaphore(%arg14 : memref<!tpu.dma_semaphore, #tpu.memory_space<semaphore_mem>>)
      } else {
      }
      %mul3A_121 = arith.constant 4 : i32
      %mul3A_122 = arith.muli %add3A_54, %mul3A_121 : i32
      %add3A_123 = arith.constant 3 : i32
      %add3A_124 = arith.addi %mul3A_122, %add3A_123 : i32
      %dma_wait3A_125 = arith.constant 0 : i32
      %dma_wait3A_126 = arith.constant 0 : i32
      %dma_wait3A_127 = tpu.memref_slice %arg2[%dma_wait3A_125, %dma_wait3A_126] : memref<10240x16xf32, #tpu.memory_space<hbm>> -> memref<128x16xf32, #tpu.memory_space<hbm>>
      %dma_wait3A_128 = arith.constant 0 : i32
      %dma_wait3A_129 = arith.constant 0 : i32
      %dma_wait3A_130 = tpu.memref_slice %arg2[%dma_wait3A_128, %dma_wait3A_129] : memref<10240x16xf32, #tpu.memory_space<hbm>> -> memref<128x16xf32, #tpu.memory_space<hbm>>
      tpu.wait_dma2 semaphore(%arg17 : memref<!tpu.dma_semaphore, #tpu.memory_space<semaphore_mem>>) src(%dma_wait3A_130 : memref<128x16xf32, #tpu.memory_space<hbm>>) dst(%arg12 : memref<128x16xf32, #tpu.memory_space<vmem>>)
      %dma_start3A_131 = arith.constant 0 : i32
      %dma_start3A_132 = tpu.memref_slice %arg8[%add3A_124, %dma_start3A_131] : memref<40x128xi32, #tpu.memory_space<vmem>> -> memref<1x128xi32, #tpu.memory_space<vmem>>
      %dma_start3A_133 = tpu.memref_squeeze %dma_start3A_132 : memref<1x128xi32, #tpu.memory_space<vmem>> -> memref<128xi32, #tpu.memory_space<vmem>>
      %dma_start3A_134 = arith.constant 0 : i32
      %dma_start3A_135 = arith.constant 0 : i32
      %dma_start3A_136 = tpu.memref_slice %arg6[%dma_start3A_134, %dma_start3A_135] : memref<10240x16xf32, #tpu.memory_space<vmem_shared>> -> memref<10240x16xf32, #tpu.memory_space<vmem_shared>>
      tpu.enqueue_indirect_dma source(%arg12 : memref<128x16xf32, #tpu.memory_space<vmem>>) target(%dma_start3A_136 : memref<10240x16xf32, #tpu.memory_space<vmem_shared>>) offsets(%dma_start3A_133 : memref<128xi32, #tpu.memory_space<vmem>>) semaphore(%arg21 : memref<!tpu.dma_semaphore, #tpu.memory_space<semaphore_mem>>) {add = true}
      %add3A_137 = arith.constant 2 : i32
      %add3A_138 = arith.addi %add3A_124, %add3A_137 : i32
      %lt3A_139 = arith.constant 40 : i32
      %lt3A_140 = arith.cmpi slt, %add3A_138, %lt3A_139 : i32
      %convert_element_type3A_141 = arith.extui %lt3A_140 : i1 to i32
      %cond3A_142 = arith.constant 0 : i32
      %cond3A_143 = arith.cmpi ne, %convert_element_type3A_141, %cond3A_142 : i32
      scf.if %cond3A_143 {
        %ge3A = arith.constant 4 : i32
        %ge3A_144 = arith.cmpi sge, %add3A_138, %ge3A : i32
        %convert_element_type3A_145 = arith.extui %ge3A_144 : i1 to i32
        %cond3A_146 = arith.constant 0 : i32
        %cond3A_147 = arith.cmpi ne, %convert_element_type3A_145, %cond3A_146 : i32
        scf.if %cond3A_147 {
          %dma_wait3A_154 = arith.constant 0 : i32
          %dma_wait3A_155 = arith.constant 0 : i32
          %dma_wait3A_156 = tpu.memref_slice %arg2[%dma_wait3A_154, %dma_wait3A_155] : memref<10240x16xf32, #tpu.memory_space<hbm>> -> memref<128x16xf32, #tpu.memory_space<hbm>>
          %dma_wait3A_157 = arith.constant 0 : i32
          %dma_wait3A_158 = arith.constant 0 : i32
          %dma_wait3A_159 = tpu.memref_slice %arg2[%dma_wait3A_157, %dma_wait3A_158] : memref<10240x16xf32, #tpu.memory_space<hbm>> -> memref<128x16xf32, #tpu.memory_space<hbm>>
          tpu.wait_dma2 semaphore(%arg19 : memref<!tpu.dma_semaphore, #tpu.memory_space<semaphore_mem>>) src(%dma_wait3A_159 : memref<128x16xf32, #tpu.memory_space<hbm>>) dst(%arg10 : memref<128x16xf32, #tpu.memory_space<vmem>>)
        } else {
        }
        %dma_start3A_148 = arith.constant 0 : i32
        %dma_start3A_149 = tpu.memref_slice %arg7[%add3A_138, %dma_start3A_148] : memref<40x128xi32, #tpu.memory_space<vmem>> -> memref<1x128xi32, #tpu.memory_space<vmem>>
        %dma_start3A_150 = tpu.memref_squeeze %dma_start3A_149 : memref<1x128xi32, #tpu.memory_space<vmem>> -> memref<128xi32, #tpu.memory_space<vmem>>
        %dma_start3A_151 = arith.constant 0 : i32
        %dma_start3A_152 = arith.constant 0 : i32
        %dma_start3A_153 = tpu.memref_slice %arg2[%dma_start3A_151, %dma_start3A_152] : memref<10240x16xf32, #tpu.memory_space<hbm>> -> memref<10240x16xf32, #tpu.memory_space<hbm>>
        tpu.enqueue_indirect_dma source(%dma_start3A_153 : memref<10240x16xf32, #tpu.memory_space<hbm>>) target(%arg10 : memref<128x16xf32, #tpu.memory_space<vmem>>) offsets(%dma_start3A_150 : memref<128xi32, #tpu.memory_space<vmem>>) semaphore(%arg15 : memref<!tpu.dma_semaphore, #tpu.memory_space<semaphore_mem>>)
      } else {
      }
    }
    %scan3A_25 = arith.constant 10 : i32
    %dma_wait3A = arith.constant 0 : i32
    %dma_wait3A_26 = arith.constant 0 : i32
    %dma_wait3A_27 = tpu.memref_slice %arg2[%dma_wait3A, %dma_wait3A_26] : memref<10240x16xf32, #tpu.memory_space<hbm>> -> memref<128x16xf32, #tpu.memory_space<hbm>>
    %dma_wait3A_28 = arith.constant 0 : i32
    %dma_wait3A_29 = arith.constant 0 : i32
    %dma_wait3A_30 = tpu.memref_slice %arg2[%dma_wait3A_28, %dma_wait3A_29] : memref<10240x16xf32, #tpu.memory_space<hbm>> -> memref<128x16xf32, #tpu.memory_space<hbm>>
    tpu.wait_dma2 semaphore(%arg18 : memref<!tpu.dma_semaphore, #tpu.memory_space<semaphore_mem>>) src(%dma_wait3A_30 : memref<128x16xf32, #tpu.memory_space<hbm>>) dst(%arg9 : memref<128x16xf32, #tpu.memory_space<vmem>>)
    %dma_wait3A_31 = arith.constant 0 : i32
    %dma_wait3A_32 = arith.constant 0 : i32
    %dma_wait3A_33 = tpu.memref_slice %arg2[%dma_wait3A_31, %dma_wait3A_32] : memref<10240x16xf32, #tpu.memory_space<hbm>> -> memref<128x16xf32, #tpu.memory_space<hbm>>
    %dma_wait3A_34 = arith.constant 0 : i32
    %dma_wait3A_35 = arith.constant 0 : i32
    %dma_wait3A_36 = tpu.memref_slice %arg2[%dma_wait3A_34, %dma_wait3A_35] : memref<10240x16xf32, #tpu.memory_space<hbm>> -> memref<128x16xf32, #tpu.memory_space<hbm>>
    tpu.wait_dma2 semaphore(%arg19 : memref<!tpu.dma_semaphore, #tpu.memory_space<semaphore_mem>>) src(%dma_wait3A_36 : memref<128x16xf32, #tpu.memory_space<hbm>>) dst(%arg10 : memref<128x16xf32, #tpu.memory_space<vmem>>)
    %dma_wait3A_37 = arith.constant 0 : i32
    %dma_wait3A_38 = arith.constant 0 : i32
    %dma_wait3A_39 = tpu.memref_slice %arg2[%dma_wait3A_37, %dma_wait3A_38] : memref<10240x16xf32, #tpu.memory_space<hbm>> -> memref<128x16xf32, #tpu.memory_space<hbm>>
    %dma_wait3A_40 = arith.constant 0 : i32
    %dma_wait3A_41 = arith.constant 0 : i32
    %dma_wait3A_42 = tpu.memref_slice %arg2[%dma_wait3A_40, %dma_wait3A_41] : memref<10240x16xf32, #tpu.memory_space<hbm>> -> memref<128x16xf32, #tpu.memory_space<hbm>>
    tpu.wait_dma2 semaphore(%arg20 : memref<!tpu.dma_semaphore, #tpu.memory_space<semaphore_mem>>) src(%dma_wait3A_42 : memref<128x16xf32, #tpu.memory_space<hbm>>) dst(%arg11 : memref<128x16xf32, #tpu.memory_space<vmem>>)
    %dma_wait3A_43 = arith.constant 0 : i32
    %dma_wait3A_44 = arith.constant 0 : i32
    %dma_wait3A_45 = tpu.memref_slice %arg2[%dma_wait3A_43, %dma_wait3A_44] : memref<10240x16xf32, #tpu.memory_space<hbm>> -> memref<128x16xf32, #tpu.memory_space<hbm>>
    %dma_wait3A_46 = arith.constant 0 : i32
    %dma_wait3A_47 = arith.constant 0 : i32
    %dma_wait3A_48 = tpu.memref_slice %arg2[%dma_wait3A_46, %dma_wait3A_47] : memref<10240x16xf32, #tpu.memory_space<hbm>> -> memref<128x16xf32, #tpu.memory_space<hbm>>
    tpu.wait_dma2 semaphore(%arg21 : memref<!tpu.dma_semaphore, #tpu.memory_space<semaphore_mem>>) src(%dma_wait3A_48 : memref<128x16xf32, #tpu.memory_space<hbm>>) dst(%arg12 : memref<128x16xf32, #tpu.memory_space<vmem>>)
    %barrier3A_49 = arith.constant 0 : index
    tpu.barrier barrier_id(%barrier3A_49)
    "tpu.region"() ({
      %run_scoped3A = tpu.sem_alloc : memref<!tpu.dma_semaphore, #tpu.memory_space<semaphore_mem>>
      %dma_start3A_50 = arith.constant 0 : i32
      %dma_start3A_51 = tpu.memref_slice %arg5[%arg0, %mul3A_7, %dma_start3A_50] : memref<2x10240x16xf32, #tpu.memory_space<hbm>> -> memref<1x640x16xf32, #tpu.memory_space<hbm>>
      %dma_start3A_52 = tpu.memref_squeeze %dma_start3A_51 : memref<1x640x16xf32, #tpu.memory_space<hbm>> -> memref<640x16xf32, #tpu.memory_space<hbm>>
      %dma_start3A_53 = arith.constant 0 : i32
      %dma_start3A_54 = tpu.memref_slice %arg6[%mul3A_7, %dma_start3A_53] : memref<10240x16xf32, #tpu.memory_space<vmem_shared>> -> memref<640x16xf32, #tpu.memory_space<vmem_shared>>
      tpu.enqueue_dma source(%dma_start3A_54 : memref<640x16xf32, #tpu.memory_space<vmem_shared>>) target(%dma_start3A_52 : memref<640x16xf32, #tpu.memory_space<hbm>>) target_semaphore(%run_scoped3A : memref<!tpu.dma_semaphore, #tpu.memory_space<semaphore_mem>>)
      %dma_wait3A_55 = arith.constant 0 : i32
      %dma_wait3A_56 = tpu.memref_slice %arg5[%arg0, %mul3A_7, %dma_wait3A_55] : memref<2x10240x16xf32, #tpu.memory_space<hbm>> -> memref<1x640x16xf32, #tpu.memory_space<hbm>>
      %dma_wait3A_57 = tpu.memref_squeeze %dma_wait3A_56 : memref<1x640x16xf32, #tpu.memory_space<hbm>> -> memref<640x16xf32, #tpu.memory_space<hbm>>
      %dma_wait3A_58 = arith.constant 0 : i32
      %dma_wait3A_59 = tpu.memref_slice %arg6[%mul3A_7, %dma_wait3A_58] : memref<10240x16xf32, #tpu.memory_space<vmem_shared>> -> memref<640x16xf32, #tpu.memory_space<vmem_shared>>
      tpu.wait_dma2 semaphore(%run_scoped3A : memref<!tpu.dma_semaphore, #tpu.memory_space<semaphore_mem>>) src(%dma_wait3A_59 : memref<640x16xf32, #tpu.memory_space<vmem_shared>>) dst(%dma_wait3A_57 : memref<640x16xf32, #tpu.memory_space<hbm>>)
      tpu.yield
    }) : () -> ()
    return
  }
}

#map = affine_map<(d0, d1) -> (0, 0)>
#map1 = affine_map<(d0, d1) -> (0, 0, 0)>
module attributes {stable_mosaic.version = 14 : i64} {
  func.func @k(%arg0: i32, %arg1: i32, %arg2: memref<10240x16xf32, #tpu.memory_space<hbm>>, %arg3: memref<32x40x128xi32, #tpu.memory_space<hbm>>, %arg4: memref<32x40x128xi32, #tpu.memory_space<hbm>>, %arg5: memref<2x10240x16xf32, #tpu.memory_space<hbm>>, %arg6: memref<10240x16xf32, #tpu.memory_space<vmem_shared>>, %arg7: memref<40x128xi32, #tpu.memory_space<vmem>>, %arg8: memref<40x128xi32, #tpu.memory_space<vmem>>, %arg9: memref<128x16xf32, #tpu.memory_space<vmem>>, %arg10: memref<128x16xf32, #tpu.memory_space<vmem>>, %arg11: memref<128x16xf32, #tpu.memory_space<vmem>>, %arg12: memref<128x16xf32, #tpu.memory_space<vmem>>, %arg13: memref<640x16xf32, #tpu.memory_space<vmem>>, %arg14: memref<!tpu.dma_semaphore, #tpu.memory_space<semaphore_mem>>, %arg15: memref<!tpu.dma_semaphore, #tpu.memory_space<semaphore_mem>>, %arg16: memref<!tpu.dma_semaphore, #tpu.memory_space<semaphore_mem>>, %arg17: memref<!tpu.dma_semaphore, #tpu.memory_space<semaphore_mem>>, %arg18: memref<!tpu.dma_semaphore, #tpu.memory_space<semaphore_mem>>, %arg19: memref<!tpu.dma_semaphore, #tpu.memory_space<semaphore_mem>>, %arg20: memref<!tpu.dma_semaphore, #tpu.memory_space<semaphore_mem>>, %arg21: memref<!tpu.dma_semaphore, #tpu.memory_space<semaphore_mem>>) attributes {dimension_semantics = [#tpu.dimension_semantics<core_parallel>, #tpu.dimension_semantics<subcore_parallel>], iteration_bounds = array<i64: 2, 16>, scalar_prefetch = 0 : i64, scratch_operands = 16 : i64, tpu.core_type = #tpu.core_type<sc_vector_subcore>, window_params = [{transform_indices = #map}, {transform_indices = #map1}, {transform_indices = #map1}, {transform_indices = #map1}]} {
    %mul3A = arith.constant 2 : i32
    %mul3A_0 = arith.muli %arg1, %mul3A : i32
    %add3A = arith.addi %mul3A_0, %arg0 : i32
    %broadcast_in_dim3A = arith.constant 0.000000e+00 : f32
    %broadcast_in_dim3A_1 = vector.broadcast %broadcast_in_dim3A : f32 to vector<16xf32>
    %scan3A = arith.constant 0 : i32
    %scan3A_2 = arith.constant 640 : i32
    %scan3A_3 = arith.addi %scan3A, %scan3A_2 : i32
    %scan3A_4 = arith.constant 1 : i32
    scf.for %scan3A_50 = %scan3A to %scan3A_3 step %scan3A_4  : i32 {
      %mul3A_51 = arith.constant 1 : i32
      %mul3A_52 = arith.muli %scan3A_50, %mul3A_51 : i32
      %add3A_53 = arith.constant 0 : i32
      %add3A_54 = arith.addi %add3A_53, %mul3A_52 : i32
      %swap3A = arith.index_cast %add3A_54 : i32 to index
      %swap3A_55 = arith.constant 0 : index
      %swap3A_56 = tpu.vector_load %arg13[%swap3A, %swap3A_55] {strides = array<i32>} : memref<640x16xf32, #tpu.memory_space<vmem>>, vector<1x16xf32>,
      %swap3A_57 = vector.shape_cast %swap3A_56 : vector<1x16xf32> to vector<16xf32>
      %swap3A_58 = vector.shape_cast %broadcast_in_dim3A_1 : vector<16xf32> to vector<1x16xf32>
      tpu.vector_store %arg13[%swap3A, %swap3A_55], %swap3A_58 {strides = array<i32>} : memref<640x16xf32, #tpu.memory_space<vmem>>, vector<1x16xf32>,
    }
    %scan3A_5 = arith.constant 640 : i32
    "tpu.region"() ({
      %run_scoped3A = tpu.sem_alloc : memref<!tpu.dma_semaphore, #tpu.memory_space<semaphore_mem>>
      %dma_start3A_50 = arith.constant 0 : i32
      %dma_start3A_51 = arith.constant 0 : i32
      %dma_start3A_52 = tpu.memref_slice %arg3[%add3A, %dma_start3A_50, %dma_start3A_51] : memref<32x40x128xi32, #tpu.memory_space<hbm>> -> memref<1x40x128xi32, #tpu.memory_space<hbm>>
      %dma_start3A_53 = tpu.memref_squeeze %dma_start3A_52 : memref<1x40x128xi32, #tpu.memory_space<hbm>> -> memref<40x128xi32, #tpu.memory_space<hbm>>
      %dma_start3A_54 = arith.constant 0 : i32
      %dma_start3A_55 = arith.constant 0 : i32
      %dma_start3A_56 = tpu.memref_slice %arg3[%add3A, %dma_start3A_54, %dma_start3A_55] : memref<32x40x128xi32, #tpu.memory_space<hbm>> -> memref<1x40x128xi32, #tpu.memory_space<hbm>>
      %dma_start3A_57 = tpu.memref_squeeze %dma_start3A_56 : memref<1x40x128xi32, #tpu.memory_space<hbm>> -> memref<40x128xi32, #tpu.memory_space<hbm>>
      tpu.enqueue_dma source(%dma_start3A_57 : memref<40x128xi32, #tpu.memory_space<hbm>>) target(%arg7 : memref<40x128xi32, #tpu.memory_space<vmem>>) target_semaphore(%run_scoped3A : memref<!tpu.dma_semaphore, #tpu.memory_space<semaphore_mem>>)
      %dma_wait3A_58 = arith.constant 0 : i32
      %dma_wait3A_59 = arith.constant 0 : i32
      %dma_wait3A_60 = tpu.memref_slice %arg3[%add3A, %dma_wait3A_58, %dma_wait3A_59] : memref<32x40x128xi32, #tpu.memory_space<hbm>> -> memref<1x40x128xi32, #tpu.memory_space<hbm>>
      %dma_wait3A_61 = tpu.memref_squeeze %dma_wait3A_60 : memref<1x40x128xi32, #tpu.memory_space<hbm>> -> memref<40x128xi32, #tpu.memory_space<hbm>>
      %dma_wait3A_62 = arith.constant 0 : i32
      %dma_wait3A_63 = arith.constant 0 : i32
      %dma_wait3A_64 = tpu.memref_slice %arg3[%add3A, %dma_wait3A_62, %dma_wait3A_63] : memref<32x40x128xi32, #tpu.memory_space<hbm>> -> memref<1x40x128xi32, #tpu.memory_space<hbm>>
      %dma_wait3A_65 = tpu.memref_squeeze %dma_wait3A_64 : memref<1x40x128xi32, #tpu.memory_space<hbm>> -> memref<40x128xi32, #tpu.memory_space<hbm>>
      tpu.wait_dma2 semaphore(%run_scoped3A : memref<!tpu.dma_semaphore, #tpu.memory_space<semaphore_mem>>) src(%dma_wait3A_65 : memref<40x128xi32, #tpu.memory_space<hbm>>) dst(%arg7 : memref<40x128xi32, #tpu.memory_space<vmem>>)
      tpu.yield
    }) : () -> ()
    "tpu.region"() ({
      %run_scoped3A = tpu.sem_alloc : memref<!tpu.dma_semaphore, #tpu.memory_space<semaphore_mem>>
      %dma_start3A_50 = arith.constant 0 : i32
      %dma_start3A_51 = arith.constant 0 : i32
      %dma_start3A_52 = tpu.memref_slice %arg4[%add3A, %dma_start3A_50, %dma_start3A_51] : memref<32x40x128xi32, #tpu.memory_space<hbm>> -> memref<1x40x128xi32, #tpu.memory_space<hbm>>
      %dma_start3A_53 = tpu.memref_squeeze %dma_start3A_52 : memref<1x40x128xi32, #tpu.memory_space<hbm>> -> memref<40x128xi32, #tpu.memory_space<hbm>>
      %dma_start3A_54 = arith.constant 0 : i32
      %dma_start3A_55 = arith.constant 0 : i32
      %dma_start3A_56 = tpu.memref_slice %arg4[%add3A, %dma_start3A_54, %dma_start3A_55] : memref<32x40x128xi32, #tpu.memory_space<hbm>> -> memref<1x40x128xi32, #tpu.memory_space<hbm>>
      %dma_start3A_57 = tpu.memref_squeeze %dma_start3A_56 : memref<1x40x128xi32, #tpu.memory_space<hbm>> -> memref<40x128xi32, #tpu.memory_space<hbm>>
      tpu.enqueue_dma source(%dma_start3A_57 : memref<40x128xi32, #tpu.memory_space<hbm>>) target(%arg8 : memref<40x128xi32, #tpu.memory_space<vmem>>) target_semaphore(%run_scoped3A : memref<!tpu.dma_semaphore, #tpu.memory_space<semaphore_mem>>)
      %dma_wait3A_58 = arith.constant 0 : i32
      %dma_wait3A_59 = arith.constant 0 : i32
      %dma_wait3A_60 = tpu.memref_slice %arg4[%add3A, %dma_wait3A_58, %dma_wait3A_59] : memref<32x40x128xi32, #tpu.memory_space<hbm>> -> memref<1x40x128xi32, #tpu.memory_space<hbm>>
      %dma_wait3A_61 = tpu.memref_squeeze %dma_wait3A_60 : memref<1x40x128xi32, #tpu.memory_space<hbm>> -> memref<40x128xi32, #tpu.memory_space<hbm>>
      %dma_wait3A_62 = arith.constant 0 : i32
      %dma_wait3A_63 = arith.constant 0 : i32
      %dma_wait3A_64 = tpu.memref_slice %arg4[%add3A, %dma_wait3A_62, %dma_wait3A_63] : memref<32x40x128xi32, #tpu.memory_space<hbm>> -> memref<1x40x128xi32, #tpu.memory_space<hbm>>
      %dma_wait3A_65 = tpu.memref_squeeze %dma_wait3A_64 : memref<1x40x128xi32, #tpu.memory_space<hbm>> -> memref<40x128xi32, #tpu.memory_space<hbm>>
      tpu.wait_dma2 semaphore(%run_scoped3A : memref<!tpu.dma_semaphore, #tpu.memory_space<semaphore_mem>>) src(%dma_wait3A_65 : memref<40x128xi32, #tpu.memory_space<hbm>>) dst(%arg8 : memref<40x128xi32, #tpu.memory_space<vmem>>)
      tpu.yield
    }) : () -> ()
    %mul3A_6 = arith.constant 640 : i32
    %mul3A_7 = arith.muli %arg1, %mul3A_6 : i32
    "tpu.region"() ({
      %run_scoped3A = tpu.sem_alloc : memref<!tpu.dma_semaphore, #tpu.memory_space<semaphore_mem>>
      %dma_start3A_50 = arith.constant 0 : i32
      %dma_start3A_51 = tpu.memref_slice %arg6[%mul3A_7, %dma_start3A_50] : memref<10240x16xf32, #tpu.memory_space<vmem_shared>> -> memref<640x16xf32, #tpu.memory_space<vmem_shared>>
      %dma_start3A_52 = arith.constant 0 : i32
      %dma_start3A_53 = tpu.memref_slice %arg6[%mul3A_7, %dma_start3A_52] : memref<10240x16xf32, #tpu.memory_space<vmem_shared>> -> memref<640x16xf32, #tpu.memory_space<vmem_shared>>
      tpu.enqueue_dma source(%arg13 : memref<640x16xf32, #tpu.memory_space<vmem>>) target(%dma_start3A_53 : memref<640x16xf32, #tpu.memory_space<vmem_shared>>) target_semaphore(%run_scoped3A : memref<!tpu.dma_semaphore, #tpu.memory_space<semaphore_mem>>)
      %dma_wait3A_54 = arith.constant 0 : i32
      %dma_wait3A_55 = tpu.memref_slice %arg6[%mul3A_7, %dma_wait3A_54] : memref<10240x16xf32, #tpu.memory_space<vmem_shared>> -> memref<640x16xf32, #tpu.memory_space<vmem_shared>>
      %dma_wait3A_56 = arith.constant 0 : i32
      %dma_wait3A_57 = tpu.memref_slice %arg6[%mul3A_7, %dma_wait3A_56] : memref<10240x16xf32, #tpu.memory_space<vmem_shared>> -> memref<640x16xf32, #tpu.memory_space<vmem_shared>>
      tpu.wait_dma2 semaphore(%run_scoped3A : memref<!tpu.dma_semaphore, #tpu.memory_space<semaphore_mem>>) src(%arg13 : memref<640x16xf32, #tpu.memory_space<vmem>>) dst(%dma_wait3A_57 : memref<640x16xf32, #tpu.memory_space<vmem_shared>>)
      tpu.yield
    }) : () -> ()
    %barrier3A = arith.constant 0 : index
    tpu.barrier barrier_id(%barrier3A)
    %dma_start3A = arith.constant 0 : i32
    %dma_start3A_8 = arith.constant 0 : i32
    %dma_start3A_9 = tpu.memref_slice %arg7[%dma_start3A, %dma_start3A_8] : memref<40x128xi32, #tpu.memory_space<vmem>> -> memref<1x128xi32, #tpu.memory_space<vmem>>
    %dma_start3A_10 = tpu.memref_squeeze %dma_start3A_9 : memref<1x128xi32, #tpu.memory_space<vmem>> -> memref<128xi32, #tpu.memory_space<vmem>>
    %dma_start3A_11 = arith.constant 0 : i32
    %dma_start3A_12 = arith.constant 0 : i32
    %dma_start3A_13 = tpu.memref_slice %arg2[%dma_start3A_11, %dma_start3A_12] : memref<10240x16xf32, #tpu.memory_space<hbm>> -> memref<10240x16xf32, #tpu.memory_space<hbm>>
    tpu.enqueue_indirect_dma source(%dma_start3A_13 : memref<10240x16xf32, #tpu.memory_space<hbm>>) target(%arg9 : memref<128x16xf32, #tpu.memory_space<vmem>>) offsets(%dma_start3A_10 : memref<128xi32, #tpu.memory_space<vmem>>) semaphore(%arg14 : memref<!tpu.dma_semaphore, #tpu.memory_space<semaphore_mem>>)
    %dma_start3A_14 = arith.constant 1 : i32
    %dma_start3A_15 = arith.constant 0 : i32
    %dma_start3A_16 = tpu.memref_slice %arg7[%dma_start3A_14, %dma_start3A_15] : memref<40x128xi32, #tpu.memory_space<vmem>> -> memref<1x128xi32, #tpu.memory_space<vmem>>
    %dma_start3A_17 = tpu.memref_squeeze %dma_start3A_16 : memref<1x128xi32, #tpu.memory_space<vmem>> -> memref<128xi32, #tpu.memory_space<vmem>>
    %dma_start3A_18 = arith.constant 0 : i32
    %dma_start3A_19 = arith.constant 0 : i32
    %dma_start3A_20 = tpu.memref_slice %arg2[%dma_start3A_18, %dma_start3A_19] : memref<10240x16xf32, #tpu.memory_space<hbm>> -> memref<10240x16xf32, #tpu.memory_space<hbm>>
    tpu.enqueue_indirect_dma source(%dma_start3A_20 : memref<10240x16xf32, #tpu.memory_space<hbm>>) target(%arg10 : memref<128x16xf32, #tpu.memory_space<vmem>>) offsets(%dma_start3A_17 : memref<128xi32, #tpu.memory_space<vmem>>) semaphore(%arg15 : memref<!tpu.dma_semaphore, #tpu.memory_space<semaphore_mem>>)
    %scan3A_21 = arith.constant 0 : i32
    %scan3A_22 = arith.constant 10 : i32
    %scan3A_23 = arith.addi %scan3A_21, %scan3A_22 : i32
    %scan3A_24 = arith.constant 1 : i32
    scf.for %scan3A_50 = %scan3A_21 to %scan3A_23 step %scan3A_24  : i32 {
      %mul3A_51 = arith.constant 1 : i32
      %mul3A_52 = arith.muli %scan3A_50, %mul3A_51 : i32
      %add3A_53 = arith.constant 0 : i32
      %add3A_54 = arith.addi %add3A_53, %mul3A_52 : i32
      %mul3A_55 = arith.constant 4 : i32
      %mul3A_56 = arith.muli %add3A_54, %mul3A_55 : i32
      %add3A_57 = arith.constant 0 : i32
      %add3A_58 = arith.addi %mul3A_56, %add3A_57 : i32
      %dma_wait3A_59 = arith.constant 0 : i32
      %dma_wait3A_60 = arith.constant 0 : i32
      %dma_wait3A_61 = tpu.memref_slice %arg2[%dma_wait3A_59, %dma_wait3A_60] : memref<10240x16xf32, #tpu.memory_space<hbm>> -> memref<128x16xf32, #tpu.memory_space<hbm>>
      %dma_wait3A_62 = arith.constant 0 : i32
      %dma_wait3A_63 = arith.constant 0 : i32
      %dma_wait3A_64 = tpu.memref_slice %arg2[%dma_wait3A_62, %dma_wait3A_63] : memref<10240x16xf32, #tpu.memory_space<hbm>> -> memref<128x16xf32, #tpu.memory_space<hbm>>
      tpu.wait_dma2 semaphore(%arg14 : memref<!tpu.dma_semaphore, #tpu.memory_space<semaphore_mem>>) src(%dma_wait3A_64 : memref<128x16xf32, #tpu.memory_space<hbm>>) dst(%arg9 : memref<128x16xf32, #tpu.memory_space<vmem>>)
      %dma_start3A_65 = arith.constant 0 : i32
      %dma_start3A_66 = tpu.memref_slice %arg8[%add3A_58, %dma_start3A_65] : memref<40x128xi32, #tpu.memory_space<vmem>> -> memref<1x128xi32, #tpu.memory_space<vmem>>
      %dma_start3A_67 = tpu.memref_squeeze %dma_start3A_66 : memref<1x128xi32, #tpu.memory_space<vmem>> -> memref<128xi32, #tpu.memory_space<vmem>>
      %dma_start3A_68 = arith.constant 0 : i32
      %dma_start3A_69 = arith.constant 0 : i32
      %dma_start3A_70 = tpu.memref_slice %arg6[%dma_start3A_68, %dma_start3A_69] : memref<10240x16xf32, #tpu.memory_space<vmem_shared>> -> memref<10240x16xf32, #tpu.memory_space<vmem_shared>>
      tpu.enqueue_indirect_dma source(%arg9 : memref<128x16xf32, #tpu.memory_space<vmem>>) target(%dma_start3A_70 : memref<10240x16xf32, #tpu.memory_space<vmem_shared>>) offsets(%dma_start3A_67 : memref<128xi32, #tpu.memory_space<vmem>>) semaphore(%arg18 : memref<!tpu.dma_semaphore, #tpu.memory_space<semaphore_mem>>) {add = true}
      %add3A_71 = arith.constant 2 : i32
      %add3A_72 = arith.addi %add3A_58, %add3A_71 : i32
      %lt3A = arith.constant 40 : i32
      %lt3A_73 = arith.cmpi slt, %add3A_72, %lt3A : i32
      %convert_element_type3A = arith.extui %lt3A_73 : i1 to i32
      %cond3A = arith.constant 0 : i32
      %cond3A_74 = arith.cmpi ne, %convert_element_type3A, %cond3A : i32
      scf.if %cond3A_74 {
        %ge3A = arith.constant 4 : i32
        %ge3A_144 = arith.cmpi sge, %add3A_72, %ge3A : i32
        %convert_element_type3A_145 = arith.extui %ge3A_144 : i1 to i32
        %cond3A_146 = arith.constant 0 : i32
        %cond3A_147 = arith.cmpi ne, %convert_element_type3A_145, %cond3A_146 : i32
        scf.if %cond3A_147 {
          %dma_wait3A_154 = arith.constant 0 : i32
          %dma_wait3A_155 = arith.constant 0 : i32
          %dma_wait3A_156 = tpu.memref_slice %arg2[%dma_wait3A_154, %dma_wait3A_155] : memref<10240x16xf32, #tpu.memory_space<hbm>> -> memref<128x16xf32, #tpu.memory_space<hbm>>
          %dma_wait3A_157 = arith.constant 0 : i32
          %dma_wait3A_158 = arith.constant 0 : i32
          %dma_wait3A_159 = tpu.memref_slice %arg2[%dma_wait3A_157, %dma_wait3A_158] : memref<10240x16xf32, #tpu.memory_space<hbm>> -> memref<128x16xf32, #tpu.memory_space<hbm>>
          tpu.wait_dma2 semaphore(%arg20 : memref<!tpu.dma_semaphore, #tpu.memory_space<semaphore_mem>>) src(%dma_wait3A_159 : memref<128x16xf32, #tpu.memory_space<hbm>>) dst(%arg11 : memref<128x16xf32, #tpu.memory_space<vmem>>)
        } else {
        }
        %dma_start3A_148 = arith.constant 0 : i32
        %dma_start3A_149 = tpu.memref_slice %arg7[%add3A_72, %dma_start3A_148] : memref<40x128xi32, #tpu.memory_space<vmem>> -> memref<1x128xi32, #tpu.memory_space<vmem>>
        %dma_start3A_150 = tpu.memref_squeeze %dma_start3A_149 : memref<1x128xi32, #tpu.memory_space<vmem>> -> memref<128xi32, #tpu.memory_space<vmem>>
        %dma_start3A_151 = arith.constant 0 : i32
        %dma_start3A_152 = arith.constant 0 : i32
        %dma_start3A_153 = tpu.memref_slice %arg2[%dma_start3A_151, %dma_start3A_152] : memref<10240x16xf32, #tpu.memory_space<hbm>> -> memref<10240x16xf32, #tpu.memory_space<hbm>>
        tpu.enqueue_indirect_dma source(%dma_start3A_153 : memref<10240x16xf32, #tpu.memory_space<hbm>>) target(%arg11 : memref<128x16xf32, #tpu.memory_space<vmem>>) offsets(%dma_start3A_150 : memref<128xi32, #tpu.memory_space<vmem>>) semaphore(%arg16 : memref<!tpu.dma_semaphore, #tpu.memory_space<semaphore_mem>>)
      } else {
      }
      %mul3A_75 = arith.constant 4 : i32
      %mul3A_76 = arith.muli %add3A_54, %mul3A_75 : i32
      %add3A_77 = arith.constant 1 : i32
      %add3A_78 = arith.addi %mul3A_76, %add3A_77 : i32
      %dma_wait3A_79 = arith.constant 0 : i32
      %dma_wait3A_80 = arith.constant 0 : i32
      %dma_wait3A_81 = tpu.memref_slice %arg2[%dma_wait3A_79, %dma_wait3A_80] : memref<10240x16xf32, #tpu.memory_space<hbm>> -> memref<128x16xf32, #tpu.memory_space<hbm>>
      %dma_wait3A_82 = arith.constant 0 : i32
      %dma_wait3A_83 = arith.constant 0 : i32
      %dma_wait3A_84 = tpu.memref_slice %arg2[%dma_wait3A_82, %dma_wait3A_83] : memref<10240x16xf32, #tpu.memory_space<hbm>> -> memref<128x16xf32, #tpu.memory_space<hbm>>
      tpu.wait_dma2 semaphore(%arg15 : memref<!tpu.dma_semaphore, #tpu.memory_space<semaphore_mem>>) src(%dma_wait3A_84 : memref<128x16xf32, #tpu.memory_space<hbm>>) dst(%arg10 : memref<128x16xf32, #tpu.memory_space<vmem>>)
      %dma_start3A_85 = arith.constant 0 : i32
      %dma_start3A_86 = tpu.memref_slice %arg8[%add3A_78, %dma_start3A_85] : memref<40x128xi32, #tpu.memory_space<vmem>> -> memref<1x128xi32, #tpu.memory_space<vmem>>
      %dma_start3A_87 = tpu.memref_squeeze %dma_start3A_86 : memref<1x128xi32, #tpu.memory_space<vmem>> -> memref<128xi32, #tpu.memory_space<vmem>>
      %dma_start3A_88 = arith.constant 0 : i32
      %dma_start3A_89 = arith.constant 0 : i32
      %dma_start3A_90 = tpu.memref_slice %arg6[%dma_start3A_88, %dma_start3A_89] : memref<10240x16xf32, #tpu.memory_space<vmem_shared>> -> memref<10240x16xf32, #tpu.memory_space<vmem_shared>>
      tpu.enqueue_indirect_dma source(%arg10 : memref<128x16xf32, #tpu.memory_space<vmem>>) target(%dma_start3A_90 : memref<10240x16xf32, #tpu.memory_space<vmem_shared>>) offsets(%dma_start3A_87 : memref<128xi32, #tpu.memory_space<vmem>>) semaphore(%arg19 : memref<!tpu.dma_semaphore, #tpu.memory_space<semaphore_mem>>) {add = true}
      %add3A_91 = arith.constant 2 : i32
      %add3A_92 = arith.addi %add3A_78, %add3A_91 : i32
      %lt3A_93 = arith.constant 40 : i32
      %lt3A_94 = arith.cmpi slt, %add3A_92, %lt3A_93 : i32
      %convert_element_type3A_95 = arith.extui %lt3A_94 : i1 to i32
      %cond3A_96 = arith.constant 0 : i32
      %cond3A_97 = arith.cmpi ne, %convert_element_type3A_95, %cond3A_96 : i32
      scf.if %cond3A_97 {
        %ge3A = arith.constant 4 : i32
        %ge3A_144 = arith.cmpi sge, %add3A_92, %ge3A : i32
        %convert_element_type3A_145 = arith.extui %ge3A_144 : i1 to i32
        %cond3A_146 = arith.constant 0 : i32
        %cond3A_147 = arith.cmpi ne, %convert_element_type3A_145, %cond3A_146 : i32
        scf.if %cond3A_147 {
          %dma_wait3A_154 = arith.constant 0 : i32
          %dma_wait3A_155 = arith.constant 0 : i32
          %dma_wait3A_156 = tpu.memref_slice %arg2[%dma_wait3A_154, %dma_wait3A_155] : memref<10240x16xf32, #tpu.memory_space<hbm>> -> memref<128x16xf32, #tpu.memory_space<hbm>>
          %dma_wait3A_157 = arith.constant 0 : i32
          %dma_wait3A_158 = arith.constant 0 : i32
          %dma_wait3A_159 = tpu.memref_slice %arg2[%dma_wait3A_157, %dma_wait3A_158] : memref<10240x16xf32, #tpu.memory_space<hbm>> -> memref<128x16xf32, #tpu.memory_space<hbm>>
          tpu.wait_dma2 semaphore(%arg21 : memref<!tpu.dma_semaphore, #tpu.memory_space<semaphore_mem>>) src(%dma_wait3A_159 : memref<128x16xf32, #tpu.memory_space<hbm>>) dst(%arg12 : memref<128x16xf32, #tpu.memory_space<vmem>>)
        } else {
        }
        %dma_start3A_148 = arith.constant 0 : i32
        %dma_start3A_149 = tpu.memref_slice %arg7[%add3A_92, %dma_start3A_148] : memref<40x128xi32, #tpu.memory_space<vmem>> -> memref<1x128xi32, #tpu.memory_space<vmem>>
        %dma_start3A_150 = tpu.memref_squeeze %dma_start3A_149 : memref<1x128xi32, #tpu.memory_space<vmem>> -> memref<128xi32, #tpu.memory_space<vmem>>
        %dma_start3A_151 = arith.constant 0 : i32
        %dma_start3A_152 = arith.constant 0 : i32
        %dma_start3A_153 = tpu.memref_slice %arg2[%dma_start3A_151, %dma_start3A_152] : memref<10240x16xf32, #tpu.memory_space<hbm>> -> memref<10240x16xf32, #tpu.memory_space<hbm>>
        tpu.enqueue_indirect_dma source(%dma_start3A_153 : memref<10240x16xf32, #tpu.memory_space<hbm>>) target(%arg12 : memref<128x16xf32, #tpu.memory_space<vmem>>) offsets(%dma_start3A_150 : memref<128xi32, #tpu.memory_space<vmem>>) semaphore(%arg17 : memref<!tpu.dma_semaphore, #tpu.memory_space<semaphore_mem>>)
      } else {
      }
      %mul3A_98 = arith.constant 4 : i32
      %mul3A_99 = arith.muli %add3A_54, %mul3A_98 : i32
      %add3A_100 = arith.constant 2 : i32
      %add3A_101 = arith.addi %mul3A_99, %add3A_100 : i32
      %dma_wait3A_102 = arith.constant 0 : i32
      %dma_wait3A_103 = arith.constant 0 : i32
      %dma_wait3A_104 = tpu.memref_slice %arg2[%dma_wait3A_102, %dma_wait3A_103] : memref<10240x16xf32, #tpu.memory_space<hbm>> -> memref<128x16xf32, #tpu.memory_space<hbm>>
      %dma_wait3A_105 = arith.constant 0 : i32
      %dma_wait3A_106 = arith.constant 0 : i32
      %dma_wait3A_107 = tpu.memref_slice %arg2[%dma_wait3A_105, %dma_wait3A_106] : memref<10240x16xf32, #tpu.memory_space<hbm>> -> memref<128x16xf32, #tpu.memory_space<hbm>>
      tpu.wait_dma2 semaphore(%arg16 : memref<!tpu.dma_semaphore, #tpu.memory_space<semaphore_mem>>) src(%dma_wait3A_107 : memref<128x16xf32, #tpu.memory_space<hbm>>) dst(%arg11 : memref<128x16xf32, #tpu.memory_space<vmem>>)
      %dma_start3A_108 = arith.constant 0 : i32
      %dma_start3A_109 = tpu.memref_slice %arg8[%add3A_101, %dma_start3A_108] : memref<40x128xi32, #tpu.memory_space<vmem>> -> memref<1x128xi32, #tpu.memory_space<vmem>>
      %dma_start3A_110 = tpu.memref_squeeze %dma_start3A_109 : memref<1x128xi32, #tpu.memory_space<vmem>> -> memref<128xi32, #tpu.memory_space<vmem>>
      %dma_start3A_111 = arith.constant 0 : i32
      %dma_start3A_112 = arith.constant 0 : i32
      %dma_start3A_113 = tpu.memref_slice %arg6[%dma_start3A_111, %dma_start3A_112] : memref<10240x16xf32, #tpu.memory_space<vmem_shared>> -> memref<10240x16xf32, #tpu.memory_space<vmem_shared>>
      tpu.enqueue_indirect_dma source(%arg11 : memref<128x16xf32, #tpu.memory_space<vmem>>) target(%dma_start3A_113 : memref<10240x16xf32, #tpu.memory_space<vmem_shared>>) offsets(%dma_start3A_110 : memref<128xi32, #tpu.memory_space<vmem>>) semaphore(%arg20 : memref<!tpu.dma_semaphore, #tpu.memory_space<semaphore_mem>>) {add = true}
      %add3A_114 = arith.constant 2 : i32
      %add3A_115 = arith.addi %add3A_101, %add3A_114 : i32
      %lt3A_116 = arith.constant 40 : i32
      %lt3A_117 = arith.cmpi slt, %add3A_115, %lt3A_116 : i32
      %convert_element_type3A_118 = arith.extui %lt3A_117 : i1 to i32
      %cond3A_119 = arith.constant 0 : i32
      %cond3A_120 = arith.cmpi ne, %convert_element_type3A_118, %cond3A_119 : i32
      scf.if %cond3A_120 {
        %ge3A = arith.constant 4 : i32
        %ge3A_144 = arith.cmpi sge, %add3A_115, %ge3A : i32
        %convert_element_type3A_145 = arith.extui %ge3A_144 : i1 to i32
        %cond3A_146 = arith.constant 0 : i32
        %cond3A_147 = arith.cmpi ne, %convert_element_type3A_145, %cond3A_146 : i32
        scf.if %cond3A_147 {
          %dma_wait3A_154 = arith.constant 0 : i32
          %dma_wait3A_155 = arith.constant 0 : i32
          %dma_wait3A_156 = tpu.memref_slice %arg2[%dma_wait3A_154, %dma_wait3A_155] : memref<10240x16xf32, #tpu.memory_space<hbm>> -> memref<128x16xf32, #tpu.memory_space<hbm>>
          %dma_wait3A_157 = arith.constant 0 : i32
          %dma_wait3A_158 = arith.constant 0 : i32
          %dma_wait3A_159 = tpu.memref_slice %arg2[%dma_wait3A_157, %dma_wait3A_158] : memref<10240x16xf32, #tpu.memory_space<hbm>> -> memref<128x16xf32, #tpu.memory_space<hbm>>
          tpu.wait_dma2 semaphore(%arg18 : memref<!tpu.dma_semaphore, #tpu.memory_space<semaphore_mem>>) src(%dma_wait3A_159 : memref<128x16xf32, #tpu.memory_space<hbm>>) dst(%arg9 : memref<128x16xf32, #tpu.memory_space<vmem>>)
        } else {
        }
        %dma_start3A_148 = arith.constant 0 : i32
        %dma_start3A_149 = tpu.memref_slice %arg7[%add3A_115, %dma_start3A_148] : memref<40x128xi32, #tpu.memory_space<vmem>> -> memref<1x128xi32, #tpu.memory_space<vmem>>
        %dma_start3A_150 = tpu.memref_squeeze %dma_start3A_149 : memref<1x128xi32, #tpu.memory_space<vmem>> -> memref<128xi32, #tpu.memory_space<vmem>>
        %dma_start3A_151 = arith.constant 0 : i32
        %dma_start3A_152 = arith.constant 0 : i32
        %dma_start3A_153 = tpu.memref_slice %arg2[%dma_start3A_151, %dma_start3A_152] : memref<10240x16xf32, #tpu.memory_space<hbm>> -> memref<10240x16xf32, #tpu.memory_space<hbm>>
        tpu.enqueue_indirect_dma source(%dma_start3A_153 : memref<10240x16xf32, #tpu.memory_space<hbm>>) target(%arg9 : memref<128x16xf32, #tpu.memory_space<vmem>>) offsets(%dma_start3A_150 : memref<128xi32, #tpu.memory_space<vmem>>) semaphore(%arg14 : memref<!tpu.dma_semaphore, #tpu.memory_space<semaphore_mem>>)
      } else {
      }
      %mul3A_121 = arith.constant 4 : i32
      %mul3A_122 = arith.muli %add3A_54, %mul3A_121 : i32
      %add3A_123 = arith.constant 3 : i32
      %add3A_124 = arith.addi %mul3A_122, %add3A_123 : i32
      %dma_wait3A_125 = arith.constant 0 : i32
      %dma_wait3A_126 = arith.constant 0 : i32
      %dma_wait3A_127 = tpu.memref_slice %arg2[%dma_wait3A_125, %dma_wait3A_126] : memref<10240x16xf32, #tpu.memory_space<hbm>> -> memref<128x16xf32, #tpu.memory_space<hbm>>
      %dma_wait3A_128 = arith.constant 0 : i32
      %dma_wait3A_129 = arith.constant 0 : i32
      %dma_wait3A_130 = tpu.memref_slice %arg2[%dma_wait3A_128, %dma_wait3A_129] : memref<10240x16xf32, #tpu.memory_space<hbm>> -> memref<128x16xf32, #tpu.memory_space<hbm>>
      tpu.wait_dma2 semaphore(%arg17 : memref<!tpu.dma_semaphore, #tpu.memory_space<semaphore_mem>>) src(%dma_wait3A_130 : memref<128x16xf32, #tpu.memory_space<hbm>>) dst(%arg12 : memref<128x16xf32, #tpu.memory_space<vmem>>)
      %dma_start3A_131 = arith.constant 0 : i32
      %dma_start3A_132 = tpu.memref_slice %arg8[%add3A_124, %dma_start3A_131] : memref<40x128xi32, #tpu.memory_space<vmem>> -> memref<1x128xi32, #tpu.memory_space<vmem>>
      %dma_start3A_133 = tpu.memref_squeeze %dma_start3A_132 : memref<1x128xi32, #tpu.memory_space<vmem>> -> memref<128xi32, #tpu.memory_space<vmem>>
      %dma_start3A_134 = arith.constant 0 : i32
      %dma_start3A_135 = arith.constant 0 : i32
      %dma_start3A_136 = tpu.memref_slice %arg6[%dma_start3A_134, %dma_start3A_135] : memref<10240x16xf32, #tpu.memory_space<vmem_shared>> -> memref<10240x16xf32, #tpu.memory_space<vmem_shared>>
      tpu.enqueue_indirect_dma source(%arg12 : memref<128x16xf32, #tpu.memory_space<vmem>>) target(%dma_start3A_136 : memref<10240x16xf32, #tpu.memory_space<vmem_shared>>) offsets(%dma_start3A_133 : memref<128xi32, #tpu.memory_space<vmem>>) semaphore(%arg21 : memref<!tpu.dma_semaphore, #tpu.memory_space<semaphore_mem>>) {add = true}
      %add3A_137 = arith.constant 2 : i32
      %add3A_138 = arith.addi %add3A_124, %add3A_137 : i32
      %lt3A_139 = arith.constant 40 : i32
      %lt3A_140 = arith.cmpi slt, %add3A_138, %lt3A_139 : i32
      %convert_element_type3A_141 = arith.extui %lt3A_140 : i1 to i32
      %cond3A_142 = arith.constant 0 : i32
      %cond3A_143 = arith.cmpi ne, %convert_element_type3A_141, %cond3A_142 : i32
      scf.if %cond3A_143 {
        %ge3A = arith.constant 4 : i32
        %ge3A_144 = arith.cmpi sge, %add3A_138, %ge3A : i32
        %convert_element_type3A_145 = arith.extui %ge3A_144 : i1 to i32
        %cond3A_146 = arith.constant 0 : i32
        %cond3A_147 = arith.cmpi ne, %convert_element_type3A_145, %cond3A_146 : i32
        scf.if %cond3A_147 {
          %dma_wait3A_154 = arith.constant 0 : i32
          %dma_wait3A_155 = arith.constant 0 : i32
          %dma_wait3A_156 = tpu.memref_slice %arg2[%dma_wait3A_154, %dma_wait3A_155] : memref<10240x16xf32, #tpu.memory_space<hbm>> -> memref<128x16xf32, #tpu.memory_space<hbm>>
          %dma_wait3A_157 = arith.constant 0 : i32
          %dma_wait3A_158 = arith.constant 0 : i32
          %dma_wait3A_159 = tpu.memref_slice %arg2[%dma_wait3A_157, %dma_wait3A_158] : memref<10240x16xf32, #tpu.memory_space<hbm>> -> memref<128x16xf32, #tpu.memory_space<hbm>>
          tpu.wait_dma2 semaphore(%arg19 : memref<!tpu.dma_semaphore, #tpu.memory_space<semaphore_mem>>) src(%dma_wait3A_159 : memref<128x16xf32, #tpu.memory_space<hbm>>) dst(%arg10 : memref<128x16xf32, #tpu.memory_space<vmem>>)
        } else {
        }
        %dma_start3A_148 = arith.constant 0 : i32
        %dma_start3A_149 = tpu.memref_slice %arg7[%add3A_138, %dma_start3A_148] : memref<40x128xi32, #tpu.memory_space<vmem>> -> memref<1x128xi32, #tpu.memory_space<vmem>>
        %dma_start3A_150 = tpu.memref_squeeze %dma_start3A_149 : memref<1x128xi32, #tpu.memory_space<vmem>> -> memref<128xi32, #tpu.memory_space<vmem>>
        %dma_start3A_151 = arith.constant 0 : i32
        %dma_start3A_152 = arith.constant 0 : i32
        %dma_start3A_153 = tpu.memref_slice %arg2[%dma_start3A_151, %dma_start3A_152] : memref<10240x16xf32, #tpu.memory_space<hbm>> -> memref<10240x16xf32, #tpu.memory_space<hbm>>
        tpu.enqueue_indirect_dma source(%dma_start3A_153 : memref<10240x16xf32, #tpu.memory_space<hbm>>) target(%arg10 : memref<128x16xf32, #tpu.memory_space<vmem>>) offsets(%dma_start3A_150 : memref<128xi32, #tpu.memory_space<vmem>>) semaphore(%arg15 : memref<!tpu.dma_semaphore, #tpu.memory_space<semaphore_mem>>)
      } else {
      }
    }
    %scan3A_25 = arith.constant 10 : i32
    %dma_wait3A = arith.constant 0 : i32
    %dma_wait3A_26 = arith.constant 0 : i32
    %dma_wait3A_27 = tpu.memref_slice %arg2[%dma_wait3A, %dma_wait3A_26] : memref<10240x16xf32, #tpu.memory_space<hbm>> -> memref<128x16xf32, #tpu.memory_space<hbm>>
    %dma_wait3A_28 = arith.constant 0 : i32
    %dma_wait3A_29 = arith.constant 0 : i32
    %dma_wait3A_30 = tpu.memref_slice %arg2[%dma_wait3A_28, %dma_wait3A_29] : memref<10240x16xf32, #tpu.memory_space<hbm>> -> memref<128x16xf32, #tpu.memory_space<hbm>>
    tpu.wait_dma2 semaphore(%arg18 : memref<!tpu.dma_semaphore, #tpu.memory_space<semaphore_mem>>) src(%dma_wait3A_30 : memref<128x16xf32, #tpu.memory_space<hbm>>) dst(%arg9 : memref<128x16xf32, #tpu.memory_space<vmem>>)
    %dma_wait3A_31 = arith.constant 0 : i32
    %dma_wait3A_32 = arith.constant 0 : i32
    %dma_wait3A_33 = tpu.memref_slice %arg2[%dma_wait3A_31, %dma_wait3A_32] : memref<10240x16xf32, #tpu.memory_space<hbm>> -> memref<128x16xf32, #tpu.memory_space<hbm>>
    %dma_wait3A_34 = arith.constant 0 : i32
    %dma_wait3A_35 = arith.constant 0 : i32
    %dma_wait3A_36 = tpu.memref_slice %arg2[%dma_wait3A_34, %dma_wait3A_35] : memref<10240x16xf32, #tpu.memory_space<hbm>> -> memref<128x16xf32, #tpu.memory_space<hbm>>
    tpu.wait_dma2 semaphore(%arg19 : memref<!tpu.dma_semaphore, #tpu.memory_space<semaphore_mem>>) src(%dma_wait3A_36 : memref<128x16xf32, #tpu.memory_space<hbm>>) dst(%arg10 : memref<128x16xf32, #tpu.memory_space<vmem>>)
    %dma_wait3A_37 = arith.constant 0 : i32
    %dma_wait3A_38 = arith.constant 0 : i32
    %dma_wait3A_39 = tpu.memref_slice %arg2[%dma_wait3A_37, %dma_wait3A_38] : memref<10240x16xf32, #tpu.memory_space<hbm>> -> memref<128x16xf32, #tpu.memory_space<hbm>>
    %dma_wait3A_40 = arith.constant 0 : i32
    %dma_wait3A_41 = arith.constant 0 : i32
    %dma_wait3A_42 = tpu.memref_slice %arg2[%dma_wait3A_40, %dma_wait3A_41] : memref<10240x16xf32, #tpu.memory_space<hbm>> -> memref<128x16xf32, #tpu.memory_space<hbm>>
    tpu.wait_dma2 semaphore(%arg20 : memref<!tpu.dma_semaphore, #tpu.memory_space<semaphore_mem>>) src(%dma_wait3A_42 : memref<128x16xf32, #tpu.memory_space<hbm>>) dst(%arg11 : memref<128x16xf32, #tpu.memory_space<vmem>>)
    %dma_wait3A_43 = arith.constant 0 : i32
    %dma_wait3A_44 = arith.constant 0 : i32
    %dma_wait3A_45 = tpu.memref_slice %arg2[%dma_wait3A_43, %dma_wait3A_44] : memref<10240x16xf32, #tpu.memory_space<hbm>> -> memref<128x16xf32, #tpu.memory_space<hbm>>
    %dma_wait3A_46 = arith.constant 0 : i32
    %dma_wait3A_47 = arith.constant 0 : i32
    %dma_wait3A_48 = tpu.memref_slice %arg2[%dma_wait3A_46, %dma_wait3A_47] : memref<10240x16xf32, #tpu.memory_space<hbm>> -> memref<128x16xf32, #tpu.memory_space<hbm>>
    tpu.wait_dma2 semaphore(%arg21 : memref<!tpu.dma_semaphore, #tpu.memory_space<semaphore_mem>>) src(%dma_wait3A_48 : memref<128x16xf32, #tpu.memory_space<hbm>>) dst(%arg12 : memref<128x16xf32, #tpu.memory_space<vmem>>)
    %barrier3A_49 = arith.constant 0 : index
    tpu.barrier barrier_id(%barrier3A_49)
    "tpu.region"() ({
      %run_scoped3A = tpu.sem_alloc : memref<!tpu.dma_semaphore, #tpu.memory_space<semaphore_mem>>
      %dma_start3A_50 = arith.constant 0 : i32
      %dma_start3A_51 = tpu.memref_slice %arg5[%arg0, %mul3A_7, %dma_start3A_50] : memref<2x10240x16xf32, #tpu.memory_space<hbm>> -> memref<1x640x16xf32, #tpu.memory_space<hbm>>
      %dma_start3A_52 = tpu.memref_squeeze %dma_start3A_51 : memref<1x640x16xf32, #tpu.memory_space<hbm>> -> memref<640x16xf32, #tpu.memory_space<hbm>>
      %dma_start3A_53 = arith.constant 0 : i32
      %dma_start3A_54 = tpu.memref_slice %arg6[%mul3A_7, %dma_start3A_53] : memref<10240x16xf32, #tpu.memory_space<vmem_shared>> -> memref<640x16xf32, #tpu.memory_space<vmem_shared>>
      tpu.enqueue_dma source(%dma_start3A_54 : memref<640x16xf32, #tpu.memory_space<vmem_shared>>) target(%dma_start3A_52 : memref<640x16xf32, #tpu.memory_space<hbm>>) target_semaphore(%run_scoped3A : memref<!tpu.dma_semaphore, #tpu.memory_space<semaphore_mem>>)
      %dma_wait3A_55 = arith.constant 0 : i32
      %dma_wait3A_56 = tpu.memref_slice %arg5[%arg0, %mul3A_7, %dma_wait3A_55] : memref<2x10240x16xf32, #tpu.memory_space<hbm>> -> memref<1x640x16xf32, #tpu.memory_space<hbm>>
      %dma_wait3A_57 = tpu.memref_squeeze %dma_wait3A_56 : memref<1x640x16xf32, #tpu.memory_space<hbm>> -> memref<640x16xf32, #tpu.memory_space<hbm>>
      %dma_wait3A_58 = arith.constant 0 : i32
      %dma_wait3A_59 = tpu.memref_slice %arg6[%mul3A_7, %dma_wait3A_58] : memref<10240x16xf32, #tpu.memory_space<vmem_shared>> -> memref<640x16xf32, #tpu.memory_space<vmem_shared>>
      tpu.wait_dma2 semaphore(%run_scoped3A : memref<!tpu.dma_semaphore, #tpu.memory_space<semaphore_mem>>) src(%dma_wait3A_59 : memref<640x16xf32, #tpu.memory_space<vmem_shared>>) dst(%dma_wait3A_57 : memref<640x16xf32, #tpu.memory_space<hbm>>)
      tpu.yield
    }) : () -> ()
    return
  }
}

#map = affine_map<(d0, d1) -> (0, 0, 0)>
#map1 = affine_map<(d0, d1) -> (0, 0, 0, 0)>
module attributes {stable_mosaic.version = 14 : i64} {
  func.func @k(%arg0: i32, %arg1: i32, %arg2: memref<4x10240x128xf32, #tpu.memory_space<hbm>>, %arg3: memref<32x40x128xi32, #tpu.memory_space<hbm>>, %arg4: memref<32x40x128xi32, #tpu.memory_space<hbm>>, %arg5: memref<4x2x10240x128xf32, #tpu.memory_space<hbm>>, %arg6: memref<10240x128xf32, #tpu.memory_space<vmem_shared>>, %arg7: memref<40x128xi32, #tpu.memory_space<vmem>>, %arg8: memref<40x128xi32, #tpu.memory_space<vmem>>, %arg9: memref<128x128xf32, #tpu.memory_space<vmem>>, %arg10: memref<128x128xf32, #tpu.memory_space<vmem>>, %arg11: memref<32x128xf32, #tpu.memory_space<vmem>>, %arg12: memref<!tpu.dma_semaphore, #tpu.memory_space<semaphore_mem>>, %arg13: memref<!tpu.dma_semaphore, #tpu.memory_space<semaphore_mem>>, %arg14: memref<!tpu.dma_semaphore, #tpu.memory_space<semaphore_mem>>, %arg15: memref<!tpu.dma_semaphore, #tpu.memory_space<semaphore_mem>>) attributes {dimension_semantics = [#tpu.dimension_semantics<core_parallel>, #tpu.dimension_semantics<subcore_parallel>], iteration_bounds = array<i64: 2, 16>, scalar_prefetch = 0 : i64, scratch_operands = 10 : i64, tpu.core_type = #tpu.core_type<sc_vector_subcore>, window_params = [{transform_indices = #map}, {transform_indices = #map}, {transform_indices = #map}, {transform_indices = #map1}]} {
    %mul3A = arith.constant 2 : i32
    %mul3A_0 = arith.muli %arg1, %mul3A : i32
    %add3A = arith.addi %mul3A_0, %arg0 : i32
    %broadcast_in_dim3A = arith.constant 0.000000e+00 : f32
    %broadcast_in_dim3A_1 = vector.broadcast %broadcast_in_dim3A : f32 to vector<16xf32>
    %scan3A = arith.constant 0 : i32
    %scan3A_2 = arith.constant 32 : i32
    %scan3A_3 = arith.addi %scan3A, %scan3A_2 : i32
    %scan3A_4 = arith.constant 1 : i32
    scf.for %scan3A_13 = %scan3A to %scan3A_3 step %scan3A_4  : i32 {
      %mul3A_14 = arith.constant 1 : i32
      %mul3A_15 = arith.muli %scan3A_13, %mul3A_14 : i32
      %add3A_16 = arith.constant 0 : i32
      %add3A_17 = arith.addi %add3A_16, %mul3A_15 : i32
      %swap3A = arith.index_cast %add3A_17 : i32 to index
      %swap3A_18 = arith.constant 0 : index
      %swap3A_19 = tpu.vector_load %arg11[%swap3A, %swap3A_18] {strides = array<i32>} : memref<32x128xf32, #tpu.memory_space<vmem>>, vector<1x16xf32>,
      %swap3A_20 = vector.shape_cast %swap3A_19 : vector<1x16xf32> to vector<16xf32>
      %swap3A_21 = vector.shape_cast %broadcast_in_dim3A_1 : vector<16xf32> to vector<1x16xf32>
      tpu.vector_store %arg11[%swap3A, %swap3A_18], %swap3A_21 {strides = array<i32>} : memref<32x128xf32, #tpu.memory_space<vmem>>, vector<1x16xf32>,
      %swap3A_22 = arith.index_cast %add3A_17 : i32 to index
      %swap3A_23 = arith.constant 16 : index
      %swap3A_24 = tpu.vector_load %arg11[%swap3A_22, %swap3A_23] {strides = array<i32>} : memref<32x128xf32, #tpu.memory_space<vmem>>, vector<1x16xf32>,
      %swap3A_25 = vector.shape_cast %swap3A_24 : vector<1x16xf32> to vector<16xf32>
      %swap3A_26 = vector.shape_cast %broadcast_in_dim3A_1 : vector<16xf32> to vector<1x16xf32>
      tpu.vector_store %arg11[%swap3A_22, %swap3A_23], %swap3A_26 {strides = array<i32>} : memref<32x128xf32, #tpu.memory_space<vmem>>, vector<1x16xf32>,
      %swap3A_27 = arith.index_cast %add3A_17 : i32 to index
      %swap3A_28 = arith.constant 32 : index
      %swap3A_29 = tpu.vector_load %arg11[%swap3A_27, %swap3A_28] {strides = array<i32>} : memref<32x128xf32, #tpu.memory_space<vmem>>, vector<1x16xf32>,
      %swap3A_30 = vector.shape_cast %swap3A_29 : vector<1x16xf32> to vector<16xf32>
      %swap3A_31 = vector.shape_cast %broadcast_in_dim3A_1 : vector<16xf32> to vector<1x16xf32>
      tpu.vector_store %arg11[%swap3A_27, %swap3A_28], %swap3A_31 {strides = array<i32>} : memref<32x128xf32, #tpu.memory_space<vmem>>, vector<1x16xf32>,
      %swap3A_32 = arith.index_cast %add3A_17 : i32 to index
      %swap3A_33 = arith.constant 48 : index
      %swap3A_34 = tpu.vector_load %arg11[%swap3A_32, %swap3A_33] {strides = array<i32>} : memref<32x128xf32, #tpu.memory_space<vmem>>, vector<1x16xf32>,
      %swap3A_35 = vector.shape_cast %swap3A_34 : vector<1x16xf32> to vector<16xf32>
      %swap3A_36 = vector.shape_cast %broadcast_in_dim3A_1 : vector<16xf32> to vector<1x16xf32>
      tpu.vector_store %arg11[%swap3A_32, %swap3A_33], %swap3A_36 {strides = array<i32>} : memref<32x128xf32, #tpu.memory_space<vmem>>, vector<1x16xf32>,
      %swap3A_37 = arith.index_cast %add3A_17 : i32 to index
      %swap3A_38 = arith.constant 64 : index
      %swap3A_39 = tpu.vector_load %arg11[%swap3A_37, %swap3A_38] {strides = array<i32>} : memref<32x128xf32, #tpu.memory_space<vmem>>, vector<1x16xf32>,
      %swap3A_40 = vector.shape_cast %swap3A_39 : vector<1x16xf32> to vector<16xf32>
      %swap3A_41 = vector.shape_cast %broadcast_in_dim3A_1 : vector<16xf32> to vector<1x16xf32>
      tpu.vector_store %arg11[%swap3A_37, %swap3A_38], %swap3A_41 {strides = array<i32>} : memref<32x128xf32, #tpu.memory_space<vmem>>, vector<1x16xf32>,
      %swap3A_42 = arith.index_cast %add3A_17 : i32 to index
      %swap3A_43 = arith.constant 80 : index
      %swap3A_44 = tpu.vector_load %arg11[%swap3A_42, %swap3A_43] {strides = array<i32>} : memref<32x128xf32, #tpu.memory_space<vmem>>, vector<1x16xf32>,
      %swap3A_45 = vector.shape_cast %swap3A_44 : vector<1x16xf32> to vector<16xf32>
      %swap3A_46 = vector.shape_cast %broadcast_in_dim3A_1 : vector<16xf32> to vector<1x16xf32>
      tpu.vector_store %arg11[%swap3A_42, %swap3A_43], %swap3A_46 {strides = array<i32>} : memref<32x128xf32, #tpu.memory_space<vmem>>, vector<1x16xf32>,
      %swap3A_47 = arith.index_cast %add3A_17 : i32 to index
      %swap3A_48 = arith.constant 96 : index
      %swap3A_49 = tpu.vector_load %arg11[%swap3A_47, %swap3A_48] {strides = array<i32>} : memref<32x128xf32, #tpu.memory_space<vmem>>, vector<1x16xf32>,
      %swap3A_50 = vector.shape_cast %swap3A_49 : vector<1x16xf32> to vector<16xf32>
      %swap3A_51 = vector.shape_cast %broadcast_in_dim3A_1 : vector<16xf32> to vector<1x16xf32>
      tpu.vector_store %arg11[%swap3A_47, %swap3A_48], %swap3A_51 {strides = array<i32>} : memref<32x128xf32, #tpu.memory_space<vmem>>, vector<1x16xf32>,
      %swap3A_52 = arith.index_cast %add3A_17 : i32 to index
      %swap3A_53 = arith.constant 112 : index
      %swap3A_54 = tpu.vector_load %arg11[%swap3A_52, %swap3A_53] {strides = array<i32>} : memref<32x128xf32, #tpu.memory_space<vmem>>, vector<1x16xf32>,
      %swap3A_55 = vector.shape_cast %swap3A_54 : vector<1x16xf32> to vector<16xf32>
      %swap3A_56 = vector.shape_cast %broadcast_in_dim3A_1 : vector<16xf32> to vector<1x16xf32>
      tpu.vector_store %arg11[%swap3A_52, %swap3A_53], %swap3A_56 {strides = array<i32>} : memref<32x128xf32, #tpu.memory_space<vmem>>, vector<1x16xf32>,
    }
    %scan3A_5 = arith.constant 32 : i32
    "tpu.region"() ({
      %run_scoped3A = tpu.sem_alloc : memref<!tpu.dma_semaphore, #tpu.memory_space<semaphore_mem>>
      %dma_start3A = arith.constant 0 : i32
      %dma_start3A_13 = arith.constant 0 : i32
      %dma_start3A_14 = tpu.memref_slice %arg3[%add3A, %dma_start3A, %dma_start3A_13] : memref<32x40x128xi32, #tpu.memory_space<hbm>> -> memref<1x40x128xi32, #tpu.memory_space<hbm>>
      %dma_start3A_15 = tpu.memref_squeeze %dma_start3A_14 : memref<1x40x128xi32, #tpu.memory_space<hbm>> -> memref<40x128xi32, #tpu.memory_space<hbm>>
      %dma_start3A_16 = arith.constant 0 : i32
      %dma_start3A_17 = arith.constant 0 : i32
      %dma_start3A_18 = tpu.memref_slice %arg3[%add3A, %dma_start3A_16, %dma_start3A_17] : memref<32x40x128xi32, #tpu.memory_space<hbm>> -> memref<1x40x128xi32, #tpu.memory_space<hbm>>
      %dma_start3A_19 = tpu.memref_squeeze %dma_start3A_18 : memref<1x40x128xi32, #tpu.memory_space<hbm>> -> memref<40x128xi32, #tpu.memory_space<hbm>>
      tpu.enqueue_dma source(%dma_start3A_19 : memref<40x128xi32, #tpu.memory_space<hbm>>) target(%arg7 : memref<40x128xi32, #tpu.memory_space<vmem>>) target_semaphore(%run_scoped3A : memref<!tpu.dma_semaphore, #tpu.memory_space<semaphore_mem>>)
      %dma_wait3A = arith.constant 0 : i32
      %dma_wait3A_20 = arith.constant 0 : i32
      %dma_wait3A_21 = tpu.memref_slice %arg3[%add3A, %dma_wait3A, %dma_wait3A_20] : memref<32x40x128xi32, #tpu.memory_space<hbm>> -> memref<1x40x128xi32, #tpu.memory_space<hbm>>
      %dma_wait3A_22 = tpu.memref_squeeze %dma_wait3A_21 : memref<1x40x128xi32, #tpu.memory_space<hbm>> -> memref<40x128xi32, #tpu.memory_space<hbm>>
      %dma_wait3A_23 = arith.constant 0 : i32
      %dma_wait3A_24 = arith.constant 0 : i32
      %dma_wait3A_25 = tpu.memref_slice %arg3[%add3A, %dma_wait3A_23, %dma_wait3A_24] : memref<32x40x128xi32, #tpu.memory_space<hbm>> -> memref<1x40x128xi32, #tpu.memory_space<hbm>>
      %dma_wait3A_26 = tpu.memref_squeeze %dma_wait3A_25 : memref<1x40x128xi32, #tpu.memory_space<hbm>> -> memref<40x128xi32, #tpu.memory_space<hbm>>
      tpu.wait_dma2 semaphore(%run_scoped3A : memref<!tpu.dma_semaphore, #tpu.memory_space<semaphore_mem>>) src(%dma_wait3A_26 : memref<40x128xi32, #tpu.memory_space<hbm>>) dst(%arg7 : memref<40x128xi32, #tpu.memory_space<vmem>>)
      tpu.yield
    }) : () -> ()
    "tpu.region"() ({
      %run_scoped3A = tpu.sem_alloc : memref<!tpu.dma_semaphore, #tpu.memory_space<semaphore_mem>>
      %dma_start3A = arith.constant 0 : i32
      %dma_start3A_13 = arith.constant 0 : i32
      %dma_start3A_14 = tpu.memref_slice %arg4[%add3A, %dma_start3A, %dma_start3A_13] : memref<32x40x128xi32, #tpu.memory_space<hbm>> -> memref<1x40x128xi32, #tpu.memory_space<hbm>>
      %dma_start3A_15 = tpu.memref_squeeze %dma_start3A_14 : memref<1x40x128xi32, #tpu.memory_space<hbm>> -> memref<40x128xi32, #tpu.memory_space<hbm>>
      %dma_start3A_16 = arith.constant 0 : i32
      %dma_start3A_17 = arith.constant 0 : i32
      %dma_start3A_18 = tpu.memref_slice %arg4[%add3A, %dma_start3A_16, %dma_start3A_17] : memref<32x40x128xi32, #tpu.memory_space<hbm>> -> memref<1x40x128xi32, #tpu.memory_space<hbm>>
      %dma_start3A_19 = tpu.memref_squeeze %dma_start3A_18 : memref<1x40x128xi32, #tpu.memory_space<hbm>> -> memref<40x128xi32, #tpu.memory_space<hbm>>
      tpu.enqueue_dma source(%dma_start3A_19 : memref<40x128xi32, #tpu.memory_space<hbm>>) target(%arg8 : memref<40x128xi32, #tpu.memory_space<vmem>>) target_semaphore(%run_scoped3A : memref<!tpu.dma_semaphore, #tpu.memory_space<semaphore_mem>>)
      %dma_wait3A = arith.constant 0 : i32
      %dma_wait3A_20 = arith.constant 0 : i32
      %dma_wait3A_21 = tpu.memref_slice %arg4[%add3A, %dma_wait3A, %dma_wait3A_20] : memref<32x40x128xi32, #tpu.memory_space<hbm>> -> memref<1x40x128xi32, #tpu.memory_space<hbm>>
      %dma_wait3A_22 = tpu.memref_squeeze %dma_wait3A_21 : memref<1x40x128xi32, #tpu.memory_space<hbm>> -> memref<40x128xi32, #tpu.memory_space<hbm>>
      %dma_wait3A_23 = arith.constant 0 : i32
      %dma_wait3A_24 = arith.constant 0 : i32
      %dma_wait3A_25 = tpu.memref_slice %arg4[%add3A, %dma_wait3A_23, %dma_wait3A_24] : memref<32x40x128xi32, #tpu.memory_space<hbm>> -> memref<1x40x128xi32, #tpu.memory_space<hbm>>
      %dma_wait3A_26 = tpu.memref_squeeze %dma_wait3A_25 : memref<1x40x128xi32, #tpu.memory_space<hbm>> -> memref<40x128xi32, #tpu.memory_space<hbm>>
      tpu.wait_dma2 semaphore(%run_scoped3A : memref<!tpu.dma_semaphore, #tpu.memory_space<semaphore_mem>>) src(%dma_wait3A_26 : memref<40x128xi32, #tpu.memory_space<hbm>>) dst(%arg8 : memref<40x128xi32, #tpu.memory_space<vmem>>)
      tpu.yield
    }) : () -> ()
    %mul3A_6 = arith.constant 640 : i32
    %mul3A_7 = arith.muli %arg1, %mul3A_6 : i32
    %scan3A_8 = arith.constant 0 : i32
    %scan3A_9 = arith.constant 4 : i32
    %scan3A_10 = arith.addi %scan3A_8, %scan3A_9 : i32
    %scan3A_11 = arith.constant 1 : i32
    scf.for %scan3A_13 = %scan3A_8 to %scan3A_10 step %scan3A_11  : i32 {
      %mul3A_14 = arith.constant 1 : i32
      %mul3A_15 = arith.muli %scan3A_13, %mul3A_14 : i32
      %add3A_16 = arith.constant 0 : i32
      %add3A_17 = arith.addi %add3A_16, %mul3A_15 : i32
      %mul3A_18 = arith.constant 640 : i32
      %mul3A_19 = arith.muli %arg1, %mul3A_18 : i32
      %add3A_20 = arith.constant 0 : i32
      %add3A_21 = arith.addi %mul3A_19, %add3A_20 : i32
      "tpu.region"() ({
        %run_scoped3A = tpu.sem_alloc : memref<!tpu.dma_semaphore, #tpu.memory_space<semaphore_mem>>
        %dma_start3A_133 = arith.constant 0 : i32
        %dma_start3A_134 = tpu.memref_slice %arg6[%add3A_21, %dma_start3A_133] : memref<10240x128xf32, #tpu.memory_space<vmem_shared>> -> memref<32x128xf32, #tpu.memory_space<vmem_shared>>
        %dma_start3A_135 = arith.constant 0 : i32
        %dma_start3A_136 = tpu.memref_slice %arg6[%add3A_21, %dma_start3A_135] : memref<10240x128xf32, #tpu.memory_space<vmem_shared>> -> memref<32x128xf32, #tpu.memory_space<vmem_shared>>
        tpu.enqueue_dma source(%arg11 : memref<32x128xf32, #tpu.memory_space<vmem>>) target(%dma_start3A_136 : memref<32x128xf32, #tpu.memory_space<vmem_shared>>) target_semaphore(%run_scoped3A : memref<!tpu.dma_semaphore, #tpu.memory_space<semaphore_mem>>)
        %dma_wait3A_137 = arith.constant 0 : i32
        %dma_wait3A_138 = tpu.memref_slice %arg6[%add3A_21, %dma_wait3A_137] : memref<10240x128xf32, #tpu.memory_space<vmem_shared>> -> memref<32x128xf32, #tpu.memory_space<vmem_shared>>
        %dma_wait3A_139 = arith.constant 0 : i32
        %dma_wait3A_140 = tpu.memref_slice %arg6[%add3A_21, %dma_wait3A_139] : memref<10240x128xf32, #tpu.memory_space<vmem_shared>> -> memref<32x128xf32, #tpu.memory_space<vmem_shared>>
        tpu.wait_dma2 semaphore(%run_scoped3A : memref<!tpu.dma_semaphore, #tpu.memory_space<semaphore_mem>>) src(%arg11 : memref<32x128xf32, #tpu.memory_space<vmem>>) dst(%dma_wait3A_140 : memref<32x128xf32, #tpu.memory_space<vmem_shared>>)
        tpu.yield
      }) : () -> ()
      %mul3A_22 = arith.constant 640 : i32
      %mul3A_23 = arith.muli %arg1, %mul3A_22 : i32
      %add3A_24 = arith.constant 32 : i32
      %add3A_25 = arith.addi %mul3A_23, %add3A_24 : i32
      "tpu.region"() ({
        %run_scoped3A = tpu.sem_alloc : memref<!tpu.dma_semaphore, #tpu.memory_space<semaphore_mem>>
        %dma_start3A_133 = arith.constant 0 : i32
        %dma_start3A_134 = tpu.memref_slice %arg6[%add3A_25, %dma_start3A_133] : memref<10240x128xf32, #tpu.memory_space<vmem_shared>> -> memref<32x128xf32, #tpu.memory_space<vmem_shared>>
        %dma_start3A_135 = arith.constant 0 : i32
        %dma_start3A_136 = tpu.memref_slice %arg6[%add3A_25, %dma_start3A_135] : memref<10240x128xf32, #tpu.memory_space<vmem_shared>> -> memref<32x128xf32, #tpu.memory_space<vmem_shared>>
        tpu.enqueue_dma source(%arg11 : memref<32x128xf32, #tpu.memory_space<vmem>>) target(%dma_start3A_136 : memref<32x128xf32, #tpu.memory_space<vmem_shared>>) target_semaphore(%run_scoped3A : memref<!tpu.dma_semaphore, #tpu.memory_space<semaphore_mem>>)
        %dma_wait3A_137 = arith.constant 0 : i32
        %dma_wait3A_138 = tpu.memref_slice %arg6[%add3A_25, %dma_wait3A_137] : memref<10240x128xf32, #tpu.memory_space<vmem_shared>> -> memref<32x128xf32, #tpu.memory_space<vmem_shared>>
        %dma_wait3A_139 = arith.constant 0 : i32
        %dma_wait3A_140 = tpu.memref_slice %arg6[%add3A_25, %dma_wait3A_139] : memref<10240x128xf32, #tpu.memory_space<vmem_shared>> -> memref<32x128xf32, #tpu.memory_space<vmem_shared>>
        tpu.wait_dma2 semaphore(%run_scoped3A : memref<!tpu.dma_semaphore, #tpu.memory_space<semaphore_mem>>) src(%arg11 : memref<32x128xf32, #tpu.memory_space<vmem>>) dst(%dma_wait3A_140 : memref<32x128xf32, #tpu.memory_space<vmem_shared>>)
        tpu.yield
      }) : () -> ()
      %mul3A_26 = arith.constant 640 : i32
      %mul3A_27 = arith.muli %arg1, %mul3A_26 : i32
      %add3A_28 = arith.constant 64 : i32
      %add3A_29 = arith.addi %mul3A_27, %add3A_28 : i32
      "tpu.region"() ({
        %run_scoped3A = tpu.sem_alloc : memref<!tpu.dma_semaphore, #tpu.memory_space<semaphore_mem>>
        %dma_start3A_133 = arith.constant 0 : i32
        %dma_start3A_134 = tpu.memref_slice %arg6[%add3A_29, %dma_start3A_133] : memref<10240x128xf32, #tpu.memory_space<vmem_shared>> -> memref<32x128xf32, #tpu.memory_space<vmem_shared>>
        %dma_start3A_135 = arith.constant 0 : i32
        %dma_start3A_136 = tpu.memref_slice %arg6[%add3A_29, %dma_start3A_135] : memref<10240x128xf32, #tpu.memory_space<vmem_shared>> -> memref<32x128xf32, #tpu.memory_space<vmem_shared>>
        tpu.enqueue_dma source(%arg11 : memref<32x128xf32, #tpu.memory_space<vmem>>) target(%dma_start3A_136 : memref<32x128xf32, #tpu.memory_space<vmem_shared>>) target_semaphore(%run_scoped3A : memref<!tpu.dma_semaphore, #tpu.memory_space<semaphore_mem>>)
        %dma_wait3A_137 = arith.constant 0 : i32
        %dma_wait3A_138 = tpu.memref_slice %arg6[%add3A_29, %dma_wait3A_137] : memref<10240x128xf32, #tpu.memory_space<vmem_shared>> -> memref<32x128xf32, #tpu.memory_space<vmem_shared>>
        %dma_wait3A_139 = arith.constant 0 : i32
        %dma_wait3A_140 = tpu.memref_slice %arg6[%add3A_29, %dma_wait3A_139] : memref<10240x128xf32, #tpu.memory_space<vmem_shared>> -> memref<32x128xf32, #tpu.memory_space<vmem_shared>>
        tpu.wait_dma2 semaphore(%run_scoped3A : memref<!tpu.dma_semaphore, #tpu.memory_space<semaphore_mem>>) src(%arg11 : memref<32x128xf32, #tpu.memory_space<vmem>>) dst(%dma_wait3A_140 : memref<32x128xf32, #tpu.memory_space<vmem_shared>>)
        tpu.yield
      }) : () -> ()
      %mul3A_30 = arith.constant 640 : i32
      %mul3A_31 = arith.muli %arg1, %mul3A_30 : i32
      %add3A_32 = arith.constant 96 : i32
      %add3A_33 = arith.addi %mul3A_31, %add3A_32 : i32
      "tpu.region"() ({
        %run_scoped3A = tpu.sem_alloc : memref<!tpu.dma_semaphore, #tpu.memory_space<semaphore_mem>>
        %dma_start3A_133 = arith.constant 0 : i32
        %dma_start3A_134 = tpu.memref_slice %arg6[%add3A_33, %dma_start3A_133] : memref<10240x128xf32, #tpu.memory_space<vmem_shared>> -> memref<32x128xf32, #tpu.memory_space<vmem_shared>>
        %dma_start3A_135 = arith.constant 0 : i32
        %dma_start3A_136 = tpu.memref_slice %arg6[%add3A_33, %dma_start3A_135] : memref<10240x128xf32, #tpu.memory_space<vmem_shared>> -> memref<32x128xf32, #tpu.memory_space<vmem_shared>>
        tpu.enqueue_dma source(%arg11 : memref<32x128xf32, #tpu.memory_space<vmem>>) target(%dma_start3A_136 : memref<32x128xf32, #tpu.memory_space<vmem_shared>>) target_semaphore(%run_scoped3A : memref<!tpu.dma_semaphore, #tpu.memory_space<semaphore_mem>>)
        %dma_wait3A_137 = arith.constant 0 : i32
        %dma_wait3A_138 = tpu.memref_slice %arg6[%add3A_33, %dma_wait3A_137] : memref<10240x128xf32, #tpu.memory_space<vmem_shared>> -> memref<32x128xf32, #tpu.memory_space<vmem_shared>>
        %dma_wait3A_139 = arith.constant 0 : i32
        %dma_wait3A_140 = tpu.memref_slice %arg6[%add3A_33, %dma_wait3A_139] : memref<10240x128xf32, #tpu.memory_space<vmem_shared>> -> memref<32x128xf32, #tpu.memory_space<vmem_shared>>
        tpu.wait_dma2 semaphore(%run_scoped3A : memref<!tpu.dma_semaphore, #tpu.memory_space<semaphore_mem>>) src(%arg11 : memref<32x128xf32, #tpu.memory_space<vmem>>) dst(%dma_wait3A_140 : memref<32x128xf32, #tpu.memory_space<vmem_shared>>)
        tpu.yield
      }) : () -> ()
      %mul3A_34 = arith.constant 640 : i32
      %mul3A_35 = arith.muli %arg1, %mul3A_34 : i32
      %add3A_36 = arith.constant 128 : i32
      %add3A_37 = arith.addi %mul3A_35, %add3A_36 : i32
      "tpu.region"() ({
        %run_scoped3A = tpu.sem_alloc : memref<!tpu.dma_semaphore, #tpu.memory_space<semaphore_mem>>
        %dma_start3A_133 = arith.constant 0 : i32
        %dma_start3A_134 = tpu.memref_slice %arg6[%add3A_37, %dma_start3A_133] : memref<10240x128xf32, #tpu.memory_space<vmem_shared>> -> memref<32x128xf32, #tpu.memory_space<vmem_shared>>
        %dma_start3A_135 = arith.constant 0 : i32
        %dma_start3A_136 = tpu.memref_slice %arg6[%add3A_37, %dma_start3A_135] : memref<10240x128xf32, #tpu.memory_space<vmem_shared>> -> memref<32x128xf32, #tpu.memory_space<vmem_shared>>
        tpu.enqueue_dma source(%arg11 : memref<32x128xf32, #tpu.memory_space<vmem>>) target(%dma_start3A_136 : memref<32x128xf32, #tpu.memory_space<vmem_shared>>) target_semaphore(%run_scoped3A : memref<!tpu.dma_semaphore, #tpu.memory_space<semaphore_mem>>)
        %dma_wait3A_137 = arith.constant 0 : i32
        %dma_wait3A_138 = tpu.memref_slice %arg6[%add3A_37, %dma_wait3A_137] : memref<10240x128xf32, #tpu.memory_space<vmem_shared>> -> memref<32x128xf32, #tpu.memory_space<vmem_shared>>
        %dma_wait3A_139 = arith.constant 0 : i32
        %dma_wait3A_140 = tpu.memref_slice %arg6[%add3A_37, %dma_wait3A_139] : memref<10240x128xf32, #tpu.memory_space<vmem_shared>> -> memref<32x128xf32, #tpu.memory_space<vmem_shared>>
        tpu.wait_dma2 semaphore(%run_scoped3A : memref<!tpu.dma_semaphore, #tpu.memory_space<semaphore_mem>>) src(%arg11 : memref<32x128xf32, #tpu.memory_space<vmem>>) dst(%dma_wait3A_140 : memref<32x128xf32, #tpu.memory_space<vmem_shared>>)
        tpu.yield
      }) : () -> ()
      %mul3A_38 = arith.constant 640 : i32
      %mul3A_39 = arith.muli %arg1, %mul3A_38 : i32
      %add3A_40 = arith.constant 160 : i32
      %add3A_41 = arith.addi %mul3A_39, %add3A_40 : i32
      "tpu.region"() ({
        %run_scoped3A = tpu.sem_alloc : memref<!tpu.dma_semaphore, #tpu.memory_space<semaphore_mem>>
        %dma_start3A_133 = arith.constant 0 : i32
        %dma_start3A_134 = tpu.memref_slice %arg6[%add3A_41, %dma_start3A_133] : memref<10240x128xf32, #tpu.memory_space<vmem_shared>> -> memref<32x128xf32, #tpu.memory_space<vmem_shared>>
        %dma_start3A_135 = arith.constant 0 : i32
        %dma_start3A_136 = tpu.memref_slice %arg6[%add3A_41, %dma_start3A_135] : memref<10240x128xf32, #tpu.memory_space<vmem_shared>> -> memref<32x128xf32, #tpu.memory_space<vmem_shared>>
        tpu.enqueue_dma source(%arg11 : memref<32x128xf32, #tpu.memory_space<vmem>>) target(%dma_start3A_136 : memref<32x128xf32, #tpu.memory_space<vmem_shared>>) target_semaphore(%run_scoped3A : memref<!tpu.dma_semaphore, #tpu.memory_space<semaphore_mem>>)
        %dma_wait3A_137 = arith.constant 0 : i32
        %dma_wait3A_138 = tpu.memref_slice %arg6[%add3A_41, %dma_wait3A_137] : memref<10240x128xf32, #tpu.memory_space<vmem_shared>> -> memref<32x128xf32, #tpu.memory_space<vmem_shared>>
        %dma_wait3A_139 = arith.constant 0 : i32
        %dma_wait3A_140 = tpu.memref_slice %arg6[%add3A_41, %dma_wait3A_139] : memref<10240x128xf32, #tpu.memory_space<vmem_shared>> -> memref<32x128xf32, #tpu.memory_space<vmem_shared>>
        tpu.wait_dma2 semaphore(%run_scoped3A : memref<!tpu.dma_semaphore, #tpu.memory_space<semaphore_mem>>) src(%arg11 : memref<32x128xf32, #tpu.memory_space<vmem>>) dst(%dma_wait3A_140 : memref<32x128xf32, #tpu.memory_space<vmem_shared>>)
        tpu.yield
      }) : () -> ()
      %mul3A_42 = arith.constant 640 : i32
      %mul3A_43 = arith.muli %arg1, %mul3A_42 : i32
      %add3A_44 = arith.constant 192 : i32
      %add3A_45 = arith.addi %mul3A_43, %add3A_44 : i32
      "tpu.region"() ({
        %run_scoped3A = tpu.sem_alloc : memref<!tpu.dma_semaphore, #tpu.memory_space<semaphore_mem>>
        %dma_start3A_133 = arith.constant 0 : i32
        %dma_start3A_134 = tpu.memref_slice %arg6[%add3A_45, %dma_start3A_133] : memref<10240x128xf32, #tpu.memory_space<vmem_shared>> -> memref<32x128xf32, #tpu.memory_space<vmem_shared>>
        %dma_start3A_135 = arith.constant 0 : i32
        %dma_start3A_136 = tpu.memref_slice %arg6[%add3A_45, %dma_start3A_135] : memref<10240x128xf32, #tpu.memory_space<vmem_shared>> -> memref<32x128xf32, #tpu.memory_space<vmem_shared>>
        tpu.enqueue_dma source(%arg11 : memref<32x128xf32, #tpu.memory_space<vmem>>) target(%dma_start3A_136 : memref<32x128xf32, #tpu.memory_space<vmem_shared>>) target_semaphore(%run_scoped3A : memref<!tpu.dma_semaphore, #tpu.memory_space<semaphore_mem>>)
        %dma_wait3A_137 = arith.constant 0 : i32
        %dma_wait3A_138 = tpu.memref_slice %arg6[%add3A_45, %dma_wait3A_137] : memref<10240x128xf32, #tpu.memory_space<vmem_shared>> -> memref<32x128xf32, #tpu.memory_space<vmem_shared>>
        %dma_wait3A_139 = arith.constant 0 : i32
        %dma_wait3A_140 = tpu.memref_slice %arg6[%add3A_45, %dma_wait3A_139] : memref<10240x128xf32, #tpu.memory_space<vmem_shared>> -> memref<32x128xf32, #tpu.memory_space<vmem_shared>>
        tpu.wait_dma2 semaphore(%run_scoped3A : memref<!tpu.dma_semaphore, #tpu.memory_space<semaphore_mem>>) src(%arg11 : memref<32x128xf32, #tpu.memory_space<vmem>>) dst(%dma_wait3A_140 : memref<32x128xf32, #tpu.memory_space<vmem_shared>>)
        tpu.yield
      }) : () -> ()
      %mul3A_46 = arith.constant 640 : i32
      %mul3A_47 = arith.muli %arg1, %mul3A_46 : i32
      %add3A_48 = arith.constant 224 : i32
      %add3A_49 = arith.addi %mul3A_47, %add3A_48 : i32
      "tpu.region"() ({
        %run_scoped3A = tpu.sem_alloc : memref<!tpu.dma_semaphore, #tpu.memory_space<semaphore_mem>>
        %dma_start3A_133 = arith.constant 0 : i32
        %dma_start3A_134 = tpu.memref_slice %arg6[%add3A_49, %dma_start3A_133] : memref<10240x128xf32, #tpu.memory_space<vmem_shared>> -> memref<32x128xf32, #tpu.memory_space<vmem_shared>>
        %dma_start3A_135 = arith.constant 0 : i32
        %dma_start3A_136 = tpu.memref_slice %arg6[%add3A_49, %dma_start3A_135] : memref<10240x128xf32, #tpu.memory_space<vmem_shared>> -> memref<32x128xf32, #tpu.memory_space<vmem_shared>>
        tpu.enqueue_dma source(%arg11 : memref<32x128xf32, #tpu.memory_space<vmem>>) target(%dma_start3A_136 : memref<32x128xf32, #tpu.memory_space<vmem_shared>>) target_semaphore(%run_scoped3A : memref<!tpu.dma_semaphore, #tpu.memory_space<semaphore_mem>>)
        %dma_wait3A_137 = arith.constant 0 : i32
        %dma_wait3A_138 = tpu.memref_slice %arg6[%add3A_49, %dma_wait3A_137] : memref<10240x128xf32, #tpu.memory_space<vmem_shared>> -> memref<32x128xf32, #tpu.memory_space<vmem_shared>>
        %dma_wait3A_139 = arith.constant 0 : i32
        %dma_wait3A_140 = tpu.memref_slice %arg6[%add3A_49, %dma_wait3A_139] : memref<10240x128xf32, #tpu.memory_space<vmem_shared>> -> memref<32x128xf32, #tpu.memory_space<vmem_shared>>
        tpu.wait_dma2 semaphore(%run_scoped3A : memref<!tpu.dma_semaphore, #tpu.memory_space<semaphore_mem>>) src(%arg11 : memref<32x128xf32, #tpu.memory_space<vmem>>) dst(%dma_wait3A_140 : memref<32x128xf32, #tpu.memory_space<vmem_shared>>)
        tpu.yield
      }) : () -> ()
      %mul3A_50 = arith.constant 640 : i32
      %mul3A_51 = arith.muli %arg1, %mul3A_50 : i32
      %add3A_52 = arith.constant 256 : i32
      %add3A_53 = arith.addi %mul3A_51, %add3A_52 : i32
      "tpu.region"() ({
        %run_scoped3A = tpu.sem_alloc : memref<!tpu.dma_semaphore, #tpu.memory_space<semaphore_mem>>
        %dma_start3A_133 = arith.constant 0 : i32
        %dma_start3A_134 = tpu.memref_slice %arg6[%add3A_53, %dma_start3A_133] : memref<10240x128xf32, #tpu.memory_space<vmem_shared>> -> memref<32x128xf32, #tpu.memory_space<vmem_shared>>
        %dma_start3A_135 = arith.constant 0 : i32
        %dma_start3A_136 = tpu.memref_slice %arg6[%add3A_53, %dma_start3A_135] : memref<10240x128xf32, #tpu.memory_space<vmem_shared>> -> memref<32x128xf32, #tpu.memory_space<vmem_shared>>
        tpu.enqueue_dma source(%arg11 : memref<32x128xf32, #tpu.memory_space<vmem>>) target(%dma_start3A_136 : memref<32x128xf32, #tpu.memory_space<vmem_shared>>) target_semaphore(%run_scoped3A : memref<!tpu.dma_semaphore, #tpu.memory_space<semaphore_mem>>)
        %dma_wait3A_137 = arith.constant 0 : i32
        %dma_wait3A_138 = tpu.memref_slice %arg6[%add3A_53, %dma_wait3A_137] : memref<10240x128xf32, #tpu.memory_space<vmem_shared>> -> memref<32x128xf32, #tpu.memory_space<vmem_shared>>
        %dma_wait3A_139 = arith.constant 0 : i32
        %dma_wait3A_140 = tpu.memref_slice %arg6[%add3A_53, %dma_wait3A_139] : memref<10240x128xf32, #tpu.memory_space<vmem_shared>> -> memref<32x128xf32, #tpu.memory_space<vmem_shared>>
        tpu.wait_dma2 semaphore(%run_scoped3A : memref<!tpu.dma_semaphore, #tpu.memory_space<semaphore_mem>>) src(%arg11 : memref<32x128xf32, #tpu.memory_space<vmem>>) dst(%dma_wait3A_140 : memref<32x128xf32, #tpu.memory_space<vmem_shared>>)
        tpu.yield
      }) : () -> ()
      %mul3A_54 = arith.constant 640 : i32
      %mul3A_55 = arith.muli %arg1, %mul3A_54 : i32
      %add3A_56 = arith.constant 288 : i32
      %add3A_57 = arith.addi %mul3A_55, %add3A_56 : i32
      "tpu.region"() ({
        %run_scoped3A = tpu.sem_alloc : memref<!tpu.dma_semaphore, #tpu.memory_space<semaphore_mem>>
        %dma_start3A_133 = arith.constant 0 : i32
        %dma_start3A_134 = tpu.memref_slice %arg6[%add3A_57, %dma_start3A_133] : memref<10240x128xf32, #tpu.memory_space<vmem_shared>> -> memref<32x128xf32, #tpu.memory_space<vmem_shared>>
        %dma_start3A_135 = arith.constant 0 : i32
        %dma_start3A_136 = tpu.memref_slice %arg6[%add3A_57, %dma_start3A_135] : memref<10240x128xf32, #tpu.memory_space<vmem_shared>> -> memref<32x128xf32, #tpu.memory_space<vmem_shared>>
        tpu.enqueue_dma source(%arg11 : memref<32x128xf32, #tpu.memory_space<vmem>>) target(%dma_start3A_136 : memref<32x128xf32, #tpu.memory_space<vmem_shared>>) target_semaphore(%run_scoped3A : memref<!tpu.dma_semaphore, #tpu.memory_space<semaphore_mem>>)
        %dma_wait3A_137 = arith.constant 0 : i32
        %dma_wait3A_138 = tpu.memref_slice %arg6[%add3A_57, %dma_wait3A_137] : memref<10240x128xf32, #tpu.memory_space<vmem_shared>> -> memref<32x128xf32, #tpu.memory_space<vmem_shared>>
        %dma_wait3A_139 = arith.constant 0 : i32
        %dma_wait3A_140 = tpu.memref_slice %arg6[%add3A_57, %dma_wait3A_139] : memref<10240x128xf32, #tpu.memory_space<vmem_shared>> -> memref<32x128xf32, #tpu.memory_space<vmem_shared>>
        tpu.wait_dma2 semaphore(%run_scoped3A : memref<!tpu.dma_semaphore, #tpu.memory_space<semaphore_mem>>) src(%arg11 : memref<32x128xf32, #tpu.memory_space<vmem>>) dst(%dma_wait3A_140 : memref<32x128xf32, #tpu.memory_space<vmem_shared>>)
        tpu.yield
      }) : () -> ()
      %mul3A_58 = arith.constant 640 : i32
      %mul3A_59 = arith.muli %arg1, %mul3A_58 : i32
      %add3A_60 = arith.constant 320 : i32
      %add3A_61 = arith.addi %mul3A_59, %add3A_60 : i32
      "tpu.region"() ({
        %run_scoped3A = tpu.sem_alloc : memref<!tpu.dma_semaphore, #tpu.memory_space<semaphore_mem>>
        %dma_start3A_133 = arith.constant 0 : i32
        %dma_start3A_134 = tpu.memref_slice %arg6[%add3A_61, %dma_start3A_133] : memref<10240x128xf32, #tpu.memory_space<vmem_shared>> -> memref<32x128xf32, #tpu.memory_space<vmem_shared>>
        %dma_start3A_135 = arith.constant 0 : i32
        %dma_start3A_136 = tpu.memref_slice %arg6[%add3A_61, %dma_start3A_135] : memref<10240x128xf32, #tpu.memory_space<vmem_shared>> -> memref<32x128xf32, #tpu.memory_space<vmem_shared>>
        tpu.enqueue_dma source(%arg11 : memref<32x128xf32, #tpu.memory_space<vmem>>) target(%dma_start3A_136 : memref<32x128xf32, #tpu.memory_space<vmem_shared>>) target_semaphore(%run_scoped3A : memref<!tpu.dma_semaphore, #tpu.memory_space<semaphore_mem>>)
        %dma_wait3A_137 = arith.constant 0 : i32
        %dma_wait3A_138 = tpu.memref_slice %arg6[%add3A_61, %dma_wait3A_137] : memref<10240x128xf32, #tpu.memory_space<vmem_shared>> -> memref<32x128xf32, #tpu.memory_space<vmem_shared>>
        %dma_wait3A_139 = arith.constant 0 : i32
        %dma_wait3A_140 = tpu.memref_slice %arg6[%add3A_61, %dma_wait3A_139] : memref<10240x128xf32, #tpu.memory_space<vmem_shared>> -> memref<32x128xf32, #tpu.memory_space<vmem_shared>>
        tpu.wait_dma2 semaphore(%run_scoped3A : memref<!tpu.dma_semaphore, #tpu.memory_space<semaphore_mem>>) src(%arg11 : memref<32x128xf32, #tpu.memory_space<vmem>>) dst(%dma_wait3A_140 : memref<32x128xf32, #tpu.memory_space<vmem_shared>>)
        tpu.yield
      }) : () -> ()
      %mul3A_62 = arith.constant 640 : i32
      %mul3A_63 = arith.muli %arg1, %mul3A_62 : i32
      %add3A_64 = arith.constant 352 : i32
      %add3A_65 = arith.addi %mul3A_63, %add3A_64 : i32
      "tpu.region"() ({
        %run_scoped3A = tpu.sem_alloc : memref<!tpu.dma_semaphore, #tpu.memory_space<semaphore_mem>>
        %dma_start3A_133 = arith.constant 0 : i32
        %dma_start3A_134 = tpu.memref_slice %arg6[%add3A_65, %dma_start3A_133] : memref<10240x128xf32, #tpu.memory_space<vmem_shared>> -> memref<32x128xf32, #tpu.memory_space<vmem_shared>>
        %dma_start3A_135 = arith.constant 0 : i32
        %dma_start3A_136 = tpu.memref_slice %arg6[%add3A_65, %dma_start3A_135] : memref<10240x128xf32, #tpu.memory_space<vmem_shared>> -> memref<32x128xf32, #tpu.memory_space<vmem_shared>>
        tpu.enqueue_dma source(%arg11 : memref<32x128xf32, #tpu.memory_space<vmem>>) target(%dma_start3A_136 : memref<32x128xf32, #tpu.memory_space<vmem_shared>>) target_semaphore(%run_scoped3A : memref<!tpu.dma_semaphore, #tpu.memory_space<semaphore_mem>>)
        %dma_wait3A_137 = arith.constant 0 : i32
        %dma_wait3A_138 = tpu.memref_slice %arg6[%add3A_65, %dma_wait3A_137] : memref<10240x128xf32, #tpu.memory_space<vmem_shared>> -> memref<32x128xf32, #tpu.memory_space<vmem_shared>>
        %dma_wait3A_139 = arith.constant 0 : i32
        %dma_wait3A_140 = tpu.memref_slice %arg6[%add3A_65, %dma_wait3A_139] : memref<10240x128xf32, #tpu.memory_space<vmem_shared>> -> memref<32x128xf32, #tpu.memory_space<vmem_shared>>
        tpu.wait_dma2 semaphore(%run_scoped3A : memref<!tpu.dma_semaphore, #tpu.memory_space<semaphore_mem>>) src(%arg11 : memref<32x128xf32, #tpu.memory_space<vmem>>) dst(%dma_wait3A_140 : memref<32x128xf32, #tpu.memory_space<vmem_shared>>)
        tpu.yield
      }) : () -> ()
      %mul3A_66 = arith.constant 640 : i32
      %mul3A_67 = arith.muli %arg1, %mul3A_66 : i32
      %add3A_68 = arith.constant 384 : i32
      %add3A_69 = arith.addi %mul3A_67, %add3A_68 : i32
      "tpu.region"() ({
        %run_scoped3A = tpu.sem_alloc : memref<!tpu.dma_semaphore, #tpu.memory_space<semaphore_mem>>
        %dma_start3A_133 = arith.constant 0 : i32
        %dma_start3A_134 = tpu.memref_slice %arg6[%add3A_69, %dma_start3A_133] : memref<10240x128xf32, #tpu.memory_space<vmem_shared>> -> memref<32x128xf32, #tpu.memory_space<vmem_shared>>
        %dma_start3A_135 = arith.constant 0 : i32
        %dma_start3A_136 = tpu.memref_slice %arg6[%add3A_69, %dma_start3A_135] : memref<10240x128xf32, #tpu.memory_space<vmem_shared>> -> memref<32x128xf32, #tpu.memory_space<vmem_shared>>
        tpu.enqueue_dma source(%arg11 : memref<32x128xf32, #tpu.memory_space<vmem>>) target(%dma_start3A_136 : memref<32x128xf32, #tpu.memory_space<vmem_shared>>) target_semaphore(%run_scoped3A : memref<!tpu.dma_semaphore, #tpu.memory_space<semaphore_mem>>)
        %dma_wait3A_137 = arith.constant 0 : i32
        %dma_wait3A_138 = tpu.memref_slice %arg6[%add3A_69, %dma_wait3A_137] : memref<10240x128xf32, #tpu.memory_space<vmem_shared>> -> memref<32x128xf32, #tpu.memory_space<vmem_shared>>
        %dma_wait3A_139 = arith.constant 0 : i32
        %dma_wait3A_140 = tpu.memref_slice %arg6[%add3A_69, %dma_wait3A_139] : memref<10240x128xf32, #tpu.memory_space<vmem_shared>> -> memref<32x128xf32, #tpu.memory_space<vmem_shared>>
        tpu.wait_dma2 semaphore(%run_scoped3A : memref<!tpu.dma_semaphore, #tpu.memory_space<semaphore_mem>>) src(%arg11 : memref<32x128xf32, #tpu.memory_space<vmem>>) dst(%dma_wait3A_140 : memref<32x128xf32, #tpu.memory_space<vmem_shared>>)
        tpu.yield
      }) : () -> ()
      %mul3A_70 = arith.constant 640 : i32
      %mul3A_71 = arith.muli %arg1, %mul3A_70 : i32
      %add3A_72 = arith.constant 416 : i32
      %add3A_73 = arith.addi %mul3A_71, %add3A_72 : i32
      "tpu.region"() ({
        %run_scoped3A = tpu.sem_alloc : memref<!tpu.dma_semaphore, #tpu.memory_space<semaphore_mem>>
        %dma_start3A_133 = arith.constant 0 : i32
        %dma_start3A_134 = tpu.memref_slice %arg6[%add3A_73, %dma_start3A_133] : memref<10240x128xf32, #tpu.memory_space<vmem_shared>> -> memref<32x128xf32, #tpu.memory_space<vmem_shared>>
        %dma_start3A_135 = arith.constant 0 : i32
        %dma_start3A_136 = tpu.memref_slice %arg6[%add3A_73, %dma_start3A_135] : memref<10240x128xf32, #tpu.memory_space<vmem_shared>> -> memref<32x128xf32, #tpu.memory_space<vmem_shared>>
        tpu.enqueue_dma source(%arg11 : memref<32x128xf32, #tpu.memory_space<vmem>>) target(%dma_start3A_136 : memref<32x128xf32, #tpu.memory_space<vmem_shared>>) target_semaphore(%run_scoped3A : memref<!tpu.dma_semaphore, #tpu.memory_space<semaphore_mem>>)
        %dma_wait3A_137 = arith.constant 0 : i32
        %dma_wait3A_138 = tpu.memref_slice %arg6[%add3A_73, %dma_wait3A_137] : memref<10240x128xf32, #tpu.memory_space<vmem_shared>> -> memref<32x128xf32, #tpu.memory_space<vmem_shared>>
        %dma_wait3A_139 = arith.constant 0 : i32
        %dma_wait3A_140 = tpu.memref_slice %arg6[%add3A_73, %dma_wait3A_139] : memref<10240x128xf32, #tpu.memory_space<vmem_shared>> -> memref<32x128xf32, #tpu.memory_space<vmem_shared>>
        tpu.wait_dma2 semaphore(%run_scoped3A : memref<!tpu.dma_semaphore, #tpu.memory_space<semaphore_mem>>) src(%arg11 : memref<32x128xf32, #tpu.memory_space<vmem>>) dst(%dma_wait3A_140 : memref<32x128xf32, #tpu.memory_space<vmem_shared>>)
        tpu.yield
      }) : () -> ()
      %mul3A_74 = arith.constant 640 : i32
      %mul3A_75 = arith.muli %arg1, %mul3A_74 : i32
      %add3A_76 = arith.constant 448 : i32
      %add3A_77 = arith.addi %mul3A_75, %add3A_76 : i32
      "tpu.region"() ({
        %run_scoped3A = tpu.sem_alloc : memref<!tpu.dma_semaphore, #tpu.memory_space<semaphore_mem>>
        %dma_start3A_133 = arith.constant 0 : i32
        %dma_start3A_134 = tpu.memref_slice %arg6[%add3A_77, %dma_start3A_133] : memref<10240x128xf32, #tpu.memory_space<vmem_shared>> -> memref<32x128xf32, #tpu.memory_space<vmem_shared>>
        %dma_start3A_135 = arith.constant 0 : i32
        %dma_start3A_136 = tpu.memref_slice %arg6[%add3A_77, %dma_start3A_135] : memref<10240x128xf32, #tpu.memory_space<vmem_shared>> -> memref<32x128xf32, #tpu.memory_space<vmem_shared>>
        tpu.enqueue_dma source(%arg11 : memref<32x128xf32, #tpu.memory_space<vmem>>) target(%dma_start3A_136 : memref<32x128xf32, #tpu.memory_space<vmem_shared>>) target_semaphore(%run_scoped3A : memref<!tpu.dma_semaphore, #tpu.memory_space<semaphore_mem>>)
        %dma_wait3A_137 = arith.constant 0 : i32
        %dma_wait3A_138 = tpu.memref_slice %arg6[%add3A_77, %dma_wait3A_137] : memref<10240x128xf32, #tpu.memory_space<vmem_shared>> -> memref<32x128xf32, #tpu.memory_space<vmem_shared>>
        %dma_wait3A_139 = arith.constant 0 : i32
        %dma_wait3A_140 = tpu.memref_slice %arg6[%add3A_77, %dma_wait3A_139] : memref<10240x128xf32, #tpu.memory_space<vmem_shared>> -> memref<32x128xf32, #tpu.memory_space<vmem_shared>>
        tpu.wait_dma2 semaphore(%run_scoped3A : memref<!tpu.dma_semaphore, #tpu.memory_space<semaphore_mem>>) src(%arg11 : memref<32x128xf32, #tpu.memory_space<vmem>>) dst(%dma_wait3A_140 : memref<32x128xf32, #tpu.memory_space<vmem_shared>>)
        tpu.yield
      }) : () -> ()
      %mul3A_78 = arith.constant 640 : i32
      %mul3A_79 = arith.muli %arg1, %mul3A_78 : i32
      %add3A_80 = arith.constant 480 : i32
      %add3A_81 = arith.addi %mul3A_79, %add3A_80 : i32
      "tpu.region"() ({
        %run_scoped3A = tpu.sem_alloc : memref<!tpu.dma_semaphore, #tpu.memory_space<semaphore_mem>>
        %dma_start3A_133 = arith.constant 0 : i32
        %dma_start3A_134 = tpu.memref_slice %arg6[%add3A_81, %dma_start3A_133] : memref<10240x128xf32, #tpu.memory_space<vmem_shared>> -> memref<32x128xf32, #tpu.memory_space<vmem_shared>>
        %dma_start3A_135 = arith.constant 0 : i32
        %dma_start3A_136 = tpu.memref_slice %arg6[%add3A_81, %dma_start3A_135] : memref<10240x128xf32, #tpu.memory_space<vmem_shared>> -> memref<32x128xf32, #tpu.memory_space<vmem_shared>>
        tpu.enqueue_dma source(%arg11 : memref<32x128xf32, #tpu.memory_space<vmem>>) target(%dma_start3A_136 : memref<32x128xf32, #tpu.memory_space<vmem_shared>>) target_semaphore(%run_scoped3A : memref<!tpu.dma_semaphore, #tpu.memory_space<semaphore_mem>>)
        %dma_wait3A_137 = arith.constant 0 : i32
        %dma_wait3A_138 = tpu.memref_slice %arg6[%add3A_81, %dma_wait3A_137] : memref<10240x128xf32, #tpu.memory_space<vmem_shared>> -> memref<32x128xf32, #tpu.memory_space<vmem_shared>>
        %dma_wait3A_139 = arith.constant 0 : i32
        %dma_wait3A_140 = tpu.memref_slice %arg6[%add3A_81, %dma_wait3A_139] : memref<10240x128xf32, #tpu.memory_space<vmem_shared>> -> memref<32x128xf32, #tpu.memory_space<vmem_shared>>
        tpu.wait_dma2 semaphore(%run_scoped3A : memref<!tpu.dma_semaphore, #tpu.memory_space<semaphore_mem>>) src(%arg11 : memref<32x128xf32, #tpu.memory_space<vmem>>) dst(%dma_wait3A_140 : memref<32x128xf32, #tpu.memory_space<vmem_shared>>)
        tpu.yield
      }) : () -> ()
      %mul3A_82 = arith.constant 640 : i32
      %mul3A_83 = arith.muli %arg1, %mul3A_82 : i32
      %add3A_84 = arith.constant 512 : i32
      %add3A_85 = arith.addi %mul3A_83, %add3A_84 : i32
      "tpu.region"() ({
        %run_scoped3A = tpu.sem_alloc : memref<!tpu.dma_semaphore, #tpu.memory_space<semaphore_mem>>
        %dma_start3A_133 = arith.constant 0 : i32
        %dma_start3A_134 = tpu.memref_slice %arg6[%add3A_85, %dma_start3A_133] : memref<10240x128xf32, #tpu.memory_space<vmem_shared>> -> memref<32x128xf32, #tpu.memory_space<vmem_shared>>
        %dma_start3A_135 = arith.constant 0 : i32
        %dma_start3A_136 = tpu.memref_slice %arg6[%add3A_85, %dma_start3A_135] : memref<10240x128xf32, #tpu.memory_space<vmem_shared>> -> memref<32x128xf32, #tpu.memory_space<vmem_shared>>
        tpu.enqueue_dma source(%arg11 : memref<32x128xf32, #tpu.memory_space<vmem>>) target(%dma_start3A_136 : memref<32x128xf32, #tpu.memory_space<vmem_shared>>) target_semaphore(%run_scoped3A : memref<!tpu.dma_semaphore, #tpu.memory_space<semaphore_mem>>)
        %dma_wait3A_137 = arith.constant 0 : i32
        %dma_wait3A_138 = tpu.memref_slice %arg6[%add3A_85, %dma_wait3A_137] : memref<10240x128xf32, #tpu.memory_space<vmem_shared>> -> memref<32x128xf32, #tpu.memory_space<vmem_shared>>
        %dma_wait3A_139 = arith.constant 0 : i32
        %dma_wait3A_140 = tpu.memref_slice %arg6[%add3A_85, %dma_wait3A_139] : memref<10240x128xf32, #tpu.memory_space<vmem_shared>> -> memref<32x128xf32, #tpu.memory_space<vmem_shared>>
        tpu.wait_dma2 semaphore(%run_scoped3A : memref<!tpu.dma_semaphore, #tpu.memory_space<semaphore_mem>>) src(%arg11 : memref<32x128xf32, #tpu.memory_space<vmem>>) dst(%dma_wait3A_140 : memref<32x128xf32, #tpu.memory_space<vmem_shared>>)
        tpu.yield
      }) : () -> ()
      %mul3A_86 = arith.constant 640 : i32
      %mul3A_87 = arith.muli %arg1, %mul3A_86 : i32
      %add3A_88 = arith.constant 544 : i32
      %add3A_89 = arith.addi %mul3A_87, %add3A_88 : i32
      "tpu.region"() ({
        %run_scoped3A = tpu.sem_alloc : memref<!tpu.dma_semaphore, #tpu.memory_space<semaphore_mem>>
        %dma_start3A_133 = arith.constant 0 : i32
        %dma_start3A_134 = tpu.memref_slice %arg6[%add3A_89, %dma_start3A_133] : memref<10240x128xf32, #tpu.memory_space<vmem_shared>> -> memref<32x128xf32, #tpu.memory_space<vmem_shared>>
        %dma_start3A_135 = arith.constant 0 : i32
        %dma_start3A_136 = tpu.memref_slice %arg6[%add3A_89, %dma_start3A_135] : memref<10240x128xf32, #tpu.memory_space<vmem_shared>> -> memref<32x128xf32, #tpu.memory_space<vmem_shared>>
        tpu.enqueue_dma source(%arg11 : memref<32x128xf32, #tpu.memory_space<vmem>>) target(%dma_start3A_136 : memref<32x128xf32, #tpu.memory_space<vmem_shared>>) target_semaphore(%run_scoped3A : memref<!tpu.dma_semaphore, #tpu.memory_space<semaphore_mem>>)
        %dma_wait3A_137 = arith.constant 0 : i32
        %dma_wait3A_138 = tpu.memref_slice %arg6[%add3A_89, %dma_wait3A_137] : memref<10240x128xf32, #tpu.memory_space<vmem_shared>> -> memref<32x128xf32, #tpu.memory_space<vmem_shared>>
        %dma_wait3A_139 = arith.constant 0 : i32
        %dma_wait3A_140 = tpu.memref_slice %arg6[%add3A_89, %dma_wait3A_139] : memref<10240x128xf32, #tpu.memory_space<vmem_shared>> -> memref<32x128xf32, #tpu.memory_space<vmem_shared>>
        tpu.wait_dma2 semaphore(%run_scoped3A : memref<!tpu.dma_semaphore, #tpu.memory_space<semaphore_mem>>) src(%arg11 : memref<32x128xf32, #tpu.memory_space<vmem>>) dst(%dma_wait3A_140 : memref<32x128xf32, #tpu.memory_space<vmem_shared>>)
        tpu.yield
      }) : () -> ()
      %mul3A_90 = arith.constant 640 : i32
      %mul3A_91 = arith.muli %arg1, %mul3A_90 : i32
      %add3A_92 = arith.constant 576 : i32
      %add3A_93 = arith.addi %mul3A_91, %add3A_92 : i32
      "tpu.region"() ({
        %run_scoped3A = tpu.sem_alloc : memref<!tpu.dma_semaphore, #tpu.memory_space<semaphore_mem>>
        %dma_start3A_133 = arith.constant 0 : i32
        %dma_start3A_134 = tpu.memref_slice %arg6[%add3A_93, %dma_start3A_133] : memref<10240x128xf32, #tpu.memory_space<vmem_shared>> -> memref<32x128xf32, #tpu.memory_space<vmem_shared>>
        %dma_start3A_135 = arith.constant 0 : i32
        %dma_start3A_136 = tpu.memref_slice %arg6[%add3A_93, %dma_start3A_135] : memref<10240x128xf32, #tpu.memory_space<vmem_shared>> -> memref<32x128xf32, #tpu.memory_space<vmem_shared>>
        tpu.enqueue_dma source(%arg11 : memref<32x128xf32, #tpu.memory_space<vmem>>) target(%dma_start3A_136 : memref<32x128xf32, #tpu.memory_space<vmem_shared>>) target_semaphore(%run_scoped3A : memref<!tpu.dma_semaphore, #tpu.memory_space<semaphore_mem>>)
        %dma_wait3A_137 = arith.constant 0 : i32
        %dma_wait3A_138 = tpu.memref_slice %arg6[%add3A_93, %dma_wait3A_137] : memref<10240x128xf32, #tpu.memory_space<vmem_shared>> -> memref<32x128xf32, #tpu.memory_space<vmem_shared>>
        %dma_wait3A_139 = arith.constant 0 : i32
        %dma_wait3A_140 = tpu.memref_slice %arg6[%add3A_93, %dma_wait3A_139] : memref<10240x128xf32, #tpu.memory_space<vmem_shared>> -> memref<32x128xf32, #tpu.memory_space<vmem_shared>>
        tpu.wait_dma2 semaphore(%run_scoped3A : memref<!tpu.dma_semaphore, #tpu.memory_space<semaphore_mem>>) src(%arg11 : memref<32x128xf32, #tpu.memory_space<vmem>>) dst(%dma_wait3A_140 : memref<32x128xf32, #tpu.memory_space<vmem_shared>>)
        tpu.yield
      }) : () -> ()
      %mul3A_94 = arith.constant 640 : i32
      %mul3A_95 = arith.muli %arg1, %mul3A_94 : i32
      %add3A_96 = arith.constant 608 : i32
      %add3A_97 = arith.addi %mul3A_95, %add3A_96 : i32
      "tpu.region"() ({
        %run_scoped3A = tpu.sem_alloc : memref<!tpu.dma_semaphore, #tpu.memory_space<semaphore_mem>>
        %dma_start3A_133 = arith.constant 0 : i32
        %dma_start3A_134 = tpu.memref_slice %arg6[%add3A_97, %dma_start3A_133] : memref<10240x128xf32, #tpu.memory_space<vmem_shared>> -> memref<32x128xf32, #tpu.memory_space<vmem_shared>>
        %dma_start3A_135 = arith.constant 0 : i32
        %dma_start3A_136 = tpu.memref_slice %arg6[%add3A_97, %dma_start3A_135] : memref<10240x128xf32, #tpu.memory_space<vmem_shared>> -> memref<32x128xf32, #tpu.memory_space<vmem_shared>>
        tpu.enqueue_dma source(%arg11 : memref<32x128xf32, #tpu.memory_space<vmem>>) target(%dma_start3A_136 : memref<32x128xf32, #tpu.memory_space<vmem_shared>>) target_semaphore(%run_scoped3A : memref<!tpu.dma_semaphore, #tpu.memory_space<semaphore_mem>>)
        %dma_wait3A_137 = arith.constant 0 : i32
        %dma_wait3A_138 = tpu.memref_slice %arg6[%add3A_97, %dma_wait3A_137] : memref<10240x128xf32, #tpu.memory_space<vmem_shared>> -> memref<32x128xf32, #tpu.memory_space<vmem_shared>>
        %dma_wait3A_139 = arith.constant 0 : i32
        %dma_wait3A_140 = tpu.memref_slice %arg6[%add3A_97, %dma_wait3A_139] : memref<10240x128xf32, #tpu.memory_space<vmem_shared>> -> memref<32x128xf32, #tpu.memory_space<vmem_shared>>
        tpu.wait_dma2 semaphore(%run_scoped3A : memref<!tpu.dma_semaphore, #tpu.memory_space<semaphore_mem>>) src(%arg11 : memref<32x128xf32, #tpu.memory_space<vmem>>) dst(%dma_wait3A_140 : memref<32x128xf32, #tpu.memory_space<vmem_shared>>)
        tpu.yield
      }) : () -> ()
      %barrier3A = arith.constant 0 : index
      tpu.barrier barrier_id(%barrier3A)
      %dma_start3A = arith.constant 0 : i32
      %dma_start3A_98 = arith.constant 0 : i32
      %dma_start3A_99 = tpu.memref_slice %arg7[%dma_start3A, %dma_start3A_98] : memref<40x128xi32, #tpu.memory_space<vmem>> -> memref<1x128xi32, #tpu.memory_space<vmem>>
      %dma_start3A_100 = tpu.memref_squeeze %dma_start3A_99 : memref<1x128xi32, #tpu.memory_space<vmem>> -> memref<128xi32, #tpu.memory_space<vmem>>
      %dma_start3A_101 = arith.constant 0 : i32
      %dma_start3A_102 = arith.constant 0 : i32
      %dma_start3A_103 = tpu.memref_slice %arg2[%add3A_17, %dma_start3A_101, %dma_start3A_102] : memref<4x10240x128xf32, #tpu.memory_space<hbm>> -> memref<1x10240x128xf32, #tpu.memory_space<hbm>>
      %dma_start3A_104 = tpu.memref_squeeze %dma_start3A_103 : memref<1x10240x128xf32, #tpu.memory_space<hbm>> -> memref<10240x128xf32, #tpu.memory_space<hbm>>
      %dma_start3A_105 = arith.constant 0 : i32
      %dma_start3A_106 = arith.constant 0 : i32
      %dma_start3A_107 = tpu.memref_slice %dma_start3A_104[%dma_start3A_105, %dma_start3A_106] : memref<10240x128xf32, #tpu.memory_space<hbm>> -> memref<10240x128xf32, #tpu.memory_space<hbm>>
      tpu.enqueue_indirect_dma source(%dma_start3A_107 : memref<10240x128xf32, #tpu.memory_space<hbm>>) target(%arg9 : memref<128x128xf32, #tpu.memory_space<vmem>>) offsets(%dma_start3A_100 : memref<128xi32, #tpu.memory_space<vmem>>) semaphore(%arg12 : memref<!tpu.dma_semaphore, #tpu.memory_space<semaphore_mem>>)
      %scan3A_108 = arith.constant 0 : i32
      %scan3A_109 = arith.constant 0 : i32
      %scan3A_110 = arith.constant 20 : i32
      %scan3A_111 = arith.addi %scan3A_109, %scan3A_110 : i32
      %scan3A_112 = arith.constant 1 : i32
      scf.for %scan3A_133 = %scan3A_109 to %scan3A_111 step %scan3A_112  : i32 {
        %mul3A_134 = arith.constant 1 : i32
        %mul3A_135 = arith.muli %scan3A_133, %mul3A_134 : i32
        %add3A_136 = arith.constant 0 : i32
        %add3A_137 = arith.addi %add3A_136, %mul3A_135 : i32
        %mul3A_138 = arith.constant 2 : i32
        %mul3A_139 = arith.muli %add3A_137, %mul3A_138 : i32
        %add3A_140 = arith.constant 0 : i32
        %add3A_141 = arith.addi %mul3A_139, %add3A_140 : i32
        %dma_wait3A_142 = arith.constant 0 : i32
        %dma_wait3A_143 = arith.constant 0 : i32
        %dma_wait3A_144 = tpu.memref_slice %arg2[%scan3A_108, %dma_wait3A_142, %dma_wait3A_143] : memref<4x10240x128xf32, #tpu.memory_space<hbm>> -> memref<1x128x128xf32, #tpu.memory_space<hbm>>
        %dma_wait3A_145 = tpu.memref_squeeze %dma_wait3A_144 : memref<1x128x128xf32, #tpu.memory_space<hbm>> -> memref<128x128xf32, #tpu.memory_space<hbm>>
        %dma_wait3A_146 = arith.constant 0 : i32
        %dma_wait3A_147 = arith.constant 0 : i32
        %dma_wait3A_148 = tpu.memref_slice %arg2[%scan3A_108, %dma_wait3A_146, %dma_wait3A_147] : memref<4x10240x128xf32, #tpu.memory_space<hbm>> -> memref<1x128x128xf32, #tpu.memory_space<hbm>>
        %dma_wait3A_149 = tpu.memref_squeeze %dma_wait3A_148 : memref<1x128x128xf32, #tpu.memory_space<hbm>> -> memref<128x128xf32, #tpu.memory_space<hbm>>
        tpu.wait_dma2 semaphore(%arg12 : memref<!tpu.dma_semaphore, #tpu.memory_space<semaphore_mem>>) src(%dma_wait3A_149 : memref<128x128xf32, #tpu.memory_space<hbm>>) dst(%arg9 : memref<128x128xf32, #tpu.memory_space<vmem>>)
        %dma_start3A_150 = arith.constant 0 : i32
        %dma_start3A_151 = tpu.memref_slice %arg8[%add3A_141, %dma_start3A_150] : memref<40x128xi32, #tpu.memory_space<vmem>> -> memref<1x128xi32, #tpu.memory_space<vmem>>
        %dma_start3A_152 = tpu.memref_squeeze %dma_start3A_151 : memref<1x128xi32, #tpu.memory_space<vmem>> -> memref<128xi32, #tpu.memory_space<vmem>>
        %dma_start3A_153 = arith.constant 0 : i32
        %dma_start3A_154 = arith.constant 0 : i32
        %dma_start3A_155 = tpu.memref_slice %arg6[%dma_start3A_153, %dma_start3A_154] : memref<10240x128xf32, #tpu.memory_space<vmem_shared>> -> memref<10240x128xf32, #tpu.memory_space<vmem_shared>>
        tpu.enqueue_indirect_dma source(%arg9 : memref<128x128xf32, #tpu.memory_space<vmem>>) target(%dma_start3A_155 : memref<10240x128xf32, #tpu.memory_space<vmem_shared>>) offsets(%dma_start3A_152 : memref<128xi32, #tpu.memory_space<vmem>>) semaphore(%arg14 : memref<!tpu.dma_semaphore, #tpu.memory_space<semaphore_mem>>) {add = true}
        %add3A_156 = arith.constant 1 : i32
        %add3A_157 = arith.addi %add3A_141, %add3A_156 : i32
        %lt3A = arith.constant 40 : i32
        %lt3A_158 = arith.cmpi slt, %add3A_157, %lt3A : i32
        %convert_element_type3A = arith.extui %lt3A_158 : i1 to i32
        %cond3A = arith.constant 0 : i32
        %cond3A_159 = arith.cmpi ne, %convert_element_type3A, %cond3A : i32
        scf.if %cond3A_159 {
          %ge3A = arith.constant 2 : i32
          %ge3A_185 = arith.cmpi sge, %add3A_157, %ge3A : i32
          %convert_element_type3A_186 = arith.extui %ge3A_185 : i1 to i32
          %cond3A_187 = arith.constant 0 : i32
          %cond3A_188 = arith.cmpi ne, %convert_element_type3A_186, %cond3A_187 : i32
          scf.if %cond3A_188 {
            %dma_wait3A_199 = arith.constant 0 : i32
            %dma_wait3A_200 = arith.constant 0 : i32
            %dma_wait3A_201 = tpu.memref_slice %arg2[%scan3A_108, %dma_wait3A_199, %dma_wait3A_200] : memref<4x10240x128xf32, #tpu.memory_space<hbm>> -> memref<1x128x128xf32, #tpu.memory_space<hbm>>
            %dma_wait3A_202 = tpu.memref_squeeze %dma_wait3A_201 : memref<1x128x128xf32, #tpu.memory_space<hbm>> -> memref<128x128xf32, #tpu.memory_space<hbm>>
            %dma_wait3A_203 = arith.constant 0 : i32
            %dma_wait3A_204 = arith.constant 0 : i32
            %dma_wait3A_205 = tpu.memref_slice %arg2[%scan3A_108, %dma_wait3A_203, %dma_wait3A_204] : memref<4x10240x128xf32, #tpu.memory_space<hbm>> -> memref<1x128x128xf32, #tpu.memory_space<hbm>>
            %dma_wait3A_206 = tpu.memref_squeeze %dma_wait3A_205 : memref<1x128x128xf32, #tpu.memory_space<hbm>> -> memref<128x128xf32, #tpu.memory_space<hbm>>
            tpu.wait_dma2 semaphore(%arg15 : memref<!tpu.dma_semaphore, #tpu.memory_space<semaphore_mem>>) src(%dma_wait3A_206 : memref<128x128xf32, #tpu.memory_space<hbm>>) dst(%arg10 : memref<128x128xf32, #tpu.memory_space<vmem>>)
          } else {
          }
          %dma_start3A_189 = arith.constant 0 : i32
          %dma_start3A_190 = tpu.memref_slice %arg7[%add3A_157, %dma_start3A_189] : memref<40x128xi32, #tpu.memory_space<vmem>> -> memref<1x128xi32, #tpu.memory_space<vmem>>
          %dma_start3A_191 = tpu.memref_squeeze %dma_start3A_190 : memref<1x128xi32, #tpu.memory_space<vmem>> -> memref<128xi32, #tpu.memory_space<vmem>>
          %dma_start3A_192 = arith.constant 0 : i32
          %dma_start3A_193 = arith.constant 0 : i32
          %dma_start3A_194 = tpu.memref_slice %arg2[%add3A_17, %dma_start3A_192, %dma_start3A_193] : memref<4x10240x128xf32, #tpu.memory_space<hbm>> -> memref<1x10240x128xf32, #tpu.memory_space<hbm>>
          %dma_start3A_195 = tpu.memref_squeeze %dma_start3A_194 : memref<1x10240x128xf32, #tpu.memory_space<hbm>> -> memref<10240x128xf32, #tpu.memory_space<hbm>>
          %dma_start3A_196 = arith.constant 0 : i32
          %dma_start3A_197 = arith.constant 0 : i32
          %dma_start3A_198 = tpu.memref_slice %dma_start3A_195[%dma_start3A_196, %dma_start3A_197] : memref<10240x128xf32, #tpu.memory_space<hbm>> -> memref<10240x128xf32, #tpu.memory_space<hbm>>
          tpu.enqueue_indirect_dma source(%dma_start3A_198 : memref<10240x128xf32, #tpu.memory_space<hbm>>) target(%arg10 : memref<128x128xf32, #tpu.memory_space<vmem>>) offsets(%dma_start3A_191 : memref<128xi32, #tpu.memory_space<vmem>>) semaphore(%arg13 : memref<!tpu.dma_semaphore, #tpu.memory_space<semaphore_mem>>)
        } else {
        }
        %mul3A_160 = arith.constant 2 : i32
        %mul3A_161 = arith.muli %add3A_137, %mul3A_160 : i32
        %add3A_162 = arith.constant 1 : i32
        %add3A_163 = arith.addi %mul3A_161, %add3A_162 : i32
        %dma_wait3A_164 = arith.constant 0 : i32
        %dma_wait3A_165 = arith.constant 0 : i32
        %dma_wait3A_166 = tpu.memref_slice %arg2[%scan3A_108, %dma_wait3A_164, %dma_wait3A_165] : memref<4x10240x128xf32, #tpu.memory_space<hbm>> -> memref<1x128x128xf32, #tpu.memory_space<hbm>>
        %dma_wait3A_167 = tpu.memref_squeeze %dma_wait3A_166 : memref<1x128x128xf32, #tpu.memory_space<hbm>> -> memref<128x128xf32, #tpu.memory_space<hbm>>
        %dma_wait3A_168 = arith.constant 0 : i32
        %dma_wait3A_169 = arith.constant 0 : i32
        %dma_wait3A_170 = tpu.memref_slice %arg2[%scan3A_108, %dma_wait3A_168, %dma_wait3A_169] : memref<4x10240x128xf32, #tpu.memory_space<hbm>> -> memref<1x128x128xf32, #tpu.memory_space<hbm>>
        %dma_wait3A_171 = tpu.memref_squeeze %dma_wait3A_170 : memref<1x128x128xf32, #tpu.memory_space<hbm>> -> memref<128x128xf32, #tpu.memory_space<hbm>>
        tpu.wait_dma2 semaphore(%arg13 : memref<!tpu.dma_semaphore, #tpu.memory_space<semaphore_mem>>) src(%dma_wait3A_171 : memref<128x128xf32, #tpu.memory_space<hbm>>) dst(%arg10 : memref<128x128xf32, #tpu.memory_space<vmem>>)
        %dma_start3A_172 = arith.constant 0 : i32
        %dma_start3A_173 = tpu.memref_slice %arg8[%add3A_163, %dma_start3A_172] : memref<40x128xi32, #tpu.memory_space<vmem>> -> memref<1x128xi32, #tpu.memory_space<vmem>>
        %dma_start3A_174 = tpu.memref_squeeze %dma_start3A_173 : memref<1x128xi32, #tpu.memory_space<vmem>> -> memref<128xi32, #tpu.memory_space<vmem>>
        %dma_start3A_175 = arith.constant 0 : i32
        %dma_start3A_176 = arith.constant 0 : i32
        %dma_start3A_177 = tpu.memref_slice %arg6[%dma_start3A_175, %dma_start3A_176] : memref<10240x128xf32, #tpu.memory_space<vmem_shared>> -> memref<10240x128xf32, #tpu.memory_space<vmem_shared>>
        tpu.enqueue_indirect_dma source(%arg10 : memref<128x128xf32, #tpu.memory_space<vmem>>) target(%dma_start3A_177 : memref<10240x128xf32, #tpu.memory_space<vmem_shared>>) offsets(%dma_start3A_174 : memref<128xi32, #tpu.memory_space<vmem>>) semaphore(%arg15 : memref<!tpu.dma_semaphore, #tpu.memory_space<semaphore_mem>>) {add = true}
        %add3A_178 = arith.constant 1 : i32
        %add3A_179 = arith.addi %add3A_163, %add3A_178 : i32
        %lt3A_180 = arith.constant 40 : i32
        %lt3A_181 = arith.cmpi slt, %add3A_179, %lt3A_180 : i32
        %convert_element_type3A_182 = arith.extui %lt3A_181 : i1 to i32
        %cond3A_183 = arith.constant 0 : i32
        %cond3A_184 = arith.cmpi ne, %convert_element_type3A_182, %cond3A_183 : i32
        scf.if %cond3A_184 {
          %ge3A = arith.constant 2 : i32
          %ge3A_185 = arith.cmpi sge, %add3A_179, %ge3A : i32
          %convert_element_type3A_186 = arith.extui %ge3A_185 : i1 to i32
          %cond3A_187 = arith.constant 0 : i32
          %cond3A_188 = arith.cmpi ne, %convert_element_type3A_186, %cond3A_187 : i32
          scf.if %cond3A_188 {
            %dma_wait3A_199 = arith.constant 0 : i32
            %dma_wait3A_200 = arith.constant 0 : i32
            %dma_wait3A_201 = tpu.memref_slice %arg2[%scan3A_108, %dma_wait3A_199, %dma_wait3A_200] : memref<4x10240x128xf32, #tpu.memory_space<hbm>> -> memref<1x128x128xf32, #tpu.memory_space<hbm>>
            %dma_wait3A_202 = tpu.memref_squeeze %dma_wait3A_201 : memref<1x128x128xf32, #tpu.memory_space<hbm>> -> memref<128x128xf32, #tpu.memory_space<hbm>>
            %dma_wait3A_203 = arith.constant 0 : i32
            %dma_wait3A_204 = arith.constant 0 : i32
            %dma_wait3A_205 = tpu.memref_slice %arg2[%scan3A_108, %dma_wait3A_203, %dma_wait3A_204] : memref<4x10240x128xf32, #tpu.memory_space<hbm>> -> memref<1x128x128xf32, #tpu.memory_space<hbm>>
            %dma_wait3A_206 = tpu.memref_squeeze %dma_wait3A_205 : memref<1x128x128xf32, #tpu.memory_space<hbm>> -> memref<128x128xf32, #tpu.memory_space<hbm>>
            tpu.wait_dma2 semaphore(%arg14 : memref<!tpu.dma_semaphore, #tpu.memory_space<semaphore_mem>>) src(%dma_wait3A_206 : memref<128x128xf32, #tpu.memory_space<hbm>>) dst(%arg9 : memref<128x128xf32, #tpu.memory_space<vmem>>)
          } else {
          }
          %dma_start3A_189 = arith.constant 0 : i32
          %dma_start3A_190 = tpu.memref_slice %arg7[%add3A_179, %dma_start3A_189] : memref<40x128xi32, #tpu.memory_space<vmem>> -> memref<1x128xi32, #tpu.memory_space<vmem>>
          %dma_start3A_191 = tpu.memref_squeeze %dma_start3A_190 : memref<1x128xi32, #tpu.memory_space<vmem>> -> memref<128xi32, #tpu.memory_space<vmem>>
          %dma_start3A_192 = arith.constant 0 : i32
          %dma_start3A_193 = arith.constant 0 : i32
          %dma_start3A_194 = tpu.memref_slice %arg2[%add3A_17, %dma_start3A_192, %dma_start3A_193] : memref<4x10240x128xf32, #tpu.memory_space<hbm>> -> memref<1x10240x128xf32, #tpu.memory_space<hbm>>
          %dma_start3A_195 = tpu.memref_squeeze %dma_start3A_194 : memref<1x10240x128xf32, #tpu.memory_space<hbm>> -> memref<10240x128xf32, #tpu.memory_space<hbm>>
          %dma_start3A_196 = arith.constant 0 : i32
          %dma_start3A_197 = arith.constant 0 : i32
          %dma_start3A_198 = tpu.memref_slice %dma_start3A_195[%dma_start3A_196, %dma_start3A_197] : memref<10240x128xf32, #tpu.memory_space<hbm>> -> memref<10240x128xf32, #tpu.memory_space<hbm>>
          tpu.enqueue_indirect_dma source(%dma_start3A_198 : memref<10240x128xf32, #tpu.memory_space<hbm>>) target(%arg9 : memref<128x128xf32, #tpu.memory_space<vmem>>) offsets(%dma_start3A_191 : memref<128xi32, #tpu.memory_space<vmem>>) semaphore(%arg12 : memref<!tpu.dma_semaphore, #tpu.memory_space<semaphore_mem>>)
        } else {
        }
      }
      %scan3A_113 = arith.constant 20 : i32
      %dma_wait3A = arith.constant 0 : i32
      %dma_wait3A_114 = arith.constant 0 : i32
      %dma_wait3A_115 = arith.constant 0 : i32
      %dma_wait3A_116 = tpu.memref_slice %arg2[%dma_wait3A, %dma_wait3A_114, %dma_wait3A_115] : memref<4x10240x128xf32, #tpu.memory_space<hbm>> -> memref<1x128x128xf32, #tpu.memory_space<hbm>>
      %dma_wait3A_117 = tpu.memref_squeeze %dma_wait3A_116 : memref<1x128x128xf32, #tpu.memory_space<hbm>> -> memref<128x128xf32, #tpu.memory_space<hbm>>
      %dma_wait3A_118 = arith.constant 0 : i32
      %dma_wait3A_119 = arith.constant 0 : i32
      %dma_wait3A_120 = tpu.memref_slice %arg2[%dma_wait3A, %dma_wait3A_118, %dma_wait3A_119] : memref<4x10240x128xf32, #tpu.memory_space<hbm>> -> memref<1x128x128xf32, #tpu.memory_space<hbm>>
      %dma_wait3A_121 = tpu.memref_squeeze %dma_wait3A_120 : memref<1x128x128xf32, #tpu.memory_space<hbm>> -> memref<128x128xf32, #tpu.memory_space<hbm>>
      tpu.wait_dma2 semaphore(%arg14 : memref<!tpu.dma_semaphore, #tpu.memory_space<semaphore_mem>>) src(%dma_wait3A_121 : memref<128x128xf32, #tpu.memory_space<hbm>>) dst(%arg9 : memref<128x128xf32, #tpu.memory_space<vmem>>)
      %dma_wait3A_122 = arith.constant 0 : i32
      %dma_wait3A_123 = arith.constant 0 : i32
      %dma_wait3A_124 = arith.constant 0 : i32
      %dma_wait3A_125 = tpu.memref_slice %arg2[%dma_wait3A_122, %dma_wait3A_123, %dma_wait3A_124] : memref<4x10240x128xf32, #tpu.memory_space<hbm>> -> memref<1x128x128xf32, #tpu.memory_space<hbm>>
      %dma_wait3A_126 = tpu.memref_squeeze %dma_wait3A_125 : memref<1x128x128xf32, #tpu.memory_space<hbm>> -> memref<128x128xf32, #tpu.memory_space<hbm>>
      %dma_wait3A_127 = arith.constant 0 : i32
      %dma_wait3A_128 = arith.constant 0 : i32
      %dma_wait3A_129 = tpu.memref_slice %arg2[%dma_wait3A_122, %dma_wait3A_127, %dma_wait3A_128] : memref<4x10240x128xf32, #tpu.memory_space<hbm>> -> memref<1x128x128xf32, #tpu.memory_space<hbm>>
      %dma_wait3A_130 = tpu.memref_squeeze %dma_wait3A_129 : memref<1x128x128xf32, #tpu.memory_space<hbm>> -> memref<128x128xf32, #tpu.memory_space<hbm>>
      tpu.wait_dma2 semaphore(%arg15 : memref<!tpu.dma_semaphore, #tpu.memory_space<semaphore_mem>>) src(%dma_wait3A_130 : memref<128x128xf32, #tpu.memory_space<hbm>>) dst(%arg10 : memref<128x128xf32, #tpu.memory_space<vmem>>)
      %barrier3A_131 = arith.constant 0 : index
      tpu.barrier barrier_id(%barrier3A_131)
      "tpu.region"() ({
        %run_scoped3A = tpu.sem_alloc : memref<!tpu.dma_semaphore, #tpu.memory_space<semaphore_mem>>
        %dma_start3A_133 = arith.constant 0 : i32
        %dma_start3A_134 = tpu.memref_slice %arg5[%add3A_17, %arg0, %mul3A_7, %dma_start3A_133] : memref<4x2x10240x128xf32, #tpu.memory_space<hbm>> -> memref<1x1x640x128xf32, #tpu.memory_space<hbm>>
        %dma_start3A_135 = tpu.memref_squeeze %dma_start3A_134 : memref<1x1x640x128xf32, #tpu.memory_space<hbm>> -> memref<640x128xf32, #tpu.memory_space<hbm>>
        %dma_start3A_136 = arith.constant 0 : i32
        %dma_start3A_137 = tpu.memref_slice %arg6[%mul3A_7, %dma_start3A_136] : memref<10240x128xf32, #tpu.memory_space<vmem_shared>> -> memref<640x128xf32, #tpu.memory_space<vmem_shared>>
        tpu.enqueue_dma source(%dma_start3A_137 : memref<640x128xf32, #tpu.memory_space<vmem_shared>>) target(%dma_start3A_135 : memref<640x128xf32, #tpu.memory_space<hbm>>) target_semaphore(%run_scoped3A : memref<!tpu.dma_semaphore, #tpu.memory_space<semaphore_mem>>)
        %dma_wait3A_138 = arith.constant 0 : i32
        %dma_wait3A_139 = tpu.memref_slice %arg5[%add3A_17, %arg0, %mul3A_7, %dma_wait3A_138] : memref<4x2x10240x128xf32, #tpu.memory_space<hbm>> -> memref<1x1x640x128xf32, #tpu.memory_space<hbm>>
        %dma_wait3A_140 = tpu.memref_squeeze %dma_wait3A_139 : memref<1x1x640x128xf32, #tpu.memory_space<hbm>> -> memref<640x128xf32, #tpu.memory_space<hbm>>
        %dma_wait3A_141 = arith.constant 0 : i32
        %dma_wait3A_142 = tpu.memref_slice %arg6[%mul3A_7, %dma_wait3A_141] : memref<10240x128xf32, #tpu.memory_space<vmem_shared>> -> memref<640x128xf32, #tpu.memory_space<vmem_shared>>
        tpu.wait_dma2 semaphore(%run_scoped3A : memref<!tpu.dma_semaphore, #tpu.memory_space<semaphore_mem>>) src(%dma_wait3A_142 : memref<640x128xf32, #tpu.memory_space<vmem_shared>>) dst(%dma_wait3A_140 : memref<640x128xf32, #tpu.memory_space<hbm>>)
        tpu.yield
      }) : () -> ()
      %barrier3A_132 = arith.constant 0 : index
      tpu.barrier barrier_id(%barrier3A_132)
    }
    %scan3A_12 = arith.constant 4 : i32
    return
  }
}

#map = affine_map<(d0, d1) -> (0, 0, 0)>
#map1 = affine_map<(d0, d1) -> (0, 0, 0, 0)>
module attributes {stable_mosaic.version = 14 : i64} {
  func.func @k(%arg0: i32, %arg1: i32, %arg2: memref<4x10240x128xf32, #tpu.memory_space<hbm>>, %arg3: memref<32x40x128xi32, #tpu.memory_space<hbm>>, %arg4: memref<32x40x128xi32, #tpu.memory_space<hbm>>, %arg5: memref<4x2x10240x128xf32, #tpu.memory_space<hbm>>, %arg6: memref<10240x128xf32, #tpu.memory_space<vmem_shared>>, %arg7: memref<40x128xi32, #tpu.memory_space<vmem>>, %arg8: memref<40x128xi32, #tpu.memory_space<vmem>>, %arg9: memref<128x128xf32, #tpu.memory_space<vmem>>, %arg10: memref<128x128xf32, #tpu.memory_space<vmem>>, %arg11: memref<32x128xf32, #tpu.memory_space<vmem>>, %arg12: memref<!tpu.dma_semaphore, #tpu.memory_space<semaphore_mem>>, %arg13: memref<!tpu.dma_semaphore, #tpu.memory_space<semaphore_mem>>, %arg14: memref<!tpu.dma_semaphore, #tpu.memory_space<semaphore_mem>>, %arg15: memref<!tpu.dma_semaphore, #tpu.memory_space<semaphore_mem>>) attributes {dimension_semantics = [#tpu.dimension_semantics<core_parallel>, #tpu.dimension_semantics<subcore_parallel>], iteration_bounds = array<i64: 2, 16>, scalar_prefetch = 0 : i64, scratch_operands = 10 : i64, tpu.core_type = #tpu.core_type<sc_vector_subcore>, window_params = [{transform_indices = #map}, {transform_indices = #map}, {transform_indices = #map}, {transform_indices = #map1}]} {
    %mul3A = arith.constant 2 : i32
    %mul3A_0 = arith.muli %arg1, %mul3A : i32
    %add3A = arith.addi %mul3A_0, %arg0 : i32
    %broadcast_in_dim3A = arith.constant 0.000000e+00 : f32
    %broadcast_in_dim3A_1 = vector.broadcast %broadcast_in_dim3A : f32 to vector<16xf32>
    %scan3A = arith.constant 0 : i32
    %scan3A_2 = arith.constant 32 : i32
    %scan3A_3 = arith.addi %scan3A, %scan3A_2 : i32
    %scan3A_4 = arith.constant 1 : i32
    scf.for %scan3A_13 = %scan3A to %scan3A_3 step %scan3A_4  : i32 {
      %mul3A_14 = arith.constant 1 : i32
      %mul3A_15 = arith.muli %scan3A_13, %mul3A_14 : i32
      %add3A_16 = arith.constant 0 : i32
      %add3A_17 = arith.addi %add3A_16, %mul3A_15 : i32
      %swap3A = arith.index_cast %add3A_17 : i32 to index
      %swap3A_18 = arith.constant 0 : index
      %swap3A_19 = tpu.vector_load %arg11[%swap3A, %swap3A_18] {strides = array<i32>} : memref<32x128xf32, #tpu.memory_space<vmem>>, vector<1x16xf32>,
      %swap3A_20 = vector.shape_cast %swap3A_19 : vector<1x16xf32> to vector<16xf32>
      %swap3A_21 = vector.shape_cast %broadcast_in_dim3A_1 : vector<16xf32> to vector<1x16xf32>
      tpu.vector_store %arg11[%swap3A, %swap3A_18], %swap3A_21 {strides = array<i32>} : memref<32x128xf32, #tpu.memory_space<vmem>>, vector<1x16xf32>,
      %swap3A_22 = arith.index_cast %add3A_17 : i32 to index
      %swap3A_23 = arith.constant 16 : index
      %swap3A_24 = tpu.vector_load %arg11[%swap3A_22, %swap3A_23] {strides = array<i32>} : memref<32x128xf32, #tpu.memory_space<vmem>>, vector<1x16xf32>,
      %swap3A_25 = vector.shape_cast %swap3A_24 : vector<1x16xf32> to vector<16xf32>
      %swap3A_26 = vector.shape_cast %broadcast_in_dim3A_1 : vector<16xf32> to vector<1x16xf32>
      tpu.vector_store %arg11[%swap3A_22, %swap3A_23], %swap3A_26 {strides = array<i32>} : memref<32x128xf32, #tpu.memory_space<vmem>>, vector<1x16xf32>,
      %swap3A_27 = arith.index_cast %add3A_17 : i32 to index
      %swap3A_28 = arith.constant 32 : index
      %swap3A_29 = tpu.vector_load %arg11[%swap3A_27, %swap3A_28] {strides = array<i32>} : memref<32x128xf32, #tpu.memory_space<vmem>>, vector<1x16xf32>,
      %swap3A_30 = vector.shape_cast %swap3A_29 : vector<1x16xf32> to vector<16xf32>
      %swap3A_31 = vector.shape_cast %broadcast_in_dim3A_1 : vector<16xf32> to vector<1x16xf32>
      tpu.vector_store %arg11[%swap3A_27, %swap3A_28], %swap3A_31 {strides = array<i32>} : memref<32x128xf32, #tpu.memory_space<vmem>>, vector<1x16xf32>,
      %swap3A_32 = arith.index_cast %add3A_17 : i32 to index
      %swap3A_33 = arith.constant 48 : index
      %swap3A_34 = tpu.vector_load %arg11[%swap3A_32, %swap3A_33] {strides = array<i32>} : memref<32x128xf32, #tpu.memory_space<vmem>>, vector<1x16xf32>,
      %swap3A_35 = vector.shape_cast %swap3A_34 : vector<1x16xf32> to vector<16xf32>
      %swap3A_36 = vector.shape_cast %broadcast_in_dim3A_1 : vector<16xf32> to vector<1x16xf32>
      tpu.vector_store %arg11[%swap3A_32, %swap3A_33], %swap3A_36 {strides = array<i32>} : memref<32x128xf32, #tpu.memory_space<vmem>>, vector<1x16xf32>,
      %swap3A_37 = arith.index_cast %add3A_17 : i32 to index
      %swap3A_38 = arith.constant 64 : index
      %swap3A_39 = tpu.vector_load %arg11[%swap3A_37, %swap3A_38] {strides = array<i32>} : memref<32x128xf32, #tpu.memory_space<vmem>>, vector<1x16xf32>,
      %swap3A_40 = vector.shape_cast %swap3A_39 : vector<1x16xf32> to vector<16xf32>
      %swap3A_41 = vector.shape_cast %broadcast_in_dim3A_1 : vector<16xf32> to vector<1x16xf32>
      tpu.vector_store %arg11[%swap3A_37, %swap3A_38], %swap3A_41 {strides = array<i32>} : memref<32x128xf32, #tpu.memory_space<vmem>>, vector<1x16xf32>,
      %swap3A_42 = arith.index_cast %add3A_17 : i32 to index
      %swap3A_43 = arith.constant 80 : index
      %swap3A_44 = tpu.vector_load %arg11[%swap3A_42, %swap3A_43] {strides = array<i32>} : memref<32x128xf32, #tpu.memory_space<vmem>>, vector<1x16xf32>,
      %swap3A_45 = vector.shape_cast %swap3A_44 : vector<1x16xf32> to vector<16xf32>
      %swap3A_46 = vector.shape_cast %broadcast_in_dim3A_1 : vector<16xf32> to vector<1x16xf32>
      tpu.vector_store %arg11[%swap3A_42, %swap3A_43], %swap3A_46 {strides = array<i32>} : memref<32x128xf32, #tpu.memory_space<vmem>>, vector<1x16xf32>,
      %swap3A_47 = arith.index_cast %add3A_17 : i32 to index
      %swap3A_48 = arith.constant 96 : index
      %swap3A_49 = tpu.vector_load %arg11[%swap3A_47, %swap3A_48] {strides = array<i32>} : memref<32x128xf32, #tpu.memory_space<vmem>>, vector<1x16xf32>,
      %swap3A_50 = vector.shape_cast %swap3A_49 : vector<1x16xf32> to vector<16xf32>
      %swap3A_51 = vector.shape_cast %broadcast_in_dim3A_1 : vector<16xf32> to vector<1x16xf32>
      tpu.vector_store %arg11[%swap3A_47, %swap3A_48], %swap3A_51 {strides = array<i32>} : memref<32x128xf32, #tpu.memory_space<vmem>>, vector<1x16xf32>,
      %swap3A_52 = arith.index_cast %add3A_17 : i32 to index
      %swap3A_53 = arith.constant 112 : index
      %swap3A_54 = tpu.vector_load %arg11[%swap3A_52, %swap3A_53] {strides = array<i32>} : memref<32x128xf32, #tpu.memory_space<vmem>>, vector<1x16xf32>,
      %swap3A_55 = vector.shape_cast %swap3A_54 : vector<1x16xf32> to vector<16xf32>
      %swap3A_56 = vector.shape_cast %broadcast_in_dim3A_1 : vector<16xf32> to vector<1x16xf32>
      tpu.vector_store %arg11[%swap3A_52, %swap3A_53], %swap3A_56 {strides = array<i32>} : memref<32x128xf32, #tpu.memory_space<vmem>>, vector<1x16xf32>,
    }
    %scan3A_5 = arith.constant 32 : i32
    "tpu.region"() ({
      %run_scoped3A = tpu.sem_alloc : memref<!tpu.dma_semaphore, #tpu.memory_space<semaphore_mem>>
      %dma_start3A = arith.constant 0 : i32
      %dma_start3A_13 = arith.constant 0 : i32
      %dma_start3A_14 = tpu.memref_slice %arg3[%add3A, %dma_start3A, %dma_start3A_13] : memref<32x40x128xi32, #tpu.memory_space<hbm>> -> memref<1x40x128xi32, #tpu.memory_space<hbm>>
      %dma_start3A_15 = tpu.memref_squeeze %dma_start3A_14 : memref<1x40x128xi32, #tpu.memory_space<hbm>> -> memref<40x128xi32, #tpu.memory_space<hbm>>
      %dma_start3A_16 = arith.constant 0 : i32
      %dma_start3A_17 = arith.constant 0 : i32
      %dma_start3A_18 = tpu.memref_slice %arg3[%add3A, %dma_start3A_16, %dma_start3A_17] : memref<32x40x128xi32, #tpu.memory_space<hbm>> -> memref<1x40x128xi32, #tpu.memory_space<hbm>>
      %dma_start3A_19 = tpu.memref_squeeze %dma_start3A_18 : memref<1x40x128xi32, #tpu.memory_space<hbm>> -> memref<40x128xi32, #tpu.memory_space<hbm>>
      tpu.enqueue_dma source(%dma_start3A_19 : memref<40x128xi32, #tpu.memory_space<hbm>>) target(%arg7 : memref<40x128xi32, #tpu.memory_space<vmem>>) target_semaphore(%run_scoped3A : memref<!tpu.dma_semaphore, #tpu.memory_space<semaphore_mem>>)
      %dma_wait3A = arith.constant 0 : i32
      %dma_wait3A_20 = arith.constant 0 : i32
      %dma_wait3A_21 = tpu.memref_slice %arg3[%add3A, %dma_wait3A, %dma_wait3A_20] : memref<32x40x128xi32, #tpu.memory_space<hbm>> -> memref<1x40x128xi32, #tpu.memory_space<hbm>>
      %dma_wait3A_22 = tpu.memref_squeeze %dma_wait3A_21 : memref<1x40x128xi32, #tpu.memory_space<hbm>> -> memref<40x128xi32, #tpu.memory_space<hbm>>
      %dma_wait3A_23 = arith.constant 0 : i32
      %dma_wait3A_24 = arith.constant 0 : i32
      %dma_wait3A_25 = tpu.memref_slice %arg3[%add3A, %dma_wait3A_23, %dma_wait3A_24] : memref<32x40x128xi32, #tpu.memory_space<hbm>> -> memref<1x40x128xi32, #tpu.memory_space<hbm>>
      %dma_wait3A_26 = tpu.memref_squeeze %dma_wait3A_25 : memref<1x40x128xi32, #tpu.memory_space<hbm>> -> memref<40x128xi32, #tpu.memory_space<hbm>>
      tpu.wait_dma2 semaphore(%run_scoped3A : memref<!tpu.dma_semaphore, #tpu.memory_space<semaphore_mem>>) src(%dma_wait3A_26 : memref<40x128xi32, #tpu.memory_space<hbm>>) dst(%arg7 : memref<40x128xi32, #tpu.memory_space<vmem>>)
      tpu.yield
    }) : () -> ()
    "tpu.region"() ({
      %run_scoped3A = tpu.sem_alloc : memref<!tpu.dma_semaphore, #tpu.memory_space<semaphore_mem>>
      %dma_start3A = arith.constant 0 : i32
      %dma_start3A_13 = arith.constant 0 : i32
      %dma_start3A_14 = tpu.memref_slice %arg4[%add3A, %dma_start3A, %dma_start3A_13] : memref<32x40x128xi32, #tpu.memory_space<hbm>> -> memref<1x40x128xi32, #tpu.memory_space<hbm>>
      %dma_start3A_15 = tpu.memref_squeeze %dma_start3A_14 : memref<1x40x128xi32, #tpu.memory_space<hbm>> -> memref<40x128xi32, #tpu.memory_space<hbm>>
      %dma_start3A_16 = arith.constant 0 : i32
      %dma_start3A_17 = arith.constant 0 : i32
      %dma_start3A_18 = tpu.memref_slice %arg4[%add3A, %dma_start3A_16, %dma_start3A_17] : memref<32x40x128xi32, #tpu.memory_space<hbm>> -> memref<1x40x128xi32, #tpu.memory_space<hbm>>
      %dma_start3A_19 = tpu.memref_squeeze %dma_start3A_18 : memref<1x40x128xi32, #tpu.memory_space<hbm>> -> memref<40x128xi32, #tpu.memory_space<hbm>>
      tpu.enqueue_dma source(%dma_start3A_19 : memref<40x128xi32, #tpu.memory_space<hbm>>) target(%arg8 : memref<40x128xi32, #tpu.memory_space<vmem>>) target_semaphore(%run_scoped3A : memref<!tpu.dma_semaphore, #tpu.memory_space<semaphore_mem>>)
      %dma_wait3A = arith.constant 0 : i32
      %dma_wait3A_20 = arith.constant 0 : i32
      %dma_wait3A_21 = tpu.memref_slice %arg4[%add3A, %dma_wait3A, %dma_wait3A_20] : memref<32x40x128xi32, #tpu.memory_space<hbm>> -> memref<1x40x128xi32, #tpu.memory_space<hbm>>
      %dma_wait3A_22 = tpu.memref_squeeze %dma_wait3A_21 : memref<1x40x128xi32, #tpu.memory_space<hbm>> -> memref<40x128xi32, #tpu.memory_space<hbm>>
      %dma_wait3A_23 = arith.constant 0 : i32
      %dma_wait3A_24 = arith.constant 0 : i32
      %dma_wait3A_25 = tpu.memref_slice %arg4[%add3A, %dma_wait3A_23, %dma_wait3A_24] : memref<32x40x128xi32, #tpu.memory_space<hbm>> -> memref<1x40x128xi32, #tpu.memory_space<hbm>>
      %dma_wait3A_26 = tpu.memref_squeeze %dma_wait3A_25 : memref<1x40x128xi32, #tpu.memory_space<hbm>> -> memref<40x128xi32, #tpu.memory_space<hbm>>
      tpu.wait_dma2 semaphore(%run_scoped3A : memref<!tpu.dma_semaphore, #tpu.memory_space<semaphore_mem>>) src(%dma_wait3A_26 : memref<40x128xi32, #tpu.memory_space<hbm>>) dst(%arg8 : memref<40x128xi32, #tpu.memory_space<vmem>>)
      tpu.yield
    }) : () -> ()
    %mul3A_6 = arith.constant 640 : i32
    %mul3A_7 = arith.muli %arg1, %mul3A_6 : i32
    %scan3A_8 = arith.constant 0 : i32
    %scan3A_9 = arith.constant 4 : i32
    %scan3A_10 = arith.addi %scan3A_8, %scan3A_9 : i32
    %scan3A_11 = arith.constant 1 : i32
    scf.for %scan3A_13 = %scan3A_8 to %scan3A_10 step %scan3A_11  : i32 {
      %mul3A_14 = arith.constant 1 : i32
      %mul3A_15 = arith.muli %scan3A_13, %mul3A_14 : i32
      %add3A_16 = arith.constant 0 : i32
      %add3A_17 = arith.addi %add3A_16, %mul3A_15 : i32
      %mul3A_18 = arith.constant 640 : i32
      %mul3A_19 = arith.muli %arg1, %mul3A_18 : i32
      %add3A_20 = arith.constant 0 : i32
      %add3A_21 = arith.addi %mul3A_19, %add3A_20 : i32
      "tpu.region"() ({
        %run_scoped3A = tpu.sem_alloc : memref<!tpu.dma_semaphore, #tpu.memory_space<semaphore_mem>>
        %dma_start3A_133 = arith.constant 0 : i32
        %dma_start3A_134 = tpu.memref_slice %arg6[%add3A_21, %dma_start3A_133] : memref<10240x128xf32, #tpu.memory_space<vmem_shared>> -> memref<32x128xf32, #tpu.memory_space<vmem_shared>>
        %dma_start3A_135 = arith.constant 0 : i32
        %dma_start3A_136 = tpu.memref_slice %arg6[%add3A_21, %dma_start3A_135] : memref<10240x128xf32, #tpu.memory_space<vmem_shared>> -> memref<32x128xf32, #tpu.memory_space<vmem_shared>>
        tpu.enqueue_dma source(%arg11 : memref<32x128xf32, #tpu.memory_space<vmem>>) target(%dma_start3A_136 : memref<32x128xf32, #tpu.memory_space<vmem_shared>>) target_semaphore(%run_scoped3A : memref<!tpu.dma_semaphore, #tpu.memory_space<semaphore_mem>>)
        %dma_wait3A_137 = arith.constant 0 : i32
        %dma_wait3A_138 = tpu.memref_slice %arg6[%add3A_21, %dma_wait3A_137] : memref<10240x128xf32, #tpu.memory_space<vmem_shared>> -> memref<32x128xf32, #tpu.memory_space<vmem_shared>>
        %dma_wait3A_139 = arith.constant 0 : i32
        %dma_wait3A_140 = tpu.memref_slice %arg6[%add3A_21, %dma_wait3A_139] : memref<10240x128xf32, #tpu.memory_space<vmem_shared>> -> memref<32x128xf32, #tpu.memory_space<vmem_shared>>
        tpu.wait_dma2 semaphore(%run_scoped3A : memref<!tpu.dma_semaphore, #tpu.memory_space<semaphore_mem>>) src(%arg11 : memref<32x128xf32, #tpu.memory_space<vmem>>) dst(%dma_wait3A_140 : memref<32x128xf32, #tpu.memory_space<vmem_shared>>)
        tpu.yield
      }) : () -> ()
      %mul3A_22 = arith.constant 640 : i32
      %mul3A_23 = arith.muli %arg1, %mul3A_22 : i32
      %add3A_24 = arith.constant 32 : i32
      %add3A_25 = arith.addi %mul3A_23, %add3A_24 : i32
      "tpu.region"() ({
        %run_scoped3A = tpu.sem_alloc : memref<!tpu.dma_semaphore, #tpu.memory_space<semaphore_mem>>
        %dma_start3A_133 = arith.constant 0 : i32
        %dma_start3A_134 = tpu.memref_slice %arg6[%add3A_25, %dma_start3A_133] : memref<10240x128xf32, #tpu.memory_space<vmem_shared>> -> memref<32x128xf32, #tpu.memory_space<vmem_shared>>
        %dma_start3A_135 = arith.constant 0 : i32
        %dma_start3A_136 = tpu.memref_slice %arg6[%add3A_25, %dma_start3A_135] : memref<10240x128xf32, #tpu.memory_space<vmem_shared>> -> memref<32x128xf32, #tpu.memory_space<vmem_shared>>
        tpu.enqueue_dma source(%arg11 : memref<32x128xf32, #tpu.memory_space<vmem>>) target(%dma_start3A_136 : memref<32x128xf32, #tpu.memory_space<vmem_shared>>) target_semaphore(%run_scoped3A : memref<!tpu.dma_semaphore, #tpu.memory_space<semaphore_mem>>)
        %dma_wait3A_137 = arith.constant 0 : i32
        %dma_wait3A_138 = tpu.memref_slice %arg6[%add3A_25, %dma_wait3A_137] : memref<10240x128xf32, #tpu.memory_space<vmem_shared>> -> memref<32x128xf32, #tpu.memory_space<vmem_shared>>
        %dma_wait3A_139 = arith.constant 0 : i32
        %dma_wait3A_140 = tpu.memref_slice %arg6[%add3A_25, %dma_wait3A_139] : memref<10240x128xf32, #tpu.memory_space<vmem_shared>> -> memref<32x128xf32, #tpu.memory_space<vmem_shared>>
        tpu.wait_dma2 semaphore(%run_scoped3A : memref<!tpu.dma_semaphore, #tpu.memory_space<semaphore_mem>>) src(%arg11 : memref<32x128xf32, #tpu.memory_space<vmem>>) dst(%dma_wait3A_140 : memref<32x128xf32, #tpu.memory_space<vmem_shared>>)
        tpu.yield
      }) : () -> ()
      %mul3A_26 = arith.constant 640 : i32
      %mul3A_27 = arith.muli %arg1, %mul3A_26 : i32
      %add3A_28 = arith.constant 64 : i32
      %add3A_29 = arith.addi %mul3A_27, %add3A_28 : i32
      "tpu.region"() ({
        %run_scoped3A = tpu.sem_alloc : memref<!tpu.dma_semaphore, #tpu.memory_space<semaphore_mem>>
        %dma_start3A_133 = arith.constant 0 : i32
        %dma_start3A_134 = tpu.memref_slice %arg6[%add3A_29, %dma_start3A_133] : memref<10240x128xf32, #tpu.memory_space<vmem_shared>> -> memref<32x128xf32, #tpu.memory_space<vmem_shared>>
        %dma_start3A_135 = arith.constant 0 : i32
        %dma_start3A_136 = tpu.memref_slice %arg6[%add3A_29, %dma_start3A_135] : memref<10240x128xf32, #tpu.memory_space<vmem_shared>> -> memref<32x128xf32, #tpu.memory_space<vmem_shared>>
        tpu.enqueue_dma source(%arg11 : memref<32x128xf32, #tpu.memory_space<vmem>>) target(%dma_start3A_136 : memref<32x128xf32, #tpu.memory_space<vmem_shared>>) target_semaphore(%run_scoped3A : memref<!tpu.dma_semaphore, #tpu.memory_space<semaphore_mem>>)
        %dma_wait3A_137 = arith.constant 0 : i32
        %dma_wait3A_138 = tpu.memref_slice %arg6[%add3A_29, %dma_wait3A_137] : memref<10240x128xf32, #tpu.memory_space<vmem_shared>> -> memref<32x128xf32, #tpu.memory_space<vmem_shared>>
        %dma_wait3A_139 = arith.constant 0 : i32
        %dma_wait3A_140 = tpu.memref_slice %arg6[%add3A_29, %dma_wait3A_139] : memref<10240x128xf32, #tpu.memory_space<vmem_shared>> -> memref<32x128xf32, #tpu.memory_space<vmem_shared>>
        tpu.wait_dma2 semaphore(%run_scoped3A : memref<!tpu.dma_semaphore, #tpu.memory_space<semaphore_mem>>) src(%arg11 : memref<32x128xf32, #tpu.memory_space<vmem>>) dst(%dma_wait3A_140 : memref<32x128xf32, #tpu.memory_space<vmem_shared>>)
        tpu.yield
      }) : () -> ()
      %mul3A_30 = arith.constant 640 : i32
      %mul3A_31 = arith.muli %arg1, %mul3A_30 : i32
      %add3A_32 = arith.constant 96 : i32
      %add3A_33 = arith.addi %mul3A_31, %add3A_32 : i32
      "tpu.region"() ({
        %run_scoped3A = tpu.sem_alloc : memref<!tpu.dma_semaphore, #tpu.memory_space<semaphore_mem>>
        %dma_start3A_133 = arith.constant 0 : i32
        %dma_start3A_134 = tpu.memref_slice %arg6[%add3A_33, %dma_start3A_133] : memref<10240x128xf32, #tpu.memory_space<vmem_shared>> -> memref<32x128xf32, #tpu.memory_space<vmem_shared>>
        %dma_start3A_135 = arith.constant 0 : i32
        %dma_start3A_136 = tpu.memref_slice %arg6[%add3A_33, %dma_start3A_135] : memref<10240x128xf32, #tpu.memory_space<vmem_shared>> -> memref<32x128xf32, #tpu.memory_space<vmem_shared>>
        tpu.enqueue_dma source(%arg11 : memref<32x128xf32, #tpu.memory_space<vmem>>) target(%dma_start3A_136 : memref<32x128xf32, #tpu.memory_space<vmem_shared>>) target_semaphore(%run_scoped3A : memref<!tpu.dma_semaphore, #tpu.memory_space<semaphore_mem>>)
        %dma_wait3A_137 = arith.constant 0 : i32
        %dma_wait3A_138 = tpu.memref_slice %arg6[%add3A_33, %dma_wait3A_137] : memref<10240x128xf32, #tpu.memory_space<vmem_shared>> -> memref<32x128xf32, #tpu.memory_space<vmem_shared>>
        %dma_wait3A_139 = arith.constant 0 : i32
        %dma_wait3A_140 = tpu.memref_slice %arg6[%add3A_33, %dma_wait3A_139] : memref<10240x128xf32, #tpu.memory_space<vmem_shared>> -> memref<32x128xf32, #tpu.memory_space<vmem_shared>>
        tpu.wait_dma2 semaphore(%run_scoped3A : memref<!tpu.dma_semaphore, #tpu.memory_space<semaphore_mem>>) src(%arg11 : memref<32x128xf32, #tpu.memory_space<vmem>>) dst(%dma_wait3A_140 : memref<32x128xf32, #tpu.memory_space<vmem_shared>>)
        tpu.yield
      }) : () -> ()
      %mul3A_34 = arith.constant 640 : i32
      %mul3A_35 = arith.muli %arg1, %mul3A_34 : i32
      %add3A_36 = arith.constant 128 : i32
      %add3A_37 = arith.addi %mul3A_35, %add3A_36 : i32
      "tpu.region"() ({
        %run_scoped3A = tpu.sem_alloc : memref<!tpu.dma_semaphore, #tpu.memory_space<semaphore_mem>>
        %dma_start3A_133 = arith.constant 0 : i32
        %dma_start3A_134 = tpu.memref_slice %arg6[%add3A_37, %dma_start3A_133] : memref<10240x128xf32, #tpu.memory_space<vmem_shared>> -> memref<32x128xf32, #tpu.memory_space<vmem_shared>>
        %dma_start3A_135 = arith.constant 0 : i32
        %dma_start3A_136 = tpu.memref_slice %arg6[%add3A_37, %dma_start3A_135] : memref<10240x128xf32, #tpu.memory_space<vmem_shared>> -> memref<32x128xf32, #tpu.memory_space<vmem_shared>>
        tpu.enqueue_dma source(%arg11 : memref<32x128xf32, #tpu.memory_space<vmem>>) target(%dma_start3A_136 : memref<32x128xf32, #tpu.memory_space<vmem_shared>>) target_semaphore(%run_scoped3A : memref<!tpu.dma_semaphore, #tpu.memory_space<semaphore_mem>>)
        %dma_wait3A_137 = arith.constant 0 : i32
        %dma_wait3A_138 = tpu.memref_slice %arg6[%add3A_37, %dma_wait3A_137] : memref<10240x128xf32, #tpu.memory_space<vmem_shared>> -> memref<32x128xf32, #tpu.memory_space<vmem_shared>>
        %dma_wait3A_139 = arith.constant 0 : i32
        %dma_wait3A_140 = tpu.memref_slice %arg6[%add3A_37, %dma_wait3A_139] : memref<10240x128xf32, #tpu.memory_space<vmem_shared>> -> memref<32x128xf32, #tpu.memory_space<vmem_shared>>
        tpu.wait_dma2 semaphore(%run_scoped3A : memref<!tpu.dma_semaphore, #tpu.memory_space<semaphore_mem>>) src(%arg11 : memref<32x128xf32, #tpu.memory_space<vmem>>) dst(%dma_wait3A_140 : memref<32x128xf32, #tpu.memory_space<vmem_shared>>)
        tpu.yield
      }) : () -> ()
      %mul3A_38 = arith.constant 640 : i32
      %mul3A_39 = arith.muli %arg1, %mul3A_38 : i32
      %add3A_40 = arith.constant 160 : i32
      %add3A_41 = arith.addi %mul3A_39, %add3A_40 : i32
      "tpu.region"() ({
        %run_scoped3A = tpu.sem_alloc : memref<!tpu.dma_semaphore, #tpu.memory_space<semaphore_mem>>
        %dma_start3A_133 = arith.constant 0 : i32
        %dma_start3A_134 = tpu.memref_slice %arg6[%add3A_41, %dma_start3A_133] : memref<10240x128xf32, #tpu.memory_space<vmem_shared>> -> memref<32x128xf32, #tpu.memory_space<vmem_shared>>
        %dma_start3A_135 = arith.constant 0 : i32
        %dma_start3A_136 = tpu.memref_slice %arg6[%add3A_41, %dma_start3A_135] : memref<10240x128xf32, #tpu.memory_space<vmem_shared>> -> memref<32x128xf32, #tpu.memory_space<vmem_shared>>
        tpu.enqueue_dma source(%arg11 : memref<32x128xf32, #tpu.memory_space<vmem>>) target(%dma_start3A_136 : memref<32x128xf32, #tpu.memory_space<vmem_shared>>) target_semaphore(%run_scoped3A : memref<!tpu.dma_semaphore, #tpu.memory_space<semaphore_mem>>)
        %dma_wait3A_137 = arith.constant 0 : i32
        %dma_wait3A_138 = tpu.memref_slice %arg6[%add3A_41, %dma_wait3A_137] : memref<10240x128xf32, #tpu.memory_space<vmem_shared>> -> memref<32x128xf32, #tpu.memory_space<vmem_shared>>
        %dma_wait3A_139 = arith.constant 0 : i32
        %dma_wait3A_140 = tpu.memref_slice %arg6[%add3A_41, %dma_wait3A_139] : memref<10240x128xf32, #tpu.memory_space<vmem_shared>> -> memref<32x128xf32, #tpu.memory_space<vmem_shared>>
        tpu.wait_dma2 semaphore(%run_scoped3A : memref<!tpu.dma_semaphore, #tpu.memory_space<semaphore_mem>>) src(%arg11 : memref<32x128xf32, #tpu.memory_space<vmem>>) dst(%dma_wait3A_140 : memref<32x128xf32, #tpu.memory_space<vmem_shared>>)
        tpu.yield
      }) : () -> ()
      %mul3A_42 = arith.constant 640 : i32
      %mul3A_43 = arith.muli %arg1, %mul3A_42 : i32
      %add3A_44 = arith.constant 192 : i32
      %add3A_45 = arith.addi %mul3A_43, %add3A_44 : i32
      "tpu.region"() ({
        %run_scoped3A = tpu.sem_alloc : memref<!tpu.dma_semaphore, #tpu.memory_space<semaphore_mem>>
        %dma_start3A_133 = arith.constant 0 : i32
        %dma_start3A_134 = tpu.memref_slice %arg6[%add3A_45, %dma_start3A_133] : memref<10240x128xf32, #tpu.memory_space<vmem_shared>> -> memref<32x128xf32, #tpu.memory_space<vmem_shared>>
        %dma_start3A_135 = arith.constant 0 : i32
        %dma_start3A_136 = tpu.memref_slice %arg6[%add3A_45, %dma_start3A_135] : memref<10240x128xf32, #tpu.memory_space<vmem_shared>> -> memref<32x128xf32, #tpu.memory_space<vmem_shared>>
        tpu.enqueue_dma source(%arg11 : memref<32x128xf32, #tpu.memory_space<vmem>>) target(%dma_start3A_136 : memref<32x128xf32, #tpu.memory_space<vmem_shared>>) target_semaphore(%run_scoped3A : memref<!tpu.dma_semaphore, #tpu.memory_space<semaphore_mem>>)
        %dma_wait3A_137 = arith.constant 0 : i32
        %dma_wait3A_138 = tpu.memref_slice %arg6[%add3A_45, %dma_wait3A_137] : memref<10240x128xf32, #tpu.memory_space<vmem_shared>> -> memref<32x128xf32, #tpu.memory_space<vmem_shared>>
        %dma_wait3A_139 = arith.constant 0 : i32
        %dma_wait3A_140 = tpu.memref_slice %arg6[%add3A_45, %dma_wait3A_139] : memref<10240x128xf32, #tpu.memory_space<vmem_shared>> -> memref<32x128xf32, #tpu.memory_space<vmem_shared>>
        tpu.wait_dma2 semaphore(%run_scoped3A : memref<!tpu.dma_semaphore, #tpu.memory_space<semaphore_mem>>) src(%arg11 : memref<32x128xf32, #tpu.memory_space<vmem>>) dst(%dma_wait3A_140 : memref<32x128xf32, #tpu.memory_space<vmem_shared>>)
        tpu.yield
      }) : () -> ()
      %mul3A_46 = arith.constant 640 : i32
      %mul3A_47 = arith.muli %arg1, %mul3A_46 : i32
      %add3A_48 = arith.constant 224 : i32
      %add3A_49 = arith.addi %mul3A_47, %add3A_48 : i32
      "tpu.region"() ({
        %run_scoped3A = tpu.sem_alloc : memref<!tpu.dma_semaphore, #tpu.memory_space<semaphore_mem>>
        %dma_start3A_133 = arith.constant 0 : i32
        %dma_start3A_134 = tpu.memref_slice %arg6[%add3A_49, %dma_start3A_133] : memref<10240x128xf32, #tpu.memory_space<vmem_shared>> -> memref<32x128xf32, #tpu.memory_space<vmem_shared>>
        %dma_start3A_135 = arith.constant 0 : i32
        %dma_start3A_136 = tpu.memref_slice %arg6[%add3A_49, %dma_start3A_135] : memref<10240x128xf32, #tpu.memory_space<vmem_shared>> -> memref<32x128xf32, #tpu.memory_space<vmem_shared>>
        tpu.enqueue_dma source(%arg11 : memref<32x128xf32, #tpu.memory_space<vmem>>) target(%dma_start3A_136 : memref<32x128xf32, #tpu.memory_space<vmem_shared>>) target_semaphore(%run_scoped3A : memref<!tpu.dma_semaphore, #tpu.memory_space<semaphore_mem>>)
        %dma_wait3A_137 = arith.constant 0 : i32
        %dma_wait3A_138 = tpu.memref_slice %arg6[%add3A_49, %dma_wait3A_137] : memref<10240x128xf32, #tpu.memory_space<vmem_shared>> -> memref<32x128xf32, #tpu.memory_space<vmem_shared>>
        %dma_wait3A_139 = arith.constant 0 : i32
        %dma_wait3A_140 = tpu.memref_slice %arg6[%add3A_49, %dma_wait3A_139] : memref<10240x128xf32, #tpu.memory_space<vmem_shared>> -> memref<32x128xf32, #tpu.memory_space<vmem_shared>>
        tpu.wait_dma2 semaphore(%run_scoped3A : memref<!tpu.dma_semaphore, #tpu.memory_space<semaphore_mem>>) src(%arg11 : memref<32x128xf32, #tpu.memory_space<vmem>>) dst(%dma_wait3A_140 : memref<32x128xf32, #tpu.memory_space<vmem_shared>>)
        tpu.yield
      }) : () -> ()
      %mul3A_50 = arith.constant 640 : i32
      %mul3A_51 = arith.muli %arg1, %mul3A_50 : i32
      %add3A_52 = arith.constant 256 : i32
      %add3A_53 = arith.addi %mul3A_51, %add3A_52 : i32
      "tpu.region"() ({
        %run_scoped3A = tpu.sem_alloc : memref<!tpu.dma_semaphore, #tpu.memory_space<semaphore_mem>>
        %dma_start3A_133 = arith.constant 0 : i32
        %dma_start3A_134 = tpu.memref_slice %arg6[%add3A_53, %dma_start3A_133] : memref<10240x128xf32, #tpu.memory_space<vmem_shared>> -> memref<32x128xf32, #tpu.memory_space<vmem_shared>>
        %dma_start3A_135 = arith.constant 0 : i32
        %dma_start3A_136 = tpu.memref_slice %arg6[%add3A_53, %dma_start3A_135] : memref<10240x128xf32, #tpu.memory_space<vmem_shared>> -> memref<32x128xf32, #tpu.memory_space<vmem_shared>>
        tpu.enqueue_dma source(%arg11 : memref<32x128xf32, #tpu.memory_space<vmem>>) target(%dma_start3A_136 : memref<32x128xf32, #tpu.memory_space<vmem_shared>>) target_semaphore(%run_scoped3A : memref<!tpu.dma_semaphore, #tpu.memory_space<semaphore_mem>>)
        %dma_wait3A_137 = arith.constant 0 : i32
        %dma_wait3A_138 = tpu.memref_slice %arg6[%add3A_53, %dma_wait3A_137] : memref<10240x128xf32, #tpu.memory_space<vmem_shared>> -> memref<32x128xf32, #tpu.memory_space<vmem_shared>>
        %dma_wait3A_139 = arith.constant 0 : i32
        %dma_wait3A_140 = tpu.memref_slice %arg6[%add3A_53, %dma_wait3A_139] : memref<10240x128xf32, #tpu.memory_space<vmem_shared>> -> memref<32x128xf32, #tpu.memory_space<vmem_shared>>
        tpu.wait_dma2 semaphore(%run_scoped3A : memref<!tpu.dma_semaphore, #tpu.memory_space<semaphore_mem>>) src(%arg11 : memref<32x128xf32, #tpu.memory_space<vmem>>) dst(%dma_wait3A_140 : memref<32x128xf32, #tpu.memory_space<vmem_shared>>)
        tpu.yield
      }) : () -> ()
      %mul3A_54 = arith.constant 640 : i32
      %mul3A_55 = arith.muli %arg1, %mul3A_54 : i32
      %add3A_56 = arith.constant 288 : i32
      %add3A_57 = arith.addi %mul3A_55, %add3A_56 : i32
      "tpu.region"() ({
        %run_scoped3A = tpu.sem_alloc : memref<!tpu.dma_semaphore, #tpu.memory_space<semaphore_mem>>
        %dma_start3A_133 = arith.constant 0 : i32
        %dma_start3A_134 = tpu.memref_slice %arg6[%add3A_57, %dma_start3A_133] : memref<10240x128xf32, #tpu.memory_space<vmem_shared>> -> memref<32x128xf32, #tpu.memory_space<vmem_shared>>
        %dma_start3A_135 = arith.constant 0 : i32
        %dma_start3A_136 = tpu.memref_slice %arg6[%add3A_57, %dma_start3A_135] : memref<10240x128xf32, #tpu.memory_space<vmem_shared>> -> memref<32x128xf32, #tpu.memory_space<vmem_shared>>
        tpu.enqueue_dma source(%arg11 : memref<32x128xf32, #tpu.memory_space<vmem>>) target(%dma_start3A_136 : memref<32x128xf32, #tpu.memory_space<vmem_shared>>) target_semaphore(%run_scoped3A : memref<!tpu.dma_semaphore, #tpu.memory_space<semaphore_mem>>)
        %dma_wait3A_137 = arith.constant 0 : i32
        %dma_wait3A_138 = tpu.memref_slice %arg6[%add3A_57, %dma_wait3A_137] : memref<10240x128xf32, #tpu.memory_space<vmem_shared>> -> memref<32x128xf32, #tpu.memory_space<vmem_shared>>
        %dma_wait3A_139 = arith.constant 0 : i32
        %dma_wait3A_140 = tpu.memref_slice %arg6[%add3A_57, %dma_wait3A_139] : memref<10240x128xf32, #tpu.memory_space<vmem_shared>> -> memref<32x128xf32, #tpu.memory_space<vmem_shared>>
        tpu.wait_dma2 semaphore(%run_scoped3A : memref<!tpu.dma_semaphore, #tpu.memory_space<semaphore_mem>>) src(%arg11 : memref<32x128xf32, #tpu.memory_space<vmem>>) dst(%dma_wait3A_140 : memref<32x128xf32, #tpu.memory_space<vmem_shared>>)
        tpu.yield
      }) : () -> ()
      %mul3A_58 = arith.constant 640 : i32
      %mul3A_59 = arith.muli %arg1, %mul3A_58 : i32
      %add3A_60 = arith.constant 320 : i32
      %add3A_61 = arith.addi %mul3A_59, %add3A_60 : i32
      "tpu.region"() ({
        %run_scoped3A = tpu.sem_alloc : memref<!tpu.dma_semaphore, #tpu.memory_space<semaphore_mem>>
        %dma_start3A_133 = arith.constant 0 : i32
        %dma_start3A_134 = tpu.memref_slice %arg6[%add3A_61, %dma_start3A_133] : memref<10240x128xf32, #tpu.memory_space<vmem_shared>> -> memref<32x128xf32, #tpu.memory_space<vmem_shared>>
        %dma_start3A_135 = arith.constant 0 : i32
        %dma_start3A_136 = tpu.memref_slice %arg6[%add3A_61, %dma_start3A_135] : memref<10240x128xf32, #tpu.memory_space<vmem_shared>> -> memref<32x128xf32, #tpu.memory_space<vmem_shared>>
        tpu.enqueue_dma source(%arg11 : memref<32x128xf32, #tpu.memory_space<vmem>>) target(%dma_start3A_136 : memref<32x128xf32, #tpu.memory_space<vmem_shared>>) target_semaphore(%run_scoped3A : memref<!tpu.dma_semaphore, #tpu.memory_space<semaphore_mem>>)
        %dma_wait3A_137 = arith.constant 0 : i32
        %dma_wait3A_138 = tpu.memref_slice %arg6[%add3A_61, %dma_wait3A_137] : memref<10240x128xf32, #tpu.memory_space<vmem_shared>> -> memref<32x128xf32, #tpu.memory_space<vmem_shared>>
        %dma_wait3A_139 = arith.constant 0 : i32
        %dma_wait3A_140 = tpu.memref_slice %arg6[%add3A_61, %dma_wait3A_139] : memref<10240x128xf32, #tpu.memory_space<vmem_shared>> -> memref<32x128xf32, #tpu.memory_space<vmem_shared>>
        tpu.wait_dma2 semaphore(%run_scoped3A : memref<!tpu.dma_semaphore, #tpu.memory_space<semaphore_mem>>) src(%arg11 : memref<32x128xf32, #tpu.memory_space<vmem>>) dst(%dma_wait3A_140 : memref<32x128xf32, #tpu.memory_space<vmem_shared>>)
        tpu.yield
      }) : () -> ()
      %mul3A_62 = arith.constant 640 : i32
      %mul3A_63 = arith.muli %arg1, %mul3A_62 : i32
      %add3A_64 = arith.constant 352 : i32
      %add3A_65 = arith.addi %mul3A_63, %add3A_64 : i32
      "tpu.region"() ({
        %run_scoped3A = tpu.sem_alloc : memref<!tpu.dma_semaphore, #tpu.memory_space<semaphore_mem>>
        %dma_start3A_133 = arith.constant 0 : i32
        %dma_start3A_134 = tpu.memref_slice %arg6[%add3A_65, %dma_start3A_133] : memref<10240x128xf32, #tpu.memory_space<vmem_shared>> -> memref<32x128xf32, #tpu.memory_space<vmem_shared>>
        %dma_start3A_135 = arith.constant 0 : i32
        %dma_start3A_136 = tpu.memref_slice %arg6[%add3A_65, %dma_start3A_135] : memref<10240x128xf32, #tpu.memory_space<vmem_shared>> -> memref<32x128xf32, #tpu.memory_space<vmem_shared>>
        tpu.enqueue_dma source(%arg11 : memref<32x128xf32, #tpu.memory_space<vmem>>) target(%dma_start3A_136 : memref<32x128xf32, #tpu.memory_space<vmem_shared>>) target_semaphore(%run_scoped3A : memref<!tpu.dma_semaphore, #tpu.memory_space<semaphore_mem>>)
        %dma_wait3A_137 = arith.constant 0 : i32
        %dma_wait3A_138 = tpu.memref_slice %arg6[%add3A_65, %dma_wait3A_137] : memref<10240x128xf32, #tpu.memory_space<vmem_shared>> -> memref<32x128xf32, #tpu.memory_space<vmem_shared>>
        %dma_wait3A_139 = arith.constant 0 : i32
        %dma_wait3A_140 = tpu.memref_slice %arg6[%add3A_65, %dma_wait3A_139] : memref<10240x128xf32, #tpu.memory_space<vmem_shared>> -> memref<32x128xf32, #tpu.memory_space<vmem_shared>>
        tpu.wait_dma2 semaphore(%run_scoped3A : memref<!tpu.dma_semaphore, #tpu.memory_space<semaphore_mem>>) src(%arg11 : memref<32x128xf32, #tpu.memory_space<vmem>>) dst(%dma_wait3A_140 : memref<32x128xf32, #tpu.memory_space<vmem_shared>>)
        tpu.yield
      }) : () -> ()
      %mul3A_66 = arith.constant 640 : i32
      %mul3A_67 = arith.muli %arg1, %mul3A_66 : i32
      %add3A_68 = arith.constant 384 : i32
      %add3A_69 = arith.addi %mul3A_67, %add3A_68 : i32
      "tpu.region"() ({
        %run_scoped3A = tpu.sem_alloc : memref<!tpu.dma_semaphore, #tpu.memory_space<semaphore_mem>>
        %dma_start3A_133 = arith.constant 0 : i32
        %dma_start3A_134 = tpu.memref_slice %arg6[%add3A_69, %dma_start3A_133] : memref<10240x128xf32, #tpu.memory_space<vmem_shared>> -> memref<32x128xf32, #tpu.memory_space<vmem_shared>>
        %dma_start3A_135 = arith.constant 0 : i32
        %dma_start3A_136 = tpu.memref_slice %arg6[%add3A_69, %dma_start3A_135] : memref<10240x128xf32, #tpu.memory_space<vmem_shared>> -> memref<32x128xf32, #tpu.memory_space<vmem_shared>>
        tpu.enqueue_dma source(%arg11 : memref<32x128xf32, #tpu.memory_space<vmem>>) target(%dma_start3A_136 : memref<32x128xf32, #tpu.memory_space<vmem_shared>>) target_semaphore(%run_scoped3A : memref<!tpu.dma_semaphore, #tpu.memory_space<semaphore_mem>>)
        %dma_wait3A_137 = arith.constant 0 : i32
        %dma_wait3A_138 = tpu.memref_slice %arg6[%add3A_69, %dma_wait3A_137] : memref<10240x128xf32, #tpu.memory_space<vmem_shared>> -> memref<32x128xf32, #tpu.memory_space<vmem_shared>>
        %dma_wait3A_139 = arith.constant 0 : i32
        %dma_wait3A_140 = tpu.memref_slice %arg6[%add3A_69, %dma_wait3A_139] : memref<10240x128xf32, #tpu.memory_space<vmem_shared>> -> memref<32x128xf32, #tpu.memory_space<vmem_shared>>
        tpu.wait_dma2 semaphore(%run_scoped3A : memref<!tpu.dma_semaphore, #tpu.memory_space<semaphore_mem>>) src(%arg11 : memref<32x128xf32, #tpu.memory_space<vmem>>) dst(%dma_wait3A_140 : memref<32x128xf32, #tpu.memory_space<vmem_shared>>)
        tpu.yield
      }) : () -> ()
      %mul3A_70 = arith.constant 640 : i32
      %mul3A_71 = arith.muli %arg1, %mul3A_70 : i32
      %add3A_72 = arith.constant 416 : i32
      %add3A_73 = arith.addi %mul3A_71, %add3A_72 : i32
      "tpu.region"() ({
        %run_scoped3A = tpu.sem_alloc : memref<!tpu.dma_semaphore, #tpu.memory_space<semaphore_mem>>
        %dma_start3A_133 = arith.constant 0 : i32
        %dma_start3A_134 = tpu.memref_slice %arg6[%add3A_73, %dma_start3A_133] : memref<10240x128xf32, #tpu.memory_space<vmem_shared>> -> memref<32x128xf32, #tpu.memory_space<vmem_shared>>
        %dma_start3A_135 = arith.constant 0 : i32
        %dma_start3A_136 = tpu.memref_slice %arg6[%add3A_73, %dma_start3A_135] : memref<10240x128xf32, #tpu.memory_space<vmem_shared>> -> memref<32x128xf32, #tpu.memory_space<vmem_shared>>
        tpu.enqueue_dma source(%arg11 : memref<32x128xf32, #tpu.memory_space<vmem>>) target(%dma_start3A_136 : memref<32x128xf32, #tpu.memory_space<vmem_shared>>) target_semaphore(%run_scoped3A : memref<!tpu.dma_semaphore, #tpu.memory_space<semaphore_mem>>)
        %dma_wait3A_137 = arith.constant 0 : i32
        %dma_wait3A_138 = tpu.memref_slice %arg6[%add3A_73, %dma_wait3A_137] : memref<10240x128xf32, #tpu.memory_space<vmem_shared>> -> memref<32x128xf32, #tpu.memory_space<vmem_shared>>
        %dma_wait3A_139 = arith.constant 0 : i32
        %dma_wait3A_140 = tpu.memref_slice %arg6[%add3A_73, %dma_wait3A_139] : memref<10240x128xf32, #tpu.memory_space<vmem_shared>> -> memref<32x128xf32, #tpu.memory_space<vmem_shared>>
        tpu.wait_dma2 semaphore(%run_scoped3A : memref<!tpu.dma_semaphore, #tpu.memory_space<semaphore_mem>>) src(%arg11 : memref<32x128xf32, #tpu.memory_space<vmem>>) dst(%dma_wait3A_140 : memref<32x128xf32, #tpu.memory_space<vmem_shared>>)
        tpu.yield
      }) : () -> ()
      %mul3A_74 = arith.constant 640 : i32
      %mul3A_75 = arith.muli %arg1, %mul3A_74 : i32
      %add3A_76 = arith.constant 448 : i32
      %add3A_77 = arith.addi %mul3A_75, %add3A_76 : i32
      "tpu.region"() ({
        %run_scoped3A = tpu.sem_alloc : memref<!tpu.dma_semaphore, #tpu.memory_space<semaphore_mem>>
        %dma_start3A_133 = arith.constant 0 : i32
        %dma_start3A_134 = tpu.memref_slice %arg6[%add3A_77, %dma_start3A_133] : memref<10240x128xf32, #tpu.memory_space<vmem_shared>> -> memref<32x128xf32, #tpu.memory_space<vmem_shared>>
        %dma_start3A_135 = arith.constant 0 : i32
        %dma_start3A_136 = tpu.memref_slice %arg6[%add3A_77, %dma_start3A_135] : memref<10240x128xf32, #tpu.memory_space<vmem_shared>> -> memref<32x128xf32, #tpu.memory_space<vmem_shared>>
        tpu.enqueue_dma source(%arg11 : memref<32x128xf32, #tpu.memory_space<vmem>>) target(%dma_start3A_136 : memref<32x128xf32, #tpu.memory_space<vmem_shared>>) target_semaphore(%run_scoped3A : memref<!tpu.dma_semaphore, #tpu.memory_space<semaphore_mem>>)
        %dma_wait3A_137 = arith.constant 0 : i32
        %dma_wait3A_138 = tpu.memref_slice %arg6[%add3A_77, %dma_wait3A_137] : memref<10240x128xf32, #tpu.memory_space<vmem_shared>> -> memref<32x128xf32, #tpu.memory_space<vmem_shared>>
        %dma_wait3A_139 = arith.constant 0 : i32
        %dma_wait3A_140 = tpu.memref_slice %arg6[%add3A_77, %dma_wait3A_139] : memref<10240x128xf32, #tpu.memory_space<vmem_shared>> -> memref<32x128xf32, #tpu.memory_space<vmem_shared>>
        tpu.wait_dma2 semaphore(%run_scoped3A : memref<!tpu.dma_semaphore, #tpu.memory_space<semaphore_mem>>) src(%arg11 : memref<32x128xf32, #tpu.memory_space<vmem>>) dst(%dma_wait3A_140 : memref<32x128xf32, #tpu.memory_space<vmem_shared>>)
        tpu.yield
      }) : () -> ()
      %mul3A_78 = arith.constant 640 : i32
      %mul3A_79 = arith.muli %arg1, %mul3A_78 : i32
      %add3A_80 = arith.constant 480 : i32
      %add3A_81 = arith.addi %mul3A_79, %add3A_80 : i32
      "tpu.region"() ({
        %run_scoped3A = tpu.sem_alloc : memref<!tpu.dma_semaphore, #tpu.memory_space<semaphore_mem>>
        %dma_start3A_133 = arith.constant 0 : i32
        %dma_start3A_134 = tpu.memref_slice %arg6[%add3A_81, %dma_start3A_133] : memref<10240x128xf32, #tpu.memory_space<vmem_shared>> -> memref<32x128xf32, #tpu.memory_space<vmem_shared>>
        %dma_start3A_135 = arith.constant 0 : i32
        %dma_start3A_136 = tpu.memref_slice %arg6[%add3A_81, %dma_start3A_135] : memref<10240x128xf32, #tpu.memory_space<vmem_shared>> -> memref<32x128xf32, #tpu.memory_space<vmem_shared>>
        tpu.enqueue_dma source(%arg11 : memref<32x128xf32, #tpu.memory_space<vmem>>) target(%dma_start3A_136 : memref<32x128xf32, #tpu.memory_space<vmem_shared>>) target_semaphore(%run_scoped3A : memref<!tpu.dma_semaphore, #tpu.memory_space<semaphore_mem>>)
        %dma_wait3A_137 = arith.constant 0 : i32
        %dma_wait3A_138 = tpu.memref_slice %arg6[%add3A_81, %dma_wait3A_137] : memref<10240x128xf32, #tpu.memory_space<vmem_shared>> -> memref<32x128xf32, #tpu.memory_space<vmem_shared>>
        %dma_wait3A_139 = arith.constant 0 : i32
        %dma_wait3A_140 = tpu.memref_slice %arg6[%add3A_81, %dma_wait3A_139] : memref<10240x128xf32, #tpu.memory_space<vmem_shared>> -> memref<32x128xf32, #tpu.memory_space<vmem_shared>>
        tpu.wait_dma2 semaphore(%run_scoped3A : memref<!tpu.dma_semaphore, #tpu.memory_space<semaphore_mem>>) src(%arg11 : memref<32x128xf32, #tpu.memory_space<vmem>>) dst(%dma_wait3A_140 : memref<32x128xf32, #tpu.memory_space<vmem_shared>>)
        tpu.yield
      }) : () -> ()
      %mul3A_82 = arith.constant 640 : i32
      %mul3A_83 = arith.muli %arg1, %mul3A_82 : i32
      %add3A_84 = arith.constant 512 : i32
      %add3A_85 = arith.addi %mul3A_83, %add3A_84 : i32
      "tpu.region"() ({
        %run_scoped3A = tpu.sem_alloc : memref<!tpu.dma_semaphore, #tpu.memory_space<semaphore_mem>>
        %dma_start3A_133 = arith.constant 0 : i32
        %dma_start3A_134 = tpu.memref_slice %arg6[%add3A_85, %dma_start3A_133] : memref<10240x128xf32, #tpu.memory_space<vmem_shared>> -> memref<32x128xf32, #tpu.memory_space<vmem_shared>>
        %dma_start3A_135 = arith.constant 0 : i32
        %dma_start3A_136 = tpu.memref_slice %arg6[%add3A_85, %dma_start3A_135] : memref<10240x128xf32, #tpu.memory_space<vmem_shared>> -> memref<32x128xf32, #tpu.memory_space<vmem_shared>>
        tpu.enqueue_dma source(%arg11 : memref<32x128xf32, #tpu.memory_space<vmem>>) target(%dma_start3A_136 : memref<32x128xf32, #tpu.memory_space<vmem_shared>>) target_semaphore(%run_scoped3A : memref<!tpu.dma_semaphore, #tpu.memory_space<semaphore_mem>>)
        %dma_wait3A_137 = arith.constant 0 : i32
        %dma_wait3A_138 = tpu.memref_slice %arg6[%add3A_85, %dma_wait3A_137] : memref<10240x128xf32, #tpu.memory_space<vmem_shared>> -> memref<32x128xf32, #tpu.memory_space<vmem_shared>>
        %dma_wait3A_139 = arith.constant 0 : i32
        %dma_wait3A_140 = tpu.memref_slice %arg6[%add3A_85, %dma_wait3A_139] : memref<10240x128xf32, #tpu.memory_space<vmem_shared>> -> memref<32x128xf32, #tpu.memory_space<vmem_shared>>
        tpu.wait_dma2 semaphore(%run_scoped3A : memref<!tpu.dma_semaphore, #tpu.memory_space<semaphore_mem>>) src(%arg11 : memref<32x128xf32, #tpu.memory_space<vmem>>) dst(%dma_wait3A_140 : memref<32x128xf32, #tpu.memory_space<vmem_shared>>)
        tpu.yield
      }) : () -> ()
      %mul3A_86 = arith.constant 640 : i32
      %mul3A_87 = arith.muli %arg1, %mul3A_86 : i32
      %add3A_88 = arith.constant 544 : i32
      %add3A_89 = arith.addi %mul3A_87, %add3A_88 : i32
      "tpu.region"() ({
        %run_scoped3A = tpu.sem_alloc : memref<!tpu.dma_semaphore, #tpu.memory_space<semaphore_mem>>
        %dma_start3A_133 = arith.constant 0 : i32
        %dma_start3A_134 = tpu.memref_slice %arg6[%add3A_89, %dma_start3A_133] : memref<10240x128xf32, #tpu.memory_space<vmem_shared>> -> memref<32x128xf32, #tpu.memory_space<vmem_shared>>
        %dma_start3A_135 = arith.constant 0 : i32
        %dma_start3A_136 = tpu.memref_slice %arg6[%add3A_89, %dma_start3A_135] : memref<10240x128xf32, #tpu.memory_space<vmem_shared>> -> memref<32x128xf32, #tpu.memory_space<vmem_shared>>
        tpu.enqueue_dma source(%arg11 : memref<32x128xf32, #tpu.memory_space<vmem>>) target(%dma_start3A_136 : memref<32x128xf32, #tpu.memory_space<vmem_shared>>) target_semaphore(%run_scoped3A : memref<!tpu.dma_semaphore, #tpu.memory_space<semaphore_mem>>)
        %dma_wait3A_137 = arith.constant 0 : i32
        %dma_wait3A_138 = tpu.memref_slice %arg6[%add3A_89, %dma_wait3A_137] : memref<10240x128xf32, #tpu.memory_space<vmem_shared>> -> memref<32x128xf32, #tpu.memory_space<vmem_shared>>
        %dma_wait3A_139 = arith.constant 0 : i32
        %dma_wait3A_140 = tpu.memref_slice %arg6[%add3A_89, %dma_wait3A_139] : memref<10240x128xf32, #tpu.memory_space<vmem_shared>> -> memref<32x128xf32, #tpu.memory_space<vmem_shared>>
        tpu.wait_dma2 semaphore(%run_scoped3A : memref<!tpu.dma_semaphore, #tpu.memory_space<semaphore_mem>>) src(%arg11 : memref<32x128xf32, #tpu.memory_space<vmem>>) dst(%dma_wait3A_140 : memref<32x128xf32, #tpu.memory_space<vmem_shared>>)
        tpu.yield
      }) : () -> ()
      %mul3A_90 = arith.constant 640 : i32
      %mul3A_91 = arith.muli %arg1, %mul3A_90 : i32
      %add3A_92 = arith.constant 576 : i32
      %add3A_93 = arith.addi %mul3A_91, %add3A_92 : i32
      "tpu.region"() ({
        %run_scoped3A = tpu.sem_alloc : memref<!tpu.dma_semaphore, #tpu.memory_space<semaphore_mem>>
        %dma_start3A_133 = arith.constant 0 : i32
        %dma_start3A_134 = tpu.memref_slice %arg6[%add3A_93, %dma_start3A_133] : memref<10240x128xf32, #tpu.memory_space<vmem_shared>> -> memref<32x128xf32, #tpu.memory_space<vmem_shared>>
        %dma_start3A_135 = arith.constant 0 : i32
        %dma_start3A_136 = tpu.memref_slice %arg6[%add3A_93, %dma_start3A_135] : memref<10240x128xf32, #tpu.memory_space<vmem_shared>> -> memref<32x128xf32, #tpu.memory_space<vmem_shared>>
        tpu.enqueue_dma source(%arg11 : memref<32x128xf32, #tpu.memory_space<vmem>>) target(%dma_start3A_136 : memref<32x128xf32, #tpu.memory_space<vmem_shared>>) target_semaphore(%run_scoped3A : memref<!tpu.dma_semaphore, #tpu.memory_space<semaphore_mem>>)
        %dma_wait3A_137 = arith.constant 0 : i32
        %dma_wait3A_138 = tpu.memref_slice %arg6[%add3A_93, %dma_wait3A_137] : memref<10240x128xf32, #tpu.memory_space<vmem_shared>> -> memref<32x128xf32, #tpu.memory_space<vmem_shared>>
        %dma_wait3A_139 = arith.constant 0 : i32
        %dma_wait3A_140 = tpu.memref_slice %arg6[%add3A_93, %dma_wait3A_139] : memref<10240x128xf32, #tpu.memory_space<vmem_shared>> -> memref<32x128xf32, #tpu.memory_space<vmem_shared>>
        tpu.wait_dma2 semaphore(%run_scoped3A : memref<!tpu.dma_semaphore, #tpu.memory_space<semaphore_mem>>) src(%arg11 : memref<32x128xf32, #tpu.memory_space<vmem>>) dst(%dma_wait3A_140 : memref<32x128xf32, #tpu.memory_space<vmem_shared>>)
        tpu.yield
      }) : () -> ()
      %mul3A_94 = arith.constant 640 : i32
      %mul3A_95 = arith.muli %arg1, %mul3A_94 : i32
      %add3A_96 = arith.constant 608 : i32
      %add3A_97 = arith.addi %mul3A_95, %add3A_96 : i32
      "tpu.region"() ({
        %run_scoped3A = tpu.sem_alloc : memref<!tpu.dma_semaphore, #tpu.memory_space<semaphore_mem>>
        %dma_start3A_133 = arith.constant 0 : i32
        %dma_start3A_134 = tpu.memref_slice %arg6[%add3A_97, %dma_start3A_133] : memref<10240x128xf32, #tpu.memory_space<vmem_shared>> -> memref<32x128xf32, #tpu.memory_space<vmem_shared>>
        %dma_start3A_135 = arith.constant 0 : i32
        %dma_start3A_136 = tpu.memref_slice %arg6[%add3A_97, %dma_start3A_135] : memref<10240x128xf32, #tpu.memory_space<vmem_shared>> -> memref<32x128xf32, #tpu.memory_space<vmem_shared>>
        tpu.enqueue_dma source(%arg11 : memref<32x128xf32, #tpu.memory_space<vmem>>) target(%dma_start3A_136 : memref<32x128xf32, #tpu.memory_space<vmem_shared>>) target_semaphore(%run_scoped3A : memref<!tpu.dma_semaphore, #tpu.memory_space<semaphore_mem>>)
        %dma_wait3A_137 = arith.constant 0 : i32
        %dma_wait3A_138 = tpu.memref_slice %arg6[%add3A_97, %dma_wait3A_137] : memref<10240x128xf32, #tpu.memory_space<vmem_shared>> -> memref<32x128xf32, #tpu.memory_space<vmem_shared>>
        %dma_wait3A_139 = arith.constant 0 : i32
        %dma_wait3A_140 = tpu.memref_slice %arg6[%add3A_97, %dma_wait3A_139] : memref<10240x128xf32, #tpu.memory_space<vmem_shared>> -> memref<32x128xf32, #tpu.memory_space<vmem_shared>>
        tpu.wait_dma2 semaphore(%run_scoped3A : memref<!tpu.dma_semaphore, #tpu.memory_space<semaphore_mem>>) src(%arg11 : memref<32x128xf32, #tpu.memory_space<vmem>>) dst(%dma_wait3A_140 : memref<32x128xf32, #tpu.memory_space<vmem_shared>>)
        tpu.yield
      }) : () -> ()
      %barrier3A = arith.constant 0 : index
      tpu.barrier barrier_id(%barrier3A)
      %dma_start3A = arith.constant 0 : i32
      %dma_start3A_98 = arith.constant 0 : i32
      %dma_start3A_99 = tpu.memref_slice %arg7[%dma_start3A, %dma_start3A_98] : memref<40x128xi32, #tpu.memory_space<vmem>> -> memref<1x128xi32, #tpu.memory_space<vmem>>
      %dma_start3A_100 = tpu.memref_squeeze %dma_start3A_99 : memref<1x128xi32, #tpu.memory_space<vmem>> -> memref<128xi32, #tpu.memory_space<vmem>>
      %dma_start3A_101 = arith.constant 0 : i32
      %dma_start3A_102 = arith.constant 0 : i32
      %dma_start3A_103 = tpu.memref_slice %arg2[%add3A_17, %dma_start3A_101, %dma_start3A_102] : memref<4x10240x128xf32, #tpu.memory_space<hbm>> -> memref<1x10240x128xf32, #tpu.memory_space<hbm>>
      %dma_start3A_104 = tpu.memref_squeeze %dma_start3A_103 : memref<1x10240x128xf32, #tpu.memory_space<hbm>> -> memref<10240x128xf32, #tpu.memory_space<hbm>>
      %dma_start3A_105 = arith.constant 0 : i32
      %dma_start3A_106 = arith.constant 0 : i32
      %dma_start3A_107 = tpu.memref_slice %dma_start3A_104[%dma_start3A_105, %dma_start3A_106] : memref<10240x128xf32, #tpu.memory_space<hbm>> -> memref<10240x128xf32, #tpu.memory_space<hbm>>
      tpu.enqueue_indirect_dma source(%dma_start3A_107 : memref<10240x128xf32, #tpu.memory_space<hbm>>) target(%arg9 : memref<128x128xf32, #tpu.memory_space<vmem>>) offsets(%dma_start3A_100 : memref<128xi32, #tpu.memory_space<vmem>>) semaphore(%arg12 : memref<!tpu.dma_semaphore, #tpu.memory_space<semaphore_mem>>)
      %scan3A_108 = arith.constant 0 : i32
      %scan3A_109 = arith.constant 0 : i32
      %scan3A_110 = arith.constant 20 : i32
      %scan3A_111 = arith.addi %scan3A_109, %scan3A_110 : i32
      %scan3A_112 = arith.constant 1 : i32
      scf.for %scan3A_133 = %scan3A_109 to %scan3A_111 step %scan3A_112  : i32 {
        %mul3A_134 = arith.constant 1 : i32
        %mul3A_135 = arith.muli %scan3A_133, %mul3A_134 : i32
        %add3A_136 = arith.constant 0 : i32
        %add3A_137 = arith.addi %add3A_136, %mul3A_135 : i32
        %mul3A_138 = arith.constant 2 : i32
        %mul3A_139 = arith.muli %add3A_137, %mul3A_138 : i32
        %add3A_140 = arith.constant 0 : i32
        %add3A_141 = arith.addi %mul3A_139, %add3A_140 : i32
        %dma_wait3A_142 = arith.constant 0 : i32
        %dma_wait3A_143 = arith.constant 0 : i32
        %dma_wait3A_144 = tpu.memref_slice %arg2[%scan3A_108, %dma_wait3A_142, %dma_wait3A_143] : memref<4x10240x128xf32, #tpu.memory_space<hbm>> -> memref<1x128x128xf32, #tpu.memory_space<hbm>>
        %dma_wait3A_145 = tpu.memref_squeeze %dma_wait3A_144 : memref<1x128x128xf32, #tpu.memory_space<hbm>> -> memref<128x128xf32, #tpu.memory_space<hbm>>
        %dma_wait3A_146 = arith.constant 0 : i32
        %dma_wait3A_147 = arith.constant 0 : i32
        %dma_wait3A_148 = tpu.memref_slice %arg2[%scan3A_108, %dma_wait3A_146, %dma_wait3A_147] : memref<4x10240x128xf32, #tpu.memory_space<hbm>> -> memref<1x128x128xf32, #tpu.memory_space<hbm>>
        %dma_wait3A_149 = tpu.memref_squeeze %dma_wait3A_148 : memref<1x128x128xf32, #tpu.memory_space<hbm>> -> memref<128x128xf32, #tpu.memory_space<hbm>>
        tpu.wait_dma2 semaphore(%arg12 : memref<!tpu.dma_semaphore, #tpu.memory_space<semaphore_mem>>) src(%dma_wait3A_149 : memref<128x128xf32, #tpu.memory_space<hbm>>) dst(%arg9 : memref<128x128xf32, #tpu.memory_space<vmem>>)
        %dma_start3A_150 = arith.constant 0 : i32
        %dma_start3A_151 = tpu.memref_slice %arg8[%add3A_141, %dma_start3A_150] : memref<40x128xi32, #tpu.memory_space<vmem>> -> memref<1x128xi32, #tpu.memory_space<vmem>>
        %dma_start3A_152 = tpu.memref_squeeze %dma_start3A_151 : memref<1x128xi32, #tpu.memory_space<vmem>> -> memref<128xi32, #tpu.memory_space<vmem>>
        %dma_start3A_153 = arith.constant 0 : i32
        %dma_start3A_154 = arith.constant 0 : i32
        %dma_start3A_155 = tpu.memref_slice %arg6[%dma_start3A_153, %dma_start3A_154] : memref<10240x128xf32, #tpu.memory_space<vmem_shared>> -> memref<10240x128xf32, #tpu.memory_space<vmem_shared>>
        tpu.enqueue_indirect_dma source(%arg9 : memref<128x128xf32, #tpu.memory_space<vmem>>) target(%dma_start3A_155 : memref<10240x128xf32, #tpu.memory_space<vmem_shared>>) offsets(%dma_start3A_152 : memref<128xi32, #tpu.memory_space<vmem>>) semaphore(%arg14 : memref<!tpu.dma_semaphore, #tpu.memory_space<semaphore_mem>>) {add = true}
        %add3A_156 = arith.constant 1 : i32
        %add3A_157 = arith.addi %add3A_141, %add3A_156 : i32
        %lt3A = arith.constant 40 : i32
        %lt3A_158 = arith.cmpi slt, %add3A_157, %lt3A : i32
        %convert_element_type3A = arith.extui %lt3A_158 : i1 to i32
        %cond3A = arith.constant 0 : i32
        %cond3A_159 = arith.cmpi ne, %convert_element_type3A, %cond3A : i32
        scf.if %cond3A_159 {
          %ge3A = arith.constant 2 : i32
          %ge3A_185 = arith.cmpi sge, %add3A_157, %ge3A : i32
          %convert_element_type3A_186 = arith.extui %ge3A_185 : i1 to i32
          %cond3A_187 = arith.constant 0 : i32
          %cond3A_188 = arith.cmpi ne, %convert_element_type3A_186, %cond3A_187 : i32
          scf.if %cond3A_188 {
            %dma_wait3A_199 = arith.constant 0 : i32
            %dma_wait3A_200 = arith.constant 0 : i32
            %dma_wait3A_201 = tpu.memref_slice %arg2[%scan3A_108, %dma_wait3A_199, %dma_wait3A_200] : memref<4x10240x128xf32, #tpu.memory_space<hbm>> -> memref<1x128x128xf32, #tpu.memory_space<hbm>>
            %dma_wait3A_202 = tpu.memref_squeeze %dma_wait3A_201 : memref<1x128x128xf32, #tpu.memory_space<hbm>> -> memref<128x128xf32, #tpu.memory_space<hbm>>
            %dma_wait3A_203 = arith.constant 0 : i32
            %dma_wait3A_204 = arith.constant 0 : i32
            %dma_wait3A_205 = tpu.memref_slice %arg2[%scan3A_108, %dma_wait3A_203, %dma_wait3A_204] : memref<4x10240x128xf32, #tpu.memory_space<hbm>> -> memref<1x128x128xf32, #tpu.memory_space<hbm>>
            %dma_wait3A_206 = tpu.memref_squeeze %dma_wait3A_205 : memref<1x128x128xf32, #tpu.memory_space<hbm>> -> memref<128x128xf32, #tpu.memory_space<hbm>>
            tpu.wait_dma2 semaphore(%arg15 : memref<!tpu.dma_semaphore, #tpu.memory_space<semaphore_mem>>) src(%dma_wait3A_206 : memref<128x128xf32, #tpu.memory_space<hbm>>) dst(%arg10 : memref<128x128xf32, #tpu.memory_space<vmem>>)
          } else {
          }
          %dma_start3A_189 = arith.constant 0 : i32
          %dma_start3A_190 = tpu.memref_slice %arg7[%add3A_157, %dma_start3A_189] : memref<40x128xi32, #tpu.memory_space<vmem>> -> memref<1x128xi32, #tpu.memory_space<vmem>>
          %dma_start3A_191 = tpu.memref_squeeze %dma_start3A_190 : memref<1x128xi32, #tpu.memory_space<vmem>> -> memref<128xi32, #tpu.memory_space<vmem>>
          %dma_start3A_192 = arith.constant 0 : i32
          %dma_start3A_193 = arith.constant 0 : i32
          %dma_start3A_194 = tpu.memref_slice %arg2[%add3A_17, %dma_start3A_192, %dma_start3A_193] : memref<4x10240x128xf32, #tpu.memory_space<hbm>> -> memref<1x10240x128xf32, #tpu.memory_space<hbm>>
          %dma_start3A_195 = tpu.memref_squeeze %dma_start3A_194 : memref<1x10240x128xf32, #tpu.memory_space<hbm>> -> memref<10240x128xf32, #tpu.memory_space<hbm>>
          %dma_start3A_196 = arith.constant 0 : i32
          %dma_start3A_197 = arith.constant 0 : i32
          %dma_start3A_198 = tpu.memref_slice %dma_start3A_195[%dma_start3A_196, %dma_start3A_197] : memref<10240x128xf32, #tpu.memory_space<hbm>> -> memref<10240x128xf32, #tpu.memory_space<hbm>>
          tpu.enqueue_indirect_dma source(%dma_start3A_198 : memref<10240x128xf32, #tpu.memory_space<hbm>>) target(%arg10 : memref<128x128xf32, #tpu.memory_space<vmem>>) offsets(%dma_start3A_191 : memref<128xi32, #tpu.memory_space<vmem>>) semaphore(%arg13 : memref<!tpu.dma_semaphore, #tpu.memory_space<semaphore_mem>>)
        } else {
        }
        %mul3A_160 = arith.constant 2 : i32
        %mul3A_161 = arith.muli %add3A_137, %mul3A_160 : i32
        %add3A_162 = arith.constant 1 : i32
        %add3A_163 = arith.addi %mul3A_161, %add3A_162 : i32
        %dma_wait3A_164 = arith.constant 0 : i32
        %dma_wait3A_165 = arith.constant 0 : i32
        %dma_wait3A_166 = tpu.memref_slice %arg2[%scan3A_108, %dma_wait3A_164, %dma_wait3A_165] : memref<4x10240x128xf32, #tpu.memory_space<hbm>> -> memref<1x128x128xf32, #tpu.memory_space<hbm>>
        %dma_wait3A_167 = tpu.memref_squeeze %dma_wait3A_166 : memref<1x128x128xf32, #tpu.memory_space<hbm>> -> memref<128x128xf32, #tpu.memory_space<hbm>>
        %dma_wait3A_168 = arith.constant 0 : i32
        %dma_wait3A_169 = arith.constant 0 : i32
        %dma_wait3A_170 = tpu.memref_slice %arg2[%scan3A_108, %dma_wait3A_168, %dma_wait3A_169] : memref<4x10240x128xf32, #tpu.memory_space<hbm>> -> memref<1x128x128xf32, #tpu.memory_space<hbm>>
        %dma_wait3A_171 = tpu.memref_squeeze %dma_wait3A_170 : memref<1x128x128xf32, #tpu.memory_space<hbm>> -> memref<128x128xf32, #tpu.memory_space<hbm>>
        tpu.wait_dma2 semaphore(%arg13 : memref<!tpu.dma_semaphore, #tpu.memory_space<semaphore_mem>>) src(%dma_wait3A_171 : memref<128x128xf32, #tpu.memory_space<hbm>>) dst(%arg10 : memref<128x128xf32, #tpu.memory_space<vmem>>)
        %dma_start3A_172 = arith.constant 0 : i32
        %dma_start3A_173 = tpu.memref_slice %arg8[%add3A_163, %dma_start3A_172] : memref<40x128xi32, #tpu.memory_space<vmem>> -> memref<1x128xi32, #tpu.memory_space<vmem>>
        %dma_start3A_174 = tpu.memref_squeeze %dma_start3A_173 : memref<1x128xi32, #tpu.memory_space<vmem>> -> memref<128xi32, #tpu.memory_space<vmem>>
        %dma_start3A_175 = arith.constant 0 : i32
        %dma_start3A_176 = arith.constant 0 : i32
        %dma_start3A_177 = tpu.memref_slice %arg6[%dma_start3A_175, %dma_start3A_176] : memref<10240x128xf32, #tpu.memory_space<vmem_shared>> -> memref<10240x128xf32, #tpu.memory_space<vmem_shared>>
        tpu.enqueue_indirect_dma source(%arg10 : memref<128x128xf32, #tpu.memory_space<vmem>>) target(%dma_start3A_177 : memref<10240x128xf32, #tpu.memory_space<vmem_shared>>) offsets(%dma_start3A_174 : memref<128xi32, #tpu.memory_space<vmem>>) semaphore(%arg15 : memref<!tpu.dma_semaphore, #tpu.memory_space<semaphore_mem>>) {add = true}
        %add3A_178 = arith.constant 1 : i32
        %add3A_179 = arith.addi %add3A_163, %add3A_178 : i32
        %lt3A_180 = arith.constant 40 : i32
        %lt3A_181 = arith.cmpi slt, %add3A_179, %lt3A_180 : i32
        %convert_element_type3A_182 = arith.extui %lt3A_181 : i1 to i32
        %cond3A_183 = arith.constant 0 : i32
        %cond3A_184 = arith.cmpi ne, %convert_element_type3A_182, %cond3A_183 : i32
        scf.if %cond3A_184 {
          %ge3A = arith.constant 2 : i32
          %ge3A_185 = arith.cmpi sge, %add3A_179, %ge3A : i32
          %convert_element_type3A_186 = arith.extui %ge3A_185 : i1 to i32
          %cond3A_187 = arith.constant 0 : i32
          %cond3A_188 = arith.cmpi ne, %convert_element_type3A_186, %cond3A_187 : i32
          scf.if %cond3A_188 {
            %dma_wait3A_199 = arith.constant 0 : i32
            %dma_wait3A_200 = arith.constant 0 : i32
            %dma_wait3A_201 = tpu.memref_slice %arg2[%scan3A_108, %dma_wait3A_199, %dma_wait3A_200] : memref<4x10240x128xf32, #tpu.memory_space<hbm>> -> memref<1x128x128xf32, #tpu.memory_space<hbm>>
            %dma_wait3A_202 = tpu.memref_squeeze %dma_wait3A_201 : memref<1x128x128xf32, #tpu.memory_space<hbm>> -> memref<128x128xf32, #tpu.memory_space<hbm>>
            %dma_wait3A_203 = arith.constant 0 : i32
            %dma_wait3A_204 = arith.constant 0 : i32
            %dma_wait3A_205 = tpu.memref_slice %arg2[%scan3A_108, %dma_wait3A_203, %dma_wait3A_204] : memref<4x10240x128xf32, #tpu.memory_space<hbm>> -> memref<1x128x128xf32, #tpu.memory_space<hbm>>
            %dma_wait3A_206 = tpu.memref_squeeze %dma_wait3A_205 : memref<1x128x128xf32, #tpu.memory_space<hbm>> -> memref<128x128xf32, #tpu.memory_space<hbm>>
            tpu.wait_dma2 semaphore(%arg14 : memref<!tpu.dma_semaphore, #tpu.memory_space<semaphore_mem>>) src(%dma_wait3A_206 : memref<128x128xf32, #tpu.memory_space<hbm>>) dst(%arg9 : memref<128x128xf32, #tpu.memory_space<vmem>>)
          } else {
          }
          %dma_start3A_189 = arith.constant 0 : i32
          %dma_start3A_190 = tpu.memref_slice %arg7[%add3A_179, %dma_start3A_189] : memref<40x128xi32, #tpu.memory_space<vmem>> -> memref<1x128xi32, #tpu.memory_space<vmem>>
          %dma_start3A_191 = tpu.memref_squeeze %dma_start3A_190 : memref<1x128xi32, #tpu.memory_space<vmem>> -> memref<128xi32, #tpu.memory_space<vmem>>
          %dma_start3A_192 = arith.constant 0 : i32
          %dma_start3A_193 = arith.constant 0 : i32
          %dma_start3A_194 = tpu.memref_slice %arg2[%add3A_17, %dma_start3A_192, %dma_start3A_193] : memref<4x10240x128xf32, #tpu.memory_space<hbm>> -> memref<1x10240x128xf32, #tpu.memory_space<hbm>>
          %dma_start3A_195 = tpu.memref_squeeze %dma_start3A_194 : memref<1x10240x128xf32, #tpu.memory_space<hbm>> -> memref<10240x128xf32, #tpu.memory_space<hbm>>
          %dma_start3A_196 = arith.constant 0 : i32
          %dma_start3A_197 = arith.constant 0 : i32
          %dma_start3A_198 = tpu.memref_slice %dma_start3A_195[%dma_start3A_196, %dma_start3A_197] : memref<10240x128xf32, #tpu.memory_space<hbm>> -> memref<10240x128xf32, #tpu.memory_space<hbm>>
          tpu.enqueue_indirect_dma source(%dma_start3A_198 : memref<10240x128xf32, #tpu.memory_space<hbm>>) target(%arg9 : memref<128x128xf32, #tpu.memory_space<vmem>>) offsets(%dma_start3A_191 : memref<128xi32, #tpu.memory_space<vmem>>) semaphore(%arg12 : memref<!tpu.dma_semaphore, #tpu.memory_space<semaphore_mem>>)
        } else {
        }
      }
      %scan3A_113 = arith.constant 20 : i32
      %dma_wait3A = arith.constant 0 : i32
      %dma_wait3A_114 = arith.constant 0 : i32
      %dma_wait3A_115 = arith.constant 0 : i32
      %dma_wait3A_116 = tpu.memref_slice %arg2[%dma_wait3A, %dma_wait3A_114, %dma_wait3A_115] : memref<4x10240x128xf32, #tpu.memory_space<hbm>> -> memref<1x128x128xf32, #tpu.memory_space<hbm>>
      %dma_wait3A_117 = tpu.memref_squeeze %dma_wait3A_116 : memref<1x128x128xf32, #tpu.memory_space<hbm>> -> memref<128x128xf32, #tpu.memory_space<hbm>>
      %dma_wait3A_118 = arith.constant 0 : i32
      %dma_wait3A_119 = arith.constant 0 : i32
      %dma_wait3A_120 = tpu.memref_slice %arg2[%dma_wait3A, %dma_wait3A_118, %dma_wait3A_119] : memref<4x10240x128xf32, #tpu.memory_space<hbm>> -> memref<1x128x128xf32, #tpu.memory_space<hbm>>
      %dma_wait3A_121 = tpu.memref_squeeze %dma_wait3A_120 : memref<1x128x128xf32, #tpu.memory_space<hbm>> -> memref<128x128xf32, #tpu.memory_space<hbm>>
      tpu.wait_dma2 semaphore(%arg14 : memref<!tpu.dma_semaphore, #tpu.memory_space<semaphore_mem>>) src(%dma_wait3A_121 : memref<128x128xf32, #tpu.memory_space<hbm>>) dst(%arg9 : memref<128x128xf32, #tpu.memory_space<vmem>>)
      %dma_wait3A_122 = arith.constant 0 : i32
      %dma_wait3A_123 = arith.constant 0 : i32
      %dma_wait3A_124 = arith.constant 0 : i32
      %dma_wait3A_125 = tpu.memref_slice %arg2[%dma_wait3A_122, %dma_wait3A_123, %dma_wait3A_124] : memref<4x10240x128xf32, #tpu.memory_space<hbm>> -> memref<1x128x128xf32, #tpu.memory_space<hbm>>
      %dma_wait3A_126 = tpu.memref_squeeze %dma_wait3A_125 : memref<1x128x128xf32, #tpu.memory_space<hbm>> -> memref<128x128xf32, #tpu.memory_space<hbm>>
      %dma_wait3A_127 = arith.constant 0 : i32
      %dma_wait3A_128 = arith.constant 0 : i32
      %dma_wait3A_129 = tpu.memref_slice %arg2[%dma_wait3A_122, %dma_wait3A_127, %dma_wait3A_128] : memref<4x10240x128xf32, #tpu.memory_space<hbm>> -> memref<1x128x128xf32, #tpu.memory_space<hbm>>
      %dma_wait3A_130 = tpu.memref_squeeze %dma_wait3A_129 : memref<1x128x128xf32, #tpu.memory_space<hbm>> -> memref<128x128xf32, #tpu.memory_space<hbm>>
      tpu.wait_dma2 semaphore(%arg15 : memref<!tpu.dma_semaphore, #tpu.memory_space<semaphore_mem>>) src(%dma_wait3A_130 : memref<128x128xf32, #tpu.memory_space<hbm>>) dst(%arg10 : memref<128x128xf32, #tpu.memory_space<vmem>>)
      %barrier3A_131 = arith.constant 0 : index
      tpu.barrier barrier_id(%barrier3A_131)
      "tpu.region"() ({
        %run_scoped3A = tpu.sem_alloc : memref<!tpu.dma_semaphore, #tpu.memory_space<semaphore_mem>>
        %dma_start3A_133 = arith.constant 0 : i32
        %dma_start3A_134 = tpu.memref_slice %arg5[%add3A_17, %arg0, %mul3A_7, %dma_start3A_133] : memref<4x2x10240x128xf32, #tpu.memory_space<hbm>> -> memref<1x1x640x128xf32, #tpu.memory_space<hbm>>
        %dma_start3A_135 = tpu.memref_squeeze %dma_start3A_134 : memref<1x1x640x128xf32, #tpu.memory_space<hbm>> -> memref<640x128xf32, #tpu.memory_space<hbm>>
        %dma_start3A_136 = arith.constant 0 : i32
        %dma_start3A_137 = tpu.memref_slice %arg6[%mul3A_7, %dma_start3A_136] : memref<10240x128xf32, #tpu.memory_space<vmem_shared>> -> memref<640x128xf32, #tpu.memory_space<vmem_shared>>
        tpu.enqueue_dma source(%dma_start3A_137 : memref<640x128xf32, #tpu.memory_space<vmem_shared>>) target(%dma_start3A_135 : memref<640x128xf32, #tpu.memory_space<hbm>>) target_semaphore(%run_scoped3A : memref<!tpu.dma_semaphore, #tpu.memory_space<semaphore_mem>>)
        %dma_wait3A_138 = arith.constant 0 : i32
        %dma_wait3A_139 = tpu.memref_slice %arg5[%add3A_17, %arg0, %mul3A_7, %dma_wait3A_138] : memref<4x2x10240x128xf32, #tpu.memory_space<hbm>> -> memref<1x1x640x128xf32, #tpu.memory_space<hbm>>
        %dma_wait3A_140 = tpu.memref_squeeze %dma_wait3A_139 : memref<1x1x640x128xf32, #tpu.memory_space<hbm>> -> memref<640x128xf32, #tpu.memory_space<hbm>>
        %dma_wait3A_141 = arith.constant 0 : i32
        %dma_wait3A_142 = tpu.memref_slice %arg6[%mul3A_7, %dma_wait3A_141] : memref<10240x128xf32, #tpu.memory_space<vmem_shared>> -> memref<640x128xf32, #tpu.memory_space<vmem_shared>>
        tpu.wait_dma2 semaphore(%run_scoped3A : memref<!tpu.dma_semaphore, #tpu.memory_space<semaphore_mem>>) src(%dma_wait3A_142 : memref<640x128xf32, #tpu.memory_space<vmem_shared>>) dst(%dma_wait3A_140 : memref<640x128xf32, #tpu.memory_space<hbm>>)
        tpu.yield
      }) : () -> ()
      %barrier3A_132 = arith.constant 0 : index
      tpu.barrier barrier_id(%barrier3A_132)
    }
    %scan3A_12 = arith.constant 4 : i32
    return
  }
}

module attributes {stable_mosaic.version = 14 : i64} {
  func.func @body(%arg0: memref<10240x16xf32, #tpu.memory_space<vmem>>, %arg1: memref<10240x16xf32, #tpu.memory_space<vmem>>, %arg2: memref<10240x16xf32, #tpu.memory_space<vmem>>, %arg3: memref<10240x16xf32, #tpu.memory_space<vmem>>, %arg4: memref<10240x16xf32, #tpu.memory_space<vmem>>) attributes {dimension_semantics = [], scalar_prefetch = 0 : i64, scratch_operands = 0 : i64, tpu.core_type = #tpu.core_type<tc>} {
    %get3A = arith.constant 0 : index
    %get3A_0 = arith.constant 0 : index
    %get3A_1 = vector.load %arg0[%get3A, %get3A_0] : memref<10240x16xf32, #tpu.memory_space<vmem>>, vector<10240x16xf32>
    %add3A = arith.constant 1.000000e+00 : f32
    %add3A_2 = vector.broadcast %add3A : f32 to vector<10240x16xf32>
    %add3A_3 = arith.addf %add3A_2, %get3A_1 : vector<10240x16xf32>
    %get3A_4 = arith.constant 0 : index
    %get3A_5 = arith.constant 0 : index
    %get3A_6 = vector.load %arg1[%get3A_4, %get3A_5] : memref<10240x16xf32, #tpu.memory_space<vmem>>, vector<10240x16xf32>
    %add3A_7 = arith.addf %add3A_3, %get3A_6 : vector<10240x16xf32>
    %rsqrt3A = math.rsqrt %add3A_7 : vector<10240x16xf32>
    %swap3A = arith.constant 0 : index
    %swap3A_8 = arith.constant 0 : index
    %swap3A_9 = vector.load %arg3[%swap3A, %swap3A_8] : memref<10240x16xf32, #tpu.memory_space<vmem>>, vector<10240x16xf32>
    tpu.vector_store %arg3[%swap3A, %swap3A_8], %rsqrt3A {strides = array<i32>} : memref<10240x16xf32, #tpu.memory_space<vmem>>, vector<10240x16xf32>,
    %get3A_10 = arith.constant 0 : index
    %get3A_11 = arith.constant 0 : index
    %get3A_12 = vector.load %arg2[%get3A_10, %get3A_11] : memref<10240x16xf32, #tpu.memory_space<vmem>>, vector<10240x16xf32>
    %mul3A = arith.mulf %rsqrt3A, %get3A_12 : vector<10240x16xf32>
    %swap3A_13 = arith.constant 0 : index
    %swap3A_14 = arith.constant 0 : index
    %swap3A_15 = vector.load %arg4[%swap3A_13, %swap3A_14] : memref<10240x16xf32, #tpu.memory_space<vmem>>, vector<10240x16xf32>
    tpu.vector_store %arg4[%swap3A_13, %swap3A_14], %mul3A {strides = array<i32>} : memref<10240x16xf32, #tpu.memory_space<vmem>>, vector<10240x16xf32>,
    return
  }
}

module attributes {stable_mosaic.version = 14 : i64} {
  func.func @body(%arg0: i32, %arg1: memref<512x16xf32, #tpu.memory_space<vmem>>, %arg2: memref<512x16xf32, #tpu.memory_space<vmem>>, %arg3: memref<512x16xf32, #tpu.memory_space<vmem>>, %arg4: memref<512x16xf32, #tpu.memory_space<vmem>>, %arg5: memref<16x2048xf32, #tpu.memory_space<vmem>>, %arg6: memref<1x2048xf32, #tpu.memory_space<vmem>>, %arg7: memref<2048x1024xf32, #tpu.memory_space<vmem>>, %arg8: memref<8x512x128xf32, #tpu.memory_space<vmem>>) attributes {dimension_semantics = [#tpu.dimension_semantics<arbitrary>], iteration_bounds = array<i64: 20>, scalar_prefetch = 0 : i64, scratch_operands = 0 : i64, tpu.core_type = #tpu.core_type<tc>, window_params = [{transform_indices = @transform_0, window_bounds = array<i64: 512, 16>}, {transform_indices = @transform_1, window_bounds = array<i64: 512, 16>}, {transform_indices = @transform_2, window_bounds = array<i64: 512, 16>}, {transform_indices = @transform_3, window_bounds = array<i64: 512, 16>}, {pipeline_mode = #tpu.pipeline_mode<synchronous>, transform_indices = @transform_4, window_bounds = array<i64: 16, 2048>}, {pipeline_mode = #tpu.pipeline_mode<synchronous>, transform_indices = @transform_5, window_bounds = array<i64: 1, 2048>}, {pipeline_mode = #tpu.pipeline_mode<synchronous>, transform_indices = @transform_6, window_bounds = array<i64: 2048, 1024>}, {transform_indices = @transform_7, window_bounds = array<i64: 8, 512, 128>}]} {
    %get3A = arith.constant 0 : index
    %get3A_0 = arith.constant 0 : index
    %get3A_1 = vector.load %arg4[%get3A, %get3A_0] : memref<512x16xf32, #tpu.memory_space<vmem>>, vector<512x16xf32>
    %get3A_2 = arith.constant 0 : index
    %get3A_3 = arith.constant 0 : index
    %get3A_4 = vector.load %arg1[%get3A_2, %get3A_3] : memref<512x16xf32, #tpu.memory_space<vmem>>, vector<512x16xf32>
    %get3A_5 = arith.constant 0 : index
    %get3A_6 = arith.constant 0 : index
    %get3A_7 = vector.load %arg2[%get3A_5, %get3A_6] : memref<512x16xf32, #tpu.memory_space<vmem>>, vector<512x16xf32>
    %add3A = arith.addf %get3A_4, %get3A_7 : vector<512x16xf32>
    %get3A_8 = arith.constant 0 : index
    %get3A_9 = arith.constant 0 : index
    %get3A_10 = vector.load %arg3[%get3A_8, %get3A_9] : memref<512x16xf32, #tpu.memory_space<vmem>>, vector<512x16xf32>
    %add3A_11 = arith.addf %add3A, %get3A_10 : vector<512x16xf32>
    %mul3A = arith.mulf %get3A_1, %add3A_11 : vector<512x16xf32>
    %get3A_12 = arith.constant 0 : index
    %get3A_13 = arith.constant 0 : index
    %get3A_14 = vector.load %arg5[%get3A_12, %get3A_13] : memref<16x2048xf32, #tpu.memory_space<vmem>>, vector<16x2048xf32>
    %dot_general3A = arith.constant dense<0.000000e+00> : vector<512x2048xf32>
    %dot_general3A_15 = tpu.matmul %mul3A, %get3A_14, %dot_general3A {dimension_numbers = #tpu.dot_dimension_numbers<[1], [0], [0], [1], [0, 0, 1, 1], [], []>, precision = #tpu.contract_precision<fp32>, transpose_lhs_hint = false} : vector<512x16xf32>, vector<16x2048xf32>, vector<512x2048xf32> -> vector<512x2048xf32>
    %get3A_16 = arith.constant 0 : index
    %get3A_17 = arith.constant 0 : index
    %get3A_18 = vector.load %arg6[%get3A_16, %get3A_17] : memref<1x2048xf32, #tpu.memory_space<vmem>>, vector<1x2048xf32>
    %add3A_19 = vector.broadcast %get3A_18 : vector<1x2048xf32> to vector<512x2048xf32>
    %add3A_20 = arith.addf %dot_general3A_15, %add3A_19 : vector<512x2048xf32>
    %max3A = arith.constant 0.000000e+00 : f32
    %max3A_21 = vector.broadcast %max3A : f32 to vector<512x2048xf32>
    %max3A_22 = arith.maximumf %add3A_20, %max3A_21 : vector<512x2048xf32>
    %get3A_23 = arith.constant 0 : index
    %get3A_24 = arith.constant 0 : index
    %get3A_25 = vector.load %arg7[%get3A_23, %get3A_24] : memref<2048x1024xf32, #tpu.memory_space<vmem>>, vector<2048x1024xf32>
    %dot_general3A_26 = arith.constant dense<0.000000e+00> : vector<512x1024xf32>
    %dot_general3A_27 = tpu.matmul %max3A_22, %get3A_25, %dot_general3A_26 {dimension_numbers = #tpu.dot_dimension_numbers<[1], [0], [0], [1], [0, 0, 1, 1], [], []>, transpose_lhs_hint = false} : vector<512x2048xf32>, vector<2048x1024xf32>, vector<512x1024xf32> -> vector<512x1024xf32>
    %get3A_28 = arith.constant 0 : index
    %get3A_29 = arith.constant 0 : index
    %get3A_30 = vector.load %arg4[%get3A_28, %get3A_29] : memref<512x16xf32, #tpu.memory_space<vmem>>, vector<512x16xf32>
    %slice3A = vector.extract_strided_slice %get3A_30 {offsets = [0, 0], sizes = [512, 1], strides = [1, 1]} : vector<512x16xf32> to vector<512x1xf32>
    %mul3A_31 = vector.broadcast %slice3A : vector<512x1xf32> to vector<512x1024xf32>
    %mul3A_32 = arith.mulf %mul3A_31, %dot_general3A_27 : vector<512x1024xf32>
    %slice3A_33 = vector.extract_strided_slice %mul3A_32 {offsets = [0, 0], sizes = [512, 128], strides = [1, 1]} : vector<512x1024xf32> to vector<512x128xf32>
    %swap3A = arith.constant 0 : index
    %swap3A_34 = arith.constant 0 : index
    %swap3A_35 = arith.constant 0 : index
    %swap3A_36 = vector.load %arg8[%swap3A, %swap3A_34, %swap3A_35] : memref<8x512x128xf32, #tpu.memory_space<vmem>>, vector<1x512x128xf32>
    %swap3A_37 = vector.shape_cast %swap3A_36 : vector<1x512x128xf32> to vector<512x128xf32>
    %swap3A_38 = vector.shape_cast %slice3A_33 : vector<512x128xf32> to vector<1x512x128xf32>
    tpu.vector_store %arg8[%swap3A, %swap3A_34, %swap3A_35], %swap3A_38 {strides = array<i32>} : memref<8x512x128xf32, #tpu.memory_space<vmem>>, vector<1x512x128xf32>,
    %slice3A_39 = vector.extract_strided_slice %mul3A_32 {offsets = [0, 128], sizes = [512, 128], strides = [1, 1]} : vector<512x1024xf32> to vector<512x128xf32>
    %swap3A_40 = arith.constant 1 : index
    %swap3A_41 = arith.constant 0 : index
    %swap3A_42 = arith.constant 0 : index
    %swap3A_43 = vector.load %arg8[%swap3A_40, %swap3A_41, %swap3A_42] : memref<8x512x128xf32, #tpu.memory_space<vmem>>, vector<1x512x128xf32>
    %swap3A_44 = vector.shape_cast %swap3A_43 : vector<1x512x128xf32> to vector<512x128xf32>
    %swap3A_45 = vector.shape_cast %slice3A_39 : vector<512x128xf32> to vector<1x512x128xf32>
    tpu.vector_store %arg8[%swap3A_40, %swap3A_41, %swap3A_42], %swap3A_45 {strides = array<i32>} : memref<8x512x128xf32, #tpu.memory_space<vmem>>, vector<1x512x128xf32>,
    %slice3A_46 = vector.extract_strided_slice %mul3A_32 {offsets = [0, 256], sizes = [512, 128], strides = [1, 1]} : vector<512x1024xf32> to vector<512x128xf32>
    %swap3A_47 = arith.constant 2 : index
    %swap3A_48 = arith.constant 0 : index
    %swap3A_49 = arith.constant 0 : index
    %swap3A_50 = vector.load %arg8[%swap3A_47, %swap3A_48, %swap3A_49] : memref<8x512x128xf32, #tpu.memory_space<vmem>>, vector<1x512x128xf32>
    %swap3A_51 = vector.shape_cast %swap3A_50 : vector<1x512x128xf32> to vector<512x128xf32>
    %swap3A_52 = vector.shape_cast %slice3A_46 : vector<512x128xf32> to vector<1x512x128xf32>
    tpu.vector_store %arg8[%swap3A_47, %swap3A_48, %swap3A_49], %swap3A_52 {strides = array<i32>} : memref<8x512x128xf32, #tpu.memory_space<vmem>>, vector<1x512x128xf32>,
    %slice3A_53 = vector.extract_strided_slice %mul3A_32 {offsets = [0, 384], sizes = [512, 128], strides = [1, 1]} : vector<512x1024xf32> to vector<512x128xf32>
    %swap3A_54 = arith.constant 3 : index
    %swap3A_55 = arith.constant 0 : index
    %swap3A_56 = arith.constant 0 : index
    %swap3A_57 = vector.load %arg8[%swap3A_54, %swap3A_55, %swap3A_56] : memref<8x512x128xf32, #tpu.memory_space<vmem>>, vector<1x512x128xf32>
    %swap3A_58 = vector.shape_cast %swap3A_57 : vector<1x512x128xf32> to vector<512x128xf32>
    %swap3A_59 = vector.shape_cast %slice3A_53 : vector<512x128xf32> to vector<1x512x128xf32>
    tpu.vector_store %arg8[%swap3A_54, %swap3A_55, %swap3A_56], %swap3A_59 {strides = array<i32>} : memref<8x512x128xf32, #tpu.memory_space<vmem>>, vector<1x512x128xf32>,
    %slice3A_60 = vector.extract_strided_slice %mul3A_32 {offsets = [0, 512], sizes = [512, 128], strides = [1, 1]} : vector<512x1024xf32> to vector<512x128xf32>
    %swap3A_61 = arith.constant 4 : index
    %swap3A_62 = arith.constant 0 : index
    %swap3A_63 = arith.constant 0 : index
    %swap3A_64 = vector.load %arg8[%swap3A_61, %swap3A_62, %swap3A_63] : memref<8x512x128xf32, #tpu.memory_space<vmem>>, vector<1x512x128xf32>
    %swap3A_65 = vector.shape_cast %swap3A_64 : vector<1x512x128xf32> to vector<512x128xf32>
    %swap3A_66 = vector.shape_cast %slice3A_60 : vector<512x128xf32> to vector<1x512x128xf32>
    tpu.vector_store %arg8[%swap3A_61, %swap3A_62, %swap3A_63], %swap3A_66 {strides = array<i32>} : memref<8x512x128xf32, #tpu.memory_space<vmem>>, vector<1x512x128xf32>,
    %slice3A_67 = vector.extract_strided_slice %mul3A_32 {offsets = [0, 640], sizes = [512, 128], strides = [1, 1]} : vector<512x1024xf32> to vector<512x128xf32>
    %swap3A_68 = arith.constant 5 : index
    %swap3A_69 = arith.constant 0 : index
    %swap3A_70 = arith.constant 0 : index
    %swap3A_71 = vector.load %arg8[%swap3A_68, %swap3A_69, %swap3A_70] : memref<8x512x128xf32, #tpu.memory_space<vmem>>, vector<1x512x128xf32>
    %swap3A_72 = vector.shape_cast %swap3A_71 : vector<1x512x128xf32> to vector<512x128xf32>
    %swap3A_73 = vector.shape_cast %slice3A_67 : vector<512x128xf32> to vector<1x512x128xf32>
    tpu.vector_store %arg8[%swap3A_68, %swap3A_69, %swap3A_70], %swap3A_73 {strides = array<i32>} : memref<8x512x128xf32, #tpu.memory_space<vmem>>, vector<1x512x128xf32>,
    %slice3A_74 = vector.extract_strided_slice %mul3A_32 {offsets = [0, 768], sizes = [512, 128], strides = [1, 1]} : vector<512x1024xf32> to vector<512x128xf32>
    %swap3A_75 = arith.constant 6 : index
    %swap3A_76 = arith.constant 0 : index
    %swap3A_77 = arith.constant 0 : index
    %swap3A_78 = vector.load %arg8[%swap3A_75, %swap3A_76, %swap3A_77] : memref<8x512x128xf32, #tpu.memory_space<vmem>>, vector<1x512x128xf32>
    %swap3A_79 = vector.shape_cast %swap3A_78 : vector<1x512x128xf32> to vector<512x128xf32>
    %swap3A_80 = vector.shape_cast %slice3A_74 : vector<512x128xf32> to vector<1x512x128xf32>
    tpu.vector_store %arg8[%swap3A_75, %swap3A_76, %swap3A_77], %swap3A_80 {strides = array<i32>} : memref<8x512x128xf32, #tpu.memory_space<vmem>>, vector<1x512x128xf32>,
    %slice3A_81 = vector.extract_strided_slice %mul3A_32 {offsets = [0, 896], sizes = [512, 128], strides = [1, 1]} : vector<512x1024xf32> to vector<512x128xf32>
    %swap3A_82 = arith.constant 7 : index
    %swap3A_83 = arith.constant 0 : index
    %swap3A_84 = arith.constant 0 : index
    %swap3A_85 = vector.load %arg8[%swap3A_82, %swap3A_83, %swap3A_84] : memref<8x512x128xf32, #tpu.memory_space<vmem>>, vector<1x512x128xf32>
    %swap3A_86 = vector.shape_cast %swap3A_85 : vector<1x512x128xf32> to vector<512x128xf32>
    %swap3A_87 = vector.shape_cast %slice3A_81 : vector<512x128xf32> to vector<1x512x128xf32>
    tpu.vector_store %arg8[%swap3A_82, %swap3A_83, %swap3A_84], %swap3A_87 {strides = array<i32>} : memref<8x512x128xf32, #tpu.memory_space<vmem>>, vector<1x512x128xf32>,
    return
  }
  func.func @transform_0(%arg0: i32) -> (i32, i32) {
    %c0_i32 = arith.constant 0 : i32
    %c0_i32_0 = arith.constant 0 : i32
    return %arg0, %c0_i32 : i32, i32
  }
  func.func @transform_1(%arg0: i32) -> (i32, i32) {
    %c0_i32 = arith.constant 0 : i32
    %c0_i32_0 = arith.constant 0 : i32
    return %arg0, %c0_i32 : i32, i32
  }
  func.func @transform_2(%arg0: i32) -> (i32, i32) {
    %c0_i32 = arith.constant 0 : i32
    %c0_i32_0 = arith.constant 0 : i32
    return %arg0, %c0_i32 : i32, i32
  }
  func.func @transform_3(%arg0: i32) -> (i32, i32) {
    %c0_i32 = arith.constant 0 : i32
    %c0_i32_0 = arith.constant 0 : i32
    return %arg0, %c0_i32 : i32, i32
  }
  func.func @transform_4(%arg0: i32) -> (i32, i32) {
    %c0_i32 = arith.constant 0 : i32
    %c0_i32_0 = arith.constant 0 : i32
    %c0_i32_1 = arith.constant 0 : i32
    return %c0_i32, %c0_i32_0 : i32, i32
  }
  func.func @transform_5(%arg0: i32) -> (i32, i32) {
    %c0_i32 = arith.constant 0 : i32
    %c0_i32_0 = arith.constant 0 : i32
    %c0_i32_1 = arith.constant 0 : i32
    return %c0_i32, %c0_i32_0 : i32, i32
  }
  func.func @transform_6(%arg0: i32) -> (i32, i32) {
    %c0_i32 = arith.constant 0 : i32
    %c0_i32_0 = arith.constant 0 : i32
    %c0_i32_1 = arith.constant 0 : i32
    return %c0_i32, %c0_i32_0 : i32, i32
  }
  func.func @transform_7(%arg0: i32) -> (i32, i32, i32) {
    %c0_i32 = arith.constant 0 : i32
    %c0_i32_0 = arith.constant 0 : i32
    %c0_i32_1 = arith.constant 0 : i32
    return %c0_i32, %arg0, %c0_i32_0 : i32, i32, i32
  }
}

module attributes {stable_mosaic.version = 14 : i64} {
  func.func @body(%arg0: i32, %arg1: memref<4x1x512x128xf32, #tpu.memory_space<vmem>>, %arg2: memref<4x1x512x128xf32, #tpu.memory_space<vmem>>, %arg3: memref<4x512x128xf32, #tpu.memory_space<vmem>>, %arg4: memref<512x16xf32, #tpu.memory_space<vmem>>, %arg5: memref<1x512xf32, #tpu.memory_space<vmem>>, %arg6: memref<512x1xi32, #tpu.memory_space<vmem>>, %arg7: memref<32x512xf32, #tpu.memory_space<vmem>>, %arg8: memref<32x512xf32, #tpu.memory_space<vmem>>) attributes {dimension_semantics = [#tpu.dimension_semantics<arbitrary>], iteration_bounds = array<i64: 20>, scalar_prefetch = 0 : i64, scratch_operands = 1 : i64, tpu.core_type = #tpu.core_type<tc>, window_params = [{transform_indices = @transform_0, window_bounds = array<i64: 4, 1, 512, 128>}, {transform_indices = @transform_1, window_bounds = array<i64: 4, 1, 512, 128>}, {transform_indices = @transform_2, window_bounds = array<i64: 4, 512, 128>}, {transform_indices = @transform_3, window_bounds = array<i64: 512, 16>}, {pipeline_mode = #tpu.pipeline_mode<synchronous>, transform_indices = @transform_4, window_bounds = array<i64: 1, 512>}, {transform_indices = @transform_5, window_bounds = array<i64: 512, 1>}, {pipeline_mode = #tpu.pipeline_mode<synchronous>, transform_indices = @transform_6, window_bounds = array<i64: 32, 512>}]} {
    %eq3A = arith.constant 0 : i32
    %eq3A_0 = arith.cmpi eq, %arg0, %eq3A : i32
    %convert_element_type3A = arith.extui %eq3A_0 : i1 to i32
    %cond3A = arith.constant 0 : i32
    %cond3A_1 = arith.cmpi ne, %convert_element_type3A, %cond3A : i32
    scf.if %cond3A_1 {
      %broadcast_in_dim3A = arith.constant 0.000000e+00 : f32
      %broadcast_in_dim3A_168 = vector.broadcast %broadcast_in_dim3A : f32 to vector<32x512xf32>
      %swap3A_169 = arith.constant 0 : index
      %swap3A_170 = arith.constant 0 : index
      %swap3A_171 = vector.load %arg8[%swap3A_169, %swap3A_170] : memref<32x512xf32, #tpu.memory_space<vmem>>, vector<32x512xf32>
      tpu.vector_store %arg8[%swap3A_169, %swap3A_170], %broadcast_in_dim3A_168 {strides = array<i32>} : memref<32x512xf32, #tpu.memory_space<vmem>>, vector<32x512xf32>,
    } else {
    }
    %get3A = arith.constant 0 : index
    %get3A_2 = arith.constant 0 : index
    %get3A_3 = vector.load %arg6[%get3A, %get3A_2] : memref<512x1xi32, #tpu.memory_space<vmem>>, vector<512x1xi32>
    %iota3A = tpu.iota {dimensions = array<i32: 1>} : vector<1x32xi32>
    %eq3A_4 = vector.broadcast %get3A_3 : vector<512x1xi32> to vector<512x32xi32>
    %eq3A_5 = vector.broadcast %iota3A : vector<1x32xi32> to vector<512x32xi32>
    %eq3A_6 = arith.cmpi eq, %eq3A_4, %eq3A_5 : vector<512x32xi32>
    %convert_element_type3A_7 = arith.extui %eq3A_6 : vector<512x32xi1> to vector<512x32xi32>
    %convert_element_type3A_8 = arith.sitofp %convert_element_type3A_7 : vector<512x32xi32> to vector<512x32xf32>
    %get3A_9 = arith.constant 0 : index
    %get3A_10 = arith.constant 0 : index
    %get3A_11 = vector.load %arg4[%get3A_9, %get3A_10] : memref<512x16xf32, #tpu.memory_space<vmem>>, vector<512x16xf32>
    %slice3A = vector.extract_strided_slice %get3A_11 {offsets = [0, 0], sizes = [512, 1], strides = [1, 1]} : vector<512x16xf32> to vector<512x1xf32>
    %get3A_12 = arith.constant 0 : index
    %get3A_13 = arith.constant 0 : index
    %get3A_14 = arith.constant 0 : index
    %get3A_15 = arith.constant 0 : index
    %get3A_16 = vector.load %arg1[%get3A_12, %get3A_13, %get3A_14, %get3A_15] : memref<4x1x512x128xf32, #tpu.memory_space<vmem>>, vector<1x1x512x128xf32>
    %get3A_17 = vector.shape_cast %get3A_16 : vector<1x1x512x128xf32> to vector<512x128xf32>
    %get3A_18 = arith.constant 0 : index
    %get3A_19 = arith.constant 0 : index
    %get3A_20 = arith.constant 0 : index
    %get3A_21 = arith.constant 0 : index
    %get3A_22 = vector.load %arg2[%get3A_18, %get3A_19, %get3A_20, %get3A_21] : memref<4x1x512x128xf32, #tpu.memory_space<vmem>>, vector<1x1x512x128xf32>
    %get3A_23 = vector.shape_cast %get3A_22 : vector<1x1x512x128xf32> to vector<512x128xf32>
    %add3A = arith.addf %get3A_17, %get3A_23 : vector<512x128xf32>
    %get3A_24 = arith.constant 0 : index
    %get3A_25 = arith.constant 0 : index
    %get3A_26 = arith.constant 0 : index
    %get3A_27 = vector.load %arg3[%get3A_24, %get3A_25, %get3A_26] : memref<4x512x128xf32, #tpu.memory_space<vmem>>, vector<1x512x128xf32>
    %get3A_28 = vector.shape_cast %get3A_27 : vector<1x512x128xf32> to vector<512x128xf32>
    %add3A_29 = arith.addf %add3A, %get3A_28 : vector<512x128xf32>
    %mul3A = vector.broadcast %slice3A : vector<512x1xf32> to vector<512x128xf32>
    %mul3A_30 = arith.mulf %mul3A, %add3A_29 : vector<512x128xf32>
    %get3A_31 = arith.constant 0 : index
    %get3A_32 = arith.constant 0 : index
    %get3A_33 = vector.load %arg5[%get3A_31, %get3A_32] : memref<1x512xf32, #tpu.memory_space<vmem>>, vector<1x512xf32>
    %slice3A_34 = vector.extract_strided_slice %get3A_33 {offsets = [0, 0], sizes = [1, 128], strides = [1, 1]} : vector<1x512xf32> to vector<1x128xf32>
    %add3A_35 = vector.broadcast %slice3A_34 : vector<1x128xf32> to vector<512x128xf32>
    %add3A_36 = arith.addf %mul3A_30, %add3A_35 : vector<512x128xf32>
    %max3A = arith.constant 0.000000e+00 : f32
    %max3A_37 = vector.broadcast %max3A : f32 to vector<512x128xf32>
    %max3A_38 = arith.maximumf %add3A_36, %max3A_37 : vector<512x128xf32>
    %get3A_39 = arith.constant 0 : index
    %get3A_40 = arith.constant 0 : index
    %get3A_41 = vector.load %arg8[%get3A_39, %get3A_40] : memref<32x512xf32, #tpu.memory_space<vmem>>, vector<32x128xf32>
    %dot_general3A = arith.constant dense<0.000000e+00> : vector<32x128xf32>
    %dot_general3A_42 = tpu.matmul %convert_element_type3A_8, %max3A_38, %dot_general3A {dimension_numbers = #tpu.dot_dimension_numbers<[0], [0], [1], [1], [0, 1, 1, 1], [], []>, precision = #tpu.contract_precision<fp32>, transpose_lhs_hint = false} : vector<512x32xf32>, vector<512x128xf32>, vector<32x128xf32> -> vector<32x128xf32>
    %add3A_43 = arith.addf %get3A_41, %dot_general3A_42 : vector<32x128xf32>
    %swap3A = arith.constant 0 : index
    %swap3A_44 = arith.constant 0 : index
    %swap3A_45 = vector.load %arg8[%swap3A, %swap3A_44] : memref<32x512xf32, #tpu.memory_space<vmem>>, vector<32x128xf32>
    tpu.vector_store %arg8[%swap3A, %swap3A_44], %add3A_43 {strides = array<i32>} : memref<32x512xf32, #tpu.memory_space<vmem>>, vector<32x128xf32>,
    %get3A_46 = arith.constant 1 : index
    %get3A_47 = arith.constant 0 : index
    %get3A_48 = arith.constant 0 : index
    %get3A_49 = arith.constant 0 : index
    %get3A_50 = vector.load %arg1[%get3A_46, %get3A_47, %get3A_48, %get3A_49] : memref<4x1x512x128xf32, #tpu.memory_space<vmem>>, vector<1x1x512x128xf32>
    %get3A_51 = vector.shape_cast %get3A_50 : vector<1x1x512x128xf32> to vector<512x128xf32>
    %get3A_52 = arith.constant 1 : index
    %get3A_53 = arith.constant 0 : index
    %get3A_54 = arith.constant 0 : index
    %get3A_55 = arith.constant 0 : index
    %get3A_56 = vector.load %arg2[%get3A_52, %get3A_53, %get3A_54, %get3A_55] : memref<4x1x512x128xf32, #tpu.memory_space<vmem>>, vector<1x1x512x128xf32>
    %get3A_57 = vector.shape_cast %get3A_56 : vector<1x1x512x128xf32> to vector<512x128xf32>
    %add3A_58 = arith.addf %get3A_51, %get3A_57 : vector<512x128xf32>
    %get3A_59 = arith.constant 1 : index
    %get3A_60 = arith.constant 0 : index
    %get3A_61 = arith.constant 0 : index
    %get3A_62 = vector.load %arg3[%get3A_59, %get3A_60, %get3A_61] : memref<4x512x128xf32, #tpu.memory_space<vmem>>, vector<1x512x128xf32>
    %get3A_63 = vector.shape_cast %get3A_62 : vector<1x512x128xf32> to vector<512x128xf32>
    %add3A_64 = arith.addf %add3A_58, %get3A_63 : vector<512x128xf32>
    %mul3A_65 = vector.broadcast %slice3A : vector<512x1xf32> to vector<512x128xf32>
    %mul3A_66 = arith.mulf %mul3A_65, %add3A_64 : vector<512x128xf32>
    %get3A_67 = arith.constant 0 : index
    %get3A_68 = arith.constant 0 : index
    %get3A_69 = vector.load %arg5[%get3A_67, %get3A_68] : memref<1x512xf32, #tpu.memory_space<vmem>>, vector<1x512xf32>
    %slice3A_70 = vector.extract_strided_slice %get3A_69 {offsets = [0, 128], sizes = [1, 128], strides = [1, 1]} : vector<1x512xf32> to vector<1x128xf32>
    %add3A_71 = vector.broadcast %slice3A_70 : vector<1x128xf32> to vector<512x128xf32>
    %add3A_72 = arith.addf %mul3A_66, %add3A_71 : vector<512x128xf32>
    %max3A_73 = arith.constant 0.000000e+00 : f32
    %max3A_74 = vector.broadcast %max3A_73 : f32 to vector<512x128xf32>
    %max3A_75 = arith.maximumf %add3A_72, %max3A_74 : vector<512x128xf32>
    %get3A_76 = arith.constant 0 : index
    %get3A_77 = arith.constant 128 : index
    %get3A_78 = vector.load %arg8[%get3A_76, %get3A_77] : memref<32x512xf32, #tpu.memory_space<vmem>>, vector<32x128xf32>
    %dot_general3A_79 = arith.constant dense<0.000000e+00> : vector<32x128xf32>
    %dot_general3A_80 = tpu.matmul %convert_element_type3A_8, %max3A_75, %dot_general3A_79 {dimension_numbers = #tpu.dot_dimension_numbers<[0], [0], [1], [1], [0, 1, 1, 1], [], []>, precision = #tpu.contract_precision<fp32>, transpose_lhs_hint = false} : vector<512x32xf32>, vector<512x128xf32>, vector<32x128xf32> -> vector<32x128xf32>
    %add3A_81 = arith.addf %get3A_78, %dot_general3A_80 : vector<32x128xf32>
    %swap3A_82 = arith.constant 0 : index
    %swap3A_83 = arith.constant 128 : index
    %swap3A_84 = vector.load %arg8[%swap3A_82, %swap3A_83] : memref<32x512xf32, #tpu.memory_space<vmem>>, vector<32x128xf32>
    tpu.vector_store %arg8[%swap3A_82, %swap3A_83], %add3A_81 {strides = array<i32>} : memref<32x512xf32, #tpu.memory_space<vmem>>, vector<32x128xf32>,
    %get3A_85 = arith.constant 2 : index
    %get3A_86 = arith.constant 0 : index
    %get3A_87 = arith.constant 0 : index
    %get3A_88 = arith.constant 0 : index
    %get3A_89 = vector.load %arg1[%get3A_85, %get3A_86, %get3A_87, %get3A_88] : memref<4x1x512x128xf32, #tpu.memory_space<vmem>>, vector<1x1x512x128xf32>
    %get3A_90 = vector.shape_cast %get3A_89 : vector<1x1x512x128xf32> to vector<512x128xf32>
    %get3A_91 = arith.constant 2 : index
    %get3A_92 = arith.constant 0 : index
    %get3A_93 = arith.constant 0 : index
    %get3A_94 = arith.constant 0 : index
    %get3A_95 = vector.load %arg2[%get3A_91, %get3A_92, %get3A_93, %get3A_94] : memref<4x1x512x128xf32, #tpu.memory_space<vmem>>, vector<1x1x512x128xf32>
    %get3A_96 = vector.shape_cast %get3A_95 : vector<1x1x512x128xf32> to vector<512x128xf32>
    %add3A_97 = arith.addf %get3A_90, %get3A_96 : vector<512x128xf32>
    %get3A_98 = arith.constant 2 : index
    %get3A_99 = arith.constant 0 : index
    %get3A_100 = arith.constant 0 : index
    %get3A_101 = vector.load %arg3[%get3A_98, %get3A_99, %get3A_100] : memref<4x512x128xf32, #tpu.memory_space<vmem>>, vector<1x512x128xf32>
    %get3A_102 = vector.shape_cast %get3A_101 : vector<1x512x128xf32> to vector<512x128xf32>
    %add3A_103 = arith.addf %add3A_97, %get3A_102 : vector<512x128xf32>
    %mul3A_104 = vector.broadcast %slice3A : vector<512x1xf32> to vector<512x128xf32>
    %mul3A_105 = arith.mulf %mul3A_104, %add3A_103 : vector<512x128xf32>
    %get3A_106 = arith.constant 0 : index
    %get3A_107 = arith.constant 0 : index
    %get3A_108 = vector.load %arg5[%get3A_106, %get3A_107] : memref<1x512xf32, #tpu.memory_space<vmem>>, vector<1x512xf32>
    %slice3A_109 = vector.extract_strided_slice %get3A_108 {offsets = [0, 256], sizes = [1, 128], strides = [1, 1]} : vector<1x512xf32> to vector<1x128xf32>
    %add3A_110 = vector.broadcast %slice3A_109 : vector<1x128xf32> to vector<512x128xf32>
    %add3A_111 = arith.addf %mul3A_105, %add3A_110 : vector<512x128xf32>
    %max3A_112 = arith.constant 0.000000e+00 : f32
    %max3A_113 = vector.broadcast %max3A_112 : f32 to vector<512x128xf32>
    %max3A_114 = arith.maximumf %add3A_111, %max3A_113 : vector<512x128xf32>
    %get3A_115 = arith.constant 0 : index
    %get3A_116 = arith.constant 256 : index
    %get3A_117 = vector.load %arg8[%get3A_115, %get3A_116] : memref<32x512xf32, #tpu.memory_space<vmem>>, vector<32x128xf32>
    %dot_general3A_118 = arith.constant dense<0.000000e+00> : vector<32x128xf32>
    %dot_general3A_119 = tpu.matmul %convert_element_type3A_8, %max3A_114, %dot_general3A_118 {dimension_numbers = #tpu.dot_dimension_numbers<[0], [0], [1], [1], [0, 1, 1, 1], [], []>, precision = #tpu.contract_precision<fp32>, transpose_lhs_hint = false} : vector<512x32xf32>, vector<512x128xf32>, vector<32x128xf32> -> vector<32x128xf32>
    %add3A_120 = arith.addf %get3A_117, %dot_general3A_119 : vector<32x128xf32>
    %swap3A_121 = arith.constant 0 : index
    %swap3A_122 = arith.constant 256 : index
    %swap3A_123 = vector.load %arg8[%swap3A_121, %swap3A_122] : memref<32x512xf32, #tpu.memory_space<vmem>>, vector<32x128xf32>
    tpu.vector_store %arg8[%swap3A_121, %swap3A_122], %add3A_120 {strides = array<i32>} : memref<32x512xf32, #tpu.memory_space<vmem>>, vector<32x128xf32>,
    %get3A_124 = arith.constant 3 : index
    %get3A_125 = arith.constant 0 : index
    %get3A_126 = arith.constant 0 : index
    %get3A_127 = arith.constant 0 : index
    %get3A_128 = vector.load %arg1[%get3A_124, %get3A_125, %get3A_126, %get3A_127] : memref<4x1x512x128xf32, #tpu.memory_space<vmem>>, vector<1x1x512x128xf32>
    %get3A_129 = vector.shape_cast %get3A_128 : vector<1x1x512x128xf32> to vector<512x128xf32>
    %get3A_130 = arith.constant 3 : index
    %get3A_131 = arith.constant 0 : index
    %get3A_132 = arith.constant 0 : index
    %get3A_133 = arith.constant 0 : index
    %get3A_134 = vector.load %arg2[%get3A_130, %get3A_131, %get3A_132, %get3A_133] : memref<4x1x512x128xf32, #tpu.memory_space<vmem>>, vector<1x1x512x128xf32>
    %get3A_135 = vector.shape_cast %get3A_134 : vector<1x1x512x128xf32> to vector<512x128xf32>
    %add3A_136 = arith.addf %get3A_129, %get3A_135 : vector<512x128xf32>
    %get3A_137 = arith.constant 3 : index
    %get3A_138 = arith.constant 0 : index
    %get3A_139 = arith.constant 0 : index
    %get3A_140 = vector.load %arg3[%get3A_137, %get3A_138, %get3A_139] : memref<4x512x128xf32, #tpu.memory_space<vmem>>, vector<1x512x128xf32>
    %get3A_141 = vector.shape_cast %get3A_140 : vector<1x512x128xf32> to vector<512x128xf32>
    %add3A_142 = arith.addf %add3A_136, %get3A_141 : vector<512x128xf32>
    %mul3A_143 = vector.broadcast %slice3A : vector<512x1xf32> to vector<512x128xf32>
    %mul3A_144 = arith.mulf %mul3A_143, %add3A_142 : vector<512x128xf32>
    %get3A_145 = arith.constant 0 : index
    %get3A_146 = arith.constant 0 : index
    %get3A_147 = vector.load %arg5[%get3A_145, %get3A_146] : memref<1x512xf32, #tpu.memory_space<vmem>>, vector<1x512xf32>
    %slice3A_148 = vector.extract_strided_slice %get3A_147 {offsets = [0, 384], sizes = [1, 128], strides = [1, 1]} : vector<1x512xf32> to vector<1x128xf32>
    %add3A_149 = vector.broadcast %slice3A_148 : vector<1x128xf32> to vector<512x128xf32>
    %add3A_150 = arith.addf %mul3A_144, %add3A_149 : vector<512x128xf32>
    %max3A_151 = arith.constant 0.000000e+00 : f32
    %max3A_152 = vector.broadcast %max3A_151 : f32 to vector<512x128xf32>
    %max3A_153 = arith.maximumf %add3A_150, %max3A_152 : vector<512x128xf32>
    %get3A_154 = arith.constant 0 : index
    %get3A_155 = arith.constant 384 : index
    %get3A_156 = vector.load %arg8[%get3A_154, %get3A_155] : memref<32x512xf32, #tpu.memory_space<vmem>>, vector<32x128xf32>
    %dot_general3A_157 = arith.constant dense<0.000000e+00> : vector<32x128xf32>
    %dot_general3A_158 = tpu.matmul %convert_element_type3A_8, %max3A_153, %dot_general3A_157 {dimension_numbers = #tpu.dot_dimension_numbers<[0], [0], [1], [1], [0, 1, 1, 1], [], []>, precision = #tpu.contract_precision<fp32>, transpose_lhs_hint = false} : vector<512x32xf32>, vector<512x128xf32>, vector<32x128xf32> -> vector<32x128xf32>
    %add3A_159 = arith.addf %get3A_156, %dot_general3A_158 : vector<32x128xf32>
    %swap3A_160 = arith.constant 0 : index
    %swap3A_161 = arith.constant 384 : index
    %swap3A_162 = vector.load %arg8[%swap3A_160, %swap3A_161] : memref<32x512xf32, #tpu.memory_space<vmem>>, vector<32x128xf32>
    tpu.vector_store %arg8[%swap3A_160, %swap3A_161], %add3A_159 {strides = array<i32>} : memref<32x512xf32, #tpu.memory_space<vmem>>, vector<32x128xf32>,
    %eq3A_163 = arith.constant 19 : i32
    %eq3A_164 = arith.cmpi eq, %arg0, %eq3A_163 : i32
    %convert_element_type3A_165 = arith.extui %eq3A_164 : i1 to i32
    %cond3A_166 = arith.constant 0 : i32
    %cond3A_167 = arith.cmpi ne, %convert_element_type3A_165, %cond3A_166 : i32
    scf.if %cond3A_167 {
      %get3A_168 = arith.constant 0 : index
      %get3A_169 = arith.constant 0 : index
      %get3A_170 = vector.load %arg8[%get3A_168, %get3A_169] : memref<32x512xf32, #tpu.memory_space<vmem>>, vector<32x512xf32>
      %swap3A_171 = arith.constant 0 : index
      %swap3A_172 = arith.constant 0 : index
      %swap3A_173 = vector.load %arg7[%swap3A_171, %swap3A_172] : memref<32x512xf32, #tpu.memory_space<vmem>>, vector<32x512xf32>
      tpu.vector_store %arg7[%swap3A_171, %swap3A_172], %get3A_170 {strides = array<i32>} : memref<32x512xf32, #tpu.memory_space<vmem>>, vector<32x512xf32>,
    } else {
    }
    return
  }
  func.func @transform_0(%arg0: i32) -> (i32, i32, i32, i32) {
    %c0_i32 = arith.constant 0 : i32
    %c0_i32_0 = arith.constant 0 : i32
    %c0_i32_1 = arith.constant 0 : i32
    %c0_i32_2 = arith.constant 0 : i32
    return %c0_i32, %c0_i32_0, %arg0, %c0_i32_1 : i32, i32, i32, i32
  }
  func.func @transform_1(%arg0: i32) -> (i32, i32, i32, i32) {
    %c0_i32 = arith.constant 0 : i32
    %c1_i32 = arith.constant 1 : i32
    %c0_i32_0 = arith.constant 0 : i32
    %c0_i32_1 = arith.constant 0 : i32
    return %c0_i32, %c1_i32, %arg0, %c0_i32_0 : i32, i32, i32, i32
  }
  func.func @transform_2(%arg0: i32) -> (i32, i32, i32) {
    %c0_i32 = arith.constant 0 : i32
    %c0_i32_0 = arith.constant 0 : i32
    %c0_i32_1 = arith.constant 0 : i32
    return %c0_i32, %arg0, %c0_i32_0 : i32, i32, i32
  }
  func.func @transform_3(%arg0: i32) -> (i32, i32) {
    %c0_i32 = arith.constant 0 : i32
    %c0_i32_0 = arith.constant 0 : i32
    return %arg0, %c0_i32 : i32, i32
  }
  func.func @transform_4(%arg0: i32) -> (i32, i32) {
    %c0_i32 = arith.constant 0 : i32
    %c0_i32_0 = arith.constant 0 : i32
    %c0_i32_1 = arith.constant 0 : i32
    return %c0_i32, %c0_i32_0 : i32, i32
  }
  func.func @transform_5(%arg0: i32) -> (i32, i32) {
    %c0_i32 = arith.constant 0 : i32
    %c0_i32_0 = arith.constant 0 : i32
    return %arg0, %c0_i32 : i32, i32
  }
  func.func @transform_6(%arg0: i32) -> (i32, i32) {
    %c0_i32 = arith.constant 0 : i32
    %c0_i32_0 = arith.constant 0 : i32
    %c0_i32_1 = arith.constant 0 : i32
    return %c0_i32, %c0_i32_0 : i32, i32
  }
}

module attributes {stable_mosaic.version = 14 : i64} {
  func.func @body(%arg0: memref<32x512xf32, #tpu.memory_space<vmem>>, %arg1: memref<32x512xf32, #tpu.memory_space<vmem>>, %arg2: memref<10240x1xi32, #tpu.memory_space<vmem>>, %arg3: memref<1024x1024xf32, #tpu.memory_space<vmem>>, %arg4: memref<1x1024xf32, #tpu.memory_space<vmem>>, %arg5: memref<1024x512xf32, #tpu.memory_space<vmem>>, %arg6: memref<1x512xf32, #tpu.memory_space<vmem>>, %arg7: memref<512x128xf32, #tpu.memory_space<vmem>>, %arg8: memref<1x128xf32, #tpu.memory_space<vmem>>, %arg9: memref<32x128xf32, #tpu.memory_space<vmem>>) attributes {dimension_semantics = [], scalar_prefetch = 0 : i64, scratch_operands = 0 : i64, tpu.core_type = #tpu.core_type<tc>} {
    %get3A = arith.constant 0 : index
    %get3A_0 = arith.constant 0 : index
    %get3A_1 = vector.load %arg2[%get3A, %get3A_0] : memref<10240x1xi32, #tpu.memory_space<vmem>>, vector<10240x1xi32>
    %iota3A = tpu.iota {dimensions = array<i32: 1>} : vector<1x32xi32>
    %eq3A = vector.broadcast %get3A_1 : vector<10240x1xi32> to vector<10240x32xi32>
    %eq3A_2 = vector.broadcast %iota3A : vector<1x32xi32> to vector<10240x32xi32>
    %eq3A_3 = arith.cmpi eq, %eq3A, %eq3A_2 : vector<10240x32xi32>
    %convert_element_type3A = arith.extui %eq3A_3 : vector<10240x32xi1> to vector<10240x32xi32>
    %convert_element_type3A_4 = arith.sitofp %convert_element_type3A : vector<10240x32xi32> to vector<10240x32xf32>
    %broadcast_in_dim3A = arith.constant 1.000000e+00 : f32
    %broadcast_in_dim3A_5 = vector.broadcast %broadcast_in_dim3A : f32 to vector<10240x128xf32>
    %dot_general3A = arith.constant dense<0.000000e+00> : vector<32x128xf32>
    %dot_general3A_6 = tpu.matmul %convert_element_type3A_4, %broadcast_in_dim3A_5, %dot_general3A {dimension_numbers = #tpu.dot_dimension_numbers<[0], [0], [1], [1], [0, 1, 1, 1], [], []>, precision = #tpu.contract_precision<fp32>, transpose_lhs_hint = false} : vector<10240x32xf32>, vector<10240x128xf32>, vector<32x128xf32> -> vector<32x128xf32>
    %get3A_7 = arith.constant 0 : index
    %get3A_8 = arith.constant 0 : index
    %get3A_9 = vector.load %arg0[%get3A_7, %get3A_8] : memref<32x512xf32, #tpu.memory_space<vmem>>, vector<32x512xf32>
    %get3A_10 = arith.constant 0 : index
    %get3A_11 = arith.constant 0 : index
    %get3A_12 = vector.load %arg1[%get3A_10, %get3A_11] : memref<32x512xf32, #tpu.memory_space<vmem>>, vector<32x512xf32>
    %concatenate3A = tpu.concatenate %get3A_9, %get3A_12 in 1 : vector<32x512xf32>, vector<32x512xf32> -> vector<32x1024xf32>
    %slice3A = vector.extract_strided_slice %dot_general3A_6 {offsets = [0, 0], sizes = [32, 1], strides = [1, 1]} : vector<32x128xf32> to vector<32x1xf32>
    %max3A = arith.constant 1.000000e+00 : f32
    %max3A_13 = vector.broadcast %max3A : f32 to vector<32x1xf32>
    %max3A_14 = arith.maximumf %slice3A, %max3A_13 : vector<32x1xf32>
    %div3A = vector.broadcast %max3A_14 : vector<32x1xf32> to vector<32x1024xf32>
    %div3A_15 = arith.divf %concatenate3A, %div3A : vector<32x1024xf32>
    %get3A_16 = arith.constant 0 : index
    %get3A_17 = arith.constant 0 : index
    %get3A_18 = vector.load %arg3[%get3A_16, %get3A_17] : memref<1024x1024xf32, #tpu.memory_space<vmem>>, vector<1024x1024xf32>
    %dot_general3A_19 = arith.constant dense<0.000000e+00> : vector<32x1024xf32>
    %dot_general3A_20 = tpu.matmul %div3A_15, %get3A_18, %dot_general3A_19 {dimension_numbers = #tpu.dot_dimension_numbers<[1], [0], [0], [1], [0, 0, 1, 1], [], []>, transpose_lhs_hint = false} : vector<32x1024xf32>, vector<1024x1024xf32>, vector<32x1024xf32> -> vector<32x1024xf32>
    %get3A_21 = arith.constant 0 : index
    %get3A_22 = arith.constant 0 : index
    %get3A_23 = vector.load %arg4[%get3A_21, %get3A_22] : memref<1x1024xf32, #tpu.memory_space<vmem>>, vector<1x1024xf32>
    %add3A = vector.broadcast %get3A_23 : vector<1x1024xf32> to vector<32x1024xf32>
    %add3A_24 = arith.addf %dot_general3A_20, %add3A : vector<32x1024xf32>
    %max3A_25 = arith.constant 0.000000e+00 : f32
    %max3A_26 = vector.broadcast %max3A_25 : f32 to vector<32x1024xf32>
    %max3A_27 = arith.maximumf %add3A_24, %max3A_26 : vector<32x1024xf32>
    %get3A_28 = arith.constant 0 : index
    %get3A_29 = arith.constant 0 : index
    %get3A_30 = vector.load %arg5[%get3A_28, %get3A_29] : memref<1024x512xf32, #tpu.memory_space<vmem>>, vector<1024x512xf32>
    %dot_general3A_31 = arith.constant dense<0.000000e+00> : vector<32x512xf32>
    %dot_general3A_32 = tpu.matmul %max3A_27, %get3A_30, %dot_general3A_31 {dimension_numbers = #tpu.dot_dimension_numbers<[1], [0], [0], [1], [0, 0, 1, 1], [], []>, transpose_lhs_hint = false} : vector<32x1024xf32>, vector<1024x512xf32>, vector<32x512xf32> -> vector<32x512xf32>
    %get3A_33 = arith.constant 0 : index
    %get3A_34 = arith.constant 0 : index
    %get3A_35 = vector.load %arg6[%get3A_33, %get3A_34] : memref<1x512xf32, #tpu.memory_space<vmem>>, vector<1x512xf32>
    %add3A_36 = vector.broadcast %get3A_35 : vector<1x512xf32> to vector<32x512xf32>
    %add3A_37 = arith.addf %dot_general3A_32, %add3A_36 : vector<32x512xf32>
    %max3A_38 = arith.constant 0.000000e+00 : f32
    %max3A_39 = vector.broadcast %max3A_38 : f32 to vector<32x512xf32>
    %max3A_40 = arith.maximumf %add3A_37, %max3A_39 : vector<32x512xf32>
    %get3A_41 = arith.constant 0 : index
    %get3A_42 = arith.constant 0 : index
    %get3A_43 = vector.load %arg7[%get3A_41, %get3A_42] : memref<512x128xf32, #tpu.memory_space<vmem>>, vector<512x128xf32>
    %dot_general3A_44 = arith.constant dense<0.000000e+00> : vector<32x128xf32>
    %dot_general3A_45 = tpu.matmul %max3A_40, %get3A_43, %dot_general3A_44 {dimension_numbers = #tpu.dot_dimension_numbers<[1], [0], [0], [1], [0, 0, 1, 1], [], []>, transpose_lhs_hint = false} : vector<32x512xf32>, vector<512x128xf32>, vector<32x128xf32> -> vector<32x128xf32>
    %get3A_46 = arith.constant 0 : index
    %get3A_47 = arith.constant 0 : index
    %get3A_48 = vector.load %arg8[%get3A_46, %get3A_47] : memref<1x128xf32, #tpu.memory_space<vmem>>, vector<1x128xf32>
    %add3A_49 = vector.broadcast %get3A_48 : vector<1x128xf32> to vector<32x128xf32>
    %add3A_50 = arith.addf %dot_general3A_45, %add3A_49 : vector<32x128xf32>
    %swap3A = arith.constant 0 : index
    %swap3A_51 = arith.constant 0 : index
    %swap3A_52 = vector.load %arg9[%swap3A, %swap3A_51] : memref<32x128xf32, #tpu.memory_space<vmem>>, vector<32x128xf32>
    tpu.vector_store %arg9[%swap3A, %swap3A_51], %add3A_50 {strides = array<i32>} : memref<32x128xf32, #tpu.memory_space<vmem>>, vector<32x128xf32>,
    return
  }
}

</mosaic_0001>

<sc_bundles>
// kernel: kernel.11.cloned.1.call-start
scs
__scs_entry_jumppad:
0x0: {  	(pc) =	sbr.rel $0x88, $3  }
0x1: {  	(tag) =	ssettag $0x0;
	lr =	simm.s32 $0x1  }
0x2: {  	[smem:$0x3F94] =	sst lr;
	_ =	strace $0xD0000000  }
0x3: {  	_ = 	snop  }
0x4: {  	_ = 	snop  }
0x5: {  	_ = 	snop  }
0x6: {  	_ = 	snop  }
0x7: {  	_ = 	snop  }
__scs_overlays_trampoline_lowered:
0x8: {  	[smem:$0x3FA3] =	sst s0  }
0x9: {  	[smem:$0x3FA4] =	sst s1  }
0xa: {  	[smem:$0x3FA5] =	sst s2  }
0xb: {  	[smem:$0x3FA6] =	sst s3  }
0xc: {  	[smem:$0x3FA7] =	sst s4  }
0xd: {  	[smem:$0x3FA8] =	sst s5  }
0xe: {  	[smem:$0x3FA9] =	sst s6  }
0xf: {  	[smem:$0x3FAA] =	sst s7  }
0x10: {  	[smem:$0x3FAB] =	sst s8  }
0x11: {  	[smem:$0x3FAC] =	sst s9;
	s0 =	simm.s32 @!p0 $0x0  }
0x12: {  	s1 =	sld [smem:$0x3F92];
	s0 =	simm.s32 @p0 $0x1  }
0x13: {  	[smem:$0x3FAD] =	sst s0;
	s0 =	simm.s32 @!p1 $0x0  }
0x14: {  	s2 =	sld [smem:$0x3F91];
	s0 =	simm.s32 @p1 $0x1  }
0x15: {  	[smem:$0x3FAE] =	sst s0;
	s0 =	simm.s32 @!p2 $0x0  }
0x16: {  	s3 =	sld [smem:$0x3FDB];
	s0 =	simm.s32 @p2 $0x1  }
0x17: {  	s4 =	simm.s32 $0x1BF5;
	[smem:$0x3FB0] =	sst s0  }
0x18: {  	s0 =	sld [smem:$0x3F93];
	_ =	swait.ge [sflag:s4], $0x0  }
0x19: {  	s7 =	sld [smem:$0x3F94]  }
0x1a: {  	s8 =	sadd.s32 $0xFFFFE003, lr  }
0x1b: {  	s9 =	sadd.s32 $0xFFFFFEF7, lr;
	s5 =	simm.s32 $0xFFFFFFFF;
	p2 =	slt.u32 s8, $0xFFFFF086  }
0x1c: {  	p1 =	slt.u32 s9, $0xF7A;
	s5 =	simm.s32 @!p2 $0x0  }
0x1d: {  	s5 =	simm.s32 @p1 $0x1;
	p0 =	seq.s32 s7, s2  }
0x1e: {  	s7 =	smul.u32 @!p0 $0xF7A, s2;
	p2 =	seq.s32 @!p0 s5, $0x0  }
0x1f: {  	s9 =	smul.u32 $0xF7A, s1;
	s8 =	simm.s32 @!p0 $0x1BF5;
	p2 =	por !p2, p0  }
0x20: {  	[sflag:s8] =	ssyncset.s32 @!p0 $0xFFFFF086;
	s6 =	sadd.s32 @!p0 s3, s7;
	s7 =	simm.s32 @!p0 $0x108  }
0x21: {  	s3 =	sadd.s32 s3, s9;
	s6 =	sadd.s32 @!p0 $0x88, s6;
	s7 =	simm.s32 @p2 $0x1082  }
0x22: {  	[simem:s7], [sflag:s8] =	dma.local @!p0 [hbm:s6], $0xF7A  }
0x23: {  	s9 =	sor.u32 $0xD0000000, s2;
	s6 =	simm.s32 $0x108;
	_ =	swait.ge @!p0 [sflag:s8], $0x0  }
0x24: {  	s3 =	sadd.s32 $0x88, s3;
	s6 =	simm.s32 @!p1 $0x1082;
	[sflag:s4] =	ssyncset.s32 $0xFFFFF086  }
0x25: {  	[simem:s6], [sflag:s4] =	dma.local [hbm:s3], $0xF7A  }
0x26: {  	[smem:$0x3F94] =	sst s1;
	(tag) =	ssettag s2;
	_ =	strace s9  }
0x27: {  	s1 =	sld [smem:$0x3FA4]  }
0x28: {  	s2 =	sld [smem:$0x3FA5]  }
0x29: {  	s4 =	sld [smem:$0x3FA7]  }
0x2a: {  	p0 =	seq.s32 s5, $0x0;
	s5 =	sld [smem:$0x3FA8]  }
0x2b: {  	s6 =	sld [smem:$0x3FA9]  }
0x2c: {  	s7 =	sld [smem:$0x3FAA]  }
0x2d: {  	s3 =	simm.s32 $0x108;
	s8 =	sld [smem:$0x3FAB]  }
0x2e: {  	s3 =	simm.s32 @!p0 $0x1082;
	s9 =	sld [smem:$0x3FAC]  }
0x2f: {  	lr =	sadd.s32 s0, s3;
	s0 =	sld [smem:$0x3FA3]  }
0x30: {  	s3 =	sld [smem:$0x3FA6]  }
0x31: {  	[smem:$0x3FAF] =	sst s10  }
0x32: {  	s10 =	sld [smem:$0x3FAD];
	_ =	sdelay $0x3  }
0x33: {  	p0 =	seq.s32 s10, $0x1;
	s10 =	sld [smem:$0x3FAF];
	_ =	sdelay $0x3  }
0x34: {  	[smem:$0x3FAF] =	sst s10  }
0x35: {  	s10 =	sld [smem:$0x3FAE];
	_ =	sdelay $0x3  }
0x36: {  	p1 =	seq.s32 s10, $0x1;
	s10 =	sld [smem:$0x3FAF];
	_ =	sdelay $0x3  }
0x37: {  	[smem:$0x3FAF] =	sst s10  }
0x38: {  	s10 =	sld [smem:$0x3FB0]  }
0x39: {  	_ = 	snop;
	(pc) =	sbr.ind lr, $3  }
0x3a: {  	_ = 	snop  }
0x3b: {  	_ = 	snop  }
0x3c: {  	p2 =	seq.s32 s10, $0x1;
	s10 =	sld [smem:$0x3FAF]  }
0x3d: {  	_ =	shalt  }
0x3e: {  	_ =	shalt  }
0x3f: {  	_ =	shalt  }
0x40: {  	_ =	shalt  }
0x41: {  	_ =	shalt  }
0x42: {  	_ =	shalt  }
0x43: {  	_ =	shalt  }
0x44: {  	_ =	shalt  }
0x45: {  	_ =	shalt  }
0x46: {  	_ =	shalt  }
0x47: {  	_ =	shalt  }
0x48: {  	_ =	shalt  }
0x49: {  	_ =	shalt  }
0x4a: {  	_ =	shalt  }
0x4b: {  	_ =	shalt  }
0x4c: {  	_ =	shalt  }
0x4d: {  	_ =	shalt  }
0x4e: {  	_ =	shalt  }
0x4f: {  	_ =	shalt  }
0x50: {  	_ =	shalt  }
0x51: {  	_ =	shalt  }
0x52: {  	_ =	shalt  }
0x53: {  	_ =	shalt  }
0x54: {  	_ =	shalt  }
0x55: {  	_ =	shalt  }
0x56: {  	_ =	shalt  }
0x57: {  	_ =	shalt  }
0x58: {  	_ =	shalt  }
0x59: {  	_ =	shalt  }
0x5a: {  	_ =	shalt  }
0x5b: {  	_ =	shalt  }
0x5c: {  	_ =	shalt  }
0x5d: {  	_ =	shalt  }
0x5e: {  	_ =	shalt  }
0x5f: {  	_ =	shalt  }
0x60: {  	_ =	shalt  }
0x61: {  	_ =	shalt  }
0x62: {  	_ =	shalt  }
0x63: {  	_ =	shalt  }
0x64: {  	_ =	shalt  }
0x65: {  	_ =	shalt  }
0x66: {  	_ =	shalt  }
0x67: {  	_ =	shalt  }
0x68: {  	_ =	shalt  }
0x69: {  	_ =	shalt  }
0x6a: {  	_ =	shalt  }
0x6b: {  	_ =	shalt  }
0x6c: {  	_ =	shalt  }
0x6d: {  	_ =	shalt  }
0x6e: {  	_ =	shalt  }
0x6f: {  	_ =	shalt  }
0x70: {  	_ =	shalt  }
0x71: {  	_ =	shalt  }
0x72: {  	_ =	shalt  }
0x73: {  	_ =	shalt  }
0x74: {  	_ =	shalt  }
0x75: {  	_ =	shalt  }
0x76: {  	_ =	shalt  }
0x77: {  	_ =	shalt  }
0x78: {  	_ =	shalt  }
0x79: {  	_ =	shalt  }
0x7a: {  	_ =	shalt  }
0x7b: {  	_ =	shalt  }
0x7c: {  	_ =	shalt  }
0x7d: {  	_ =	shalt  }
0x7e: {  	_ =	shalt  }
0x7f: {  	_ =	shalt  }
0x80: {  	_ =	shalt  }
0x81: {  	_ =	shalt  }
0x82: {  	_ =	shalt  }
0x83: {  	_ =	shalt  }
0x84: {  	_ =	shalt  }
0x85: {  	_ =	shalt  }
0x86: {  	_ =	shalt  }
0x87: {  	_ =	shalt  }
.Lfunc_end0:
.L_simem_size_0:
called_computation_lowered:
.L_overlay_start_0:
0x88: {  	s2 =	sld [smem:$0x3FD9]  }
0x89: {  	s3 =	sld [smem:$0x3FFE];
	_ =	sdelay $0x1  }
0x8a: {  	s1 =	srdreg.scid  }
0x8b: {  	s0 =	sand.u32 $0x1, s1  }
0x8c: {  	s16 =	sshll.u32 s0, $0xA;
	s2 =	sadd.s32 s3, s2  }
0x8d: {  	s2 =	sadd.s32 s2, s16  }
0x8e: {  	[smem:$0x3FBB] =	sst s2  }
0x8f: {  	_ = 	snop  }
0x90: {  	(tm) =	ssettm $0x1  }
0x91: {  	s17 =	sld [smem:$0x3FFB];
	_ =	sdelay $0x3  }
0x92: {  	_ =	strace s17  }
0x93: {  	s2 =	sld [smem:$0x3FFC];
	_ =	sdelay $0x3  }
0x94: {  	_ =	strace s2  }
0x95: {  	s2 =	sld [smem:$0x3FFD];
	_ =	sdelay $0x3  }
0x96: {  	_ =	strace s2  }
0x97: {  	_ =	strace $0x8FFFFFFF  }
0x98: {  	s18 =	sld [smem:$0x3FDB];
	_ =	sdelay $0x1  }
0x99: {  	s19 =	simm.s32 $_scs_section_size  }
0x9a: {  	s4 =	simm.s32 $_size__tile_overlayer_lowered;
	s5 =	simm.s32 $_tile_overlayer_lowered  }
0x9b: {  	s22 =	simm.s32 $0x1BFF;
	s21 =	sshll.u32 s5, $0x1;
	s2 =	sadd.s32 s19, s18  }
0x9c: {  	s6 =	simm.s32 $0x0;
	s20 =	sshll.u32 s4, $0x1;
	s4 =	sadd.s32 s21, s2  }
0x9d: {  	[timem:s6], [sflag:s22] =	dma.local [hbm:s4], s20  }
0x9e: {  	_ =	swait.ge [sflag:s22], s20  }
0x9f: {  	s3 =	ssub.s32 $0x0, s20;
	[sflag:s22] =	ssyncset.done $0x0  }
0xa0: {  	[sflag:s22] =	ssyncadd.s32 s3;
	_ =	sdelay $0x1  }
0xa1: {  	s23 =	simm.s32 $0x1B8B  }
0xa2: {  	_ =	swait.ge [sflag:s23], $0x1  }
0xa3: {  	[sflag:s23] =	ssyncset.done $0x0  }
0xa4: {  	s25 =	simm.s32 $0x1B8E;
	s24 =	sld [smem:$0x3FFE];
	[sflag:s23] =	ssyncadd.s32 $0xFFFFFFFF  }
0xa5: {  	s26 =	simm.s32 $execute0_lowered;
	[smem:$0x3FD2] =	sst s25  }
0xa6: {  	s4 =	sshll.u32 s26, $0x1;
	_ =	strace $0x80000046;
	[dreg:$0x1] =	wrdreg $0xFFFFFFFF  }
0xa7: {  	s28 =	simm.s32 $_size_execute0_lowered;
	s2 =	sadd.s32 s2, s4;
	[dreg:$0x0] =	wrdreg $0x0  }
0xa8: {  	s4 =	sshll.u32 s28, $0x1;
	[dreg:$0x2] =	wrdreg s2  }
0xa9: {  	[dreg:$0x3] =	wrdreg s4  }
0xaa: {  	[dreg:$0x4] =	wrdreg $0xC0  }
0xab: {  	_ =	task [dreg:s6], $0x5FFFF  }
0xac: {  	[dreg:$0x1] =	wrdreg $0xFFFFFFFF  }
0xad: {  	[dreg:$0x0] =	wrdreg $0x60  }
0xae: {  	[dreg:$0x2] =	wrdreg s24  }
0xaf: {  	[dreg:$0x3] =	wrdreg $0x0  }
0xb0: {  	[dreg:$0x4] =	wrdreg $0x9  }
0xb1: {  	_ =	task.clear_ibuf [dreg:s6], $0x5FFFF;
	_ =	strace $0x90000046  }
0xb2: {  	s29 =	simm.s32 $0x9;
	_ =	strace $0x80000048  }
0xb3: {  	_ =	swait.ge [sflag:s29], $0x1  }
0xb4: {  	[sflag:s29] =	ssyncadd.s32 $0xFFFFFFFF  }
0xb5: {  	_ =	strace $0x90000048  }
0xb6: {  	_ =	sfence  }
0xb7: {  	s30 =	sld [smem:$0x0];
	_ =	sdelay $0x2  }
0xb8: {  	s31 =	sshll.u32 s1, $0xD;
	s1 =	sshrl.u32 s1, $0x2  }
0xb9: {  	s3 =	sand.u32 $0x4000, s31;
	s1 =	sadd.s32 s1, s30  }
0xba: {  	s0 =	sor.u32 s3, s0;
	s1 =	sshll.u32 s1, $0x11  }
0xbb: {  	s0 =	sor.u32 s1, s0  }
0xbc: {  	s0 =	sadd.s32 $0x8F2B, s0  }
0xbd: {  	[sflag:s0] =	ssyncadd.remote.s32 $0x1  }
0xbe: {  	_ =	sfence.sel $0xFFFF  }
0xbf: {  	[dreg:$0x0] =	wrdreg $0xFFFFFFFF;
	(pc) =	sbr.abs _section_cstart, $3  }
0xc0: {  	[dreg:$0x1] =	wrdreg $0xFFFFFFFF  }
0xc1: {  	_ =	task.clear_ibuf [dreg:s6], $0x2FFFF;
	_ =	strace $0x9FFFFFFF  }
0xc2: {  	(tm) =	ssettm $0x7FFFFFFF  }
0xc3: {  	_ =	shalt  }
tec
execute0_lowered:
.L_overlay_start_1:
0x0: {  	(tag) =	ssettag $0x1  }
0x1: {  	s0 =	rddreg [dreg:$0x0]  }
0x2: {  	s2 =	rddreg [dreg:$0x1]  }
0x3: {  	s1 =	srdreg.scid;
	s4 =	stileid.u32  }
0x4: {  	s3 =	simm.s32 $0x0;
	s9 =	simm.s32 $0x2800;
	s10 =	simm.s32 $0x9  }
0x5: {  	s11 =	simm.s32 $0x3C00;
	s13 =	simm.s32 $0x80;
	s14 =	simm.s32 $0x5000  }
0x6: {  	s16 =	simm.s32 $0x5800;
	s17 =	simm.s32 $0x1;
	s19 =	simm.s32 $0x6000  }
0x7: {  	s20 =	simm.s32 $0x2;
	s23 =	simm.s32 $0x6800;
	s24 =	simm.s32 $0x3  }
0x8: {  	s25 =	simm.s32 $0x3D00;
	s28 =	simm.s32 $0x2A00;
	s29 =	simm.s32 $0x4  }
0x9: {  	s30 =	simm.s32 $0x3D80;
	s31 =	simm.s32 $0x6;
	s12 =	simm.s32 $0x8  }
0xa: {  	s1 =	sand.u32 $0x1, s1;
	s6 =	smul.u32 $0x2800, s4;
	s4 =	sshll.u32 s4, $0x1  }
0xb: {  	[smem:$0x7FF] =	sst s3;
	s5 =	smul.u32 $0x28000, s1;
	s4 =	sor.u32 s1, s4  }
0xc: {  	_ =	strace $0x80000047;
	s1 =	ssub.s32 $0x2, s1;
	s7 =	smul.u32 $0x280, s4  }
.Ltmp0:
0xd: {  	s4 =	sadd.s32 $0xCE00, s0;
	s26 =	sshrl.u32 s1, $0x1;
	(pc) =	sbr.rel .LBB2_1-.Ltmp0, $4  }
0xe: {  	s5 =	sadd.s32 s6, s5;
	s1 =	ssub.s32 s1, s26;
	s6 =	sadd.s32 s6, s2  }
0xf: {  	s26 =	simm.s32 $0x5;
	s5 =	sshrl.u32 s5, $0x3;
	s7 =	sadd.s32 s7, s0  }
0x10: {  	s8 =	smax.u32 s1, $0x1;
	s1 =	simm.s32 $0x7;
	s0 =	sadd.s32 s5, s0  }
0x11: {  	v0 =	vimm.f32 $0.0e+00;
	s5 =	sadd.s32 $0x7E00, s7;
	s7 =	sadd.s32 $0x11E00, s0;
	s0 =	simm.s32 $0x2A80  }
.LBB2_6:
0x12: {  	_ =	swait.ge [sflag:s29], $0x800  }
0x13: {  	[sflag:s29] =	ssyncset.done $0x0  }
0x14: {  	[sflag:s29] =	ssyncadd.s32 $0xFFFFF800  }
0x15: {  	[spmem:s2] =	stream.indirect.scatter.add.f32 [tilespmem:s23], [sflag:$0x8], $0x10, s21, s13, $0xb8;
	[tilespmem:$0x9800] =	vst v63  }
0x16: {  	_ =	swait.ge [sflag:s26], $0x800  }
0x17: {  	[sflag:s26] =	ssyncset.done $0x0  }
0x18: {  	[sflag:s26] =	ssyncadd.s32 $0xFFFFF800  }
0x19: {  	_ =	swait.ge [sflag:s31], $0x800  }
0x1a: {  	[sflag:s31] =	ssyncset.done $0x0  }
0x1b: {  	[sflag:s31] =	ssyncadd.s32 $0xFFFFF800  }
0x1c: {  	_ =	swait.ge [sflag:s1], $0x800  }
0x1d: {  	[sflag:s1] =	ssyncset.done $0x0  }
0x1e: {  	[sflag:s1] =	ssyncadd.s32 $0xFFFFF800  }
0x1f: {  	s15 =	stileid.u32;
	_ =	swait.ge [sflag:s12], $0x800  }
0x20: {  	s18 =	sshrl.u32 s6, $0x3;
	s3 =	sadd.s32 $0x1, s3;
	[sflag:s12] =	ssyncset.done $0x0  }
0x21: {  	s15 =	sshll.u32 s15, $0x6;
	p0 =	sne.s32 s3, s8;
	[sflag:s12] =	ssyncadd.s32 $0xFFFFF800  }
.Ltmp1:
0x22: {  	s15 =	sor.u32 $0x1C09, s15;
	[bflag:$0x0] =	sbarrier.arrive $0xFFFF;
	(pc) =	sbr.rel @!p0 .LBB2_7-.Ltmp1, $4  }
0x23: {  	[hbm:s7], [sflag:s15] =	dma.local [spmem:s18], $0x500  }
0x24: {  	_ =	swait.ge [sflag:s10], $0x500  }
0x25: {  	[sflag:s10] =	ssyncset.done $0x0  }
0x26: {  	[sflag:s10] =	ssyncadd.s32 $0xFFFFFB00  }
.LBB2_1:
0x27: {  	s15 =	simm.s32 $0x40;
	s18 =	simm.s32 $0x0  }
.LBB2_2:
0x28: {  	p0 =	sne.s32 s15, $0x9FC0;
	[tilespmem:s18+$0x7000] =	vst v0;
	s18 =	smov.u32 s15;
	s15 =	sadd.s32 $0x40, s15  }
.Ltmp2:
0x29: {  	(pc) =	sbr.rel @p0 .LBB2_2-.Ltmp2, $2  }
0x2a: {  	_ =	sdelay $0x2  }
0x2b: {  	s18 =	sshra.s32 s18, $0x2  }
0x2c: {  	[tilespmem:s18+$0x7000] =	vst v0;
	s15 =	simm.s32 $0x0  }
0x2d: {  	[tilespmem:s9], [sflag:$0x9] =	stream.linear.gather [hbm4b:s5+s15], $0x1400, $0x38;
	[tilespmem:$0x9800] =	vst v63  }
0x2e: {  	_ =	swait.ge [sflag:s10], $0x1400  }
0x2f: {  	[sflag:s10] =	ssyncset.done $0x0  }
0x30: {  	[sflag:s10] =	ssyncadd.s32 $0xFFFFEC00  }
0x31: {  	[tilespmem:s11], [sflag:$0x9] =	stream.linear.gather [hbm4b:s5+s15], $0x1400, $0x38;
	[tilespmem:$0x9800] =	vst v63  }
0x32: {  	_ =	swait.ge [sflag:s10], $0x1400  }
0x33: {  	[sflag:s10] =	ssyncset.done $0x0  }
0x34: {  	s22 =	simm.s32 $0x7000;
	[sflag:s10] =	ssyncadd.s32 $0xFFFFEC00  }
0x35: {  	[spmem:s6] =	stream.linear.scatter [tilespmem:s22], [sflag:$0x9], $0x2800, $0x38;
	[tilespmem:$0x9800] =	vst v63  }
0x36: {  	_ =	swait.ge [sflag:s10], $0x2800  }
0x37: {  	[sflag:s10] =	ssyncset.done $0x0  }
0x38: {  	[sflag:s10] =	ssyncadd.s32 $0xFFFFD800  }
0x39: {  	[bflag:$0x0] =	sbarrier.arrive $0xFFFF  }
0x3a: {  	[tilespmem:s14], [sflag:$0x1] =	stream.indirect.gather [hbm4b:s4+s13], $0x10, s9, s13, $0xb8;
	[tilespmem:$0x9800] =	vst v63  }
0x3b: {  	s21 =	simm.s32 $0x2880  }
0x3c: {  	[tilespmem:s16], [sflag:$0x2] =	stream.indirect.gather [hbm4b:s4+s13], $0x10, s21, s13, $0xb8;
	[tilespmem:$0x9800] =	vst v63  }
0x3d: {  	_ =	swait.ge [sflag:s17], $0x800  }
0x3e: {  	[sflag:s17] =	ssyncset.done $0x0  }
0x3f: {  	[sflag:s17] =	ssyncadd.s32 $0xFFFFF800  }
0x40: {  	[spmem:s2] =	stream.indirect.scatter.add.f32 [tilespmem:s14], [sflag:$0x5], $0x10, s11, s13, $0xb8;
	[tilespmem:$0x9800] =	vst v63  }
0x41: {  	s22 =	simm.s32 $0x2900  }
0x42: {  	[tilespmem:s19], [sflag:$0x3] =	stream.indirect.gather [hbm4b:s4+s13], $0x10, s22, s13, $0xb8;
	[tilespmem:$0x9800] =	vst v63  }
0x43: {  	_ =	swait.ge [sflag:s20], $0x800  }
0x44: {  	[sflag:s20] =	ssyncset.done $0x0  }
0x45: {  	s21 =	simm.s32 $0x3C80;
	[sflag:s20] =	ssyncadd.s32 $0xFFFFF800  }
0x46: {  	[spmem:s2] =	stream.indirect.scatter.add.f32 [tilespmem:s16], [sflag:$0x6], $0x10, s21, s13, $0xb8;
	[tilespmem:$0x9800] =	vst v63  }
0x47: {  	s22 =	simm.s32 $0x2980  }
0x48: {  	[tilespmem:s23], [sflag:$0x4] =	stream.indirect.gather [hbm4b:s4+s13], $0x10, s22, s13, $0xb8;
	[tilespmem:$0x9800] =	vst v63  }
0x49: {  	_ =	swait.ge [sflag:s24], $0x800  }
0x4a: {  	[sflag:s24] =	ssyncset.done $0x0  }
0x4b: {  	[sflag:s24] =	ssyncadd.s32 $0xFFFFF800  }
0x4c: {  	[spmem:s2] =	stream.indirect.scatter.add.f32 [tilespmem:s19], [sflag:$0x7], $0x10, s25, s13, $0xb8;
	[tilespmem:$0x9800] =	vst v63  }
0x4d: {  	_ =	swait.ge [sflag:s26], $0x800  }
0x4e: {  	[sflag:s26] =	ssyncset.done $0x0  }
0x4f: {  	[sflag:s26] =	ssyncadd.s32 $0xFFFFF800  }
0x50: {  	[tilespmem:s14], [sflag:$0x1] =	stream.indirect.gather [hbm4b:s4+s13], $0x10, s28, s13, $0xb8;
	[tilespmem:$0x9800] =	vst v63  }
0x51: {  	_ =	swait.ge [sflag:s29], $0x800  }
0x52: {  	[sflag:s29] =	ssyncset.done $0x0  }
0x53: {  	[sflag:s29] =	ssyncadd.s32 $0xFFFFF800  }
0x54: {  	[spmem:s2] =	stream.indirect.scatter.add.f32 [tilespmem:s23], [sflag:$0x8], $0x10, s30, s13, $0xb8;
	[tilespmem:$0x9800] =	vst v63  }
0x55: {  	_ =	swait.ge [sflag:s31], $0x800  }
0x56: {  	[sflag:s31] =	ssyncset.done $0x0  }
0x57: {  	[sflag:s31] =	ssyncadd.s32 $0xFFFFF800  }
0x58: {  	[tilespmem:s16], [sflag:$0x2] =	stream.indirect.gather [hbm4b:s4+s13], $0x10, s0, s13, $0xb8;
	[tilespmem:$0x9800] =	vst v63  }
.LBB2_4:
0x59: {  	_ =	swait.ge [sflag:s17], $0x800  }
0x5a: {  	s18 =	sshra.s32 s15, $0x2;
	[sflag:s17] =	ssyncset.done $0x0  }
0x5b: {  	s21 =	sadd.s32 $0x3E00, s18;
	[sflag:s17] =	ssyncadd.s32 $0xFFFFF800  }
0x5c: {  	[spmem:s2] =	stream.indirect.scatter.add.f32 [tilespmem:s14], [sflag:$0x5], $0x10, s21, s13, $0xb8;
	[tilespmem:$0x9800] =	vst v63  }
0x5d: {  	_ =	swait.ge [sflag:s1], $0x800  }
0x5e: {  	[sflag:s1] =	ssyncset.done $0x0  }
0x5f: {  	s22 =	sadd.s32 $0x2B00, s18;
	[sflag:s1] =	ssyncadd.s32 $0xFFFFF800  }
0x60: {  	[tilespmem:s19], [sflag:$0x3] =	stream.indirect.gather [hbm4b:s4+s13], $0x10, s22, s13, $0xb8;
	[tilespmem:$0x9800] =	vst v63  }
0x61: {  	_ =	swait.ge [sflag:s20], $0x800  }
0x62: {  	[sflag:s20] =	ssyncset.done $0x0  }
0x63: {  	s22 =	sadd.s32 $0x3E80, s18;
	[sflag:s20] =	ssyncadd.s32 $0xFFFFF800  }
0x64: {  	[spmem:s2] =	stream.indirect.scatter.add.f32 [tilespmem:s16], [sflag:$0x6], $0x10, s22, s13, $0xb8;
	[tilespmem:$0x9800] =	vst v63  }
0x65: {  	_ =	swait.ge [sflag:s12], $0x800  }
0x66: {  	[sflag:s12] =	ssyncset.done $0x0  }
0x67: {  	p0 =	seq.s32 s15, $0x4000;
	s22 =	sadd.s32 $0x2B80, s18;
	[sflag:s12] =	ssyncadd.s32 $0xFFFFF800  }
0x68: {  	[tilespmem:s23], [sflag:$0x4] =	stream.indirect.gather [hbm4b:s4+s13], $0x10, s22, s13, $0xb8;
	[tilespmem:$0x9800] =	vst v63  }
.Ltmp3:
0x69: {  	_ = 	snop;
	(pc) =	sbr.rel @p0 .LBB2_6-.Ltmp3, $4  }
0x6a: {  	_ =	swait.ge [sflag:s24], $0x800  }
0x6b: {  	[sflag:s24] =	ssyncset.done $0x0  }
0x6c: {  	s21 =	sadd.s32 $0x3F80, s18;
	s22 =	sadd.s32 $0x3F00, s18;
	[sflag:s24] =	ssyncadd.s32 $0xFFFFF800  }
0x6d: {  	[spmem:s2] =	stream.indirect.scatter.add.f32 [tilespmem:s19], [sflag:$0x7], $0x10, s22, s13, $0xb8;
	[tilespmem:$0x9800] =	vst v63  }
0x6e: {  	_ =	swait.ge [sflag:s26], $0x800  }
0x6f: {  	[sflag:s26] =	ssyncset.done $0x0  }
0x70: {  	s22 =	sadd.s32 $0x2C00, s18;
	[sflag:s26] =	ssyncadd.s32 $0xFFFFF800  }
0x71: {  	[tilespmem:s14], [sflag:$0x1] =	stream.indirect.gather [hbm4b:s4+s13], $0x10, s22, s13, $0xb8;
	[tilespmem:$0x9800] =	vst v63  }
0x72: {  	_ =	swait.ge [sflag:s29], $0x800  }
0x73: {  	[sflag:s29] =	ssyncset.done $0x0  }
0x74: {  	[sflag:s29] =	ssyncadd.s32 $0xFFFFF800  }
0x75: {  	[spmem:s2] =	stream.indirect.scatter.add.f32 [tilespmem:s23], [sflag:$0x8], $0x10, s21, s13, $0xb8;
	[tilespmem:$0x9800] =	vst v63  }
.Ltmp4:
0x76: {  	_ = 	snop;
	(pc) =	sbr.rel .LBB2_4-.Ltmp4, $4  }
0x77: {  	_ =	swait.ge [sflag:s31], $0x800  }
0x78: {  	[sflag:s31] =	ssyncset.done $0x0  }
0x79: {  	s15 =	sadd.s32 $0x800, s15;
	s22 =	sadd.s32 $0x2C80, s18;
	[sflag:s31] =	ssyncadd.s32 $0xFFFFF800  }
0x7a: {  	[tilespmem:s16], [sflag:$0x2] =	stream.indirect.gather [hbm4b:s4+s13], $0x10, s22, s13, $0xb8;
	[tilespmem:$0x9800] =	vst v63  }
.LBB2_7:
0x7b: {  	_ =	sfence.sel $0x180000  }
0x7c: {  	[bflag:$0x0] =	sbarrier.arrive $0xFFFF  }
0x7d: {  	_ =	strace $0x90000047  }
0x7e: {  	s0 =	stileid.u32;
	[bflag:$0x2] =	sbarrier.arrive $0xFFFF  }
0x7f: {  	p0 =	sne.s32 s0, $0x0;
	s0 =	rddreg [dreg:$0x2]  }
0x80: {  	s0 =	sadd.s32 @!p0 $0x100000, s0  }
0x81: {  	[sflag:s0] =	ssyncadd.tile.s32 @!p0 $0x1;
	_ =	shalt  }
.Lfunc_end2:
_tile_overlayer_lowered:
.L_overlay_start_2:
0x82: {  	(tag) =	ssettag $0x2  }
0x83: {  	s0 =	rddreg [dreg:$0x0];
	s2 =	stileid.u32  }
0x84: {  	s1 =	rddreg [dreg:$0x1];
	p0 =	sne.s32 s2, $0x0  }
0x85: {  	s3 =	rddreg [dreg:$0x2];
	[bflag:$0x3] =	sbarrier.arrive $0xFFFF;
	s2 =	simm.s32 @!p0 $0x1C09  }
0x86: {  	[timem:s3], [sflag:s2] =	dma.local @!p0 [hbm:s0], s1  }
0x87: {  	s0 =	simm.s32 @!p0 $0x9  }
0x88: {  	_ =	swait.ge @!p0 [sflag:s0], s1  }
0x89: {  	s1 =	ssub.s32 @!p0 $0x0, s1;
	[sflag:s0] =	ssyncset.done @!p0 $0x0  }
0x8a: {  	[sflag:s0] =	ssyncadd.s32 @!p0 s1  }
0x8b: {  	[bflag:$0x3] =	sbarrier.arrive $0xFFFF  }
0x8c: {  	_ =	shalt  }

// kernel: kernel.14.cloned.1.call-start
scs
__scs_entry_jumppad:
0x0: {  	(pc) =	sbr.rel $0x88, $3  }
0x1: {  	(tag) =	ssettag $0x0;
	lr =	simm.s32 $0x1  }
0x2: {  	[smem:$0x3F94] =	sst lr;
	_ =	strace $0xD0000000  }
0x3: {  	_ = 	snop  }
0x4: {  	_ = 	snop  }
0x5: {  	_ = 	snop  }
0x6: {  	_ = 	snop  }
0x7: {  	_ = 	snop  }
__scs_overlays_trampoline_lowered:
0x8: {  	[smem:$0x3FA3] =	sst s0  }
0x9: {  	[smem:$0x3FA4] =	sst s1  }
0xa: {  	[smem:$0x3FA5] =	sst s2  }
0xb: {  	[smem:$0x3FA6] =	sst s3  }
0xc: {  	[smem:$0x3FA7] =	sst s4  }
0xd: {  	[smem:$0x3FA8] =	sst s5  }
0xe: {  	[smem:$0x3FA9] =	sst s6  }
0xf: {  	[smem:$0x3FAA] =	sst s7  }
0x10: {  	[smem:$0x3FAB] =	sst s8  }
0x11: {  	[smem:$0x3FAC] =	sst s9;
	s0 =	simm.s32 @!p0 $0x0  }
0x12: {  	s1 =	sld [smem:$0x3F92];
	s0 =	simm.s32 @p0 $0x1  }
0x13: {  	[smem:$0x3FAD] =	sst s0;
	s0 =	simm.s32 @!p1 $0x0  }
0x14: {  	s2 =	sld [smem:$0x3F91];
	s0 =	simm.s32 @p1 $0x1  }
0x15: {  	[smem:$0x3FAE] =	sst s0;
	s0 =	simm.s32 @!p2 $0x0  }
0x16: {  	s3 =	sld [smem:$0x3FDB];
	s0 =	simm.s32 @p2 $0x1  }
0x17: {  	s4 =	simm.s32 $0x1BF5;
	[smem:$0x3FB0] =	sst s0  }
0x18: {  	s0 =	sld [smem:$0x3F93];
	_ =	swait.ge [sflag:s4], $0x0  }
0x19: {  	s7 =	sld [smem:$0x3F94]  }
0x1a: {  	s8 =	sadd.s32 $0xFFFFE003, lr  }
0x1b: {  	s9 =	sadd.s32 $0xFFFFFEF7, lr;
	s5 =	simm.s32 $0xFFFFFFFF;
	p2 =	slt.u32 s8, $0xFFFFF086  }
0x1c: {  	p1 =	slt.u32 s9, $0xF7A;
	s5 =	simm.s32 @!p2 $0x0  }
0x1d: {  	s5 =	simm.s32 @p1 $0x1;
	p0 =	seq.s32 s7, s2  }
0x1e: {  	s7 =	smul.u32 @!p0 $0xF7A, s2;
	p2 =	seq.s32 @!p0 s5, $0x0  }
0x1f: {  	s9 =	smul.u32 $0xF7A, s1;
	s8 =	simm.s32 @!p0 $0x1BF5;
	p2 =	por !p2, p0  }
0x20: {  	[sflag:s8] =	ssyncset.s32 @!p0 $0xFFFFF086;
	s6 =	sadd.s32 @!p0 s3, s7;
	s7 =	simm.s32 @!p0 $0x108  }
0x21: {  	s3 =	sadd.s32 s3, s9;
	s6 =	sadd.s32 @!p0 $0x88, s6;
	s7 =	simm.s32 @p2 $0x1082  }
0x22: {  	[simem:s7], [sflag:s8] =	dma.local @!p0 [hbm:s6], $0xF7A  }
0x23: {  	s9 =	sor.u32 $0xD0000000, s2;
	s6 =	simm.s32 $0x108;
	_ =	swait.ge @!p0 [sflag:s8], $0x0  }
0x24: {  	s3 =	sadd.s32 $0x88, s3;
	s6 =	simm.s32 @!p1 $0x1082;
	[sflag:s4] =	ssyncset.s32 $0xFFFFF086  }
0x25: {  	[simem:s6], [sflag:s4] =	dma.local [hbm:s3], $0xF7A  }
0x26: {  	[smem:$0x3F94] =	sst s1;
	(tag) =	ssettag s2;
	_ =	strace s9  }
0x27: {  	s1 =	sld [smem:$0x3FA4]  }
0x28: {  	s2 =	sld [smem:$0x3FA5]  }
0x29: {  	s4 =	sld [smem:$0x3FA7]  }
0x2a: {  	p0 =	seq.s32 s5, $0x0;
	s5 =	sld [smem:$0x3FA8]  }
0x2b: {  	s6 =	sld [smem:$0x3FA9]  }
0x2c: {  	s7 =	sld [smem:$0x3FAA]  }
0x2d: {  	s3 =	simm.s32 $0x108;
	s8 =	sld [smem:$0x3FAB]  }
0x2e: {  	s3 =	simm.s32 @!p0 $0x1082;
	s9 =	sld [smem:$0x3FAC]  }
0x2f: {  	lr =	sadd.s32 s0, s3;
	s0 =	sld [smem:$0x3FA3]  }
0x30: {  	s3 =	sld [smem:$0x3FA6]  }
0x31: {  	[smem:$0x3FAF] =	sst s10  }
0x32: {  	s10 =	sld [smem:$0x3FAD];
	_ =	sdelay $0x3  }
0x33: {  	p0 =	seq.s32 s10, $0x1;
	s10 =	sld [smem:$0x3FAF];
	_ =	sdelay $0x3  }
0x34: {  	[smem:$0x3FAF] =	sst s10  }
0x35: {  	s10 =	sld [smem:$0x3FAE];
	_ =	sdelay $0x3  }
0x36: {  	p1 =	seq.s32 s10, $0x1;
	s10 =	sld [smem:$0x3FAF];
	_ =	sdelay $0x3  }
0x37: {  	[smem:$0x3FAF] =	sst s10  }
0x38: {  	s10 =	sld [smem:$0x3FB0]  }
0x39: {  	_ = 	snop;
	(pc) =	sbr.ind lr, $3  }
0x3a: {  	_ = 	snop  }
0x3b: {  	_ = 	snop  }
0x3c: {  	p2 =	seq.s32 s10, $0x1;
	s10 =	sld [smem:$0x3FAF]  }
0x3d: {  	_ =	shalt  }
0x3e: {  	_ =	shalt  }
0x3f: {  	_ =	shalt  }
0x40: {  	_ =	shalt  }
0x41: {  	_ =	shalt  }
0x42: {  	_ =	shalt  }
0x43: {  	_ =	shalt  }
0x44: {  	_ =	shalt  }
0x45: {  	_ =	shalt  }
0x46: {  	_ =	shalt  }
0x47: {  	_ =	shalt  }
0x48: {  	_ =	shalt  }
0x49: {  	_ =	shalt  }
0x4a: {  	_ =	shalt  }
0x4b: {  	_ =	shalt  }
0x4c: {  	_ =	shalt  }
0x4d: {  	_ =	shalt  }
0x4e: {  	_ =	shalt  }
0x4f: {  	_ =	shalt  }
0x50: {  	_ =	shalt  }
0x51: {  	_ =	shalt  }
0x52: {  	_ =	shalt  }
0x53: {  	_ =	shalt  }
0x54: {  	_ =	shalt  }
0x55: {  	_ =	shalt  }
0x56: {  	_ =	shalt  }
0x57: {  	_ =	shalt  }
0x58: {  	_ =	shalt  }
0x59: {  	_ =	shalt  }
0x5a: {  	_ =	shalt  }
0x5b: {  	_ =	shalt  }
0x5c: {  	_ =	shalt  }
0x5d: {  	_ =	shalt  }
0x5e: {  	_ =	shalt  }
0x5f: {  	_ =	shalt  }
0x60: {  	_ =	shalt  }
0x61: {  	_ =	shalt  }
0x62: {  	_ =	shalt  }
0x63: {  	_ =	shalt  }
0x64: {  	_ =	shalt  }
0x65: {  	_ =	shalt  }
0x66: {  	_ =	shalt  }
0x67: {  	_ =	shalt  }
0x68: {  	_ =	shalt  }
0x69: {  	_ =	shalt  }
0x6a: {  	_ =	shalt  }
0x6b: {  	_ =	shalt  }
0x6c: {  	_ =	shalt  }
0x6d: {  	_ =	shalt  }
0x6e: {  	_ =	shalt  }
0x6f: {  	_ =	shalt  }
0x70: {  	_ =	shalt  }
0x71: {  	_ =	shalt  }
0x72: {  	_ =	shalt  }
0x73: {  	_ =	shalt  }
0x74: {  	_ =	shalt  }
0x75: {  	_ =	shalt  }
0x76: {  	_ =	shalt  }
0x77: {  	_ =	shalt  }
0x78: {  	_ =	shalt  }
0x79: {  	_ =	shalt  }
0x7a: {  	_ =	shalt  }
0x7b: {  	_ =	shalt  }
0x7c: {  	_ =	shalt  }
0x7d: {  	_ =	shalt  }
0x7e: {  	_ =	shalt  }
0x7f: {  	_ =	shalt  }
0x80: {  	_ =	shalt  }
0x81: {  	_ =	shalt  }
0x82: {  	_ =	shalt  }
0x83: {  	_ =	shalt  }
0x84: {  	_ =	shalt  }
0x85: {  	_ =	shalt  }
0x86: {  	_ =	shalt  }
0x87: {  	_ =	shalt  }
.Lfunc_end0:
.L_simem_size_0:
called_computation.1_lowered:
.L_overlay_start_0:
0x88: {  	s2 =	sld [smem:$0x3FD9]  }
0x89: {  	s3 =	sld [smem:$0x3FFE];
	_ =	sdelay $0x1  }
0x8a: {  	s1 =	srdreg.scid  }
0x8b: {  	s0 =	sand.u32 $0x1, s1  }
0x8c: {  	s16 =	sshll.u32 s0, $0xA;
	s2 =	sadd.s32 s3, s2  }
0x8d: {  	s2 =	sadd.s32 s2, s16  }
0x8e: {  	[smem:$0x3FBB] =	sst s2  }
0x8f: {  	_ = 	snop  }
0x90: {  	(tm) =	ssettm $0x1  }
0x91: {  	s17 =	sld [smem:$0x3FFB];
	_ =	sdelay $0x3  }
0x92: {  	_ =	strace s17  }
0x93: {  	s2 =	sld [smem:$0x3FFC];
	_ =	sdelay $0x3  }
0x94: {  	_ =	strace s2  }
0x95: {  	s2 =	sld [smem:$0x3FFD];
	_ =	sdelay $0x3  }
0x96: {  	_ =	strace s2  }
0x97: {  	_ =	strace $0x8FFFFFFF  }
0x98: {  	s18 =	sld [smem:$0x3FDB];
	_ =	sdelay $0x1  }
0x99: {  	s19 =	simm.s32 $_scs_section_size  }
0x9a: {  	s4 =	simm.s32 $_size__tile_overlayer_lowered;
	s5 =	simm.s32 $_tile_overlayer_lowered  }
0x9b: {  	s22 =	simm.s32 $0x1BFF;
	s21 =	sshll.u32 s5, $0x1;
	s2 =	sadd.s32 s19, s18  }
0x9c: {  	s6 =	simm.s32 $0x0;
	s20 =	sshll.u32 s4, $0x1;
	s4 =	sadd.s32 s21, s2  }
0x9d: {  	[timem:s6], [sflag:s22] =	dma.local [hbm:s4], s20  }
0x9e: {  	_ =	swait.ge [sflag:s22], s20  }
0x9f: {  	s3 =	ssub.s32 $0x0, s20;
	[sflag:s22] =	ssyncset.done $0x0  }
0xa0: {  	[sflag:s22] =	ssyncadd.s32 s3;
	_ =	sdelay $0x1  }
0xa1: {  	s23 =	simm.s32 $0x1B8B  }
0xa2: {  	_ =	swait.ge [sflag:s23], $0x1  }
0xa3: {  	[sflag:s23] =	ssyncset.done $0x0  }
0xa4: {  	s25 =	simm.s32 $0x1B8E;
	s24 =	sld [smem:$0x3FFE];
	[sflag:s23] =	ssyncadd.s32 $0xFFFFFFFF  }
0xa5: {  	s26 =	simm.s32 $execute0_lowered;
	[smem:$0x3FD2] =	sst s25  }
0xa6: {  	s4 =	sshll.u32 s26, $0x1;
	_ =	strace $0x80000049;
	[dreg:$0x1] =	wrdreg $0xFFFFFFFF  }
0xa7: {  	s28 =	simm.s32 $_size_execute0_lowered;
	s2 =	sadd.s32 s2, s4;
	[dreg:$0x0] =	wrdreg $0x0  }
0xa8: {  	s4 =	sshll.u32 s28, $0x1;
	[dreg:$0x2] =	wrdreg s2  }
0xa9: {  	[dreg:$0x3] =	wrdreg s4  }
0xaa: {  	[dreg:$0x4] =	wrdreg $0xC0  }
0xab: {  	_ =	task [dreg:s6], $0x5FFFF  }
0xac: {  	[dreg:$0x1] =	wrdreg $0xFFFFFFFF  }
0xad: {  	[dreg:$0x0] =	wrdreg $0x60  }
0xae: {  	[dreg:$0x2] =	wrdreg s24  }
0xaf: {  	[dreg:$0x3] =	wrdreg $0x0  }
0xb0: {  	[dreg:$0x4] =	wrdreg $0x9  }
0xb1: {  	_ =	task.clear_ibuf [dreg:s6], $0x5FFFF;
	_ =	strace $0x90000049  }
0xb2: {  	s29 =	simm.s32 $0x9;
	_ =	strace $0x8000004B  }
0xb3: {  	_ =	swait.ge [sflag:s29], $0x1  }
0xb4: {  	[sflag:s29] =	ssyncadd.s32 $0xFFFFFFFF  }
0xb5: {  	_ =	strace $0x9000004B  }
0xb6: {  	_ =	sfence  }
0xb7: {  	s30 =	sld [smem:$0x0];
	_ =	sdelay $0x2  }
0xb8: {  	s31 =	sshll.u32 s1, $0xD;
	s1 =	sshrl.u32 s1, $0x2  }
0xb9: {  	s3 =	sand.u32 $0x4000, s31;
	s1 =	sadd.s32 s1, s30  }
0xba: {  	s0 =	sor.u32 s3, s0;
	s1 =	sshll.u32 s1, $0x11  }
0xbb: {  	s0 =	sor.u32 s1, s0  }
0xbc: {  	s0 =	sadd.s32 $0x8F2B, s0  }
0xbd: {  	[sflag:s0] =	ssyncadd.remote.s32 $0x1  }
0xbe: {  	_ =	sfence.sel $0xFFFF  }
0xbf: {  	[dreg:$0x0] =	wrdreg $0xFFFFFFFF;
	(pc) =	sbr.abs _section_cstart, $3  }
0xc0: {  	[dreg:$0x1] =	wrdreg $0xFFFFFFFF  }
0xc1: {  	_ =	task.clear_ibuf [dreg:s6], $0x2FFFF;
	_ =	strace $0x9FFFFFFF  }
0xc2: {  	(tm) =	ssettm $0x7FFFFFFF  }
0xc3: {  	_ =	shalt  }
tec
execute0_lowered:
.L_overlay_start_1:
0x0: {  	(tag) =	ssettag $0x1  }
0x1: {  	s0 =	rddreg [dreg:$0x0]  }
0x2: {  	s2 =	rddreg [dreg:$0x1]  }
0x3: {  	s1 =	srdreg.scid;
	s4 =	stileid.u32  }
0x4: {  	s3 =	simm.s32 $0x0;
	s10 =	simm.s32 $0x2800;
	s11 =	simm.s32 $0x9  }
0x5: {  	s12 =	simm.s32 $0x3C00;
	s14 =	simm.s32 $0x80;
	s15 =	simm.s32 $0x5000  }
0x6: {  	s17 =	simm.s32 $0x5800;
	s18 =	simm.s32 $0x1;
	s20 =	simm.s32 $0x6000  }
0x7: {  	s21 =	simm.s32 $0x2;
	s24 =	simm.s32 $0x6800;
	s25 =	simm.s32 $0x3  }
0x8: {  	s28 =	simm.s32 $0x5;
	s29 =	simm.s32 $0x2A00;
	s30 =	simm.s32 $0x4  }
0x9: {  	s31 =	simm.s32 $0x3D80;
	s13 =	simm.s32 $0x7;
	s16 =	simm.s32 $0x8  }
0xa: {  	s1 =	sand.u32 $0x1, s1;
	s7 =	smul.u32 $0x2800, s4;
	s4 =	sshll.u32 s4, $0x1  }
0xb: {  	[smem:$0x7FF] =	sst s3;
	s5 =	smul.u32 $0x28000, s1;
	s4 =	sor.u32 s1, s4  }
0xc: {  	_ =	strace $0x8000004A;
	s1 =	ssub.s32 $0x2, s1;
	s6 =	smul.u32 $0x280, s4  }
.Ltmp0:
0xd: {  	s4 =	sadd.s32 $0x34E00, s0;
	s8 =	sshrl.u32 s1, $0x1;
	(pc) =	sbr.rel .LBB2_1-.Ltmp0, $4  }
0xe: {  	s5 =	sadd.s32 s7, s5;
	s1 =	ssub.s32 s1, s8;
	s7 =	sadd.s32 s7, s2  }
0xf: {  	s5 =	sshrl.u32 s5, $0x3;
	s6 =	sadd.s32 s6, s0;
	s9 =	smax.u32 s1, $0x1  }
0x10: {  	s1 =	simm.s32 $0x2A80;
	s0 =	sadd.s32 s5, s0;
	s5 =	sadd.s32 $0x2E00, s6  }
0x11: {  	v0 =	vimm.f32 $0.0e+00;
	s6 =	sadd.s32 $0x7E00, s6;
	s8 =	sadd.s32 $0x39E00, s0;
	s0 =	simm.s32 $0x6  }
.LBB2_6:
0x12: {  	_ =	swait.ge [sflag:s30], $0x800  }
0x13: {  	[sflag:s30] =	ssyncset.done $0x0  }
0x14: {  	[sflag:s30] =	ssyncadd.s32 $0xFFFFF800  }
0x15: {  	[spmem:s2] =	stream.indirect.scatter.add.f32 [tilespmem:s24], [sflag:$0x8], $0x10, s23, s14, $0xb8;
	[tilespmem:$0x9800] =	vst v63  }
0x16: {  	_ =	swait.ge [sflag:s28], $0x800  }
0x17: {  	[sflag:s28] =	ssyncset.done $0x0  }
0x18: {  	[sflag:s28] =	ssyncadd.s32 $0xFFFFF800  }
0x19: {  	_ =	swait.ge [sflag:s0], $0x800  }
0x1a: {  	[sflag:s0] =	ssyncset.done $0x0  }
0x1b: {  	[sflag:s0] =	ssyncadd.s32 $0xFFFFF800  }
0x1c: {  	_ =	swait.ge [sflag:s13], $0x800  }
0x1d: {  	[sflag:s13] =	ssyncset.done $0x0  }
0x1e: {  	[sflag:s13] =	ssyncadd.s32 $0xFFFFF800  }
0x1f: {  	s19 =	stileid.u32;
	_ =	swait.ge [sflag:s16], $0x800  }
0x20: {  	s22 =	sshrl.u32 s7, $0x3;
	s3 =	sadd.s32 $0x1, s3;
	[sflag:s16] =	ssyncset.done $0x0  }
0x21: {  	s19 =	sshll.u32 s19, $0x6;
	p0 =	sne.s32 s3, s9;
	[sflag:s16] =	ssyncadd.s32 $0xFFFFF800  }
.Ltmp1:
0x22: {  	s19 =	sor.u32 $0x1C09, s19;
	[bflag:$0x0] =	sbarrier.arrive $0xFFFF;
	(pc) =	sbr.rel @!p0 .LBB2_7-.Ltmp1, $4  }
0x23: {  	[hbm:s8], [sflag:s19] =	dma.local [spmem:s22], $0x500  }
0x24: {  	_ =	swait.ge [sflag:s11], $0x500  }
0x25: {  	[sflag:s11] =	ssyncset.done $0x0  }
0x26: {  	[sflag:s11] =	ssyncadd.s32 $0xFFFFFB00  }
.LBB2_1:
0x27: {  	s19 =	simm.s32 $0x40;
	s22 =	simm.s32 $0x0  }
.LBB2_2:
0x28: {  	p0 =	sne.s32 s19, $0x9FC0;
	[tilespmem:s22+$0x7000] =	vst v0;
	s22 =	smov.u32 s19;
	s19 =	sadd.s32 $0x40, s19  }
.Ltmp2:
0x29: {  	(pc) =	sbr.rel @p0 .LBB2_2-.Ltmp2, $2  }
0x2a: {  	_ =	sdelay $0x2  }
0x2b: {  	s22 =	sshra.s32 s22, $0x2  }
0x2c: {  	[tilespmem:s22+$0x7000] =	vst v0;
	s19 =	simm.s32 $0x0  }
0x2d: {  	[tilespmem:s10], [sflag:$0x9] =	stream.linear.gather [hbm4b:s5+s19], $0x1400, $0x38;
	[tilespmem:$0x9800] =	vst v63  }
0x2e: {  	_ =	swait.ge [sflag:s11], $0x1400  }
0x2f: {  	[sflag:s11] =	ssyncset.done $0x0  }
0x30: {  	[sflag:s11] =	ssyncadd.s32 $0xFFFFEC00  }
0x31: {  	[tilespmem:s12], [sflag:$0x9] =	stream.linear.gather [hbm4b:s6+s19], $0x1400, $0x38;
	[tilespmem:$0x9800] =	vst v63  }
0x32: {  	_ =	swait.ge [sflag:s11], $0x1400  }
0x33: {  	[sflag:s11] =	ssyncset.done $0x0  }
0x34: {  	s23 =	simm.s32 $0x7000;
	[sflag:s11] =	ssyncadd.s32 $0xFFFFEC00  }
0x35: {  	[spmem:s7] =	stream.linear.scatter [tilespmem:s23], [sflag:$0x9], $0x2800, $0x38;
	[tilespmem:$0x9800] =	vst v63  }
0x36: {  	_ =	swait.ge [sflag:s11], $0x2800  }
0x37: {  	[sflag:s11] =	ssyncset.done $0x0  }
0x38: {  	[sflag:s11] =	ssyncadd.s32 $0xFFFFD800  }
0x39: {  	[bflag:$0x0] =	sbarrier.arrive $0xFFFF  }
0x3a: {  	[tilespmem:s15], [sflag:$0x1] =	stream.indirect.gather [hbm4b:s4+s14], $0x10, s10, s14, $0xb8;
	[tilespmem:$0x9800] =	vst v63  }
0x3b: {  	s26 =	simm.s32 $0x2880  }
0x3c: {  	[tilespmem:s17], [sflag:$0x2] =	stream.indirect.gather [hbm4b:s4+s14], $0x10, s26, s14, $0xb8;
	[tilespmem:$0x9800] =	vst v63  }
0x3d: {  	_ =	swait.ge [sflag:s18], $0x800  }
0x3e: {  	[sflag:s18] =	ssyncset.done $0x0  }
0x3f: {  	[sflag:s18] =	ssyncadd.s32 $0xFFFFF800  }
0x40: {  	[spmem:s2] =	stream.indirect.scatter.add.f32 [tilespmem:s15], [sflag:$0x5], $0x10, s12, s14, $0xb8;
	[tilespmem:$0x9800] =	vst v63  }
0x41: {  	s23 =	simm.s32 $0x2900  }
0x42: {  	[tilespmem:s20], [sflag:$0x3] =	stream.indirect.gather [hbm4b:s4+s14], $0x10, s23, s14, $0xb8;
	[tilespmem:$0x9800] =	vst v63  }
0x43: {  	_ =	swait.ge [sflag:s21], $0x800  }
0x44: {  	[sflag:s21] =	ssyncset.done $0x0  }
0x45: {  	s26 =	simm.s32 $0x3C80;
	[sflag:s21] =	ssyncadd.s32 $0xFFFFF800  }
0x46: {  	[spmem:s2] =	stream.indirect.scatter.add.f32 [tilespmem:s17], [sflag:$0x6], $0x10, s26, s14, $0xb8;
	[tilespmem:$0x9800] =	vst v63  }
0x47: {  	s23 =	simm.s32 $0x2980  }
0x48: {  	[tilespmem:s24], [sflag:$0x4] =	stream.indirect.gather [hbm4b:s4+s14], $0x10, s23, s14, $0xb8;
	[tilespmem:$0x9800] =	vst v63  }
0x49: {  	_ =	swait.ge [sflag:s25], $0x800  }
0x4a: {  	[sflag:s25] =	ssyncset.done $0x0  }
0x4b: {  	s26 =	simm.s32 $0x3D00;
	[sflag:s25] =	ssyncadd.s32 $0xFFFFF800  }
0x4c: {  	[spmem:s2] =	stream.indirect.scatter.add.f32 [tilespmem:s20], [sflag:$0x7], $0x10, s26, s14, $0xb8;
	[tilespmem:$0x9800] =	vst v63  }
0x4d: {  	_ =	swait.ge [sflag:s28], $0x800  }
0x4e: {  	[sflag:s28] =	ssyncset.done $0x0  }
0x4f: {  	[sflag:s28] =	ssyncadd.s32 $0xFFFFF800  }
0x50: {  	[tilespmem:s15], [sflag:$0x1] =	stream.indirect.gather [hbm4b:s4+s14], $0x10, s29, s14, $0xb8;
	[tilespmem:$0x9800] =	vst v63  }
0x51: {  	_ =	swait.ge [sflag:s30], $0x800  }
0x52: {  	[sflag:s30] =	ssyncset.done $0x0  }
0x53: {  	[sflag:s30] =	ssyncadd.s32 $0xFFFFF800  }
0x54: {  	[spmem:s2] =	stream.indirect.scatter.add.f32 [tilespmem:s24], [sflag:$0x8], $0x10, s31, s14, $0xb8;
	[tilespmem:$0x9800] =	vst v63  }
0x55: {  	_ =	swait.ge [sflag:s0], $0x800  }
0x56: {  	[sflag:s0] =	ssyncset.done $0x0  }
0x57: {  	[sflag:s0] =	ssyncadd.s32 $0xFFFFF800  }
0x58: {  	[tilespmem:s17], [sflag:$0x2] =	stream.indirect.gather [hbm4b:s4+s14], $0x10, s1, s14, $0xb8;
	[tilespmem:$0x9800] =	vst v63  }
.LBB2_4:
0x59: {  	_ =	swait.ge [sflag:s18], $0x800  }
0x5a: {  	s22 =	sshra.s32 s19, $0x2;
	[sflag:s18] =	ssyncset.done $0x0  }
0x5b: {  	s23 =	sadd.s32 $0x3E00, s22;
	[sflag:s18] =	ssyncadd.s32 $0xFFFFF800  }
0x5c: {  	[spmem:s2] =	stream.indirect.scatter.add.f32 [tilespmem:s15], [sflag:$0x5], $0x10, s23, s14, $0xb8;
	[tilespmem:$0x9800] =	vst v63  }
0x5d: {  	_ =	swait.ge [sflag:s13], $0x800  }
0x5e: {  	[sflag:s13] =	ssyncset.done $0x0  }
0x5f: {  	s26 =	sadd.s32 $0x2B00, s22;
	[sflag:s13] =	ssyncadd.s32 $0xFFFFF800  }
0x60: {  	[tilespmem:s20], [sflag:$0x3] =	stream.indirect.gather [hbm4b:s4+s14], $0x10, s26, s14, $0xb8;
	[tilespmem:$0x9800] =	vst v63  }
0x61: {  	_ =	swait.ge [sflag:s21], $0x800  }
0x62: {  	[sflag:s21] =	ssyncset.done $0x0  }
0x63: {  	s26 =	sadd.s32 $0x3E80, s22;
	[sflag:s21] =	ssyncadd.s32 $0xFFFFF800  }
0x64: {  	[spmem:s2] =	stream.indirect.scatter.add.f32 [tilespmem:s17], [sflag:$0x6], $0x10, s26, s14, $0xb8;
	[tilespmem:$0x9800] =	vst v63  }
0x65: {  	_ =	swait.ge [sflag:s16], $0x800  }
0x66: {  	[sflag:s16] =	ssyncset.done $0x0  }
0x67: {  	p0 =	seq.s32 s19, $0x4000;
	s26 =	sadd.s32 $0x2B80, s22;
	[sflag:s16] =	ssyncadd.s32 $0xFFFFF800  }
0x68: {  	[tilespmem:s24], [sflag:$0x4] =	stream.indirect.gather [hbm4b:s4+s14], $0x10, s26, s14, $0xb8;
	[tilespmem:$0x9800] =	vst v63  }
.Ltmp3:
0x69: {  	_ = 	snop;
	(pc) =	sbr.rel @p0 .LBB2_6-.Ltmp3, $4  }
0x6a: {  	_ =	swait.ge [sflag:s25], $0x800  }
0x6b: {  	[sflag:s25] =	ssyncset.done $0x0  }
0x6c: {  	s23 =	sadd.s32 $0x3F80, s22;
	s26 =	sadd.s32 $0x3F00, s22;
	[sflag:s25] =	ssyncadd.s32 $0xFFFFF800  }
0x6d: {  	[spmem:s2] =	stream.indirect.scatter.add.f32 [tilespmem:s20], [sflag:$0x7], $0x10, s26, s14, $0xb8;
	[tilespmem:$0x9800] =	vst v63  }
0x6e: {  	_ =	swait.ge [sflag:s28], $0x800  }
0x6f: {  	[sflag:s28] =	ssyncset.done $0x0  }
0x70: {  	s26 =	sadd.s32 $0x2C00, s22;
	[sflag:s28] =	ssyncadd.s32 $0xFFFFF800  }
0x71: {  	[tilespmem:s15], [sflag:$0x1] =	stream.indirect.gather [hbm4b:s4+s14], $0x10, s26, s14, $0xb8;
	[tilespmem:$0x9800] =	vst v63  }
0x72: {  	_ =	swait.ge [sflag:s30], $0x800  }
0x73: {  	[sflag:s30] =	ssyncset.done $0x0  }
0x74: {  	[sflag:s30] =	ssyncadd.s32 $0xFFFFF800  }
0x75: {  	[spmem:s2] =	stream.indirect.scatter.add.f32 [tilespmem:s24], [sflag:$0x8], $0x10, s23, s14, $0xb8;
	[tilespmem:$0x9800] =	vst v63  }
.Ltmp4:
0x76: {  	_ = 	snop;
	(pc) =	sbr.rel .LBB2_4-.Ltmp4, $4  }
0x77: {  	_ =	swait.ge [sflag:s0], $0x800  }
0x78: {  	[sflag:s0] =	ssyncset.done $0x0  }
0x79: {  	s19 =	sadd.s32 $0x800, s19;
	s26 =	sadd.s32 $0x2C80, s22;
	[sflag:s0] =	ssyncadd.s32 $0xFFFFF800  }
0x7a: {  	[tilespmem:s17], [sflag:$0x2] =	stream.indirect.gather [hbm4b:s4+s14], $0x10, s26, s14, $0xb8;
	[tilespmem:$0x9800] =	vst v63  }
.LBB2_7:
0x7b: {  	_ =	sfence.sel $0x180000  }
0x7c: {  	[bflag:$0x0] =	sbarrier.arrive $0xFFFF  }
0x7d: {  	_ =	strace $0x9000004A  }
0x7e: {  	s0 =	stileid.u32;
	[bflag:$0x2] =	sbarrier.arrive $0xFFFF  }
0x7f: {  	p0 =	sne.s32 s0, $0x0;
	s0 =	rddreg [dreg:$0x2]  }
0x80: {  	s0 =	sadd.s32 @!p0 $0x100000, s0  }
0x81: {  	[sflag:s0] =	ssyncadd.tile.s32 @!p0 $0x1;
	_ =	shalt  }
.Lfunc_end2:
_tile_overlayer_lowered:
.L_overlay_start_2:
0x82: {  	(tag) =	ssettag $0x2  }
0x83: {  	s0 =	rddreg [dreg:$0x0];
	s2 =	stileid.u32  }
0x84: {  	s1 =	rddreg [dreg:$0x1];
	p0 =	sne.s32 s2, $0x0  }
0x85: {  	s3 =	rddreg [dreg:$0x2];
	[bflag:$0x3] =	sbarrier.arrive $0xFFFF;
	s2 =	simm.s32 @!p0 $0x1C09  }
0x86: {  	[timem:s3], [sflag:s2] =	dma.local @!p0 [hbm:s0], s1  }
0x87: {  	s0 =	simm.s32 @!p0 $0x9  }
0x88: {  	_ =	swait.ge @!p0 [sflag:s0], s1  }
0x89: {  	s1 =	ssub.s32 @!p0 $0x0, s1;
	[sflag:s0] =	ssyncset.done @!p0 $0x0  }
0x8a: {  	[sflag:s0] =	ssyncadd.s32 @!p0 s1  }
0x8b: {  	[bflag:$0x3] =	sbarrier.arrive $0xFFFF  }
0x8c: {  	_ =	shalt  }

// kernel: kernel.17.cloned.1.call-start
scs
__scs_entry_jumppad:
0x0: {  	(pc) =	sbr.rel $0x88, $3  }
0x1: {  	(tag) =	ssettag $0x0;
	lr =	simm.s32 $0x1  }
0x2: {  	[smem:$0x3F94] =	sst lr;
	_ =	strace $0xD0000000  }
0x3: {  	_ = 	snop  }
0x4: {  	_ = 	snop  }
0x5: {  	_ = 	snop  }
0x6: {  	_ = 	snop  }
0x7: {  	_ = 	snop  }
__scs_overlays_trampoline_lowered:
0x8: {  	[smem:$0x3FA3] =	sst s0  }
0x9: {  	[smem:$0x3FA4] =	sst s1  }
0xa: {  	[smem:$0x3FA5] =	sst s2  }
0xb: {  	[smem:$0x3FA6] =	sst s3  }
0xc: {  	[smem:$0x3FA7] =	sst s4  }
0xd: {  	[smem:$0x3FA8] =	sst s5  }
0xe: {  	[smem:$0x3FA9] =	sst s6  }
0xf: {  	[smem:$0x3FAA] =	sst s7  }
0x10: {  	[smem:$0x3FAB] =	sst s8  }
0x11: {  	[smem:$0x3FAC] =	sst s9;
	s0 =	simm.s32 @!p0 $0x0  }
0x12: {  	s1 =	sld [smem:$0x3F92];
	s0 =	simm.s32 @p0 $0x1  }
0x13: {  	[smem:$0x3FAD] =	sst s0;
	s0 =	simm.s32 @!p1 $0x0  }
0x14: {  	s2 =	sld [smem:$0x3F91];
	s0 =	simm.s32 @p1 $0x1  }
0x15: {  	[smem:$0x3FAE] =	sst s0;
	s0 =	simm.s32 @!p2 $0x0  }
0x16: {  	s3 =	sld [smem:$0x3FDB];
	s0 =	simm.s32 @p2 $0x1  }
0x17: {  	s4 =	simm.s32 $0x1BF5;
	[smem:$0x3FB0] =	sst s0  }
0x18: {  	s0 =	sld [smem:$0x3F93];
	_ =	swait.ge [sflag:s4], $0x0  }
0x19: {  	s7 =	sld [smem:$0x3F94]  }
0x1a: {  	s8 =	sadd.s32 $0xFFFFE003, lr  }
0x1b: {  	s9 =	sadd.s32 $0xFFFFFEF7, lr;
	s5 =	simm.s32 $0xFFFFFFFF;
	p2 =	slt.u32 s8, $0xFFFFF086  }
0x1c: {  	p1 =	slt.u32 s9, $0xF7A;
	s5 =	simm.s32 @!p2 $0x0  }
0x1d: {  	s5 =	simm.s32 @p1 $0x1;
	p0 =	seq.s32 s7, s2  }
0x1e: {  	s7 =	smul.u32 @!p0 $0xF7A, s2;
	p2 =	seq.s32 @!p0 s5, $0x0  }
0x1f: {  	s9 =	smul.u32 $0xF7A, s1;
	s8 =	simm.s32 @!p0 $0x1BF5;
	p2 =	por !p2, p0  }
0x20: {  	[sflag:s8] =	ssyncset.s32 @!p0 $0xFFFFF086;
	s6 =	sadd.s32 @!p0 s3, s7;
	s7 =	simm.s32 @!p0 $0x108  }
0x21: {  	s3 =	sadd.s32 s3, s9;
	s6 =	sadd.s32 @!p0 $0x88, s6;
	s7 =	simm.s32 @p2 $0x1082  }
0x22: {  	[simem:s7], [sflag:s8] =	dma.local @!p0 [hbm:s6], $0xF7A  }
0x23: {  	s9 =	sor.u32 $0xD0000000, s2;
	s6 =	simm.s32 $0x108;
	_ =	swait.ge @!p0 [sflag:s8], $0x0  }
0x24: {  	s3 =	sadd.s32 $0x88, s3;
	s6 =	simm.s32 @!p1 $0x1082;
	[sflag:s4] =	ssyncset.s32 $0xFFFFF086  }
0x25: {  	[simem:s6], [sflag:s4] =	dma.local [hbm:s3], $0xF7A  }
0x26: {  	[smem:$0x3F94] =	sst s1;
	(tag) =	ssettag s2;
	_ =	strace s9  }
0x27: {  	s1 =	sld [smem:$0x3FA4]  }
0x28: {  	s2 =	sld [smem:$0x3FA5]  }
0x29: {  	s4 =	sld [smem:$0x3FA7]  }
0x2a: {  	p0 =	seq.s32 s5, $0x0;
	s5 =	sld [smem:$0x3FA8]  }
0x2b: {  	s6 =	sld [smem:$0x3FA9]  }
0x2c: {  	s7 =	sld [smem:$0x3FAA]  }
0x2d: {  	s3 =	simm.s32 $0x108;
	s8 =	sld [smem:$0x3FAB]  }
0x2e: {  	s3 =	simm.s32 @!p0 $0x1082;
	s9 =	sld [smem:$0x3FAC]  }
0x2f: {  	lr =	sadd.s32 s0, s3;
	s0 =	sld [smem:$0x3FA3]  }
0x30: {  	s3 =	sld [smem:$0x3FA6]  }
0x31: {  	[smem:$0x3FAF] =	sst s10  }
0x32: {  	s10 =	sld [smem:$0x3FAD];
	_ =	sdelay $0x3  }
0x33: {  	p0 =	seq.s32 s10, $0x1;
	s10 =	sld [smem:$0x3FAF];
	_ =	sdelay $0x3  }
0x34: {  	[smem:$0x3FAF] =	sst s10  }
0x35: {  	s10 =	sld [smem:$0x3FAE];
	_ =	sdelay $0x3  }
0x36: {  	p1 =	seq.s32 s10, $0x1;
	s10 =	sld [smem:$0x3FAF];
	_ =	sdelay $0x3  }
0x37: {  	[smem:$0x3FAF] =	sst s10  }
0x38: {  	s10 =	sld [smem:$0x3FB0]  }
0x39: {  	_ = 	snop;
	(pc) =	sbr.ind lr, $3  }
0x3a: {  	_ = 	snop  }
0x3b: {  	_ = 	snop  }
0x3c: {  	p2 =	seq.s32 s10, $0x1;
	s10 =	sld [smem:$0x3FAF]  }
0x3d: {  	_ =	shalt  }
0x3e: {  	_ =	shalt  }
0x3f: {  	_ =	shalt  }
0x40: {  	_ =	shalt  }
0x41: {  	_ =	shalt  }
0x42: {  	_ =	shalt  }
0x43: {  	_ =	shalt  }
0x44: {  	_ =	shalt  }
0x45: {  	_ =	shalt  }
0x46: {  	_ =	shalt  }
0x47: {  	_ =	shalt  }
0x48: {  	_ =	shalt  }
0x49: {  	_ =	shalt  }
0x4a: {  	_ =	shalt  }
0x4b: {  	_ =	shalt  }
0x4c: {  	_ =	shalt  }
0x4d: {  	_ =	shalt  }
0x4e: {  	_ =	shalt  }
0x4f: {  	_ =	shalt  }
0x50: {  	_ =	shalt  }
0x51: {  	_ =	shalt  }
0x52: {  	_ =	shalt  }
0x53: {  	_ =	shalt  }
0x54: {  	_ =	shalt  }
0x55: {  	_ =	shalt  }
0x56: {  	_ =	shalt  }
0x57: {  	_ =	shalt  }
0x58: {  	_ =	shalt  }
0x59: {  	_ =	shalt  }
0x5a: {  	_ =	shalt  }
0x5b: {  	_ =	shalt  }
0x5c: {  	_ =	shalt  }
0x5d: {  	_ =	shalt  }
0x5e: {  	_ =	shalt  }
0x5f: {  	_ =	shalt  }
0x60: {  	_ =	shalt  }
0x61: {  	_ =	shalt  }
0x62: {  	_ =	shalt  }
0x63: {  	_ =	shalt  }
0x64: {  	_ =	shalt  }
0x65: {  	_ =	shalt  }
0x66: {  	_ =	shalt  }
0x67: {  	_ =	shalt  }
0x68: {  	_ =	shalt  }
0x69: {  	_ =	shalt  }
0x6a: {  	_ =	shalt  }
0x6b: {  	_ =	shalt  }
0x6c: {  	_ =	shalt  }
0x6d: {  	_ =	shalt  }
0x6e: {  	_ =	shalt  }
0x6f: {  	_ =	shalt  }
0x70: {  	_ =	shalt  }
0x71: {  	_ =	shalt  }
0x72: {  	_ =	shalt  }
0x73: {  	_ =	shalt  }
0x74: {  	_ =	shalt  }
0x75: {  	_ =	shalt  }
0x76: {  	_ =	shalt  }
0x77: {  	_ =	shalt  }
0x78: {  	_ =	shalt  }
0x79: {  	_ =	shalt  }
0x7a: {  	_ =	shalt  }
0x7b: {  	_ =	shalt  }
0x7c: {  	_ =	shalt  }
0x7d: {  	_ =	shalt  }
0x7e: {  	_ =	shalt  }
0x7f: {  	_ =	shalt  }
0x80: {  	_ =	shalt  }
0x81: {  	_ =	shalt  }
0x82: {  	_ =	shalt  }
0x83: {  	_ =	shalt  }
0x84: {  	_ =	shalt  }
0x85: {  	_ =	shalt  }
0x86: {  	_ =	shalt  }
0x87: {  	_ =	shalt  }
.Lfunc_end0:
.L_simem_size_0:
called_computation.2_lowered:
.L_overlay_start_0:
0x88: {  	s2 =	sld [smem:$0x3FD9]  }
0x89: {  	s3 =	sld [smem:$0x3FFE];
	_ =	sdelay $0x1  }
0x8a: {  	s1 =	srdreg.scid  }
0x8b: {  	s0 =	sand.u32 $0x1, s1  }
0x8c: {  	s17 =	sshll.u32 s0, $0xA;
	s2 =	sadd.s32 s3, s2  }
0x8d: {  	s2 =	sadd.s32 s2, s17  }
0x8e: {  	[smem:$0x3FBB] =	sst s2  }
0x8f: {  	_ = 	snop  }
0x90: {  	(tm) =	ssettm $0x1  }
0x91: {  	s18 =	sld [smem:$0x3FFB];
	_ =	sdelay $0x3  }
0x92: {  	_ =	strace s18  }
0x93: {  	s2 =	sld [smem:$0x3FFC];
	_ =	sdelay $0x3  }
0x94: {  	_ =	strace s2  }
0x95: {  	s2 =	sld [smem:$0x3FFD];
	_ =	sdelay $0x3  }
0x96: {  	_ =	strace s2  }
0x97: {  	_ =	strace $0x8FFFFFFF  }
0x98: {  	s19 =	sld [smem:$0x3FDB];
	_ =	sdelay $0x1  }
0x99: {  	s20 =	simm.s32 $_scs_section_size  }
0x9a: {  	s4 =	simm.s32 $_size__tile_overlayer_lowered;
	s5 =	simm.s32 $_tile_overlayer_lowered  }
0x9b: {  	s6 =	simm.s32 $0x1BFF;
	s21 =	sshll.u32 s5, $0x1;
	s3 =	sadd.s32 s20, s19  }
0x9c: {  	s22 =	simm.s32 $0x0;
	s4 =	sshll.u32 s4, $0x1;
	s5 =	sadd.s32 s21, s3  }
0x9d: {  	[timem:s22], [sflag:s6] =	dma.local [hbm:s5], s4  }
0x9e: {  	_ =	swait.ge [sflag:s6], s4  }
0x9f: {  	s4 =	ssub.s32 $0x0, s4;
	[sflag:s6] =	ssyncset.done $0x0  }
0xa0: {  	[sflag:s6] =	ssyncadd.s32 s4;
	_ =	sdelay $0x1  }
0xa1: {  	s23 =	simm.s32 $0x1B8B  }
0xa2: {  	_ =	swait.ge [sflag:s23], $0x1  }
0xa3: {  	[sflag:s23] =	ssyncset.done $0x0  }
0xa4: {  	[sflag:s23] =	ssyncadd.s32 $0xFFFFFFFF  }
0xa5: {  	s4 =	sld [smem:$0x0]  }
0xa6: {  	s5 =	sand.u32 $0xFFFFFFFE, s1  }
0xa7: {  	p0 =	sne.s32 s1, s5  }
0xa8: {  	s5 =	sshll.u32 @p0 s5, $0xE  }
0xa9: {  	s5 =	sadd.s32 @p0 $0x11B8D, s5;
	s6 =	sshll.u32 @p0 s4, $0x11  }
0xaa: {  	s5 =	sor.u32 @p0 s6, s5  }
0xab: {  	[sflag:s5] =	ssyncadd.remote.s32 @p0 $0x1;
	_ =	sdelay $0x1  }
0xac: {  	s5 =	simm.s32 @p0 $0x1B8D  }
0xad: {  	_ =	swait.eq @p0 [sflag:s5], $0x1  }
0xae: {  	[sflag:s5] =	ssyncadd.s32 @p0 $0xFFFFFFFF  }
0xaf: {  	s6 =	sshll.u32 @!p0 s1, $0xE  }
0xb0: {  	s6 =	sor.u32 @!p0 $0x4000, s6;
	s5 =	simm.s32 @!p0 $0x1B8D  }
0xb1: {  	s4 =	sshll.u32 @!p0 s4, $0x11;
	s6 =	sadd.s32 @!p0 $0x11B8D, s6;
	_ =	swait.eq @!p0 [sflag:s5], $0x1  }
0xb2: {  	s4 =	sor.u32 @!p0 s4, s6;
	[sflag:s5] =	ssyncadd.s32 @!p0 $0xFFFFFFFF  }
0xb3: {  	s25 =	simm.s32 $0x1B8E;
	s24 =	sld [smem:$0x3FFE];
	[sflag:s4] =	ssyncadd.remote.s32 @!p0 $0x1  }
0xb4: {  	s26 =	simm.s32 $execute0_lowered;
	[smem:$0x3FD2] =	sst s25  }
0xb5: {  	s5 =	sshll.u32 s26, $0x1;
	_ =	strace $0x8000004F;
	[dreg:$0x1] =	wrdreg $0xFFFFFFFF  }
0xb6: {  	s28 =	simm.s32 $_size_execute0_lowered;
	s3 =	sadd.s32 s3, s5;
	[dreg:$0x0] =	wrdreg $0x0  }
0xb7: {  	s5 =	sshll.u32 s28, $0x1;
	[dreg:$0x2] =	wrdreg s3  }
0xb8: {  	[dreg:$0x3] =	wrdreg s5  }
0xb9: {  	[dreg:$0x4] =	wrdreg $0xC0  }
0xba: {  	_ =	task [dreg:s22], $0x5FFFF  }
0xbb: {  	[dreg:$0x1] =	wrdreg $0xFFFFFFFF  }
0xbc: {  	[dreg:$0x0] =	wrdreg $0x60  }
0xbd: {  	[dreg:$0x2] =	wrdreg s24  }
0xbe: {  	[dreg:$0x3] =	wrdreg $0x0  }
0xbf: {  	[dreg:$0x4] =	wrdreg $0x9  }
0xc0: {  	_ =	task.clear_ibuf [dreg:s22], $0x5FFFF;
	_ =	strace $0x9000004F  }
0xc1: {  	s29 =	simm.s32 $0x9;
	_ =	strace $0x80000051  }
0xc2: {  	_ =	swait.ge [sflag:s29], $0x1  }
0xc3: {  	[sflag:s29] =	ssyncadd.s32 $0xFFFFFFFF  }
0xc4: {  	_ =	strace $0x90000051  }
0xc5: {  	_ =	sfence  }
0xc6: {  	s30 =	sld [smem:$0x0];
	_ =	sdelay $0x2  }
0xc7: {  	s31 =	sshll.u32 s1, $0xD;
	s1 =	sshrl.u32 s1, $0x2  }
0xc8: {  	s4 =	sand.u32 $0x4000, s31;
	s1 =	sadd.s32 s1, s30  }
0xc9: {  	s0 =	sor.u32 s4, s0;
	s1 =	sshll.u32 s1, $0x11  }
0xca: {  	s0 =	sor.u32 s1, s0  }
0xcb: {  	s0 =	sadd.s32 $0x8F2B, s0  }
0xcc: {  	[sflag:s0] =	ssyncadd.remote.s32 $0x1  }
0xcd: {  	_ =	sfence.sel $0xFFFF  }
0xce: {  	[dreg:$0x0] =	wrdreg $0xFFFFFFFF;
	(pc) =	sbr.abs _section_cstart, $3  }
0xcf: {  	[dreg:$0x1] =	wrdreg $0xFFFFFFFF  }
0xd0: {  	_ =	task.clear_ibuf [dreg:s22], $0x2FFFF;
	_ =	strace $0x9FFFFFFF  }
0xd1: {  	(tm) =	ssettm $0x7FFFFFFF  }
tec
execute0_lowered:
.L_overlay_start_1:
0x0: {  	(tag) =	ssettag $0x1  }
0x1: {  	s0 =	srdreg.scid;
	s1 =	rddreg [dreg:$0x0]  }
0x2: {  	s7 =	stileid.u32;
	s2 =	rddreg [dreg:$0x1];
	s9 =	simm.s32 $0x0  }
0x3: {  	s8 =	simm.s32 $0x1E800;
	s31 =	simm.s32 $0x1A800;
	s0 =	sand.u32 $0x1, s0  }
0x4: {  	s3 =	sshll.u32 s7, $0x1;
	[smem:$0x7FF] =	sst s9;
	s4 =	smul.u32 $0x50000, s7  }
0x5: {  	s5 =	sadd.s32 $0x214E00, s1;
	s25 =	smul.u32 $0x14000, s7;
	s7 =	simm.s32 $0x2  }
0x6: {  	s3 =	sor.u32 s0, s3;
	_ =	strace $0x80000050;
	[dreg:$0x4] =	wrdreg s5  }
0x7: {  	s12 =	ssub.s32 $0x2, s0;
	s0 =	smul.u32 $0x140000, s0;
	s5 =	simm.s32 $0x4  }
0x8: {  	s3 =	smul.u32 $0x280, s3;
	s6 =	sshrl.u32 s12, $0x1;
	s4 =	sshrl.u32 s4, $0x2  }
0x9: {  	s13 =	ssub.s32 s12, s6;
	s6 =	sadd.s32 s4, s2;
	s4 =	simm.s32 $0x3  }
0xa: {  	s3 =	sadd.s32 s3, s1;
	s1 =	sadd.s32 $0x2B4E00, s1;
	s20 =	sadd.s32 $0x1000, s6  }
0xb: {  	s21 =	sadd.s32 $0x2000, s6;
	s22 =	sadd.s32 $0x3000, s6;
	s23 =	sadd.s32 $0x4000, s6  }
0xc: {  	s24 =	sadd.s32 $0x5000, s6;
	s14 =	sadd.s32 $0x6000, s6;
	[dreg:$0x5] =	wrdreg s1  }
0xd: {  	s15 =	sadd.s32 $0x7000, s6;
	s16 =	sadd.s32 $0x8000, s6;
	[dreg:$0x8] =	wrdreg s20  }
0xe: {  	s17 =	sadd.s32 $0x9000, s6;
	s18 =	sadd.s32 $0xA000, s6;
	[dreg:$0x9] =	wrdreg s21  }
0xf: {  	s26 =	smax.u32 s13, $0x1;
	s28 =	sadd.s32 $0x11000, s6;
	[dreg:$0xa] =	wrdreg s22  }
0x10: {  	s29 =	sadd.s32 $0x12000, s6;
	s30 =	sadd.s32 $0x13000, s6;
	[dreg:$0xb] =	wrdreg s23  }
0x11: {  	s19 =	sadd.s32 $0x2E00, s3;
	s3 =	sadd.s32 $0x7E00, s3;
	[dreg:$0xc] =	wrdreg s24  }
.Ltmp0:
0x12: {  	s20 =	sadd.s32 $0xC000, s6;
	s21 =	sadd.s32 $0xD000, s6;
	(pc) =	sbr.rel .LBB2_1-.Ltmp0, $4  }
0x13: {  	s22 =	sadd.s32 $0xE000, s6;
	s23 =	sadd.s32 s0, s25;
	s24 =	sadd.s32 $0xF000, s6  }
0x14: {  	[dreg:$0xd] =	wrdreg s26;
	s26 =	sadd.s32 $0x10000, s6;
	s1 =	simm.s32 $0x5  }
0x15: {  	s25 =	simm.s32 $0x80;
	s0 =	simm.s32 $0x1;
	[dreg:$0x6] =	wrdreg s19  }
0x16: {  	v0 =	vimm.f32 $0.0e+00;
	[dreg:$0x7] =	wrdreg s3;
	s19 =	sadd.s32 $0xB000, s6;
	s3 =	simm.s32 $0x16800  }
.LBB2_8:
0x17: {  	s9 =	rddreg [dreg:$0x3]  }
0x18: {  	s10 =	rddreg [dreg:$0xd];
	s9 =	sadd.s32 $0x1, s9  }
0x19: {  	p0 =	sne.s32 s9, s10  }
.Ltmp1:
0x1a: {  	_ = 	snop;
	(pc) =	sbr.rel @!p0 .LBB2_9-.Ltmp1, $1  }
0x1b: {  	_ =	sdelay $0x3  }
.LBB2_1:
0x1c: {  	[dreg:$0x3] =	wrdreg s9;
	s9 =	simm.s32 $0x0;
	s10 =	simm.s32 $0x200  }
.LBB2_2:
0x1d: {  	p0 =	sne.s32 s10, $0x3E00;
	[tilespmem:s9+$0x1E870] =	vst v0  }
0x1e: {  	[tilespmem:s9+$0x1E800] =	vst v0  }
0x1f: {  	[tilespmem:s9+$0x1E810] =	vst v0  }
.Ltmp2:
0x20: {  	[tilespmem:s9+$0x1E820] =	vst v0;
	(pc) =	sbr.rel @p0 .LBB2_2-.Ltmp2, $4  }
0x21: {  	[tilespmem:s9+$0x1E830] =	vst v0  }
0x22: {  	[tilespmem:s9+$0x1E840] =	vst v0  }
0x23: {  	[tilespmem:s9+$0x1E850] =	vst v0  }
0x24: {  	[tilespmem:s9+$0x1E860] =	vst v0;
	s9 =	sshra.s32 s10, $0x2;
	s10 =	sadd.s32 $0x200, s10  }
0x25: {  	[tilespmem:s9+$0x1E870] =	vst v0  }
0x26: {  	[tilespmem:s9+$0x1E800] =	vst v0  }
0x27: {  	[tilespmem:s9+$0x1E810] =	vst v0  }
0x28: {  	[tilespmem:s9+$0x1E820] =	vst v0  }
0x29: {  	[tilespmem:s9+$0x1E830] =	vst v0  }
0x2a: {  	[tilespmem:s9+$0x1E840] =	vst v0  }
0x2b: {  	[tilespmem:s9+$0x1E850] =	vst v0  }
0x2c: {  	[tilespmem:s9+$0x1E860] =	vst v0;
	s9 =	simm.s32 $0x0;
	s10 =	rddreg [dreg:$0x6];
	s11 =	simm.s32 $0x14000  }
0x2d: {  	[tilespmem:s11], [sflag:$0x5] =	stream.linear.gather [hbm4b:s10+s9], $0x1400, $0x38;
	[tilespmem:$0x1F800] =	vst v63  }
0x2e: {  	_ =	swait.ge [sflag:s1], $0x1400  }
0x2f: {  	s13 =	simm.s32 $0x15400;
	[sflag:s1] =	ssyncset.done $0x0  }
.Ltmp3:
0x30: {  	s12 =	rddreg [dreg:$0x7];
	[sflag:s1] =	ssyncadd.s32 $0xFFFFEC00;
	(pc) =	sbr.rel .LBB2_4-.Ltmp3, $4  }
0x31: {  	[tilespmem:s13], [sflag:$0x5] =	stream.linear.gather [hbm4b:s12+s9], $0x1400, $0x38;
	[tilespmem:$0x1F800] =	vst v63  }
0x32: {  	_ =	swait.ge [sflag:s1], $0x1400  }
0x33: {  	[sflag:s1] =	ssyncset.done $0x0  }
0x34: {  	[sflag:s1] =	ssyncadd.s32 $0xFFFFEC00  }
.LBB2_7:
0x35: {  	_ =	swait.ge [sflag:s5], $0x4000  }
0x36: {  	s10 =	smul.u32 $0x280000, s9;
	[sflag:s5] =	ssyncset.done $0x0  }
0x37: {  	s11 =	stileid.u32;
	s13 =	sshrl.u32 s6, $0x3;
	[sflag:s5] =	ssyncadd.s32 $0xFFFFC000  }
0x38: {  	s9 =	sadd.s32 $0x1, s9;
	s10 =	sadd.s32 s10, s23;
	[bflag:$0x0] =	sbarrier.arrive $0xFFFF  }
0x39: {  	s11 =	sshll.u32 s11, $0x6;
	s10 =	sshrl.u32 s10, $0x3;
	s12 =	rddreg [dreg:$0x5]  }
0x3a: {  	p0 =	sne.s32 s9, $0x4;
	s11 =	sor.u32 $0x1C05, s11;
	s10 =	sadd.s32 s12, s10  }
0x3b: {  	[hbm:s10], [sflag:s11] =	dma.local [spmem:s13], $0x2800  }
.Ltmp4:
0x3c: {  	_ =	swait.ge [sflag:s1], $0x2800;
	(pc) =	sbr.rel @!p0 .LBB2_8-.Ltmp4, $3  }
0x3d: {  	[sflag:s1] =	ssyncset.done $0x0  }
0x3e: {  	[sflag:s1] =	ssyncadd.s32 $0xFFFFD800  }
0x3f: {  	[bflag:$0x0] =	sbarrier.arrive $0xFFFF;
	_ =	sdelay $0x1  }
.LBB2_4:
0x40: {  	[spmem:s6] =	stream.linear.scatter [tilespmem:s8], [sflag:$0x5], $0x1000, $0x38;
	[tilespmem:$0x1F800] =	vst v63  }
0x41: {  	_ =	swait.ge [sflag:s1], $0x1000  }
0x42: {  	[sflag:s1] =	ssyncset.done $0x0  }
0x43: {  	s10 =	rddreg [dreg:$0x8];
	[sflag:s1] =	ssyncadd.s32 $0xFFFFF000  }
0x44: {  	[spmem:s10] =	stream.linear.scatter [tilespmem:s8], [sflag:$0x5], $0x1000, $0x38;
	[tilespmem:$0x1F800] =	vst v63  }
0x45: {  	_ =	swait.ge [sflag:s1], $0x1000  }
0x46: {  	[sflag:s1] =	ssyncset.done $0x0  }
0x47: {  	s11 =	rddreg [dreg:$0x9];
	[sflag:s1] =	ssyncadd.s32 $0xFFFFF000  }
0x48: {  	[spmem:s11] =	stream.linear.scatter [tilespmem:s8], [sflag:$0x5], $0x1000, $0x38;
	[tilespmem:$0x1F800] =	vst v63  }
0x49: {  	_ =	swait.ge [sflag:s1], $0x1000  }
0x4a: {  	[sflag:s1] =	ssyncset.done $0x0  }
0x4b: {  	s12 =	rddreg [dreg:$0xa];
	[sflag:s1] =	ssyncadd.s32 $0xFFFFF000  }
0x4c: {  	[spmem:s12] =	stream.linear.scatter [tilespmem:s8], [sflag:$0x5], $0x1000, $0x38;
	[tilespmem:$0x1F800] =	vst v63  }
0x4d: {  	_ =	swait.ge [sflag:s1], $0x1000  }
0x4e: {  	[sflag:s1] =	ssyncset.done $0x0  }
0x4f: {  	s13 =	rddreg [dreg:$0xb];
	[sflag:s1] =	ssyncadd.s32 $0xFFFFF000  }
0x50: {  	[spmem:s13] =	stream.linear.scatter [tilespmem:s8], [sflag:$0x5], $0x1000, $0x38;
	[tilespmem:$0x1F800] =	vst v63  }
0x51: {  	_ =	swait.ge [sflag:s1], $0x1000  }
0x52: {  	[sflag:s1] =	ssyncset.done $0x0  }
0x53: {  	s11 =	rddreg [dreg:$0xc];
	[sflag:s1] =	ssyncadd.s32 $0xFFFFF000  }
0x54: {  	[spmem:s11] =	stream.linear.scatter [tilespmem:s8], [sflag:$0x5], $0x1000, $0x38;
	[tilespmem:$0x1F800] =	vst v63  }
0x55: {  	_ =	swait.ge [sflag:s1], $0x1000  }
0x56: {  	[sflag:s1] =	ssyncset.done $0x0  }
0x57: {  	[sflag:s1] =	ssyncadd.s32 $0xFFFFF000  }
0x58: {  	[spmem:s14] =	stream.linear.scatter [tilespmem:s8], [sflag:$0x5], $0x1000, $0x38;
	[tilespmem:$0x1F800] =	vst v63  }
0x59: {  	_ =	swait.ge [sflag:s1], $0x1000  }
0x5a: {  	[sflag:s1] =	ssyncset.done $0x0  }
0x5b: {  	[sflag:s1] =	ssyncadd.s32 $0xFFFFF000  }
0x5c: {  	[spmem:s15] =	stream.linear.scatter [tilespmem:s8], [sflag:$0x5], $0x1000, $0x38;
	[tilespmem:$0x1F800] =	vst v63  }
0x5d: {  	_ =	swait.ge [sflag:s1], $0x1000  }
0x5e: {  	[sflag:s1] =	ssyncset.done $0x0  }
0x5f: {  	[sflag:s1] =	ssyncadd.s32 $0xFFFFF000  }
0x60: {  	[spmem:s16] =	stream.linear.scatter [tilespmem:s8], [sflag:$0x5], $0x1000, $0x38;
	[tilespmem:$0x1F800] =	vst v63  }
0x61: {  	_ =	swait.ge [sflag:s1], $0x1000  }
0x62: {  	[sflag:s1] =	ssyncset.done $0x0  }
0x63: {  	[sflag:s1] =	ssyncadd.s32 $0xFFFFF000  }
0x64: {  	[spmem:s17] =	stream.linear.scatter [tilespmem:s8], [sflag:$0x5], $0x1000, $0x38;
	[tilespmem:$0x1F800] =	vst v63  }
0x65: {  	_ =	swait.ge [sflag:s1], $0x1000  }
0x66: {  	[sflag:s1] =	ssyncset.done $0x0  }
0x67: {  	[sflag:s1] =	ssyncadd.s32 $0xFFFFF000  }
0x68: {  	[spmem:s18] =	stream.linear.scatter [tilespmem:s8], [sflag:$0x5], $0x1000, $0x38;
	[tilespmem:$0x1F800] =	vst v63  }
0x69: {  	_ =	swait.ge [sflag:s1], $0x1000  }
0x6a: {  	[sflag:s1] =	ssyncset.done $0x0  }
0x6b: {  	[sflag:s1] =	ssyncadd.s32 $0xFFFFF000  }
0x6c: {  	[spmem:s19] =	stream.linear.scatter [tilespmem:s8], [sflag:$0x5], $0x1000, $0x38;
	[tilespmem:$0x1F800] =	vst v63  }
0x6d: {  	_ =	swait.ge [sflag:s1], $0x1000  }
0x6e: {  	[sflag:s1] =	ssyncset.done $0x0  }
0x6f: {  	[sflag:s1] =	ssyncadd.s32 $0xFFFFF000  }
0x70: {  	[spmem:s20] =	stream.linear.scatter [tilespmem:s8], [sflag:$0x5], $0x1000, $0x38;
	[tilespmem:$0x1F800] =	vst v63  }
0x71: {  	_ =	swait.ge [sflag:s1], $0x1000  }
0x72: {  	[sflag:s1] =	ssyncset.done $0x0  }
0x73: {  	[sflag:s1] =	ssyncadd.s32 $0xFFFFF000  }
0x74: {  	[spmem:s21] =	stream.linear.scatter [tilespmem:s8], [sflag:$0x5], $0x1000, $0x38;
	[tilespmem:$0x1F800] =	vst v63  }
0x75: {  	_ =	swait.ge [sflag:s1], $0x1000  }
0x76: {  	[sflag:s1] =	ssyncset.done $0x0  }
0x77: {  	[sflag:s1] =	ssyncadd.s32 $0xFFFFF000  }
0x78: {  	[spmem:s22] =	stream.linear.scatter [tilespmem:s8], [sflag:$0x5], $0x1000, $0x38;
	[tilespmem:$0x1F800] =	vst v63  }
0x79: {  	_ =	swait.ge [sflag:s1], $0x1000  }
0x7a: {  	[sflag:s1] =	ssyncset.done $0x0  }
0x7b: {  	[sflag:s1] =	ssyncadd.s32 $0xFFFFF000  }
0x7c: {  	[spmem:s24] =	stream.linear.scatter [tilespmem:s8], [sflag:$0x5], $0x1000, $0x38;
	[tilespmem:$0x1F800] =	vst v63  }
0x7d: {  	_ =	swait.ge [sflag:s1], $0x1000  }
0x7e: {  	[sflag:s1] =	ssyncset.done $0x0  }
0x7f: {  	[sflag:s1] =	ssyncadd.s32 $0xFFFFF000  }
0x80: {  	[spmem:s26] =	stream.linear.scatter [tilespmem:s8], [sflag:$0x5], $0x1000, $0x38;
	[tilespmem:$0x1F800] =	vst v63  }
0x81: {  	_ =	swait.ge [sflag:s1], $0x1000  }
0x82: {  	[sflag:s1] =	ssyncset.done $0x0  }
0x83: {  	[sflag:s1] =	ssyncadd.s32 $0xFFFFF000  }
0x84: {  	[spmem:s28] =	stream.linear.scatter [tilespmem:s8], [sflag:$0x5], $0x1000, $0x38;
	[tilespmem:$0x1F800] =	vst v63  }
0x85: {  	_ =	swait.ge [sflag:s1], $0x1000  }
0x86: {  	[sflag:s1] =	ssyncset.done $0x0  }
0x87: {  	[sflag:s1] =	ssyncadd.s32 $0xFFFFF000  }
0x88: {  	[spmem:s29] =	stream.linear.scatter [tilespmem:s8], [sflag:$0x5], $0x1000, $0x38;
	[tilespmem:$0x1F800] =	vst v63  }
0x89: {  	_ =	swait.ge [sflag:s1], $0x1000  }
0x8a: {  	[sflag:s1] =	ssyncset.done $0x0  }
0x8b: {  	[sflag:s1] =	ssyncadd.s32 $0xFFFFF000  }
0x8c: {  	[spmem:s30] =	stream.linear.scatter [tilespmem:s8], [sflag:$0x5], $0x1000, $0x38;
	[tilespmem:$0x1F800] =	vst v63  }
0x8d: {  	_ =	swait.ge [sflag:s1], $0x1000  }
0x8e: {  	[sflag:s1] =	ssyncset.done $0x0  }
0x8f: {  	[sflag:s1] =	ssyncadd.s32 $0xFFFFF000  }
0x90: {  	s12 =	smul.u32 $0x28000, s9;
	[bflag:$0x0] =	sbarrier.arrive $0xFFFF  }
0x91: {  	s11 =	rddreg [dreg:$0x4]  }
0x92: {  	s13 =	simm.s32 $0x14000;
	s10 =	sadd.s32 s11, s12  }
0x93: {  	[tilespmem:s3], [sflag:$0x1] =	stream.indirect.gather [hbm4b:s10+s25], $0x80, s13, s25, $0xb8;
	[tilespmem:$0x1F800] =	vst v63  }
0x94: {  	_ =	swait.ge [sflag:s0], $0x4000  }
0x95: {  	[sflag:s0] =	ssyncset.done $0x0  }
0x96: {  	s12 =	simm.s32 $0x15400;
	[sflag:s0] =	ssyncadd.s32 $0xFFFFC000  }
0x97: {  	[spmem:s2] =	stream.indirect.scatter.add.f32 [tilespmem:s3], [sflag:$0x3], $0x80, s12, s25, $0xb8;
	[tilespmem:$0x1F800] =	vst v63  }
0x98: {  	s13 =	simm.s32 $0x14080  }
0x99: {  	[tilespmem:s31], [sflag:$0x2] =	stream.indirect.gather [hbm4b:s10+s25], $0x80, s13, s25, $0xb8;
	[tilespmem:$0x1F800] =	vst v63  }
0x9a: {  	_ =	swait.ge [sflag:s7], $0x4000  }
0x9b: {  	[sflag:s7] =	ssyncset.done $0x0  }
0x9c: {  	s12 =	simm.s32 $0x15480;
	[sflag:s7] =	ssyncadd.s32 $0xFFFFC000  }
0x9d: {  	[spmem:s2] =	stream.indirect.scatter.add.f32 [tilespmem:s31], [sflag:$0x4], $0x80, s12, s25, $0xb8;
	[tilespmem:$0x1F800] =	vst v63  }
0x9e: {  	_ =	swait.ge [sflag:s4], $0x4000  }
0x9f: {  	[sflag:s4] =	ssyncset.done $0x0  }
0xa0: {  	s11 =	simm.s32 $0xFFFFB800;
	s13 =	simm.s32 $0x14100;
	[sflag:s4] =	ssyncadd.s32 $0xFFFFC000  }
0xa1: {  	[tilespmem:s3], [sflag:$0x1] =	stream.indirect.gather [hbm4b:s10+s25], $0x80, s13, s25, $0xb8;
	[tilespmem:$0x1F800] =	vst v63  }
.LBB2_5:
0xa2: {  	_ =	swait.ge [sflag:s0], $0x4000  }
0xa3: {  	s12 =	sshra.s32 s11, $0x2;
	[sflag:s0] =	ssyncset.done $0x0  }
0xa4: {  	s13 =	sadd.s32 $0x16700, s12;
	[sflag:s0] =	ssyncadd.s32 $0xFFFFC000  }
0xa5: {  	[spmem:s2] =	stream.indirect.scatter.add.f32 [tilespmem:s3], [sflag:$0x3], $0x80, s13, s25, $0xb8;
	[tilespmem:$0x1F800] =	vst v63  }
0xa6: {  	_ =	swait.ge [sflag:s5], $0x4000  }
0xa7: {  	[sflag:s5] =	ssyncset.done $0x0  }
0xa8: {  	s13 =	sadd.s32 $0x15380, s12;
	[sflag:s5] =	ssyncadd.s32 $0xFFFFC000  }
0xa9: {  	[tilespmem:s31], [sflag:$0x2] =	stream.indirect.gather [hbm4b:s10+s25], $0x80, s13, s25, $0xb8;
	[tilespmem:$0x1F800] =	vst v63  }
0xaa: {  	_ =	swait.ge [sflag:s7], $0x4000  }
0xab: {  	p0 =	seq.s32 s11, $0x0;
	[sflag:s7] =	ssyncset.done $0x0  }
.Ltmp5:
0xac: {  	s13 =	sadd.s32 $0x16780, s12;
	[sflag:s7] =	ssyncadd.s32 $0xFFFFC000;
	(pc) =	sbr.rel @p0 .LBB2_7-.Ltmp5, $4  }
0xad: {  	[spmem:s2] =	stream.indirect.scatter.add.f32 [tilespmem:s31], [sflag:$0x4], $0x80, s13, s25, $0xb8;
	[tilespmem:$0x1F800] =	vst v63  }
0xae: {  	_ =	swait.ge [sflag:s4], $0x4000  }
0xaf: {  	[sflag:s4] =	ssyncset.done $0x0  }
0xb0: {  	[sflag:s4] =	ssyncadd.s32 $0xFFFFC000  }
.Ltmp6:
0xb1: {  	(pc) =	sbr.rel .LBB2_5-.Ltmp6, $3  }
0xb2: {  	_ =	sdelay $0x1  }
0xb3: {  	s12 =	sadd.s32 $0x15400, s12;
	s11 =	sadd.s32 $0x400, s11  }
0xb4: {  	[tilespmem:s3], [sflag:$0x1] =	stream.indirect.gather [hbm4b:s10+s25], $0x80, s12, s25, $0xb8;
	[tilespmem:$0x1F800] =	vst v63  }
.LBB2_9:
0xb5: {  	_ =	sfence.sel $0x180000  }
0xb6: {  	[bflag:$0x0] =	sbarrier.arrive $0xFFFF  }
0xb7: {  	_ =	strace $0x90000050  }
0xb8: {  	s0 =	stileid.u32;
	[bflag:$0x2] =	sbarrier.arrive $0xFFFF  }
0xb9: {  	p0 =	sne.s32 s0, $0x0;
	s0 =	rddreg [dreg:$0x2]  }
0xba: {  	s0 =	sadd.s32 @!p0 $0x100000, s0  }
0xbb: {  	[sflag:s0] =	ssyncadd.tile.s32 @!p0 $0x1;
	_ =	shalt  }
.Lfunc_end2:
_tile_overlayer_lowered:
.L_overlay_start_2:
0xbc: {  	(tag) =	ssettag $0x2  }
0xbd: {  	s0 =	rddreg [dreg:$0x0];
	s2 =	stileid.u32  }
0xbe: {  	s1 =	rddreg [dreg:$0x1];
	p0 =	sne.s32 s2, $0x0  }
0xbf: {  	s3 =	rddreg [dreg:$0x2];
	[bflag:$0x3] =	sbarrier.arrive $0xFFFF;
	s2 =	simm.s32 @!p0 $0x1C05  }
0xc0: {  	[timem:s3], [sflag:s2] =	dma.local @!p0 [hbm:s0], s1  }
0xc1: {  	s0 =	simm.s32 @!p0 $0x5  }
0xc2: {  	_ =	swait.ge @!p0 [sflag:s0], s1  }
0xc3: {  	s1 =	ssub.s32 @!p0 $0x0, s1;
	[sflag:s0] =	ssyncset.done @!p0 $0x0  }
0xc4: {  	[sflag:s0] =	ssyncadd.s32 @!p0 s1  }
0xc5: {  	[bflag:$0x3] =	sbarrier.arrive $0xFFFF  }
0xc6: {  	_ =	shalt  }

// kernel: kernel.20.cloned.1.call-start
scs
__scs_entry_jumppad:
0x0: {  	(pc) =	sbr.rel $0x88, $3  }
0x1: {  	(tag) =	ssettag $0x0;
	lr =	simm.s32 $0x1  }
0x2: {  	[smem:$0x3F94] =	sst lr;
	_ =	strace $0xD0000000  }
0x3: {  	_ = 	snop  }
0x4: {  	_ = 	snop  }
0x5: {  	_ = 	snop  }
0x6: {  	_ = 	snop  }
0x7: {  	_ = 	snop  }
__scs_overlays_trampoline_lowered:
0x8: {  	[smem:$0x3FA3] =	sst s0  }
0x9: {  	[smem:$0x3FA4] =	sst s1  }
0xa: {  	[smem:$0x3FA5] =	sst s2  }
0xb: {  	[smem:$0x3FA6] =	sst s3  }
0xc: {  	[smem:$0x3FA7] =	sst s4  }
0xd: {  	[smem:$0x3FA8] =	sst s5  }
0xe: {  	[smem:$0x3FA9] =	sst s6  }
0xf: {  	[smem:$0x3FAA] =	sst s7  }
0x10: {  	[smem:$0x3FAB] =	sst s8  }
0x11: {  	[smem:$0x3FAC] =	sst s9;
	s0 =	simm.s32 @!p0 $0x0  }
0x12: {  	s1 =	sld [smem:$0x3F92];
	s0 =	simm.s32 @p0 $0x1  }
0x13: {  	[smem:$0x3FAD] =	sst s0;
	s0 =	simm.s32 @!p1 $0x0  }
0x14: {  	s2 =	sld [smem:$0x3F91];
	s0 =	simm.s32 @p1 $0x1  }
0x15: {  	[smem:$0x3FAE] =	sst s0;
	s0 =	simm.s32 @!p2 $0x0  }
0x16: {  	s3 =	sld [smem:$0x3FDB];
	s0 =	simm.s32 @p2 $0x1  }
0x17: {  	s4 =	simm.s32 $0x1BF5;
	[smem:$0x3FB0] =	sst s0  }
0x18: {  	s0 =	sld [smem:$0x3F93];
	_ =	swait.ge [sflag:s4], $0x0  }
0x19: {  	s7 =	sld [smem:$0x3F94]  }
0x1a: {  	s8 =	sadd.s32 $0xFFFFE003, lr  }
0x1b: {  	s9 =	sadd.s32 $0xFFFFFEF7, lr;
	s5 =	simm.s32 $0xFFFFFFFF;
	p2 =	slt.u32 s8, $0xFFFFF086  }
0x1c: {  	p1 =	slt.u32 s9, $0xF7A;
	s5 =	simm.s32 @!p2 $0x0  }
0x1d: {  	s5 =	simm.s32 @p1 $0x1;
	p0 =	seq.s32 s7, s2  }
0x1e: {  	s7 =	smul.u32 @!p0 $0xF7A, s2;
	p2 =	seq.s32 @!p0 s5, $0x0  }
0x1f: {  	s9 =	smul.u32 $0xF7A, s1;
	s8 =	simm.s32 @!p0 $0x1BF5;
	p2 =	por !p2, p0  }
0x20: {  	[sflag:s8] =	ssyncset.s32 @!p0 $0xFFFFF086;
	s6 =	sadd.s32 @!p0 s3, s7;
	s7 =	simm.s32 @!p0 $0x108  }
0x21: {  	s3 =	sadd.s32 s3, s9;
	s6 =	sadd.s32 @!p0 $0x88, s6;
	s7 =	simm.s32 @p2 $0x1082  }
0x22: {  	[simem:s7], [sflag:s8] =	dma.local @!p0 [hbm:s6], $0xF7A  }
0x23: {  	s9 =	sor.u32 $0xD0000000, s2;
	s6 =	simm.s32 $0x108;
	_ =	swait.ge @!p0 [sflag:s8], $0x0  }
0x24: {  	s3 =	sadd.s32 $0x88, s3;
	s6 =	simm.s32 @!p1 $0x1082;
	[sflag:s4] =	ssyncset.s32 $0xFFFFF086  }
0x25: {  	[simem:s6], [sflag:s4] =	dma.local [hbm:s3], $0xF7A  }
0x26: {  	[smem:$0x3F94] =	sst s1;
	(tag) =	ssettag s2;
	_ =	strace s9  }
0x27: {  	s1 =	sld [smem:$0x3FA4]  }
0x28: {  	s2 =	sld [smem:$0x3FA5]  }
0x29: {  	s4 =	sld [smem:$0x3FA7]  }
0x2a: {  	p0 =	seq.s32 s5, $0x0;
	s5 =	sld [smem:$0x3FA8]  }
0x2b: {  	s6 =	sld [smem:$0x3FA9]  }
0x2c: {  	s7 =	sld [smem:$0x3FAA]  }
0x2d: {  	s3 =	simm.s32 $0x108;
	s8 =	sld [smem:$0x3FAB]  }
0x2e: {  	s3 =	simm.s32 @!p0 $0x1082;
	s9 =	sld [smem:$0x3FAC]  }
0x2f: {  	lr =	sadd.s32 s0, s3;
	s0 =	sld [smem:$0x3FA3]  }
0x30: {  	s3 =	sld [smem:$0x3FA6]  }
0x31: {  	[smem:$0x3FAF] =	sst s10  }
0x32: {  	s10 =	sld [smem:$0x3FAD];
	_ =	sdelay $0x3  }
0x33: {  	p0 =	seq.s32 s10, $0x1;
	s10 =	sld [smem:$0x3FAF];
	_ =	sdelay $0x3  }
0x34: {  	[smem:$0x3FAF] =	sst s10  }
0x35: {  	s10 =	sld [smem:$0x3FAE];
	_ =	sdelay $0x3  }
0x36: {  	p1 =	seq.s32 s10, $0x1;
	s10 =	sld [smem:$0x3FAF];
	_ =	sdelay $0x3  }
0x37: {  	[smem:$0x3FAF] =	sst s10  }
0x38: {  	s10 =	sld [smem:$0x3FB0]  }
0x39: {  	_ = 	snop;
	(pc) =	sbr.ind lr, $3  }
0x3a: {  	_ = 	snop  }
0x3b: {  	_ = 	snop  }
0x3c: {  	p2 =	seq.s32 s10, $0x1;
	s10 =	sld [smem:$0x3FAF]  }
0x3d: {  	_ =	shalt  }
0x3e: {  	_ =	shalt  }
0x3f: {  	_ =	shalt  }
0x40: {  	_ =	shalt  }
0x41: {  	_ =	shalt  }
0x42: {  	_ =	shalt  }
0x43: {  	_ =	shalt  }
0x44: {  	_ =	shalt  }
0x45: {  	_ =	shalt  }
0x46: {  	_ =	shalt  }
0x47: {  	_ =	shalt  }
0x48: {  	_ =	shalt  }
0x49: {  	_ =	shalt  }
0x4a: {  	_ =	shalt  }
0x4b: {  	_ =	shalt  }
0x4c: {  	_ =	shalt  }
0x4d: {  	_ =	shalt  }
0x4e: {  	_ =	shalt  }
0x4f: {  	_ =	shalt  }
0x50: {  	_ =	shalt  }
0x51: {  	_ =	shalt  }
0x52: {  	_ =	shalt  }
0x53: {  	_ =	shalt  }
0x54: {  	_ =	shalt  }
0x55: {  	_ =	shalt  }
0x56: {  	_ =	shalt  }
0x57: {  	_ =	shalt  }
0x58: {  	_ =	shalt  }
0x59: {  	_ =	shalt  }
0x5a: {  	_ =	shalt  }
0x5b: {  	_ =	shalt  }
0x5c: {  	_ =	shalt  }
0x5d: {  	_ =	shalt  }
0x5e: {  	_ =	shalt  }
0x5f: {  	_ =	shalt  }
0x60: {  	_ =	shalt  }
0x61: {  	_ =	shalt  }
0x62: {  	_ =	shalt  }
0x63: {  	_ =	shalt  }
0x64: {  	_ =	shalt  }
0x65: {  	_ =	shalt  }
0x66: {  	_ =	shalt  }
0x67: {  	_ =	shalt  }
0x68: {  	_ =	shalt  }
0x69: {  	_ =	shalt  }
0x6a: {  	_ =	shalt  }
0x6b: {  	_ =	shalt  }
0x6c: {  	_ =	shalt  }
0x6d: {  	_ =	shalt  }
0x6e: {  	_ =	shalt  }
0x6f: {  	_ =	shalt  }
0x70: {  	_ =	shalt  }
0x71: {  	_ =	shalt  }
0x72: {  	_ =	shalt  }
0x73: {  	_ =	shalt  }
0x74: {  	_ =	shalt  }
0x75: {  	_ =	shalt  }
0x76: {  	_ =	shalt  }
0x77: {  	_ =	shalt  }
0x78: {  	_ =	shalt  }
0x79: {  	_ =	shalt  }
0x7a: {  	_ =	shalt  }
0x7b: {  	_ =	shalt  }
0x7c: {  	_ =	shalt  }
0x7d: {  	_ =	shalt  }
0x7e: {  	_ =	shalt  }
0x7f: {  	_ =	shalt  }
0x80: {  	_ =	shalt  }
0x81: {  	_ =	shalt  }
0x82: {  	_ =	shalt  }
0x83: {  	_ =	shalt  }
0x84: {  	_ =	shalt  }
0x85: {  	_ =	shalt  }
0x86: {  	_ =	shalt  }
0x87: {  	_ =	shalt  }
.Lfunc_end0:
.L_simem_size_0:
called_computation.3_lowered:
.L_overlay_start_0:
0x88: {  	s2 =	sld [smem:$0x3FD9]  }
0x89: {  	s3 =	sld [smem:$0x3FFE];
	_ =	sdelay $0x1  }
0x8a: {  	s1 =	srdreg.scid  }
0x8b: {  	s0 =	sand.u32 $0x1, s1  }
0x8c: {  	s16 =	sshll.u32 s0, $0xA;
	s2 =	sadd.s32 s3, s2  }
0x8d: {  	s2 =	sadd.s32 s2, s16  }
0x8e: {  	[smem:$0x3FBB] =	sst s2  }
0x8f: {  	_ = 	snop  }
0x90: {  	(tm) =	ssettm $0x1  }
0x91: {  	s17 =	sld [smem:$0x3FFB];
	_ =	sdelay $0x3  }
0x92: {  	_ =	strace s17  }
0x93: {  	s2 =	sld [smem:$0x3FFC];
	_ =	sdelay $0x3  }
0x94: {  	_ =	strace s2  }
0x95: {  	s2 =	sld [smem:$0x3FFD];
	_ =	sdelay $0x3  }
0x96: {  	_ =	strace s2  }
0x97: {  	_ =	strace $0x8FFFFFFF  }
0x98: {  	s18 =	sld [smem:$0x3FDB];
	_ =	sdelay $0x1  }
0x99: {  	s19 =	simm.s32 $_scs_section_size  }
0x9a: {  	s4 =	simm.s32 $_size__tile_overlayer_lowered;
	s5 =	simm.s32 $_tile_overlayer_lowered  }
0x9b: {  	s22 =	simm.s32 $0x1BFF;
	s21 =	sshll.u32 s5, $0x1;
	s2 =	sadd.s32 s19, s18  }
0x9c: {  	s6 =	simm.s32 $0x0;
	s20 =	sshll.u32 s4, $0x1;
	s4 =	sadd.s32 s21, s2  }
0x9d: {  	[timem:s6], [sflag:s22] =	dma.local [hbm:s4], s20  }
0x9e: {  	_ =	swait.ge [sflag:s22], s20  }
0x9f: {  	s3 =	ssub.s32 $0x0, s20;
	[sflag:s22] =	ssyncset.done $0x0  }
0xa0: {  	[sflag:s22] =	ssyncadd.s32 s3;
	_ =	sdelay $0x1  }
0xa1: {  	s23 =	simm.s32 $0x1B8B  }
0xa2: {  	_ =	swait.ge [sflag:s23], $0x1  }
0xa3: {  	[sflag:s23] =	ssyncset.done $0x0  }
0xa4: {  	s25 =	simm.s32 $0x1B8E;
	s24 =	sld [smem:$0x3FFE];
	[sflag:s23] =	ssyncadd.s32 $0xFFFFFFFF  }
0xa5: {  	s26 =	simm.s32 $execute0_lowered;
	[smem:$0x3FD2] =	sst s25  }
0xa6: {  	s4 =	sshll.u32 s26, $0x1;
	_ =	strace $0x8000004C;
	[dreg:$0x1] =	wrdreg $0xFFFFFFFF  }
0xa7: {  	s28 =	simm.s32 $_size_execute0_lowered;
	s2 =	sadd.s32 s2, s4;
	[dreg:$0x0] =	wrdreg $0x0  }
0xa8: {  	s4 =	sshll.u32 s28, $0x1;
	[dreg:$0x2] =	wrdreg s2  }
0xa9: {  	[dreg:$0x3] =	wrdreg s4  }
0xaa: {  	[dreg:$0x4] =	wrdreg $0xC0  }
0xab: {  	_ =	task [dreg:s6], $0x5FFFF  }
0xac: {  	[dreg:$0x1] =	wrdreg $0xFFFFFFFF  }
0xad: {  	[dreg:$0x0] =	wrdreg $0x60  }
0xae: {  	[dreg:$0x2] =	wrdreg s24  }
0xaf: {  	[dreg:$0x3] =	wrdreg $0x0  }
0xb0: {  	[dreg:$0x4] =	wrdreg $0xA  }
0xb1: {  	_ =	task.clear_ibuf [dreg:s6], $0x5FFFF;
	_ =	strace $0x9000004C  }
0xb2: {  	s29 =	simm.s32 $0xA;
	_ =	strace $0x8000004E  }
0xb3: {  	_ =	swait.ge [sflag:s29], $0x1  }
0xb4: {  	[sflag:s29] =	ssyncadd.s32 $0xFFFFFFFF  }
0xb5: {  	_ =	strace $0x9000004E  }
0xb6: {  	_ =	sfence  }
0xb7: {  	s30 =	sld [smem:$0x0];
	_ =	sdelay $0x2  }
0xb8: {  	s31 =	sshll.u32 s1, $0xD;
	s1 =	sshrl.u32 s1, $0x2  }
0xb9: {  	s3 =	sand.u32 $0x4000, s31;
	s1 =	sadd.s32 s1, s30  }
0xba: {  	s0 =	sor.u32 s3, s0;
	s1 =	sshll.u32 s1, $0x11  }
0xbb: {  	s0 =	sor.u32 s1, s0  }
0xbc: {  	s0 =	sadd.s32 $0x8F2B, s0  }
0xbd: {  	[sflag:s0] =	ssyncadd.remote.s32 $0x1  }
0xbe: {  	_ =	sfence.sel $0xFFFF  }
0xbf: {  	[dreg:$0x0] =	wrdreg $0xFFFFFFFF;
	(pc) =	sbr.abs _section_cstart, $3  }
0xc0: {  	[dreg:$0x1] =	wrdreg $0xFFFFFFFF  }
0xc1: {  	_ =	task.clear_ibuf [dreg:s6], $0x2FFFF;
	_ =	strace $0x9FFFFFFF  }
0xc2: {  	(tm) =	ssettm $0x7FFFFFFF  }
0xc3: {  	_ =	shalt  }
tec
execute0_lowered:
.L_overlay_start_1:
0x0: {  	(tag) =	ssettag $0x1  }
0x1: {  	s0 =	srdreg.scid;
	s1 =	rddreg [dreg:$0x0]  }
0x2: {  	s7 =	stileid.u32;
	s2 =	rddreg [dreg:$0x1];
	s9 =	simm.s32 $0x0  }
0x3: {  	s8 =	simm.s32 $0x1E800;
	s31 =	simm.s32 $0x1A800;
	s0 =	sand.u32 $0x1, s0  }
0x4: {  	s3 =	sshll.u32 s7, $0x1;
	[smem:$0x7FF] =	sst s9;
	s4 =	smul.u32 $0x50000, s7  }
0x5: {  	s5 =	sadd.s32 $0x174E00, s1;
	s25 =	smul.u32 $0x14000, s7;
	s7 =	simm.s32 $0x2  }
0x6: {  	s3 =	sor.u32 s0, s3;
	_ =	strace $0x8000004D;
	[dreg:$0x4] =	wrdreg s5  }
0x7: {  	s12 =	ssub.s32 $0x2, s0;
	s0 =	smul.u32 $0x140000, s0;
	s5 =	simm.s32 $0x4  }
0x8: {  	s3 =	smul.u32 $0x280, s3;
	s6 =	sshrl.u32 s12, $0x1;
	s4 =	sshrl.u32 s4, $0x2  }
0x9: {  	s13 =	ssub.s32 s12, s6;
	s6 =	sadd.s32 s4, s2;
	s4 =	simm.s32 $0x3  }
0xa: {  	s3 =	sadd.s32 s3, s1;
	s1 =	sadd.s32 $0x34E00, s1;
	s20 =	sadd.s32 $0x1000, s6  }
0xb: {  	s21 =	sadd.s32 $0x2000, s6;
	s22 =	sadd.s32 $0x3000, s6;
	s23 =	sadd.s32 $0x4000, s6  }
0xc: {  	s24 =	sadd.s32 $0x5000, s6;
	s14 =	sadd.s32 $0x6000, s6;
	[dreg:$0x5] =	wrdreg s1  }
0xd: {  	s15 =	sadd.s32 $0x7000, s6;
	s16 =	sadd.s32 $0x8000, s6;
	[dreg:$0x8] =	wrdreg s20  }
0xe: {  	s17 =	sadd.s32 $0x9000, s6;
	s18 =	sadd.s32 $0xA000, s6;
	[dreg:$0x9] =	wrdreg s21  }
0xf: {  	s26 =	smax.u32 s13, $0x1;
	s28 =	sadd.s32 $0x11000, s6;
	[dreg:$0xa] =	wrdreg s22  }
0x10: {  	s29 =	sadd.s32 $0x12000, s6;
	s30 =	sadd.s32 $0x13000, s6;
	[dreg:$0xb] =	wrdreg s23  }
0x11: {  	s19 =	sadd.s32 $0x2E00, s3;
	s3 =	sadd.s32 $0x7E00, s3;
	[dreg:$0xc] =	wrdreg s24  }
.Ltmp0:
0x12: {  	s20 =	sadd.s32 $0xC000, s6;
	s21 =	sadd.s32 $0xD000, s6;
	(pc) =	sbr.rel .LBB2_1-.Ltmp0, $4  }
0x13: {  	s22 =	sadd.s32 $0xE000, s6;
	s23 =	sadd.s32 s0, s25;
	s24 =	sadd.s32 $0xF000, s6  }
0x14: {  	[dreg:$0xd] =	wrdreg s26;
	s26 =	sadd.s32 $0x10000, s6;
	s1 =	simm.s32 $0x5  }
0x15: {  	s25 =	simm.s32 $0x80;
	s0 =	simm.s32 $0x1;
	[dreg:$0x6] =	wrdreg s19  }
0x16: {  	v0 =	vimm.f32 $0.0e+00;
	[dreg:$0x7] =	wrdreg s3;
	s19 =	sadd.s32 $0xB000, s6;
	s3 =	simm.s32 $0x16800  }
.LBB2_8:
0x17: {  	s9 =	rddreg [dreg:$0x3]  }
0x18: {  	s10 =	rddreg [dreg:$0xd];
	s9 =	sadd.s32 $0x1, s9  }
0x19: {  	p0 =	sne.s32 s9, s10  }
.Ltmp1:
0x1a: {  	_ = 	snop;
	(pc) =	sbr.rel @!p0 .LBB2_9-.Ltmp1, $1  }
0x1b: {  	_ =	sdelay $0x3  }
.LBB2_1:
0x1c: {  	[dreg:$0x3] =	wrdreg s9;
	s9 =	simm.s32 $0x0;
	s10 =	simm.s32 $0x200  }
.LBB2_2:
0x1d: {  	p0 =	sne.s32 s10, $0x3E00;
	[tilespmem:s9+$0x1E870] =	vst v0  }
0x1e: {  	[tilespmem:s9+$0x1E800] =	vst v0  }
0x1f: {  	[tilespmem:s9+$0x1E810] =	vst v0  }
.Ltmp2:
0x20: {  	[tilespmem:s9+$0x1E820] =	vst v0;
	(pc) =	sbr.rel @p0 .LBB2_2-.Ltmp2, $4  }
0x21: {  	[tilespmem:s9+$0x1E830] =	vst v0  }
0x22: {  	[tilespmem:s9+$0x1E840] =	vst v0  }
0x23: {  	[tilespmem:s9+$0x1E850] =	vst v0  }
0x24: {  	[tilespmem:s9+$0x1E860] =	vst v0;
	s9 =	sshra.s32 s10, $0x2;
	s10 =	sadd.s32 $0x200, s10  }
0x25: {  	[tilespmem:s9+$0x1E870] =	vst v0  }
0x26: {  	[tilespmem:s9+$0x1E800] =	vst v0  }
0x27: {  	[tilespmem:s9+$0x1E810] =	vst v0  }
0x28: {  	[tilespmem:s9+$0x1E820] =	vst v0  }
0x29: {  	[tilespmem:s9+$0x1E830] =	vst v0  }
0x2a: {  	[tilespmem:s9+$0x1E840] =	vst v0  }
0x2b: {  	[tilespmem:s9+$0x1E850] =	vst v0  }
0x2c: {  	[tilespmem:s9+$0x1E860] =	vst v0;
	s9 =	simm.s32 $0x0;
	s10 =	rddreg [dreg:$0x6];
	s11 =	simm.s32 $0x14000  }
0x2d: {  	[tilespmem:s11], [sflag:$0x5] =	stream.linear.gather [hbm4b:s10+s9], $0x1400, $0x38;
	[tilespmem:$0x1F800] =	vst v63  }
0x2e: {  	_ =	swait.ge [sflag:s1], $0x1400  }
0x2f: {  	s13 =	simm.s32 $0x15400;
	[sflag:s1] =	ssyncset.done $0x0  }
.Ltmp3:
0x30: {  	s12 =	rddreg [dreg:$0x7];
	[sflag:s1] =	ssyncadd.s32 $0xFFFFEC00;
	(pc) =	sbr.rel .LBB2_4-.Ltmp3, $4  }
0x31: {  	[tilespmem:s13], [sflag:$0x5] =	stream.linear.gather [hbm4b:s12+s9], $0x1400, $0x38;
	[tilespmem:$0x1F800] =	vst v63  }
0x32: {  	_ =	swait.ge [sflag:s1], $0x1400  }
0x33: {  	[sflag:s1] =	ssyncset.done $0x0  }
0x34: {  	[sflag:s1] =	ssyncadd.s32 $0xFFFFEC00  }
.LBB2_7:
0x35: {  	_ =	swait.ge [sflag:s5], $0x4000  }
0x36: {  	s10 =	smul.u32 $0x280000, s9;
	[sflag:s5] =	ssyncset.done $0x0  }
0x37: {  	s11 =	stileid.u32;
	s13 =	sshrl.u32 s6, $0x3;
	[sflag:s5] =	ssyncadd.s32 $0xFFFFC000  }
0x38: {  	s9 =	sadd.s32 $0x1, s9;
	s10 =	sadd.s32 s10, s23;
	[bflag:$0x0] =	sbarrier.arrive $0xFFFF  }
0x39: {  	s11 =	sshll.u32 s11, $0x6;
	s10 =	sshrl.u32 s10, $0x3;
	s12 =	rddreg [dreg:$0x5]  }
0x3a: {  	p0 =	sne.s32 s9, $0x4;
	s11 =	sor.u32 $0x1C05, s11;
	s10 =	sadd.s32 s12, s10  }
0x3b: {  	[hbm:s10], [sflag:s11] =	dma.local [spmem:s13], $0x2800  }
.Ltmp4:
0x3c: {  	_ =	swait.ge [sflag:s1], $0x2800;
	(pc) =	sbr.rel @!p0 .LBB2_8-.Ltmp4, $3  }
0x3d: {  	[sflag:s1] =	ssyncset.done $0x0  }
0x3e: {  	[sflag:s1] =	ssyncadd.s32 $0xFFFFD800  }
0x3f: {  	[bflag:$0x0] =	sbarrier.arrive $0xFFFF;
	_ =	sdelay $0x1  }
.LBB2_4:
0x40: {  	[spmem:s6] =	stream.linear.scatter [tilespmem:s8], [sflag:$0x5], $0x1000, $0x38;
	[tilespmem:$0x1F800] =	vst v63  }
0x41: {  	_ =	swait.ge [sflag:s1], $0x1000  }
0x42: {  	[sflag:s1] =	ssyncset.done $0x0  }
0x43: {  	s10 =	rddreg [dreg:$0x8];
	[sflag:s1] =	ssyncadd.s32 $0xFFFFF000  }
0x44: {  	[spmem:s10] =	stream.linear.scatter [tilespmem:s8], [sflag:$0x5], $0x1000, $0x38;
	[tilespmem:$0x1F800] =	vst v63  }
0x45: {  	_ =	swait.ge [sflag:s1], $0x1000  }
0x46: {  	[sflag:s1] =	ssyncset.done $0x0  }
0x47: {  	s11 =	rddreg [dreg:$0x9];
	[sflag:s1] =	ssyncadd.s32 $0xFFFFF000  }
0x48: {  	[spmem:s11] =	stream.linear.scatter [tilespmem:s8], [sflag:$0x5], $0x1000, $0x38;
	[tilespmem:$0x1F800] =	vst v63  }
0x49: {  	_ =	swait.ge [sflag:s1], $0x1000  }
0x4a: {  	[sflag:s1] =	ssyncset.done $0x0  }
0x4b: {  	s12 =	rddreg [dreg:$0xa];
	[sflag:s1] =	ssyncadd.s32 $0xFFFFF000  }
0x4c: {  	[spmem:s12] =	stream.linear.scatter [tilespmem:s8], [sflag:$0x5], $0x1000, $0x38;
	[tilespmem:$0x1F800] =	vst v63  }
0x4d: {  	_ =	swait.ge [sflag:s1], $0x1000  }
0x4e: {  	[sflag:s1] =	ssyncset.done $0x0  }
0x4f: {  	s13 =	rddreg [dreg:$0xb];
	[sflag:s1] =	ssyncadd.s32 $0xFFFFF000  }
0x50: {  	[spmem:s13] =	stream.linear.scatter [tilespmem:s8], [sflag:$0x5], $0x1000, $0x38;
	[tilespmem:$0x1F800] =	vst v63  }
0x51: {  	_ =	swait.ge [sflag:s1], $0x1000  }
0x52: {  	[sflag:s1] =	ssyncset.done $0x0  }
0x53: {  	s11 =	rddreg [dreg:$0xc];
	[sflag:s1] =	ssyncadd.s32 $0xFFFFF000  }
0x54: {  	[spmem:s11] =	stream.linear.scatter [tilespmem:s8], [sflag:$0x5], $0x1000, $0x38;
	[tilespmem:$0x1F800] =	vst v63  }
0x55: {  	_ =	swait.ge [sflag:s1], $0x1000  }
0x56: {  	[sflag:s1] =	ssyncset.done $0x0  }
0x57: {  	[sflag:s1] =	ssyncadd.s32 $0xFFFFF000  }
0x58: {  	[spmem:s14] =	stream.linear.scatter [tilespmem:s8], [sflag:$0x5], $0x1000, $0x38;
	[tilespmem:$0x1F800] =	vst v63  }
0x59: {  	_ =	swait.ge [sflag:s1], $0x1000  }
0x5a: {  	[sflag:s1] =	ssyncset.done $0x0  }
0x5b: {  	[sflag:s1] =	ssyncadd.s32 $0xFFFFF000  }
0x5c: {  	[spmem:s15] =	stream.linear.scatter [tilespmem:s8], [sflag:$0x5], $0x1000, $0x38;
	[tilespmem:$0x1F800] =	vst v63  }
0x5d: {  	_ =	swait.ge [sflag:s1], $0x1000  }
0x5e: {  	[sflag:s1] =	ssyncset.done $0x0  }
0x5f: {  	[sflag:s1] =	ssyncadd.s32 $0xFFFFF000  }
0x60: {  	[spmem:s16] =	stream.linear.scatter [tilespmem:s8], [sflag:$0x5], $0x1000, $0x38;
	[tilespmem:$0x1F800] =	vst v63  }
0x61: {  	_ =	swait.ge [sflag:s1], $0x1000  }
0x62: {  	[sflag:s1] =	ssyncset.done $0x0  }
0x63: {  	[sflag:s1] =	ssyncadd.s32 $0xFFFFF000  }
0x64: {  	[spmem:s17] =	stream.linear.scatter [tilespmem:s8], [sflag:$0x5], $0x1000, $0x38;
	[tilespmem:$0x1F800] =	vst v63  }
0x65: {  	_ =	swait.ge [sflag:s1], $0x1000  }
0x66: {  	[sflag:s1] =	ssyncset.done $0x0  }
0x67: {  	[sflag:s1] =	ssyncadd.s32 $0xFFFFF000  }
0x68: {  	[spmem:s18] =	stream.linear.scatter [tilespmem:s8], [sflag:$0x5], $0x1000, $0x38;
	[tilespmem:$0x1F800] =	vst v63  }
0x69: {  	_ =	swait.ge [sflag:s1], $0x1000  }
0x6a: {  	[sflag:s1] =	ssyncset.done $0x0  }
0x6b: {  	[sflag:s1] =	ssyncadd.s32 $0xFFFFF000  }
0x6c: {  	[spmem:s19] =	stream.linear.scatter [tilespmem:s8], [sflag:$0x5], $0x1000, $0x38;
	[tilespmem:$0x1F800] =	vst v63  }
0x6d: {  	_ =	swait.ge [sflag:s1], $0x1000  }
0x6e: {  	[sflag:s1] =	ssyncset.done $0x0  }
0x6f: {  	[sflag:s1] =	ssyncadd.s32 $0xFFFFF000  }
0x70: {  	[spmem:s20] =	stream.linear.scatter [tilespmem:s8], [sflag:$0x5], $0x1000, $0x38;
	[tilespmem:$0x1F800] =	vst v63  }
0x71: {  	_ =	swait.ge [sflag:s1], $0x1000  }
0x72: {  	[sflag:s1] =	ssyncset.done $0x0  }
0x73: {  	[sflag:s1] =	ssyncadd.s32 $0xFFFFF000  }
0x74: {  	[spmem:s21] =	stream.linear.scatter [tilespmem:s8], [sflag:$0x5], $0x1000, $0x38;
	[tilespmem:$0x1F800] =	vst v63  }
0x75: {  	_ =	swait.ge [sflag:s1], $0x1000  }
0x76: {  	[sflag:s1] =	ssyncset.done $0x0  }
0x77: {  	[sflag:s1] =	ssyncadd.s32 $0xFFFFF000  }
0x78: {  	[spmem:s22] =	stream.linear.scatter [tilespmem:s8], [sflag:$0x5], $0x1000, $0x38;
	[tilespmem:$0x1F800] =	vst v63  }
0x79: {  	_ =	swait.ge [sflag:s1], $0x1000  }
0x7a: {  	[sflag:s1] =	ssyncset.done $0x0  }
0x7b: {  	[sflag:s1] =	ssyncadd.s32 $0xFFFFF000  }
0x7c: {  	[spmem:s24] =	stream.linear.scatter [tilespmem:s8], [sflag:$0x5], $0x1000, $0x38;
	[tilespmem:$0x1F800] =	vst v63  }
0x7d: {  	_ =	swait.ge [sflag:s1], $0x1000  }
0x7e: {  	[sflag:s1] =	ssyncset.done $0x0  }
0x7f: {  	[sflag:s1] =	ssyncadd.s32 $0xFFFFF000  }
0x80: {  	[spmem:s26] =	stream.linear.scatter [tilespmem:s8], [sflag:$0x5], $0x1000, $0x38;
	[tilespmem:$0x1F800] =	vst v63  }
0x81: {  	_ =	swait.ge [sflag:s1], $0x1000  }
0x82: {  	[sflag:s1] =	ssyncset.done $0x0  }
0x83: {  	[sflag:s1] =	ssyncadd.s32 $0xFFFFF000  }
0x84: {  	[spmem:s28] =	stream.linear.scatter [tilespmem:s8], [sflag:$0x5], $0x1000, $0x38;
	[tilespmem:$0x1F800] =	vst v63  }
0x85: {  	_ =	swait.ge [sflag:s1], $0x1000  }
0x86: {  	[sflag:s1] =	ssyncset.done $0x0  }
0x87: {  	[sflag:s1] =	ssyncadd.s32 $0xFFFFF000  }
0x88: {  	[spmem:s29] =	stream.linear.scatter [tilespmem:s8], [sflag:$0x5], $0x1000, $0x38;
	[tilespmem:$0x1F800] =	vst v63  }
0x89: {  	_ =	swait.ge [sflag:s1], $0x1000  }
0x8a: {  	[sflag:s1] =	ssyncset.done $0x0  }
0x8b: {  	[sflag:s1] =	ssyncadd.s32 $0xFFFFF000  }
0x8c: {  	[spmem:s30] =	stream.linear.scatter [tilespmem:s8], [sflag:$0x5], $0x1000, $0x38;
	[tilespmem:$0x1F800] =	vst v63  }
0x8d: {  	_ =	swait.ge [sflag:s1], $0x1000  }
0x8e: {  	[sflag:s1] =	ssyncset.done $0x0  }
0x8f: {  	[sflag:s1] =	ssyncadd.s32 $0xFFFFF000  }
0x90: {  	s12 =	smul.u32 $0x28000, s9;
	[bflag:$0x0] =	sbarrier.arrive $0xFFFF  }
0x91: {  	s11 =	rddreg [dreg:$0x4]  }
0x92: {  	s13 =	simm.s32 $0x14000;
	s10 =	sadd.s32 s11, s12  }
0x93: {  	[tilespmem:s3], [sflag:$0x1] =	stream.indirect.gather [hbm4b:s10+s25], $0x80, s13, s25, $0xb8;
	[tilespmem:$0x1F800] =	vst v63  }
0x94: {  	_ =	swait.ge [sflag:s0], $0x4000  }
0x95: {  	[sflag:s0] =	ssyncset.done $0x0  }
0x96: {  	s12 =	simm.s32 $0x15400;
	[sflag:s0] =	ssyncadd.s32 $0xFFFFC000  }
0x97: {  	[spmem:s2] =	stream.indirect.scatter.add.f32 [tilespmem:s3], [sflag:$0x3], $0x80, s12, s25, $0xb8;
	[tilespmem:$0x1F800] =	vst v63  }
0x98: {  	s13 =	simm.s32 $0x14080  }
0x99: {  	[tilespmem:s31], [sflag:$0x2] =	stream.indirect.gather [hbm4b:s10+s25], $0x80, s13, s25, $0xb8;
	[tilespmem:$0x1F800] =	vst v63  }
0x9a: {  	_ =	swait.ge [sflag:s7], $0x4000  }
0x9b: {  	[sflag:s7] =	ssyncset.done $0x0  }
0x9c: {  	s12 =	simm.s32 $0x15480;
	[sflag:s7] =	ssyncadd.s32 $0xFFFFC000  }
0x9d: {  	[spmem:s2] =	stream.indirect.scatter.add.f32 [tilespmem:s31], [sflag:$0x4], $0x80, s12, s25, $0xb8;
	[tilespmem:$0x1F800] =	vst v63  }
0x9e: {  	_ =	swait.ge [sflag:s4], $0x4000  }
0x9f: {  	[sflag:s4] =	ssyncset.done $0x0  }
0xa0: {  	s11 =	simm.s32 $0xFFFFB800;
	s13 =	simm.s32 $0x14100;
	[sflag:s4] =	ssyncadd.s32 $0xFFFFC000  }
0xa1: {  	[tilespmem:s3], [sflag:$0x1] =	stream.indirect.gather [hbm4b:s10+s25], $0x80, s13, s25, $0xb8;
	[tilespmem:$0x1F800] =	vst v63  }
.LBB2_5:
0xa2: {  	_ =	swait.ge [sflag:s0], $0x4000  }
0xa3: {  	s12 =	sshra.s32 s11, $0x2;
	[sflag:s0] =	ssyncset.done $0x0  }
0xa4: {  	s13 =	sadd.s32 $0x16700, s12;
	[sflag:s0] =	ssyncadd.s32 $0xFFFFC000  }
0xa5: {  	[spmem:s2] =	stream.indirect.scatter.add.f32 [tilespmem:s3], [sflag:$0x3], $0x80, s13, s25, $0xb8;
	[tilespmem:$0x1F800] =	vst v63  }
0xa6: {  	_ =	swait.ge [sflag:s5], $0x4000  }
0xa7: {  	[sflag:s5] =	ssyncset.done $0x0  }
0xa8: {  	s13 =	sadd.s32 $0x15380, s12;
	[sflag:s5] =	ssyncadd.s32 $0xFFFFC000  }
0xa9: {  	[tilespmem:s31], [sflag:$0x2] =	stream.indirect.gather [hbm4b:s10+s25], $0x80, s13, s25, $0xb8;
	[tilespmem:$0x1F800] =	vst v63  }
0xaa: {  	_ =	swait.ge [sflag:s7], $0x4000  }
0xab: {  	p0 =	seq.s32 s11, $0x0;
	[sflag:s7] =	ssyncset.done $0x0  }
.Ltmp5:
0xac: {  	s13 =	sadd.s32 $0x16780, s12;
	[sflag:s7] =	ssyncadd.s32 $0xFFFFC000;
	(pc) =	sbr.rel @p0 .LBB2_7-.Ltmp5, $4  }
0xad: {  	[spmem:s2] =	stream.indirect.scatter.add.f32 [tilespmem:s31], [sflag:$0x4], $0x80, s13, s25, $0xb8;
	[tilespmem:$0x1F800] =	vst v63  }
0xae: {  	_ =	swait.ge [sflag:s4], $0x4000  }
0xaf: {  	[sflag:s4] =	ssyncset.done $0x0  }
0xb0: {  	[sflag:s4] =	ssyncadd.s32 $0xFFFFC000  }
.Ltmp6:
0xb1: {  	(pc) =	sbr.rel .LBB2_5-.Ltmp6, $3  }
0xb2: {  	_ =	sdelay $0x1  }
0xb3: {  	s12 =	sadd.s32 $0x15400, s12;
	s11 =	sadd.s32 $0x400, s11  }
0xb4: {  	[tilespmem:s3], [sflag:$0x1] =	stream.indirect.gather [hbm4b:s10+s25], $0x80, s12, s25, $0xb8;
	[tilespmem:$0x1F800] =	vst v63  }
.LBB2_9:
0xb5: {  	_ =	sfence.sel $0x180000  }
0xb6: {  	[bflag:$0x0] =	sbarrier.arrive $0xFFFF  }
0xb7: {  	_ =	strace $0x9000004D  }
0xb8: {  	s0 =	stileid.u32;
	[bflag:$0x2] =	sbarrier.arrive $0xFFFF  }
0xb9: {  	p0 =	sne.s32 s0, $0x0;
	s0 =	rddreg [dreg:$0x2]  }
0xba: {  	s0 =	sadd.s32 @!p0 $0x100000, s0  }
0xbb: {  	[sflag:s0] =	ssyncadd.tile.s32 @!p0 $0x1;
	_ =	shalt  }
.Lfunc_end2:
_tile_overlayer_lowered:
.L_overlay_start_2:
0xbc: {  	(tag) =	ssettag $0x2  }
0xbd: {  	s0 =	rddreg [dreg:$0x0];
	s2 =	stileid.u32  }
0xbe: {  	s1 =	rddreg [dreg:$0x1];
	p0 =	sne.s32 s2, $0x0  }
0xbf: {  	s3 =	rddreg [dreg:$0x2];
	[bflag:$0x3] =	sbarrier.arrive $0xFFFF;
	s2 =	simm.s32 @!p0 $0x1C05  }
0xc0: {  	[timem:s3], [sflag:s2] =	dma.local @!p0 [hbm:s0], s1  }
0xc1: {  	s0 =	simm.s32 @!p0 $0x5  }
0xc2: {  	_ =	swait.ge @!p0 [sflag:s0], s1  }
0xc3: {  	s1 =	ssub.s32 @!p0 $0x0, s1;
	[sflag:s0] =	ssyncset.done @!p0 $0x0  }
0xc4: {  	[sflag:s0] =	ssyncadd.s32 @!p0 s1  }
0xc5: {  	[bflag:$0x3] =	sbarrier.arrive $0xFFFF  }
0xc6: {  	_ =	shalt  }

</sc_bundles>
